<compile_context>
chip_gen: v7x
topology: tpu7x:2x2x1
jax: 0.10.2.dev20260603
libtpu: 0.0.44.dev20260713+nightly
codegen_flags: <defaults>
</compile_context>

<pallas_src>
import functools

import jax
import jax.numpy as jnp
import numpy as np
from jax import lax
from jax.experimental import pallas as pl
from jax.experimental.pallas import tpu as pltpu
from jax.experimental.pallas import tpu_sc as plsc

MAX_DAYS = 365.0
D = 64
NCORES = 2
NSUB = 16
NW = NCORES * NSUB
BLK = 256


def _group_compute(g, c624_v, ab_v, bpv, g_chunks, b_chunks,
                   qq_v, ci_v, u_v, out_v):
    f32 = jnp.float32
    i32 = jnp.int32
    u16 = u_v[pl.ds(g * 16, 16)]
    ci16r = ci_v[pl.ds(g * 16, 16)]
    k16 = jnp.zeros((16,), i32)
    one16 = jnp.full((16,), 1, i32)
    zero16 = jnp.zeros((16,), i32)
    for j in range(16):
        bsplat = jnp.full((16,), bpv[j], f32)
        k16 = k16 + jnp.where(u16 > bsplat, one16, zero16)
    a16 = k16 * D
    b16 = a16 + 17 * D
    ci16 = ci16r * D
    qidx = ci16r * 68 + k16 * 4
    lane = jnp.arange(16, dtype=i32)
    vvec = jnp.zeros((16,), f32)
    for l in range(16):
        qv = qq_v[pl.ds(qidx[l], 16)]
        usplat = jnp.full((16,), u16[l], f32)
        q0s = jnp.full((16,), qv[0], f32)
        q1s = jnp.full((16,), qv[1], f32)
        q2s = jnp.full((16,), qv[2], f32)
        s = q0s + (q1s + q2s * usplat) * usplat
        vvec = jnp.where(lane == l, s, vvec)
    vvec = vvec * (1.0 / D) + 1e-5
    lo = vvec < 1.0
    r = jnp.where(lo, jnp.full((16,), 65536.0, f32), jnp.full((16,), 1.0, f32))
    m = jnp.where(lo, vvec * 4294967296.0, vvec)
    for e in (32, 16, 8, 4, 2, 1):
        cond = m >= (2.0 ** (2 * e))
        m = jnp.where(cond, m * (2.0 ** (-2 * e)), m)
        r = jnp.where(cond, r * (2.0 ** (-e)), r)
    y = (0.0446324 * m - 0.37001683) * m + 1.27889388
    for _ in range(3):
        y = y * (1.5 - (0.5 * m) * y * y)
    y = y * r
    for l in range(16):
        usplat = jnp.full((16,), u16[l], f32)
        ysplat = jnp.full((16,), y[l], f32)
        arow = a16[l]
        brow = b16[l]
        crow = ci16[l]
        obase = (g * 16 + l) * D
        for ch in range(4):
            cval = c624_v[pl.ds(crow + 16 * ch, 16)]
            aval = ab_v[pl.ds(arow + 16 * ch, 16)]
            bval = ab_v[pl.ds(brow + 16 * ch, 16)]
            cc = cval + aval * usplat + bval
            out_v[pl.ds(obase + 16 * ch, 16)] = (
                cc * (ysplat * g_chunks[ch]) + b_chunks[ch])


def _sc_kernel_body(ntok_per_tile, c624_hbm, ab_hbm, bp_hbm, gb_hbm,
                    qq_hbm, ci_hbm, u_hbm, out_hbm,
                    c624_v, ab_v, bp_v, gb_v, qq_v,
                    ci_v, u_v, out_v):
    cid = lax.axis_index("c")
    sid = lax.axis_index("s")
    wid = sid * NCORES + cid
    pltpu.sync_copy(c624_hbm, c624_v)
    pltpu.sync_copy(ab_hbm, ab_v)
    pltpu.sync_copy(bp_hbm, bp_v)
    pltpu.sync_copy(gb_hbm, gb_v)
    pltpu.sync_copy(qq_hbm, qq_v)
    bpv = bp_v[:]
    g_chunks = [gb_v[pl.ds(16 * ch, 16)] for ch in range(4)]
    b_chunks = [gb_v[pl.ds(D + 16 * ch, 16)] for ch in range(4)]
    base0 = wid * ntok_per_tile
    nblk = ntok_per_tile // BLK

    def blk_body(blk, carry):
        base = base0 + blk * BLK
        pltpu.sync_copy(ci_hbm.at[pl.ds(base, BLK)], ci_v)
        pltpu.sync_copy(u_hbm.at[pl.ds(base, BLK)], u_v)

        def grp_body(g, c):
            _group_compute(g, c624_v, ab_v, bpv, g_chunks, b_chunks,
                           qq_v, ci_v, u_v, out_v)
            return c

        lax.fori_loop(0, BLK // 16, grp_body, 0)
        pltpu.sync_copy(out_v, out_hbm.at[pl.ds(base * D, BLK * D)])
        return carry

    lax.fori_loop(0, nblk, blk_body, 0)


def kernel(cat_id, amount_bucket, channel_id, days_delta,
           cat_table, bucket_table, channel_table,
           days_w, days_b, proj_w, proj_b, ln_g, ln_b):
    B, S = cat_id.shape
    M = B * S
    f32 = jnp.float32
    ntok_per_tile = M // NW

    catP = cat_table @ proj_w[:, 0:16].T
    bktP = bucket_table @ proj_w[:, 16:24].T
    chnP = channel_table @ proj_w[:, 40:48].T
    c624 = (catP[:, None, None, :] + bktP[None, :, None, :]
            + chnP[None, None, :, :] + proj_b).reshape(624, D)
    c624 = c624 - jnp.mean(c624, axis=1, keepdims=True)

    w = days_w.astype(f32)
    b = days_b.astype(f32)
    bp = jnp.where(w != 0.0, -b / jnp.where(w != 0.0, w, 1.0), jnp.inf)
    cj = jnp.sum(bp[:, None] <= bp[None, :], axis=0)
    ks = jnp.arange(17)[:, None]
    act = jnp.where(w[None, :] > 0.0, ks >= cj[None, :],
                    jnp.where(w[None, :] < 0.0, ks < cj[None, :],
                              b[None, :] > 0.0)).astype(f32)
    wdT = proj_w[:, 24:40].T
    A = (act * w[None, :]) @ wdT
    Bm = (act * b[None, :]) @ wdT
    A = A - jnp.mean(A, axis=1, keepdims=True)
    Bm = Bm - jnp.mean(Bm, axis=1, keepdims=True)
    ab = jnp.concatenate([A, Bm], axis=0)
    gb = jnp.concatenate([ln_g.astype(f32), ln_b.astype(f32)])

    cb = c624[:, None, :] + Bm[None, :, :]
    q0 = jnp.sum(cb * cb, axis=-1)
    q1 = 2.0 * jnp.einsum("ckd,kd->ck", cb, A)
    q2 = jnp.broadcast_to(jnp.sum(A * A, axis=-1)[None, :], (624, 17))
    qq = jnp.stack([q0, q1, q2, jnp.zeros_like(q0)], axis=-1).reshape(-1)
    qq = jnp.concatenate([qq, jnp.zeros((16,), f32)])

    ci = (cat_id * 48 + amount_bucket * 8 + channel_id).reshape(M)
    u = (days_delta * (1.0 / MAX_DAYS)).astype(f32).reshape(M)

    mesh = plsc.VectorSubcoreMesh(core_axis_name="c", subcore_axis_name="s")
    kern = pl.kernel(
        functools.partial(_sc_kernel_body, ntok_per_tile),
        mesh=mesh,
        out_type=jax.ShapeDtypeStruct((M * D,), f32),
        scratch_types=[
            pltpu.VMEM((624 * D,), f32),
            pltpu.VMEM((34 * D,), f32),
            pltpu.VMEM((16,), f32),
            pltpu.VMEM((2 * D,), f32),
            pltpu.VMEM((624 * 17 * 4 + 16,), f32),
            pltpu.VMEM((BLK,), jnp.int32),
            pltpu.VMEM((BLK,), f32),
            pltpu.VMEM((BLK * D,), f32),
        ],
    )
    out = kern(c624.reshape(624 * D), ab.reshape(34 * D), bp, gb,
               qq, ci, u)
    return out.reshape(B, S, D)

# --- scband reference (transcript-rebuilt; emitter-appended) ---
"""Pipeline reference for scband-purchase-token-embedding-88691074662759 (READ-ONLY COPY).

The authoritative reference and input builder live on the scoring server;
editing this copy changes nothing except your own understanding.
"""

import jax, jax.numpy as jnp
import numpy as np

B, S = 4096, 200
CAT_V, BUCKET_V, CHAN_V = 13, 6, 8
CAT_D, BUCKET_D, DAYS_D, CHAN_D = 16, 8, 16, 8
MODEL_D = 64
MAX_DAYS = 365.0
COMB = CAT_D + BUCKET_D + DAYS_D + CHAN_D


def setup_inputs(seed: int = 0) -> dict:
    key = jax.random.key(seed)
    ks = jax.random.split(key, 12)
    cat_id = jax.random.randint(ks[0], (B, S), 0, CAT_V, dtype=jnp.int32)
    amount_bucket = jax.random.randint(ks[1], (B, S), 0, BUCKET_V, dtype=jnp.int32)
    channel_id = jax.random.randint(ks[2], (B, S), 0, CHAN_V, dtype=jnp.int32)
    days_delta = jax.random.uniform(ks[3], (B, S), dtype=jnp.float32) * MAX_DAYS
    # embedding tables; padding_idx=0 -> row 0 zeroed (as torch init does)
    cat_table = (jax.random.normal(ks[4], (CAT_V, CAT_D), jnp.float32)).at[0].set(0.0)
    bucket_table = (jax.random.normal(ks[5], (BUCKET_V, BUCKET_D), jnp.float32)).at[0].set(0.0)
    channel_table = (jax.random.normal(ks[6], (CHAN_V, CHAN_D), jnp.float32)).at[0].set(0.0)
    days_w = jax.random.normal(ks[7], (DAYS_D,), jnp.float32)  # Linear(1, DAYS_D) weight squeezed
    days_b = jax.random.normal(ks[8], (DAYS_D,), jnp.float32) * 0.1
    proj_w = jax.random.normal(ks[9], (MODEL_D, COMB), jnp.float32) * (1.0 / np.sqrt(COMB))
    proj_b = jnp.zeros((MODEL_D,), jnp.float32)
    ln_g = jnp.ones((MODEL_D,), jnp.float32)
    ln_b = jnp.zeros((MODEL_D,), jnp.float32)
    return {
        "cat_id": cat_id, "amount_bucket": amount_bucket, "channel_id": channel_id,
        "days_delta": days_delta,
        "cat_table": cat_table, "bucket_table": bucket_table, "channel_table": channel_table,
        "days_w": days_w, "days_b": days_b,
        "proj_w": proj_w, "proj_b": proj_b, "ln_g": ln_g, "ln_b": ln_b,
    }


def reference(cat_id, amount_bucket, channel_id, days_delta,
              cat_table, bucket_table, channel_table,
              days_w, days_b, proj_w, proj_b, ln_g, ln_b):
    cat = jnp.take(cat_table, cat_id, axis=0)
    bucket = jnp.take(bucket_table, amount_bucket, axis=0)
    channel = jnp.take(channel_table, channel_id, axis=0)
    days_norm = days_delta.astype(jnp.float32) / MAX_DAYS
    days_feat = jax.nn.relu(days_norm[..., None] * days_w[None, None, :] + days_b)
    combined = jnp.concatenate([cat, bucket, days_feat, channel], axis=-1)
    h = combined @ proj_w.T + proj_b
    mu = jnp.mean(h, axis=-1, keepdims=True)
    var = jnp.mean((h - mu) ** 2, axis=-1, keepdims=True)
    out = (h - mu) / jnp.sqrt(var + 1e-5) * ln_g + ln_b
    # dropout is identity in eval mode
    return out

if __name__ == "__main__":
    import jax
    _d = setup_inputs()
    print(jax.jit(kernel)(*tuple(_d.values())))

</pallas_src>

<mosaic_0001>
#map = affine_map<(d0, d1) -> (0)>
module attributes {stable_mosaic.version = 14 : i64} {
  func.func @_sc_kernel_body(%arg0: i32, %arg1: i32, %arg2: memref<39936xf32, #tpu.memory_space<hbm>>, %arg3: memref<2176xf32, #tpu.memory_space<hbm>>, %arg4: memref<16xf32, #tpu.memory_space<hbm>>, %arg5: memref<128xf32, #tpu.memory_space<hbm>>, %arg6: memref<42448xf32, #tpu.memory_space<hbm>>, %arg7: memref<819200xi32, #tpu.memory_space<hbm>>, %arg8: memref<819200xf32, #tpu.memory_space<hbm>>, %arg9: memref<52428800xf32, #tpu.memory_space<hbm>>, %arg10: memref<39936xf32, #tpu.memory_space<vmem>>, %arg11: memref<2176xf32, #tpu.memory_space<vmem>>, %arg12: memref<16xf32, #tpu.memory_space<vmem>>, %arg13: memref<128xf32, #tpu.memory_space<vmem>>, %arg14: memref<42448xf32, #tpu.memory_space<vmem>>, %arg15: memref<256xi32, #tpu.memory_space<vmem>>, %arg16: memref<256xf32, #tpu.memory_space<vmem>>, %arg17: memref<16384xf32, #tpu.memory_space<vmem>>) attributes {dimension_semantics = [#tpu.dimension_semantics<core_parallel>, #tpu.dimension_semantics<subcore_parallel>], iteration_bounds = array<i64: 2, 16>, scalar_prefetch = 0 : i64, scratch_operands = 8 : i64, tpu.core_type = #tpu.core_type<sc_vector_subcore>, window_params = [{transform_indices = #map}, {transform_indices = #map}, {transform_indices = #map}, {transform_indices = #map}, {transform_indices = #map}, {transform_indices = #map}, {transform_indices = #map}, {transform_indices = #map}]} {
    %mul3A = arith.constant 2 : i32
    %mul3A_0 = arith.muli %arg1, %mul3A : i32
    %add3A = arith.addi %mul3A_0, %arg0 : i32
    "tpu.region"() ({
      %run_scoped3A = tpu.sem_alloc : memref<!tpu.dma_semaphore, #tpu.memory_space<semaphore_mem>>
      tpu.enqueue_dma source(%arg2 : memref<39936xf32, #tpu.memory_space<hbm>>) target(%arg10 : memref<39936xf32, #tpu.memory_space<vmem>>) target_semaphore(%run_scoped3A : memref<!tpu.dma_semaphore, #tpu.memory_space<semaphore_mem>>)
      tpu.wait_dma2 semaphore(%run_scoped3A : memref<!tpu.dma_semaphore, #tpu.memory_space<semaphore_mem>>) src(%arg2 : memref<39936xf32, #tpu.memory_space<hbm>>) dst(%arg10 : memref<39936xf32, #tpu.memory_space<vmem>>)
      tpu.yield
    }) : () -> ()
    "tpu.region"() ({
      %run_scoped3A = tpu.sem_alloc : memref<!tpu.dma_semaphore, #tpu.memory_space<semaphore_mem>>
      tpu.enqueue_dma source(%arg3 : memref<2176xf32, #tpu.memory_space<hbm>>) target(%arg11 : memref<2176xf32, #tpu.memory_space<vmem>>) target_semaphore(%run_scoped3A : memref<!tpu.dma_semaphore, #tpu.memory_space<semaphore_mem>>)
      tpu.wait_dma2 semaphore(%run_scoped3A : memref<!tpu.dma_semaphore, #tpu.memory_space<semaphore_mem>>) src(%arg3 : memref<2176xf32, #tpu.memory_space<hbm>>) dst(%arg11 : memref<2176xf32, #tpu.memory_space<vmem>>)
      tpu.yield
    }) : () -> ()
    "tpu.region"() ({
      %run_scoped3A = tpu.sem_alloc : memref<!tpu.dma_semaphore, #tpu.memory_space<semaphore_mem>>
      tpu.enqueue_dma source(%arg4 : memref<16xf32, #tpu.memory_space<hbm>>) target(%arg12 : memref<16xf32, #tpu.memory_space<vmem>>) target_semaphore(%run_scoped3A : memref<!tpu.dma_semaphore, #tpu.memory_space<semaphore_mem>>)
      tpu.wait_dma2 semaphore(%run_scoped3A : memref<!tpu.dma_semaphore, #tpu.memory_space<semaphore_mem>>) src(%arg4 : memref<16xf32, #tpu.memory_space<hbm>>) dst(%arg12 : memref<16xf32, #tpu.memory_space<vmem>>)
      tpu.yield
    }) : () -> ()
    "tpu.region"() ({
      %run_scoped3A = tpu.sem_alloc : memref<!tpu.dma_semaphore, #tpu.memory_space<semaphore_mem>>
      tpu.enqueue_dma source(%arg5 : memref<128xf32, #tpu.memory_space<hbm>>) target(%arg13 : memref<128xf32, #tpu.memory_space<vmem>>) target_semaphore(%run_scoped3A : memref<!tpu.dma_semaphore, #tpu.memory_space<semaphore_mem>>)
      tpu.wait_dma2 semaphore(%run_scoped3A : memref<!tpu.dma_semaphore, #tpu.memory_space<semaphore_mem>>) src(%arg5 : memref<128xf32, #tpu.memory_space<hbm>>) dst(%arg13 : memref<128xf32, #tpu.memory_space<vmem>>)
      tpu.yield
    }) : () -> ()
    "tpu.region"() ({
      %run_scoped3A = tpu.sem_alloc : memref<!tpu.dma_semaphore, #tpu.memory_space<semaphore_mem>>
      tpu.enqueue_dma source(%arg6 : memref<42448xf32, #tpu.memory_space<hbm>>) target(%arg14 : memref<42448xf32, #tpu.memory_space<vmem>>) target_semaphore(%run_scoped3A : memref<!tpu.dma_semaphore, #tpu.memory_space<semaphore_mem>>)
      tpu.wait_dma2 semaphore(%run_scoped3A : memref<!tpu.dma_semaphore, #tpu.memory_space<semaphore_mem>>) src(%arg6 : memref<42448xf32, #tpu.memory_space<hbm>>) dst(%arg14 : memref<42448xf32, #tpu.memory_space<vmem>>)
      tpu.yield
    }) : () -> ()
    %get3A = arith.constant 0 : index
    %get3A_1 = tpu.vector_load %arg12[%get3A] {strides = array<i32>} : memref<16xf32, #tpu.memory_space<vmem>>, vector<16xf32>,
    %get3A_2 = vector.shape_cast %get3A_1 : vector<16xf32> to vector<16xf32>
    %get3A_3 = arith.constant 0 : index
    %get3A_4 = tpu.vector_load %arg13[%get3A_3] {strides = array<i32>} : memref<128xf32, #tpu.memory_space<vmem>>, vector<16xf32>,
    %get3A_5 = vector.shape_cast %get3A_4 : vector<16xf32> to vector<16xf32>
    %get3A_6 = arith.constant 16 : index
    %get3A_7 = tpu.vector_load %arg13[%get3A_6] {strides = array<i32>} : memref<128xf32, #tpu.memory_space<vmem>>, vector<16xf32>,
    %get3A_8 = vector.shape_cast %get3A_7 : vector<16xf32> to vector<16xf32>
    %get3A_9 = arith.constant 32 : index
    %get3A_10 = tpu.vector_load %arg13[%get3A_9] {strides = array<i32>} : memref<128xf32, #tpu.memory_space<vmem>>, vector<16xf32>,
    %get3A_11 = vector.shape_cast %get3A_10 : vector<16xf32> to vector<16xf32>
    %get3A_12 = arith.constant 48 : index
    %get3A_13 = tpu.vector_load %arg13[%get3A_12] {strides = array<i32>} : memref<128xf32, #tpu.memory_space<vmem>>, vector<16xf32>,
    %get3A_14 = vector.shape_cast %get3A_13 : vector<16xf32> to vector<16xf32>
    %get3A_15 = arith.constant 64 : index
    %get3A_16 = tpu.vector_load %arg13[%get3A_15] {strides = array<i32>} : memref<128xf32, #tpu.memory_space<vmem>>, vector<16xf32>,
    %get3A_17 = vector.shape_cast %get3A_16 : vector<16xf32> to vector<16xf32>
    %get3A_18 = arith.constant 80 : index
    %get3A_19 = tpu.vector_load %arg13[%get3A_18] {strides = array<i32>} : memref<128xf32, #tpu.memory_space<vmem>>, vector<16xf32>,
    %get3A_20 = vector.shape_cast %get3A_19 : vector<16xf32> to vector<16xf32>
    %get3A_21 = arith.constant 96 : index
    %get3A_22 = tpu.vector_load %arg13[%get3A_21] {strides = array<i32>} : memref<128xf32, #tpu.memory_space<vmem>>, vector<16xf32>,
    %get3A_23 = vector.shape_cast %get3A_22 : vector<16xf32> to vector<16xf32>
    %get3A_24 = arith.constant 112 : index
    %get3A_25 = tpu.vector_load %arg13[%get3A_24] {strides = array<i32>} : memref<128xf32, #tpu.memory_space<vmem>>, vector<16xf32>,
    %get3A_26 = vector.shape_cast %get3A_25 : vector<16xf32> to vector<16xf32>
    %mul3A_27 = arith.constant 25600 : i32
    %mul3A_28 = arith.muli %add3A, %mul3A_27 : i32
    %scan3A = arith.constant 0 : i32
    %scan3A_29 = arith.constant 0 : i32
    %scan3A_30 = arith.constant 100 : i32
    %scan3A_31 = arith.addi %scan3A_29, %scan3A_30 : i32
    %scan3A_32 = arith.constant 1 : i32
    scf.for %scan3A_34 = %scan3A_29 to %scan3A_31 step %scan3A_32  : i32 {
      %mul3A_35 = arith.constant 256 : i32
      %mul3A_36 = arith.muli %scan3A_34, %mul3A_35 : i32
      %add3A_37 = arith.addi %mul3A_28, %mul3A_36 : i32
      "tpu.region"() ({
        %run_scoped3A = tpu.sem_alloc : memref<!tpu.dma_semaphore, #tpu.memory_space<semaphore_mem>>
        %dma_start3A = tpu.memref_slice %arg7[%add3A_37] : memref<819200xi32, #tpu.memory_space<hbm>> -> memref<256xi32, #tpu.memory_space<hbm>>
        %dma_start3A_46 = tpu.memref_slice %arg7[%add3A_37] : memref<819200xi32, #tpu.memory_space<hbm>> -> memref<256xi32, #tpu.memory_space<hbm>>
        tpu.enqueue_dma source(%dma_start3A_46 : memref<256xi32, #tpu.memory_space<hbm>>) target(%arg15 : memref<256xi32, #tpu.memory_space<vmem>>) target_semaphore(%run_scoped3A : memref<!tpu.dma_semaphore, #tpu.memory_space<semaphore_mem>>)
        %dma_wait3A = tpu.memref_slice %arg7[%add3A_37] : memref<819200xi32, #tpu.memory_space<hbm>> -> memref<256xi32, #tpu.memory_space<hbm>>
        %dma_wait3A_47 = tpu.memref_slice %arg7[%add3A_37] : memref<819200xi32, #tpu.memory_space<hbm>> -> memref<256xi32, #tpu.memory_space<hbm>>
        tpu.wait_dma2 semaphore(%run_scoped3A : memref<!tpu.dma_semaphore, #tpu.memory_space<semaphore_mem>>) src(%dma_wait3A_47 : memref<256xi32, #tpu.memory_space<hbm>>) dst(%arg15 : memref<256xi32, #tpu.memory_space<vmem>>)
        tpu.yield
      }) : () -> ()
      "tpu.region"() ({
        %run_scoped3A = tpu.sem_alloc : memref<!tpu.dma_semaphore, #tpu.memory_space<semaphore_mem>>
        %dma_start3A = tpu.memref_slice %arg8[%add3A_37] : memref<819200xf32, #tpu.memory_space<hbm>> -> memref<256xf32, #tpu.memory_space<hbm>>
        %dma_start3A_46 = tpu.memref_slice %arg8[%add3A_37] : memref<819200xf32, #tpu.memory_space<hbm>> -> memref<256xf32, #tpu.memory_space<hbm>>
        tpu.enqueue_dma source(%dma_start3A_46 : memref<256xf32, #tpu.memory_space<hbm>>) target(%arg16 : memref<256xf32, #tpu.memory_space<vmem>>) target_semaphore(%run_scoped3A : memref<!tpu.dma_semaphore, #tpu.memory_space<semaphore_mem>>)
        %dma_wait3A = tpu.memref_slice %arg8[%add3A_37] : memref<819200xf32, #tpu.memory_space<hbm>> -> memref<256xf32, #tpu.memory_space<hbm>>
        %dma_wait3A_47 = tpu.memref_slice %arg8[%add3A_37] : memref<819200xf32, #tpu.memory_space<hbm>> -> memref<256xf32, #tpu.memory_space<hbm>>
        tpu.wait_dma2 semaphore(%run_scoped3A : memref<!tpu.dma_semaphore, #tpu.memory_space<semaphore_mem>>) src(%dma_wait3A_47 : memref<256xf32, #tpu.memory_space<hbm>>) dst(%arg16 : memref<256xf32, #tpu.memory_space<vmem>>)
        tpu.yield
      }) : () -> ()
      %scan3A_38 = arith.constant 0 : i32
      %scan3A_39 = arith.constant 0 : i32
      %scan3A_40 = arith.constant 16 : i32
      %scan3A_41 = arith.addi %scan3A_39, %scan3A_40 : i32
      %scan3A_42 = arith.constant 1 : i32
      scf.for %scan3A_46 = %scan3A_39 to %scan3A_41 step %scan3A_42  : i32 {
        %mul3A_47 = arith.constant 16 : i32
        %mul3A_48 = arith.muli %scan3A_46, %mul3A_47 : i32
        %get3A_49 = arith.index_cast %mul3A_48 : i32 to index
        %get3A_50 = tpu.vector_load %arg16[%get3A_49] {strides = array<i32>} : memref<256xf32, #tpu.memory_space<vmem>>, vector<16xf32>,
        %get3A_51 = vector.shape_cast %get3A_50 : vector<16xf32> to vector<16xf32>
        %mul3A_52 = arith.constant 16 : i32
        %mul3A_53 = arith.muli %scan3A_46, %mul3A_52 : i32
        %get3A_54 = arith.index_cast %mul3A_53 : i32 to index
        %get3A_55 = tpu.vector_load %arg15[%get3A_54] {strides = array<i32>} : memref<256xi32, #tpu.memory_space<vmem>>, vector<16xi32>,
        %get3A_56 = vector.shape_cast %get3A_55 : vector<16xi32> to vector<16xi32>
        %broadcast_in_dim3A = arith.constant 0 : i32
        %broadcast_in_dim3A_57 = vector.broadcast %broadcast_in_dim3A : i32 to vector<16xi32>
        %broadcast_in_dim3A_58 = arith.constant 1 : i32
        %broadcast_in_dim3A_59 = vector.broadcast %broadcast_in_dim3A_58 : i32 to vector<16xi32>
        %broadcast_in_dim3A_60 = arith.constant 0 : i32
        %broadcast_in_dim3A_61 = vector.broadcast %broadcast_in_dim3A_60 : i32 to vector<16xi32>
        %slice3A = vector.extract_strided_slice %get3A_2 {offsets = [0], sizes = [1], strides = [1]} : vector<16xf32> to vector<1xf32>
        %squeeze3A = vector.extract %slice3A[0] : f32 from vector<1xf32>
        %broadcast_in_dim3A_62 = vector.broadcast %squeeze3A : f32 to vector<16xf32>
        %gt3A = arith.cmpf ogt, %get3A_51, %broadcast_in_dim3A_62 : vector<16xf32>
        %select_n3A = arith.select %gt3A, %broadcast_in_dim3A_59, %broadcast_in_dim3A_61 : vector<16xi1>, vector<16xi32>
        %add3A_63 = arith.addi %broadcast_in_dim3A_57, %select_n3A : vector<16xi32>
        %slice3A_64 = vector.extract_strided_slice %get3A_2 {offsets = [1], sizes = [1], strides = [1]} : vector<16xf32> to vector<1xf32>
        %squeeze3A_65 = vector.extract %slice3A_64[0] : f32 from vector<1xf32>
        %broadcast_in_dim3A_66 = vector.broadcast %squeeze3A_65 : f32 to vector<16xf32>
        %gt3A_67 = arith.cmpf ogt, %get3A_51, %broadcast_in_dim3A_66 : vector<16xf32>
        %select_n3A_68 = arith.select %gt3A_67, %broadcast_in_dim3A_59, %broadcast_in_dim3A_61 : vector<16xi1>, vector<16xi32>
        %add3A_69 = arith.addi %add3A_63, %select_n3A_68 : vector<16xi32>
        %slice3A_70 = vector.extract_strided_slice %get3A_2 {offsets = [2], sizes = [1], strides = [1]} : vector<16xf32> to vector<1xf32>
        %squeeze3A_71 = vector.extract %slice3A_70[0] : f32 from vector<1xf32>
        %broadcast_in_dim3A_72 = vector.broadcast %squeeze3A_71 : f32 to vector<16xf32>
        %gt3A_73 = arith.cmpf ogt, %get3A_51, %broadcast_in_dim3A_72 : vector<16xf32>
        %select_n3A_74 = arith.select %gt3A_73, %broadcast_in_dim3A_59, %broadcast_in_dim3A_61 : vector<16xi1>, vector<16xi32>
        %add3A_75 = arith.addi %add3A_69, %select_n3A_74 : vector<16xi32>
        %slice3A_76 = vector.extract_strided_slice %get3A_2 {offsets = [3], sizes = [1], strides = [1]} : vector<16xf32> to vector<1xf32>
        %squeeze3A_77 = vector.extract %slice3A_76[0] : f32 from vector<1xf32>
        %broadcast_in_dim3A_78 = vector.broadcast %squeeze3A_77 : f32 to vector<16xf32>
        %gt3A_79 = arith.cmpf ogt, %get3A_51, %broadcast_in_dim3A_78 : vector<16xf32>
        %select_n3A_80 = arith.select %gt3A_79, %broadcast_in_dim3A_59, %broadcast_in_dim3A_61 : vector<16xi1>, vector<16xi32>
        %add3A_81 = arith.addi %add3A_75, %select_n3A_80 : vector<16xi32>
        %slice3A_82 = vector.extract_strided_slice %get3A_2 {offsets = [4], sizes = [1], strides = [1]} : vector<16xf32> to vector<1xf32>
        %squeeze3A_83 = vector.extract %slice3A_82[0] : f32 from vector<1xf32>
        %broadcast_in_dim3A_84 = vector.broadcast %squeeze3A_83 : f32 to vector<16xf32>
        %gt3A_85 = arith.cmpf ogt, %get3A_51, %broadcast_in_dim3A_84 : vector<16xf32>
        %select_n3A_86 = arith.select %gt3A_85, %broadcast_in_dim3A_59, %broadcast_in_dim3A_61 : vector<16xi1>, vector<16xi32>
        %add3A_87 = arith.addi %add3A_81, %select_n3A_86 : vector<16xi32>
        %slice3A_88 = vector.extract_strided_slice %get3A_2 {offsets = [5], sizes = [1], strides = [1]} : vector<16xf32> to vector<1xf32>
        %squeeze3A_89 = vector.extract %slice3A_88[0] : f32 from vector<1xf32>
        %broadcast_in_dim3A_90 = vector.broadcast %squeeze3A_89 : f32 to vector<16xf32>
        %gt3A_91 = arith.cmpf ogt, %get3A_51, %broadcast_in_dim3A_90 : vector<16xf32>
        %select_n3A_92 = arith.select %gt3A_91, %broadcast_in_dim3A_59, %broadcast_in_dim3A_61 : vector<16xi1>, vector<16xi32>
        %add3A_93 = arith.addi %add3A_87, %select_n3A_92 : vector<16xi32>
        %slice3A_94 = vector.extract_strided_slice %get3A_2 {offsets = [6], sizes = [1], strides = [1]} : vector<16xf32> to vector<1xf32>
        %squeeze3A_95 = vector.extract %slice3A_94[0] : f32 from vector<1xf32>
        %broadcast_in_dim3A_96 = vector.broadcast %squeeze3A_95 : f32 to vector<16xf32>
        %gt3A_97 = arith.cmpf ogt, %get3A_51, %broadcast_in_dim3A_96 : vector<16xf32>
        %select_n3A_98 = arith.select %gt3A_97, %broadcast_in_dim3A_59, %broadcast_in_dim3A_61 : vector<16xi1>, vector<16xi32>
        %add3A_99 = arith.addi %add3A_93, %select_n3A_98 : vector<16xi32>
        %slice3A_100 = vector.extract_strided_slice %get3A_2 {offsets = [7], sizes = [1], strides = [1]} : vector<16xf32> to vector<1xf32>
        %squeeze3A_101 = vector.extract %slice3A_100[0] : f32 from vector<1xf32>
        %broadcast_in_dim3A_102 = vector.broadcast %squeeze3A_101 : f32 to vector<16xf32>
        %gt3A_103 = arith.cmpf ogt, %get3A_51, %broadcast_in_dim3A_102 : vector<16xf32>
        %select_n3A_104 = arith.select %gt3A_103, %broadcast_in_dim3A_59, %broadcast_in_dim3A_61 : vector<16xi1>, vector<16xi32>
        %add3A_105 = arith.addi %add3A_99, %select_n3A_104 : vector<16xi32>
        %slice3A_106 = vector.extract_strided_slice %get3A_2 {offsets = [8], sizes = [1], strides = [1]} : vector<16xf32> to vector<1xf32>
        %squeeze3A_107 = vector.extract %slice3A_106[0] : f32 from vector<1xf32>
        %broadcast_in_dim3A_108 = vector.broadcast %squeeze3A_107 : f32 to vector<16xf32>
        %gt3A_109 = arith.cmpf ogt, %get3A_51, %broadcast_in_dim3A_108 : vector<16xf32>
        %select_n3A_110 = arith.select %gt3A_109, %broadcast_in_dim3A_59, %broadcast_in_dim3A_61 : vector<16xi1>, vector<16xi32>
        %add3A_111 = arith.addi %add3A_105, %select_n3A_110 : vector<16xi32>
        %slice3A_112 = vector.extract_strided_slice %get3A_2 {offsets = [9], sizes = [1], strides = [1]} : vector<16xf32> to vector<1xf32>
        %squeeze3A_113 = vector.extract %slice3A_112[0] : f32 from vector<1xf32>
        %broadcast_in_dim3A_114 = vector.broadcast %squeeze3A_113 : f32 to vector<16xf32>
        %gt3A_115 = arith.cmpf ogt, %get3A_51, %broadcast_in_dim3A_114 : vector<16xf32>
        %select_n3A_116 = arith.select %gt3A_115, %broadcast_in_dim3A_59, %broadcast_in_dim3A_61 : vector<16xi1>, vector<16xi32>
        %add3A_117 = arith.addi %add3A_111, %select_n3A_116 : vector<16xi32>
        %slice3A_118 = vector.extract_strided_slice %get3A_2 {offsets = [10], sizes = [1], strides = [1]} : vector<16xf32> to vector<1xf32>
        %squeeze3A_119 = vector.extract %slice3A_118[0] : f32 from vector<1xf32>
        %broadcast_in_dim3A_120 = vector.broadcast %squeeze3A_119 : f32 to vector<16xf32>
        %gt3A_121 = arith.cmpf ogt, %get3A_51, %broadcast_in_dim3A_120 : vector<16xf32>
        %select_n3A_122 = arith.select %gt3A_121, %broadcast_in_dim3A_59, %broadcast_in_dim3A_61 : vector<16xi1>, vector<16xi32>
        %add3A_123 = arith.addi %add3A_117, %select_n3A_122 : vector<16xi32>
        %slice3A_124 = vector.extract_strided_slice %get3A_2 {offsets = [11], sizes = [1], strides = [1]} : vector<16xf32> to vector<1xf32>
        %squeeze3A_125 = vector.extract %slice3A_124[0] : f32 from vector<1xf32>
        %broadcast_in_dim3A_126 = vector.broadcast %squeeze3A_125 : f32 to vector<16xf32>
        %gt3A_127 = arith.cmpf ogt, %get3A_51, %broadcast_in_dim3A_126 : vector<16xf32>
        %select_n3A_128 = arith.select %gt3A_127, %broadcast_in_dim3A_59, %broadcast_in_dim3A_61 : vector<16xi1>, vector<16xi32>
        %add3A_129 = arith.addi %add3A_123, %select_n3A_128 : vector<16xi32>
        %slice3A_130 = vector.extract_strided_slice %get3A_2 {offsets = [12], sizes = [1], strides = [1]} : vector<16xf32> to vector<1xf32>
        %squeeze3A_131 = vector.extract %slice3A_130[0] : f32 from vector<1xf32>
        %broadcast_in_dim3A_132 = vector.broadcast %squeeze3A_131 : f32 to vector<16xf32>
        %gt3A_133 = arith.cmpf ogt, %get3A_51, %broadcast_in_dim3A_132 : vector<16xf32>
        %select_n3A_134 = arith.select %gt3A_133, %broadcast_in_dim3A_59, %broadcast_in_dim3A_61 : vector<16xi1>, vector<16xi32>
        %add3A_135 = arith.addi %add3A_129, %select_n3A_134 : vector<16xi32>
        %slice3A_136 = vector.extract_strided_slice %get3A_2 {offsets = [13], sizes = [1], strides = [1]} : vector<16xf32> to vector<1xf32>
        %squeeze3A_137 = vector.extract %slice3A_136[0] : f32 from vector<1xf32>
        %broadcast_in_dim3A_138 = vector.broadcast %squeeze3A_137 : f32 to vector<16xf32>
        %gt3A_139 = arith.cmpf ogt, %get3A_51, %broadcast_in_dim3A_138 : vector<16xf32>
        %select_n3A_140 = arith.select %gt3A_139, %broadcast_in_dim3A_59, %broadcast_in_dim3A_61 : vector<16xi1>, vector<16xi32>
        %add3A_141 = arith.addi %add3A_135, %select_n3A_140 : vector<16xi32>
        %slice3A_142 = vector.extract_strided_slice %get3A_2 {offsets = [14], sizes = [1], strides = [1]} : vector<16xf32> to vector<1xf32>
        %squeeze3A_143 = vector.extract %slice3A_142[0] : f32 from vector<1xf32>
        %broadcast_in_dim3A_144 = vector.broadcast %squeeze3A_143 : f32 to vector<16xf32>
        %gt3A_145 = arith.cmpf ogt, %get3A_51, %broadcast_in_dim3A_144 : vector<16xf32>
        %select_n3A_146 = arith.select %gt3A_145, %broadcast_in_dim3A_59, %broadcast_in_dim3A_61 : vector<16xi1>, vector<16xi32>
        %add3A_147 = arith.addi %add3A_141, %select_n3A_146 : vector<16xi32>
        %slice3A_148 = vector.extract_strided_slice %get3A_2 {offsets = [15], sizes = [1], strides = [1]} : vector<16xf32> to vector<1xf32>
        %squeeze3A_149 = vector.extract %slice3A_148[0] : f32 from vector<1xf32>
        %broadcast_in_dim3A_150 = vector.broadcast %squeeze3A_149 : f32 to vector<16xf32>
        %gt3A_151 = arith.cmpf ogt, %get3A_51, %broadcast_in_dim3A_150 : vector<16xf32>
        %select_n3A_152 = arith.select %gt3A_151, %broadcast_in_dim3A_59, %broadcast_in_dim3A_61 : vector<16xi1>, vector<16xi32>
        %add3A_153 = arith.addi %add3A_147, %select_n3A_152 : vector<16xi32>
        %mul3A_154 = arith.constant 64 : i32
        %mul3A_155 = vector.broadcast %mul3A_154 : i32 to vector<16xi32>
        %mul3A_156 = arith.muli %add3A_153, %mul3A_155 : vector<16xi32>
        %add3A_157 = arith.constant 1088 : i32
        %add3A_158 = vector.broadcast %add3A_157 : i32 to vector<16xi32>
        %add3A_159 = arith.addi %mul3A_156, %add3A_158 : vector<16xi32>
        %mul3A_160 = arith.constant 64 : i32
        %mul3A_161 = vector.broadcast %mul3A_160 : i32 to vector<16xi32>
        %mul3A_162 = arith.muli %get3A_56, %mul3A_161 : vector<16xi32>
        %mul3A_163 = arith.constant 68 : i32
        %mul3A_164 = vector.broadcast %mul3A_163 : i32 to vector<16xi32>
        %mul3A_165 = arith.muli %get3A_56, %mul3A_164 : vector<16xi32>
        %mul3A_166 = arith.constant 4 : i32
        %mul3A_167 = vector.broadcast %mul3A_166 : i32 to vector<16xi32>
        %mul3A_168 = arith.muli %add3A_153, %mul3A_167 : vector<16xi32>
        %add3A_169 = arith.addi %mul3A_165, %mul3A_168 : vector<16xi32>
        %iota3A = tpu.iota {dimensions = array<i32: 0>} : vector<16xi32>
        %broadcast_in_dim3A_170 = arith.constant 0.000000e+00 : f32
        %broadcast_in_dim3A_171 = vector.broadcast %broadcast_in_dim3A_170 : f32 to vector<16xf32>
        %slice3A_172 = vector.extract_strided_slice %add3A_169 {offsets = [0], sizes = [1], strides = [1]} : vector<16xi32> to vector<1xi32>
        %squeeze3A_173 = vector.extract %slice3A_172[0] : i32 from vector<1xi32>
        %get3A_174 = arith.index_cast %squeeze3A_173 : i32 to index
        %get3A_175 = tpu.vector_load %arg14[%get3A_174] {strides = array<i32>} : memref<42448xf32, #tpu.memory_space<vmem>>, vector<16xf32>,
        %get3A_176 = vector.shape_cast %get3A_175 : vector<16xf32> to vector<16xf32>
        %slice3A_177 = vector.extract_strided_slice %get3A_51 {offsets = [0], sizes = [1], strides = [1]} : vector<16xf32> to vector<1xf32>
        %squeeze3A_178 = vector.extract %slice3A_177[0] : f32 from vector<1xf32>
        %broadcast_in_dim3A_179 = vector.broadcast %squeeze3A_178 : f32 to vector<16xf32>
        %slice3A_180 = vector.extract_strided_slice %get3A_176 {offsets = [0], sizes = [1], strides = [1]} : vector<16xf32> to vector<1xf32>
        %squeeze3A_181 = vector.extract %slice3A_180[0] : f32 from vector<1xf32>
        %broadcast_in_dim3A_182 = vector.broadcast %squeeze3A_181 : f32 to vector<16xf32>
        %slice3A_183 = vector.extract_strided_slice %get3A_176 {offsets = [1], sizes = [1], strides = [1]} : vector<16xf32> to vector<1xf32>
        %squeeze3A_184 = vector.extract %slice3A_183[0] : f32 from vector<1xf32>
        %broadcast_in_dim3A_185 = vector.broadcast %squeeze3A_184 : f32 to vector<16xf32>
        %slice3A_186 = vector.extract_strided_slice %get3A_176 {offsets = [2], sizes = [1], strides = [1]} : vector<16xf32> to vector<1xf32>
        %squeeze3A_187 = vector.extract %slice3A_186[0] : f32 from vector<1xf32>
        %broadcast_in_dim3A_188 = vector.broadcast %squeeze3A_187 : f32 to vector<16xf32>
        %mul3A_189 = arith.mulf %broadcast_in_dim3A_188, %broadcast_in_dim3A_179 : vector<16xf32>
        %add3A_190 = arith.addf %broadcast_in_dim3A_185, %mul3A_189 : vector<16xf32>
        %mul3A_191 = arith.mulf %add3A_190, %broadcast_in_dim3A_179 : vector<16xf32>
        %add3A_192 = arith.addf %broadcast_in_dim3A_182, %mul3A_191 : vector<16xf32>
        %eq3A = arith.constant 0 : i32
        %eq3A_193 = vector.broadcast %eq3A : i32 to vector<16xi32>
        %eq3A_194 = arith.cmpi eq, %iota3A, %eq3A_193 : vector<16xi32>
        %select_n3A_195 = arith.select %eq3A_194, %add3A_192, %broadcast_in_dim3A_171 : vector<16xi1>, vector<16xf32>
        %slice3A_196 = vector.extract_strided_slice %add3A_169 {offsets = [1], sizes = [1], strides = [1]} : vector<16xi32> to vector<1xi32>
        %squeeze3A_197 = vector.extract %slice3A_196[0] : i32 from vector<1xi32>
        %get3A_198 = arith.index_cast %squeeze3A_197 : i32 to index
        %get3A_199 = tpu.vector_load %arg14[%get3A_198] {strides = array<i32>} : memref<42448xf32, #tpu.memory_space<vmem>>, vector<16xf32>,
        %get3A_200 = vector.shape_cast %get3A_199 : vector<16xf32> to vector<16xf32>
        %slice3A_201 = vector.extract_strided_slice %get3A_51 {offsets = [1], sizes = [1], strides = [1]} : vector<16xf32> to vector<1xf32>
        %squeeze3A_202 = vector.extract %slice3A_201[0] : f32 from vector<1xf32>
        %broadcast_in_dim3A_203 = vector.broadcast %squeeze3A_202 : f32 to vector<16xf32>
        %slice3A_204 = vector.extract_strided_slice %get3A_200 {offsets = [0], sizes = [1], strides = [1]} : vector<16xf32> to vector<1xf32>
        %squeeze3A_205 = vector.extract %slice3A_204[0] : f32 from vector<1xf32>
        %broadcast_in_dim3A_206 = vector.broadcast %squeeze3A_205 : f32 to vector<16xf32>
        %slice3A_207 = vector.extract_strided_slice %get3A_200 {offsets = [1], sizes = [1], strides = [1]} : vector<16xf32> to vector<1xf32>
        %squeeze3A_208 = vector.extract %slice3A_207[0] : f32 from vector<1xf32>
        %broadcast_in_dim3A_209 = vector.broadcast %squeeze3A_208 : f32 to vector<16xf32>
        %slice3A_210 = vector.extract_strided_slice %get3A_200 {offsets = [2], sizes = [1], strides = [1]} : vector<16xf32> to vector<1xf32>
        %squeeze3A_211 = vector.extract %slice3A_210[0] : f32 from vector<1xf32>
        %broadcast_in_dim3A_212 = vector.broadcast %squeeze3A_211 : f32 to vector<16xf32>
        %mul3A_213 = arith.mulf %broadcast_in_dim3A_212, %broadcast_in_dim3A_203 : vector<16xf32>
        %add3A_214 = arith.addf %broadcast_in_dim3A_209, %mul3A_213 : vector<16xf32>
        %mul3A_215 = arith.mulf %add3A_214, %broadcast_in_dim3A_203 : vector<16xf32>
        %add3A_216 = arith.addf %broadcast_in_dim3A_206, %mul3A_215 : vector<16xf32>
        %eq3A_217 = arith.constant 1 : i32
        %eq3A_218 = vector.broadcast %eq3A_217 : i32 to vector<16xi32>
        %eq3A_219 = arith.cmpi eq, %iota3A, %eq3A_218 : vector<16xi32>
        %select_n3A_220 = arith.select %eq3A_219, %add3A_216, %select_n3A_195 : vector<16xi1>, vector<16xf32>
        %slice3A_221 = vector.extract_strided_slice %add3A_169 {offsets = [2], sizes = [1], strides = [1]} : vector<16xi32> to vector<1xi32>
        %squeeze3A_222 = vector.extract %slice3A_221[0] : i32 from vector<1xi32>
        %get3A_223 = arith.index_cast %squeeze3A_222 : i32 to index
        %get3A_224 = tpu.vector_load %arg14[%get3A_223] {strides = array<i32>} : memref<42448xf32, #tpu.memory_space<vmem>>, vector<16xf32>,
        %get3A_225 = vector.shape_cast %get3A_224 : vector<16xf32> to vector<16xf32>
        %slice3A_226 = vector.extract_strided_slice %get3A_51 {offsets = [2], sizes = [1], strides = [1]} : vector<16xf32> to vector<1xf32>
        %squeeze3A_227 = vector.extract %slice3A_226[0] : f32 from vector<1xf32>
        %broadcast_in_dim3A_228 = vector.broadcast %squeeze3A_227 : f32 to vector<16xf32>
        %slice3A_229 = vector.extract_strided_slice %get3A_225 {offsets = [0], sizes = [1], strides = [1]} : vector<16xf32> to vector<1xf32>
        %squeeze3A_230 = vector.extract %slice3A_229[0] : f32 from vector<1xf32>
        %broadcast_in_dim3A_231 = vector.broadcast %squeeze3A_230 : f32 to vector<16xf32>
        %slice3A_232 = vector.extract_strided_slice %get3A_225 {offsets = [1], sizes = [1], strides = [1]} : vector<16xf32> to vector<1xf32>
        %squeeze3A_233 = vector.extract %slice3A_232[0] : f32 from vector<1xf32>
        %broadcast_in_dim3A_234 = vector.broadcast %squeeze3A_233 : f32 to vector<16xf32>
        %slice3A_235 = vector.extract_strided_slice %get3A_225 {offsets = [2], sizes = [1], strides = [1]} : vector<16xf32> to vector<1xf32>
        %squeeze3A_236 = vector.extract %slice3A_235[0] : f32 from vector<1xf32>
        %broadcast_in_dim3A_237 = vector.broadcast %squeeze3A_236 : f32 to vector<16xf32>
        %mul3A_238 = arith.mulf %broadcast_in_dim3A_237, %broadcast_in_dim3A_228 : vector<16xf32>
        %add3A_239 = arith.addf %broadcast_in_dim3A_234, %mul3A_238 : vector<16xf32>
        %mul3A_240 = arith.mulf %add3A_239, %broadcast_in_dim3A_228 : vector<16xf32>
        %add3A_241 = arith.addf %broadcast_in_dim3A_231, %mul3A_240 : vector<16xf32>
        %eq3A_242 = arith.constant 2 : i32
        %eq3A_243 = vector.broadcast %eq3A_242 : i32 to vector<16xi32>
        %eq3A_244 = arith.cmpi eq, %iota3A, %eq3A_243 : vector<16xi32>
        %select_n3A_245 = arith.select %eq3A_244, %add3A_241, %select_n3A_220 : vector<16xi1>, vector<16xf32>
        %slice3A_246 = vector.extract_strided_slice %add3A_169 {offsets = [3], sizes = [1], strides = [1]} : vector<16xi32> to vector<1xi32>
        %squeeze3A_247 = vector.extract %slice3A_246[0] : i32 from vector<1xi32>
        %get3A_248 = arith.index_cast %squeeze3A_247 : i32 to index
        %get3A_249 = tpu.vector_load %arg14[%get3A_248] {strides = array<i32>} : memref<42448xf32, #tpu.memory_space<vmem>>, vector<16xf32>,
        %get3A_250 = vector.shape_cast %get3A_249 : vector<16xf32> to vector<16xf32>
        %slice3A_251 = vector.extract_strided_slice %get3A_51 {offsets = [3], sizes = [1], strides = [1]} : vector<16xf32> to vector<1xf32>
        %squeeze3A_252 = vector.extract %slice3A_251[0] : f32 from vector<1xf32>
        %broadcast_in_dim3A_253 = vector.broadcast %squeeze3A_252 : f32 to vector<16xf32>
        %slice3A_254 = vector.extract_strided_slice %get3A_250 {offsets = [0], sizes = [1], strides = [1]} : vector<16xf32> to vector<1xf32>
        %squeeze3A_255 = vector.extract %slice3A_254[0] : f32 from vector<1xf32>
        %broadcast_in_dim3A_256 = vector.broadcast %squeeze3A_255 : f32 to vector<16xf32>
        %slice3A_257 = vector.extract_strided_slice %get3A_250 {offsets = [1], sizes = [1], strides = [1]} : vector<16xf32> to vector<1xf32>
        %squeeze3A_258 = vector.extract %slice3A_257[0] : f32 from vector<1xf32>
        %broadcast_in_dim3A_259 = vector.broadcast %squeeze3A_258 : f32 to vector<16xf32>
        %slice3A_260 = vector.extract_strided_slice %get3A_250 {offsets = [2], sizes = [1], strides = [1]} : vector<16xf32> to vector<1xf32>
        %squeeze3A_261 = vector.extract %slice3A_260[0] : f32 from vector<1xf32>
        %broadcast_in_dim3A_262 = vector.broadcast %squeeze3A_261 : f32 to vector<16xf32>
        %mul3A_263 = arith.mulf %broadcast_in_dim3A_262, %broadcast_in_dim3A_253 : vector<16xf32>
        %add3A_264 = arith.addf %broadcast_in_dim3A_259, %mul3A_263 : vector<16xf32>
        %mul3A_265 = arith.mulf %add3A_264, %broadcast_in_dim3A_253 : vector<16xf32>
        %add3A_266 = arith.addf %broadcast_in_dim3A_256, %mul3A_265 : vector<16xf32>
        %eq3A_267 = arith.constant 3 : i32
        %eq3A_268 = vector.broadcast %eq3A_267 : i32 to vector<16xi32>
        %eq3A_269 = arith.cmpi eq, %iota3A, %eq3A_268 : vector<16xi32>
        %select_n3A_270 = arith.select %eq3A_269, %add3A_266, %select_n3A_245 : vector<16xi1>, vector<16xf32>
        %slice3A_271 = vector.extract_strided_slice %add3A_169 {offsets = [4], sizes = [1], strides = [1]} : vector<16xi32> to vector<1xi32>
        %squeeze3A_272 = vector.extract %slice3A_271[0] : i32 from vector<1xi32>
        %get3A_273 = arith.index_cast %squeeze3A_272 : i32 to index
        %get3A_274 = tpu.vector_load %arg14[%get3A_273] {strides = array<i32>} : memref<42448xf32, #tpu.memory_space<vmem>>, vector<16xf32>,
        %get3A_275 = vector.shape_cast %get3A_274 : vector<16xf32> to vector<16xf32>
        %slice3A_276 = vector.extract_strided_slice %get3A_51 {offsets = [4], sizes = [1], strides = [1]} : vector<16xf32> to vector<1xf32>
        %squeeze3A_277 = vector.extract %slice3A_276[0] : f32 from vector<1xf32>
        %broadcast_in_dim3A_278 = vector.broadcast %squeeze3A_277 : f32 to vector<16xf32>
        %slice3A_279 = vector.extract_strided_slice %get3A_275 {offsets = [0], sizes = [1], strides = [1]} : vector<16xf32> to vector<1xf32>
        %squeeze3A_280 = vector.extract %slice3A_279[0] : f32 from vector<1xf32>
        %broadcast_in_dim3A_281 = vector.broadcast %squeeze3A_280 : f32 to vector<16xf32>
        %slice3A_282 = vector.extract_strided_slice %get3A_275 {offsets = [1], sizes = [1], strides = [1]} : vector<16xf32> to vector<1xf32>
        %squeeze3A_283 = vector.extract %slice3A_282[0] : f32 from vector<1xf32>
        %broadcast_in_dim3A_284 = vector.broadcast %squeeze3A_283 : f32 to vector<16xf32>
        %slice3A_285 = vector.extract_strided_slice %get3A_275 {offsets = [2], sizes = [1], strides = [1]} : vector<16xf32> to vector<1xf32>
        %squeeze3A_286 = vector.extract %slice3A_285[0] : f32 from vector<1xf32>
        %broadcast_in_dim3A_287 = vector.broadcast %squeeze3A_286 : f32 to vector<16xf32>
        %mul3A_288 = arith.mulf %broadcast_in_dim3A_287, %broadcast_in_dim3A_278 : vector<16xf32>
        %add3A_289 = arith.addf %broadcast_in_dim3A_284, %mul3A_288 : vector<16xf32>
        %mul3A_290 = arith.mulf %add3A_289, %broadcast_in_dim3A_278 : vector<16xf32>
        %add3A_291 = arith.addf %broadcast_in_dim3A_281, %mul3A_290 : vector<16xf32>
        %eq3A_292 = arith.constant 4 : i32
        %eq3A_293 = vector.broadcast %eq3A_292 : i32 to vector<16xi32>
        %eq3A_294 = arith.cmpi eq, %iota3A, %eq3A_293 : vector<16xi32>
        %select_n3A_295 = arith.select %eq3A_294, %add3A_291, %select_n3A_270 : vector<16xi1>, vector<16xf32>
        %slice3A_296 = vector.extract_strided_slice %add3A_169 {offsets = [5], sizes = [1], strides = [1]} : vector<16xi32> to vector<1xi32>
        %squeeze3A_297 = vector.extract %slice3A_296[0] : i32 from vector<1xi32>
        %get3A_298 = arith.index_cast %squeeze3A_297 : i32 to index
        %get3A_299 = tpu.vector_load %arg14[%get3A_298] {strides = array<i32>} : memref<42448xf32, #tpu.memory_space<vmem>>, vector<16xf32>,
        %get3A_300 = vector.shape_cast %get3A_299 : vector<16xf32> to vector<16xf32>
        %slice3A_301 = vector.extract_strided_slice %get3A_51 {offsets = [5], sizes = [1], strides = [1]} : vector<16xf32> to vector<1xf32>
        %squeeze3A_302 = vector.extract %slice3A_301[0] : f32 from vector<1xf32>
        %broadcast_in_dim3A_303 = vector.broadcast %squeeze3A_302 : f32 to vector<16xf32>
        %slice3A_304 = vector.extract_strided_slice %get3A_300 {offsets = [0], sizes = [1], strides = [1]} : vector<16xf32> to vector<1xf32>
        %squeeze3A_305 = vector.extract %slice3A_304[0] : f32 from vector<1xf32>
        %broadcast_in_dim3A_306 = vector.broadcast %squeeze3A_305 : f32 to vector<16xf32>
        %slice3A_307 = vector.extract_strided_slice %get3A_300 {offsets = [1], sizes = [1], strides = [1]} : vector<16xf32> to vector<1xf32>
        %squeeze3A_308 = vector.extract %slice3A_307[0] : f32 from vector<1xf32>
        %broadcast_in_dim3A_309 = vector.broadcast %squeeze3A_308 : f32 to vector<16xf32>
        %slice3A_310 = vector.extract_strided_slice %get3A_300 {offsets = [2], sizes = [1], strides = [1]} : vector<16xf32> to vector<1xf32>
        %squeeze3A_311 = vector.extract %slice3A_310[0] : f32 from vector<1xf32>
        %broadcast_in_dim3A_312 = vector.broadcast %squeeze3A_311 : f32 to vector<16xf32>
        %mul3A_313 = arith.mulf %broadcast_in_dim3A_312, %broadcast_in_dim3A_303 : vector<16xf32>
        %add3A_314 = arith.addf %broadcast_in_dim3A_309, %mul3A_313 : vector<16xf32>
        %mul3A_315 = arith.mulf %add3A_314, %broadcast_in_dim3A_303 : vector<16xf32>
        %add3A_316 = arith.addf %broadcast_in_dim3A_306, %mul3A_315 : vector<16xf32>
        %eq3A_317 = arith.constant 5 : i32
        %eq3A_318 = vector.broadcast %eq3A_317 : i32 to vector<16xi32>
        %eq3A_319 = arith.cmpi eq, %iota3A, %eq3A_318 : vector<16xi32>
        %select_n3A_320 = arith.select %eq3A_319, %add3A_316, %select_n3A_295 : vector<16xi1>, vector<16xf32>
        %slice3A_321 = vector.extract_strided_slice %add3A_169 {offsets = [6], sizes = [1], strides = [1]} : vector<16xi32> to vector<1xi32>
        %squeeze3A_322 = vector.extract %slice3A_321[0] : i32 from vector<1xi32>
        %get3A_323 = arith.index_cast %squeeze3A_322 : i32 to index
        %get3A_324 = tpu.vector_load %arg14[%get3A_323] {strides = array<i32>} : memref<42448xf32, #tpu.memory_space<vmem>>, vector<16xf32>,
        %get3A_325 = vector.shape_cast %get3A_324 : vector<16xf32> to vector<16xf32>
        %slice3A_326 = vector.extract_strided_slice %get3A_51 {offsets = [6], sizes = [1], strides = [1]} : vector<16xf32> to vector<1xf32>
        %squeeze3A_327 = vector.extract %slice3A_326[0] : f32 from vector<1xf32>
        %broadcast_in_dim3A_328 = vector.broadcast %squeeze3A_327 : f32 to vector<16xf32>
        %slice3A_329 = vector.extract_strided_slice %get3A_325 {offsets = [0], sizes = [1], strides = [1]} : vector<16xf32> to vector<1xf32>
        %squeeze3A_330 = vector.extract %slice3A_329[0] : f32 from vector<1xf32>
        %broadcast_in_dim3A_331 = vector.broadcast %squeeze3A_330 : f32 to vector<16xf32>
        %slice3A_332 = vector.extract_strided_slice %get3A_325 {offsets = [1], sizes = [1], strides = [1]} : vector<16xf32> to vector<1xf32>
        %squeeze3A_333 = vector.extract %slice3A_332[0] : f32 from vector<1xf32>
        %broadcast_in_dim3A_334 = vector.broadcast %squeeze3A_333 : f32 to vector<16xf32>
        %slice3A_335 = vector.extract_strided_slice %get3A_325 {offsets = [2], sizes = [1], strides = [1]} : vector<16xf32> to vector<1xf32>
        %squeeze3A_336 = vector.extract %slice3A_335[0] : f32 from vector<1xf32>
        %broadcast_in_dim3A_337 = vector.broadcast %squeeze3A_336 : f32 to vector<16xf32>
        %mul3A_338 = arith.mulf %broadcast_in_dim3A_337, %broadcast_in_dim3A_328 : vector<16xf32>
        %add3A_339 = arith.addf %broadcast_in_dim3A_334, %mul3A_338 : vector<16xf32>
        %mul3A_340 = arith.mulf %add3A_339, %broadcast_in_dim3A_328 : vector<16xf32>
        %add3A_341 = arith.addf %broadcast_in_dim3A_331, %mul3A_340 : vector<16xf32>
        %eq3A_342 = arith.constant 6 : i32
        %eq3A_343 = vector.broadcast %eq3A_342 : i32 to vector<16xi32>
        %eq3A_344 = arith.cmpi eq, %iota3A, %eq3A_343 : vector<16xi32>
        %select_n3A_345 = arith.select %eq3A_344, %add3A_341, %select_n3A_320 : vector<16xi1>, vector<16xf32>
        %slice3A_346 = vector.extract_strided_slice %add3A_169 {offsets = [7], sizes = [1], strides = [1]} : vector<16xi32> to vector<1xi32>
        %squeeze3A_347 = vector.extract %slice3A_346[0] : i32 from vector<1xi32>
        %get3A_348 = arith.index_cast %squeeze3A_347 : i32 to index
        %get3A_349 = tpu.vector_load %arg14[%get3A_348] {strides = array<i32>} : memref<42448xf32, #tpu.memory_space<vmem>>, vector<16xf32>,
        %get3A_350 = vector.shape_cast %get3A_349 : vector<16xf32> to vector<16xf32>
        %slice3A_351 = vector.extract_strided_slice %get3A_51 {offsets = [7], sizes = [1], strides = [1]} : vector<16xf32> to vector<1xf32>
        %squeeze3A_352 = vector.extract %slice3A_351[0] : f32 from vector<1xf32>
        %broadcast_in_dim3A_353 = vector.broadcast %squeeze3A_352 : f32 to vector<16xf32>
        %slice3A_354 = vector.extract_strided_slice %get3A_350 {offsets = [0], sizes = [1], strides = [1]} : vector<16xf32> to vector<1xf32>
        %squeeze3A_355 = vector.extract %slice3A_354[0] : f32 from vector<1xf32>
        %broadcast_in_dim3A_356 = vector.broadcast %squeeze3A_355 : f32 to vector<16xf32>
        %slice3A_357 = vector.extract_strided_slice %get3A_350 {offsets = [1], sizes = [1], strides = [1]} : vector<16xf32> to vector<1xf32>
        %squeeze3A_358 = vector.extract %slice3A_357[0] : f32 from vector<1xf32>
        %broadcast_in_dim3A_359 = vector.broadcast %squeeze3A_358 : f32 to vector<16xf32>
        %slice3A_360 = vector.extract_strided_slice %get3A_350 {offsets = [2], sizes = [1], strides = [1]} : vector<16xf32> to vector<1xf32>
        %squeeze3A_361 = vector.extract %slice3A_360[0] : f32 from vector<1xf32>
        %broadcast_in_dim3A_362 = vector.broadcast %squeeze3A_361 : f32 to vector<16xf32>
        %mul3A_363 = arith.mulf %broadcast_in_dim3A_362, %broadcast_in_dim3A_353 : vector<16xf32>
        %add3A_364 = arith.addf %broadcast_in_dim3A_359, %mul3A_363 : vector<16xf32>
        %mul3A_365 = arith.mulf %add3A_364, %broadcast_in_dim3A_353 : vector<16xf32>
        %add3A_366 = arith.addf %broadcast_in_dim3A_356, %mul3A_365 : vector<16xf32>
        %eq3A_367 = arith.constant 7 : i32
        %eq3A_368 = vector.broadcast %eq3A_367 : i32 to vector<16xi32>
        %eq3A_369 = arith.cmpi eq, %iota3A, %eq3A_368 : vector<16xi32>
        %select_n3A_370 = arith.select %eq3A_369, %add3A_366, %select_n3A_345 : vector<16xi1>, vector<16xf32>
        %slice3A_371 = vector.extract_strided_slice %add3A_169 {offsets = [8], sizes = [1], strides = [1]} : vector<16xi32> to vector<1xi32>
        %squeeze3A_372 = vector.extract %slice3A_371[0] : i32 from vector<1xi32>
        %get3A_373 = arith.index_cast %squeeze3A_372 : i32 to index
        %get3A_374 = tpu.vector_load %arg14[%get3A_373] {strides = array<i32>} : memref<42448xf32, #tpu.memory_space<vmem>>, vector<16xf32>,
        %get3A_375 = vector.shape_cast %get3A_374 : vector<16xf32> to vector<16xf32>
        %slice3A_376 = vector.extract_strided_slice %get3A_51 {offsets = [8], sizes = [1], strides = [1]} : vector<16xf32> to vector<1xf32>
        %squeeze3A_377 = vector.extract %slice3A_376[0] : f32 from vector<1xf32>
        %broadcast_in_dim3A_378 = vector.broadcast %squeeze3A_377 : f32 to vector<16xf32>
        %slice3A_379 = vector.extract_strided_slice %get3A_375 {offsets = [0], sizes = [1], strides = [1]} : vector<16xf32> to vector<1xf32>
        %squeeze3A_380 = vector.extract %slice3A_379[0] : f32 from vector<1xf32>
        %broadcast_in_dim3A_381 = vector.broadcast %squeeze3A_380 : f32 to vector<16xf32>
        %slice3A_382 = vector.extract_strided_slice %get3A_375 {offsets = [1], sizes = [1], strides = [1]} : vector<16xf32> to vector<1xf32>
        %squeeze3A_383 = vector.extract %slice3A_382[0] : f32 from vector<1xf32>
        %broadcast_in_dim3A_384 = vector.broadcast %squeeze3A_383 : f32 to vector<16xf32>
        %slice3A_385 = vector.extract_strided_slice %get3A_375 {offsets = [2], sizes = [1], strides = [1]} : vector<16xf32> to vector<1xf32>
        %squeeze3A_386 = vector.extract %slice3A_385[0] : f32 from vector<1xf32>
        %broadcast_in_dim3A_387 = vector.broadcast %squeeze3A_386 : f32 to vector<16xf32>
        %mul3A_388 = arith.mulf %broadcast_in_dim3A_387, %broadcast_in_dim3A_378 : vector<16xf32>
        %add3A_389 = arith.addf %broadcast_in_dim3A_384, %mul3A_388 : vector<16xf32>
        %mul3A_390 = arith.mulf %add3A_389, %broadcast_in_dim3A_378 : vector<16xf32>
        %add3A_391 = arith.addf %broadcast_in_dim3A_381, %mul3A_390 : vector<16xf32>
        %eq3A_392 = arith.constant 8 : i32
        %eq3A_393 = vector.broadcast %eq3A_392 : i32 to vector<16xi32>
        %eq3A_394 = arith.cmpi eq, %iota3A, %eq3A_393 : vector<16xi32>
        %select_n3A_395 = arith.select %eq3A_394, %add3A_391, %select_n3A_370 : vector<16xi1>, vector<16xf32>
        %slice3A_396 = vector.extract_strided_slice %add3A_169 {offsets = [9], sizes = [1], strides = [1]} : vector<16xi32> to vector<1xi32>
        %squeeze3A_397 = vector.extract %slice3A_396[0] : i32 from vector<1xi32>
        %get3A_398 = arith.index_cast %squeeze3A_397 : i32 to index
        %get3A_399 = tpu.vector_load %arg14[%get3A_398] {strides = array<i32>} : memref<42448xf32, #tpu.memory_space<vmem>>, vector<16xf32>,
        %get3A_400 = vector.shape_cast %get3A_399 : vector<16xf32> to vector<16xf32>
        %slice3A_401 = vector.extract_strided_slice %get3A_51 {offsets = [9], sizes = [1], strides = [1]} : vector<16xf32> to vector<1xf32>
        %squeeze3A_402 = vector.extract %slice3A_401[0] : f32 from vector<1xf32>
        %broadcast_in_dim3A_403 = vector.broadcast %squeeze3A_402 : f32 to vector<16xf32>
        %slice3A_404 = vector.extract_strided_slice %get3A_400 {offsets = [0], sizes = [1], strides = [1]} : vector<16xf32> to vector<1xf32>
        %squeeze3A_405 = vector.extract %slice3A_404[0] : f32 from vector<1xf32>
        %broadcast_in_dim3A_406 = vector.broadcast %squeeze3A_405 : f32 to vector<16xf32>
        %slice3A_407 = vector.extract_strided_slice %get3A_400 {offsets = [1], sizes = [1], strides = [1]} : vector<16xf32> to vector<1xf32>
        %squeeze3A_408 = vector.extract %slice3A_407[0] : f32 from vector<1xf32>
        %broadcast_in_dim3A_409 = vector.broadcast %squeeze3A_408 : f32 to vector<16xf32>
        %slice3A_410 = vector.extract_strided_slice %get3A_400 {offsets = [2], sizes = [1], strides = [1]} : vector<16xf32> to vector<1xf32>
        %squeeze3A_411 = vector.extract %slice3A_410[0] : f32 from vector<1xf32>
        %broadcast_in_dim3A_412 = vector.broadcast %squeeze3A_411 : f32 to vector<16xf32>
        %mul3A_413 = arith.mulf %broadcast_in_dim3A_412, %broadcast_in_dim3A_403 : vector<16xf32>
        %add3A_414 = arith.addf %broadcast_in_dim3A_409, %mul3A_413 : vector<16xf32>
        %mul3A_415 = arith.mulf %add3A_414, %broadcast_in_dim3A_403 : vector<16xf32>
        %add3A_416 = arith.addf %broadcast_in_dim3A_406, %mul3A_415 : vector<16xf32>
        %eq3A_417 = arith.constant 9 : i32
        %eq3A_418 = vector.broadcast %eq3A_417 : i32 to vector<16xi32>
        %eq3A_419 = arith.cmpi eq, %iota3A, %eq3A_418 : vector<16xi32>
        %select_n3A_420 = arith.select %eq3A_419, %add3A_416, %select_n3A_395 : vector<16xi1>, vector<16xf32>
        %slice3A_421 = vector.extract_strided_slice %add3A_169 {offsets = [10], sizes = [1], strides = [1]} : vector<16xi32> to vector<1xi32>
        %squeeze3A_422 = vector.extract %slice3A_421[0] : i32 from vector<1xi32>
        %get3A_423 = arith.index_cast %squeeze3A_422 : i32 to index
        %get3A_424 = tpu.vector_load %arg14[%get3A_423] {strides = array<i32>} : memref<42448xf32, #tpu.memory_space<vmem>>, vector<16xf32>,
        %get3A_425 = vector.shape_cast %get3A_424 : vector<16xf32> to vector<16xf32>
        %slice3A_426 = vector.extract_strided_slice %get3A_51 {offsets = [10], sizes = [1], strides = [1]} : vector<16xf32> to vector<1xf32>
        %squeeze3A_427 = vector.extract %slice3A_426[0] : f32 from vector<1xf32>
        %broadcast_in_dim3A_428 = vector.broadcast %squeeze3A_427 : f32 to vector<16xf32>
        %slice3A_429 = vector.extract_strided_slice %get3A_425 {offsets = [0], sizes = [1], strides = [1]} : vector<16xf32> to vector<1xf32>
        %squeeze3A_430 = vector.extract %slice3A_429[0] : f32 from vector<1xf32>
        %broadcast_in_dim3A_431 = vector.broadcast %squeeze3A_430 : f32 to vector<16xf32>
        %slice3A_432 = vector.extract_strided_slice %get3A_425 {offsets = [1], sizes = [1], strides = [1]} : vector<16xf32> to vector<1xf32>
        %squeeze3A_433 = vector.extract %slice3A_432[0] : f32 from vector<1xf32>
        %broadcast_in_dim3A_434 = vector.broadcast %squeeze3A_433 : f32 to vector<16xf32>
        %slice3A_435 = vector.extract_strided_slice %get3A_425 {offsets = [2], sizes = [1], strides = [1]} : vector<16xf32> to vector<1xf32>
        %squeeze3A_436 = vector.extract %slice3A_435[0] : f32 from vector<1xf32>
        %broadcast_in_dim3A_437 = vector.broadcast %squeeze3A_436 : f32 to vector<16xf32>
        %mul3A_438 = arith.mulf %broadcast_in_dim3A_437, %broadcast_in_dim3A_428 : vector<16xf32>
        %add3A_439 = arith.addf %broadcast_in_dim3A_434, %mul3A_438 : vector<16xf32>
        %mul3A_440 = arith.mulf %add3A_439, %broadcast_in_dim3A_428 : vector<16xf32>
        %add3A_441 = arith.addf %broadcast_in_dim3A_431, %mul3A_440 : vector<16xf32>
        %eq3A_442 = arith.constant 10 : i32
        %eq3A_443 = vector.broadcast %eq3A_442 : i32 to vector<16xi32>
        %eq3A_444 = arith.cmpi eq, %iota3A, %eq3A_443 : vector<16xi32>
        %select_n3A_445 = arith.select %eq3A_444, %add3A_441, %select_n3A_420 : vector<16xi1>, vector<16xf32>
        %slice3A_446 = vector.extract_strided_slice %add3A_169 {offsets = [11], sizes = [1], strides = [1]} : vector<16xi32> to vector<1xi32>
        %squeeze3A_447 = vector.extract %slice3A_446[0] : i32 from vector<1xi32>
        %get3A_448 = arith.index_cast %squeeze3A_447 : i32 to index
        %get3A_449 = tpu.vector_load %arg14[%get3A_448] {strides = array<i32>} : memref<42448xf32, #tpu.memory_space<vmem>>, vector<16xf32>,
        %get3A_450 = vector.shape_cast %get3A_449 : vector<16xf32> to vector<16xf32>
        %slice3A_451 = vector.extract_strided_slice %get3A_51 {offsets = [11], sizes = [1], strides = [1]} : vector<16xf32> to vector<1xf32>
        %squeeze3A_452 = vector.extract %slice3A_451[0] : f32 from vector<1xf32>
        %broadcast_in_dim3A_453 = vector.broadcast %squeeze3A_452 : f32 to vector<16xf32>
        %slice3A_454 = vector.extract_strided_slice %get3A_450 {offsets = [0], sizes = [1], strides = [1]} : vector<16xf32> to vector<1xf32>
        %squeeze3A_455 = vector.extract %slice3A_454[0] : f32 from vector<1xf32>
        %broadcast_in_dim3A_456 = vector.broadcast %squeeze3A_455 : f32 to vector<16xf32>
        %slice3A_457 = vector.extract_strided_slice %get3A_450 {offsets = [1], sizes = [1], strides = [1]} : vector<16xf32> to vector<1xf32>
        %squeeze3A_458 = vector.extract %slice3A_457[0] : f32 from vector<1xf32>
        %broadcast_in_dim3A_459 = vector.broadcast %squeeze3A_458 : f32 to vector<16xf32>
        %slice3A_460 = vector.extract_strided_slice %get3A_450 {offsets = [2], sizes = [1], strides = [1]} : vector<16xf32> to vector<1xf32>
        %squeeze3A_461 = vector.extract %slice3A_460[0] : f32 from vector<1xf32>
        %broadcast_in_dim3A_462 = vector.broadcast %squeeze3A_461 : f32 to vector<16xf32>
        %mul3A_463 = arith.mulf %broadcast_in_dim3A_462, %broadcast_in_dim3A_453 : vector<16xf32>
        %add3A_464 = arith.addf %broadcast_in_dim3A_459, %mul3A_463 : vector<16xf32>
        %mul3A_465 = arith.mulf %add3A_464, %broadcast_in_dim3A_453 : vector<16xf32>
        %add3A_466 = arith.addf %broadcast_in_dim3A_456, %mul3A_465 : vector<16xf32>
        %eq3A_467 = arith.constant 11 : i32
        %eq3A_468 = vector.broadcast %eq3A_467 : i32 to vector<16xi32>
        %eq3A_469 = arith.cmpi eq, %iota3A, %eq3A_468 : vector<16xi32>
        %select_n3A_470 = arith.select %eq3A_469, %add3A_466, %select_n3A_445 : vector<16xi1>, vector<16xf32>
        %slice3A_471 = vector.extract_strided_slice %add3A_169 {offsets = [12], sizes = [1], strides = [1]} : vector<16xi32> to vector<1xi32>
        %squeeze3A_472 = vector.extract %slice3A_471[0] : i32 from vector<1xi32>
        %get3A_473 = arith.index_cast %squeeze3A_472 : i32 to index
        %get3A_474 = tpu.vector_load %arg14[%get3A_473] {strides = array<i32>} : memref<42448xf32, #tpu.memory_space<vmem>>, vector<16xf32>,
        %get3A_475 = vector.shape_cast %get3A_474 : vector<16xf32> to vector<16xf32>
        %slice3A_476 = vector.extract_strided_slice %get3A_51 {offsets = [12], sizes = [1], strides = [1]} : vector<16xf32> to vector<1xf32>
        %squeeze3A_477 = vector.extract %slice3A_476[0] : f32 from vector<1xf32>
        %broadcast_in_dim3A_478 = vector.broadcast %squeeze3A_477 : f32 to vector<16xf32>
        %slice3A_479 = vector.extract_strided_slice %get3A_475 {offsets = [0], sizes = [1], strides = [1]} : vector<16xf32> to vector<1xf32>
        %squeeze3A_480 = vector.extract %slice3A_479[0] : f32 from vector<1xf32>
        %broadcast_in_dim3A_481 = vector.broadcast %squeeze3A_480 : f32 to vector<16xf32>
        %slice3A_482 = vector.extract_strided_slice %get3A_475 {offsets = [1], sizes = [1], strides = [1]} : vector<16xf32> to vector<1xf32>
        %squeeze3A_483 = vector.extract %slice3A_482[0] : f32 from vector<1xf32>
        %broadcast_in_dim3A_484 = vector.broadcast %squeeze3A_483 : f32 to vector<16xf32>
        %slice3A_485 = vector.extract_strided_slice %get3A_475 {offsets = [2], sizes = [1], strides = [1]} : vector<16xf32> to vector<1xf32>
        %squeeze3A_486 = vector.extract %slice3A_485[0] : f32 from vector<1xf32>
        %broadcast_in_dim3A_487 = vector.broadcast %squeeze3A_486 : f32 to vector<16xf32>
        %mul3A_488 = arith.mulf %broadcast_in_dim3A_487, %broadcast_in_dim3A_478 : vector<16xf32>
        %add3A_489 = arith.addf %broadcast_in_dim3A_484, %mul3A_488 : vector<16xf32>
        %mul3A_490 = arith.mulf %add3A_489, %broadcast_in_dim3A_478 : vector<16xf32>
        %add3A_491 = arith.addf %broadcast_in_dim3A_481, %mul3A_490 : vector<16xf32>
        %eq3A_492 = arith.constant 12 : i32
        %eq3A_493 = vector.broadcast %eq3A_492 : i32 to vector<16xi32>
        %eq3A_494 = arith.cmpi eq, %iota3A, %eq3A_493 : vector<16xi32>
        %select_n3A_495 = arith.select %eq3A_494, %add3A_491, %select_n3A_470 : vector<16xi1>, vector<16xf32>
        %slice3A_496 = vector.extract_strided_slice %add3A_169 {offsets = [13], sizes = [1], strides = [1]} : vector<16xi32> to vector<1xi32>
        %squeeze3A_497 = vector.extract %slice3A_496[0] : i32 from vector<1xi32>
        %get3A_498 = arith.index_cast %squeeze3A_497 : i32 to index
        %get3A_499 = tpu.vector_load %arg14[%get3A_498] {strides = array<i32>} : memref<42448xf32, #tpu.memory_space<vmem>>, vector<16xf32>,
        %get3A_500 = vector.shape_cast %get3A_499 : vector<16xf32> to vector<16xf32>
        %slice3A_501 = vector.extract_strided_slice %get3A_51 {offsets = [13], sizes = [1], strides = [1]} : vector<16xf32> to vector<1xf32>
        %squeeze3A_502 = vector.extract %slice3A_501[0] : f32 from vector<1xf32>
        %broadcast_in_dim3A_503 = vector.broadcast %squeeze3A_502 : f32 to vector<16xf32>
        %slice3A_504 = vector.extract_strided_slice %get3A_500 {offsets = [0], sizes = [1], strides = [1]} : vector<16xf32> to vector<1xf32>
        %squeeze3A_505 = vector.extract %slice3A_504[0] : f32 from vector<1xf32>
        %broadcast_in_dim3A_506 = vector.broadcast %squeeze3A_505 : f32 to vector<16xf32>
        %slice3A_507 = vector.extract_strided_slice %get3A_500 {offsets = [1], sizes = [1], strides = [1]} : vector<16xf32> to vector<1xf32>
        %squeeze3A_508 = vector.extract %slice3A_507[0] : f32 from vector<1xf32>
        %broadcast_in_dim3A_509 = vector.broadcast %squeeze3A_508 : f32 to vector<16xf32>
        %slice3A_510 = vector.extract_strided_slice %get3A_500 {offsets = [2], sizes = [1], strides = [1]} : vector<16xf32> to vector<1xf32>
        %squeeze3A_511 = vector.extract %slice3A_510[0] : f32 from vector<1xf32>
        %broadcast_in_dim3A_512 = vector.broadcast %squeeze3A_511 : f32 to vector<16xf32>
        %mul3A_513 = arith.mulf %broadcast_in_dim3A_512, %broadcast_in_dim3A_503 : vector<16xf32>
        %add3A_514 = arith.addf %broadcast_in_dim3A_509, %mul3A_513 : vector<16xf32>
        %mul3A_515 = arith.mulf %add3A_514, %broadcast_in_dim3A_503 : vector<16xf32>
        %add3A_516 = arith.addf %broadcast_in_dim3A_506, %mul3A_515 : vector<16xf32>
        %eq3A_517 = arith.constant 13 : i32
        %eq3A_518 = vector.broadcast %eq3A_517 : i32 to vector<16xi32>
        %eq3A_519 = arith.cmpi eq, %iota3A, %eq3A_518 : vector<16xi32>
        %select_n3A_520 = arith.select %eq3A_519, %add3A_516, %select_n3A_495 : vector<16xi1>, vector<16xf32>
        %slice3A_521 = vector.extract_strided_slice %add3A_169 {offsets = [14], sizes = [1], strides = [1]} : vector<16xi32> to vector<1xi32>
        %squeeze3A_522 = vector.extract %slice3A_521[0] : i32 from vector<1xi32>
        %get3A_523 = arith.index_cast %squeeze3A_522 : i32 to index
        %get3A_524 = tpu.vector_load %arg14[%get3A_523] {strides = array<i32>} : memref<42448xf32, #tpu.memory_space<vmem>>, vector<16xf32>,
        %get3A_525 = vector.shape_cast %get3A_524 : vector<16xf32> to vector<16xf32>
        %slice3A_526 = vector.extract_strided_slice %get3A_51 {offsets = [14], sizes = [1], strides = [1]} : vector<16xf32> to vector<1xf32>
        %squeeze3A_527 = vector.extract %slice3A_526[0] : f32 from vector<1xf32>
        %broadcast_in_dim3A_528 = vector.broadcast %squeeze3A_527 : f32 to vector<16xf32>
        %slice3A_529 = vector.extract_strided_slice %get3A_525 {offsets = [0], sizes = [1], strides = [1]} : vector<16xf32> to vector<1xf32>
        %squeeze3A_530 = vector.extract %slice3A_529[0] : f32 from vector<1xf32>
        %broadcast_in_dim3A_531 = vector.broadcast %squeeze3A_530 : f32 to vector<16xf32>
        %slice3A_532 = vector.extract_strided_slice %get3A_525 {offsets = [1], sizes = [1], strides = [1]} : vector<16xf32> to vector<1xf32>
        %squeeze3A_533 = vector.extract %slice3A_532[0] : f32 from vector<1xf32>
        %broadcast_in_dim3A_534 = vector.broadcast %squeeze3A_533 : f32 to vector<16xf32>
        %slice3A_535 = vector.extract_strided_slice %get3A_525 {offsets = [2], sizes = [1], strides = [1]} : vector<16xf32> to vector<1xf32>
        %squeeze3A_536 = vector.extract %slice3A_535[0] : f32 from vector<1xf32>
        %broadcast_in_dim3A_537 = vector.broadcast %squeeze3A_536 : f32 to vector<16xf32>
        %mul3A_538 = arith.mulf %broadcast_in_dim3A_537, %broadcast_in_dim3A_528 : vector<16xf32>
        %add3A_539 = arith.addf %broadcast_in_dim3A_534, %mul3A_538 : vector<16xf32>
        %mul3A_540 = arith.mulf %add3A_539, %broadcast_in_dim3A_528 : vector<16xf32>
        %add3A_541 = arith.addf %broadcast_in_dim3A_531, %mul3A_540 : vector<16xf32>
        %eq3A_542 = arith.constant 14 : i32
        %eq3A_543 = vector.broadcast %eq3A_542 : i32 to vector<16xi32>
        %eq3A_544 = arith.cmpi eq, %iota3A, %eq3A_543 : vector<16xi32>
        %select_n3A_545 = arith.select %eq3A_544, %add3A_541, %select_n3A_520 : vector<16xi1>, vector<16xf32>
        %slice3A_546 = vector.extract_strided_slice %add3A_169 {offsets = [15], sizes = [1], strides = [1]} : vector<16xi32> to vector<1xi32>
        %squeeze3A_547 = vector.extract %slice3A_546[0] : i32 from vector<1xi32>
        %get3A_548 = arith.index_cast %squeeze3A_547 : i32 to index
        %get3A_549 = tpu.vector_load %arg14[%get3A_548] {strides = array<i32>} : memref<42448xf32, #tpu.memory_space<vmem>>, vector<16xf32>,
        %get3A_550 = vector.shape_cast %get3A_549 : vector<16xf32> to vector<16xf32>
        %slice3A_551 = vector.extract_strided_slice %get3A_51 {offsets = [15], sizes = [1], strides = [1]} : vector<16xf32> to vector<1xf32>
        %squeeze3A_552 = vector.extract %slice3A_551[0] : f32 from vector<1xf32>
        %broadcast_in_dim3A_553 = vector.broadcast %squeeze3A_552 : f32 to vector<16xf32>
        %slice3A_554 = vector.extract_strided_slice %get3A_550 {offsets = [0], sizes = [1], strides = [1]} : vector<16xf32> to vector<1xf32>
        %squeeze3A_555 = vector.extract %slice3A_554[0] : f32 from vector<1xf32>
        %broadcast_in_dim3A_556 = vector.broadcast %squeeze3A_555 : f32 to vector<16xf32>
        %slice3A_557 = vector.extract_strided_slice %get3A_550 {offsets = [1], sizes = [1], strides = [1]} : vector<16xf32> to vector<1xf32>
        %squeeze3A_558 = vector.extract %slice3A_557[0] : f32 from vector<1xf32>
        %broadcast_in_dim3A_559 = vector.broadcast %squeeze3A_558 : f32 to vector<16xf32>
        %slice3A_560 = vector.extract_strided_slice %get3A_550 {offsets = [2], sizes = [1], strides = [1]} : vector<16xf32> to vector<1xf32>
        %squeeze3A_561 = vector.extract %slice3A_560[0] : f32 from vector<1xf32>
        %broadcast_in_dim3A_562 = vector.broadcast %squeeze3A_561 : f32 to vector<16xf32>
        %mul3A_563 = arith.mulf %broadcast_in_dim3A_562, %broadcast_in_dim3A_553 : vector<16xf32>
        %add3A_564 = arith.addf %broadcast_in_dim3A_559, %mul3A_563 : vector<16xf32>
        %mul3A_565 = arith.mulf %add3A_564, %broadcast_in_dim3A_553 : vector<16xf32>
        %add3A_566 = arith.addf %broadcast_in_dim3A_556, %mul3A_565 : vector<16xf32>
        %eq3A_567 = arith.constant 15 : i32
        %eq3A_568 = vector.broadcast %eq3A_567 : i32 to vector<16xi32>
        %eq3A_569 = arith.cmpi eq, %iota3A, %eq3A_568 : vector<16xi32>
        %select_n3A_570 = arith.select %eq3A_569, %add3A_566, %select_n3A_545 : vector<16xi1>, vector<16xf32>
        %mul3A_571 = arith.constant 1.562500e-02 : f32
        %mul3A_572 = vector.broadcast %mul3A_571 : f32 to vector<16xf32>
        %mul3A_573 = arith.mulf %select_n3A_570, %mul3A_572 : vector<16xf32>
        %add3A_574 = arith.constant 9.99999974E-6 : f32
        %add3A_575 = vector.broadcast %add3A_574 : f32 to vector<16xf32>
        %add3A_576 = arith.addf %mul3A_573, %add3A_575 : vector<16xf32>
        %lt3A = arith.constant 1.000000e+00 : f32
        %lt3A_577 = vector.broadcast %lt3A : f32 to vector<16xf32>
        %lt3A_578 = arith.cmpf olt, %add3A_576, %lt3A_577 : vector<16xf32>
        %broadcast_in_dim3A_579 = arith.constant 6.553600e+04 : f32
        %broadcast_in_dim3A_580 = vector.broadcast %broadcast_in_dim3A_579 : f32 to vector<16xf32>
        %broadcast_in_dim3A_581 = arith.constant 1.000000e+00 : f32
        %broadcast_in_dim3A_582 = vector.broadcast %broadcast_in_dim3A_581 : f32 to vector<16xf32>
        %select_n3A_583 = arith.select %lt3A_578, %broadcast_in_dim3A_580, %broadcast_in_dim3A_582 : vector<16xi1>, vector<16xf32>
        %mul3A_584 = arith.constant 4.2949673E+9 : f32
        %mul3A_585 = vector.broadcast %mul3A_584 : f32 to vector<16xf32>
        %mul3A_586 = arith.mulf %add3A_576, %mul3A_585 : vector<16xf32>
        %select_n3A_587 = arith.select %lt3A_578, %mul3A_586, %add3A_576 : vector<16xi1>, vector<16xf32>
        %ge3A = arith.constant 1.84467441E+19 : f32
        %ge3A_588 = vector.broadcast %ge3A : f32 to vector<16xf32>
        %ge3A_589 = arith.cmpf oge, %select_n3A_587, %ge3A_588 : vector<16xf32>
        %mul3A_590 = arith.constant 5.42101086E-20 : f32
        %mul3A_591 = vector.broadcast %mul3A_590 : f32 to vector<16xf32>
        %mul3A_592 = arith.mulf %select_n3A_587, %mul3A_591 : vector<16xf32>
        %select_n3A_593 = arith.select %ge3A_589, %mul3A_592, %select_n3A_587 : vector<16xi1>, vector<16xf32>
        %mul3A_594 = arith.constant 2.32830644E-10 : f32
        %mul3A_595 = vector.broadcast %mul3A_594 : f32 to vector<16xf32>
        %mul3A_596 = arith.mulf %select_n3A_583, %mul3A_595 : vector<16xf32>
        %select_n3A_597 = arith.select %ge3A_589, %mul3A_596, %select_n3A_583 : vector<16xi1>, vector<16xf32>
        %ge3A_598 = arith.constant 4.2949673E+9 : f32
        %ge3A_599 = vector.broadcast %ge3A_598 : f32 to vector<16xf32>
        %ge3A_600 = arith.cmpf oge, %select_n3A_593, %ge3A_599 : vector<16xf32>
        %mul3A_601 = arith.constant 2.32830644E-10 : f32
        %mul3A_602 = vector.broadcast %mul3A_601 : f32 to vector<16xf32>
        %mul3A_603 = arith.mulf %select_n3A_593, %mul3A_602 : vector<16xf32>
        %select_n3A_604 = arith.select %ge3A_600, %mul3A_603, %select_n3A_593 : vector<16xi1>, vector<16xf32>
        %mul3A_605 = arith.constant 1.52587891E-5 : f32
        %mul3A_606 = vector.broadcast %mul3A_605 : f32 to vector<16xf32>
        %mul3A_607 = arith.mulf %select_n3A_597, %mul3A_606 : vector<16xf32>
        %select_n3A_608 = arith.select %ge3A_600, %mul3A_607, %select_n3A_597 : vector<16xi1>, vector<16xf32>
        %ge3A_609 = arith.constant 6.553600e+04 : f32
        %ge3A_610 = vector.broadcast %ge3A_609 : f32 to vector<16xf32>
        %ge3A_611 = arith.cmpf oge, %select_n3A_604, %ge3A_610 : vector<16xf32>
        %mul3A_612 = arith.constant 1.52587891E-5 : f32
        %mul3A_613 = vector.broadcast %mul3A_612 : f32 to vector<16xf32>
        %mul3A_614 = arith.mulf %select_n3A_604, %mul3A_613 : vector<16xf32>
        %select_n3A_615 = arith.select %ge3A_611, %mul3A_614, %select_n3A_604 : vector<16xi1>, vector<16xf32>
        %mul3A_616 = arith.constant 3.906250e-03 : f32
        %mul3A_617 = vector.broadcast %mul3A_616 : f32 to vector<16xf32>
        %mul3A_618 = arith.mulf %select_n3A_608, %mul3A_617 : vector<16xf32>
        %select_n3A_619 = arith.select %ge3A_611, %mul3A_618, %select_n3A_608 : vector<16xi1>, vector<16xf32>
        %ge3A_620 = arith.constant 2.560000e+02 : f32
        %ge3A_621 = vector.broadcast %ge3A_620 : f32 to vector<16xf32>
        %ge3A_622 = arith.cmpf oge, %select_n3A_615, %ge3A_621 : vector<16xf32>
        %mul3A_623 = arith.constant 3.906250e-03 : f32
        %mul3A_624 = vector.broadcast %mul3A_623 : f32 to vector<16xf32>
        %mul3A_625 = arith.mulf %select_n3A_615, %mul3A_624 : vector<16xf32>
        %select_n3A_626 = arith.select %ge3A_622, %mul3A_625, %select_n3A_615 : vector<16xi1>, vector<16xf32>
        %mul3A_627 = arith.constant 6.250000e-02 : f32
        %mul3A_628 = vector.broadcast %mul3A_627 : f32 to vector<16xf32>
        %mul3A_629 = arith.mulf %select_n3A_619, %mul3A_628 : vector<16xf32>
        %select_n3A_630 = arith.select %ge3A_622, %mul3A_629, %select_n3A_619 : vector<16xi1>, vector<16xf32>
        %ge3A_631 = arith.constant 1.600000e+01 : f32
        %ge3A_632 = vector.broadcast %ge3A_631 : f32 to vector<16xf32>
        %ge3A_633 = arith.cmpf oge, %select_n3A_626, %ge3A_632 : vector<16xf32>
        %mul3A_634 = arith.constant 6.250000e-02 : f32
        %mul3A_635 = vector.broadcast %mul3A_634 : f32 to vector<16xf32>
        %mul3A_636 = arith.mulf %select_n3A_626, %mul3A_635 : vector<16xf32>
        %select_n3A_637 = arith.select %ge3A_633, %mul3A_636, %select_n3A_626 : vector<16xi1>, vector<16xf32>
        %mul3A_638 = arith.constant 2.500000e-01 : f32
        %mul3A_639 = vector.broadcast %mul3A_638 : f32 to vector<16xf32>
        %mul3A_640 = arith.mulf %select_n3A_630, %mul3A_639 : vector<16xf32>
        %select_n3A_641 = arith.select %ge3A_633, %mul3A_640, %select_n3A_630 : vector<16xi1>, vector<16xf32>
        %ge3A_642 = arith.constant 4.000000e+00 : f32
        %ge3A_643 = vector.broadcast %ge3A_642 : f32 to vector<16xf32>
        %ge3A_644 = arith.cmpf oge, %select_n3A_637, %ge3A_643 : vector<16xf32>
        %mul3A_645 = arith.constant 2.500000e-01 : f32
        %mul3A_646 = vector.broadcast %mul3A_645 : f32 to vector<16xf32>
        %mul3A_647 = arith.mulf %select_n3A_637, %mul3A_646 : vector<16xf32>
        %select_n3A_648 = arith.select %ge3A_644, %mul3A_647, %select_n3A_637 : vector<16xi1>, vector<16xf32>
        %mul3A_649 = arith.constant 5.000000e-01 : f32
        %mul3A_650 = vector.broadcast %mul3A_649 : f32 to vector<16xf32>
        %mul3A_651 = arith.mulf %select_n3A_641, %mul3A_650 : vector<16xf32>
        %select_n3A_652 = arith.select %ge3A_644, %mul3A_651, %select_n3A_641 : vector<16xi1>, vector<16xf32>
        %mul3A_653 = arith.constant 4.463240e-02 : f32
        %mul3A_654 = vector.broadcast %mul3A_653 : f32 to vector<16xf32>
        %mul3A_655 = arith.mulf %mul3A_654, %select_n3A_648 : vector<16xf32>
        %sub3A = arith.constant 0.370016843 : f32
        %sub3A_656 = vector.broadcast %sub3A : f32 to vector<16xf32>
        %sub3A_657 = arith.subf %mul3A_655, %sub3A_656 : vector<16xf32>
        %mul3A_658 = arith.mulf %sub3A_657, %select_n3A_648 : vector<16xf32>
        %add3A_659 = arith.constant 1.27889383 : f32
        %add3A_660 = vector.broadcast %add3A_659 : f32 to vector<16xf32>
        %add3A_661 = arith.addf %mul3A_658, %add3A_660 : vector<16xf32>
        %mul3A_662 = arith.constant 5.000000e-01 : f32
        %mul3A_663 = vector.broadcast %mul3A_662 : f32 to vector<16xf32>
        %mul3A_664 = arith.mulf %mul3A_663, %select_n3A_648 : vector<16xf32>
        %mul3A_665 = arith.mulf %mul3A_664, %add3A_661 : vector<16xf32>
        %mul3A_666 = arith.mulf %mul3A_665, %add3A_661 : vector<16xf32>
        %sub3A_667 = arith.constant 1.500000e+00 : f32
        %sub3A_668 = vector.broadcast %sub3A_667 : f32 to vector<16xf32>
        %sub3A_669 = arith.subf %sub3A_668, %mul3A_666 : vector<16xf32>
        %mul3A_670 = arith.mulf %add3A_661, %sub3A_669 : vector<16xf32>
        %mul3A_671 = arith.constant 5.000000e-01 : f32
        %mul3A_672 = vector.broadcast %mul3A_671 : f32 to vector<16xf32>
        %mul3A_673 = arith.mulf %mul3A_672, %select_n3A_648 : vector<16xf32>
        %mul3A_674 = arith.mulf %mul3A_673, %mul3A_670 : vector<16xf32>
        %mul3A_675 = arith.mulf %mul3A_674, %mul3A_670 : vector<16xf32>
        %sub3A_676 = arith.constant 1.500000e+00 : f32
        %sub3A_677 = vector.broadcast %sub3A_676 : f32 to vector<16xf32>
        %sub3A_678 = arith.subf %sub3A_677, %mul3A_675 : vector<16xf32>
        %mul3A_679 = arith.mulf %mul3A_670, %sub3A_678 : vector<16xf32>
        %mul3A_680 = arith.constant 5.000000e-01 : f32
        %mul3A_681 = vector.broadcast %mul3A_680 : f32 to vector<16xf32>
        %mul3A_682 = arith.mulf %mul3A_681, %select_n3A_648 : vector<16xf32>
        %mul3A_683 = arith.mulf %mul3A_682, %mul3A_679 : vector<16xf32>
        %mul3A_684 = arith.mulf %mul3A_683, %mul3A_679 : vector<16xf32>
        %sub3A_685 = arith.constant 1.500000e+00 : f32
        %sub3A_686 = vector.broadcast %sub3A_685 : f32 to vector<16xf32>
        %sub3A_687 = arith.subf %sub3A_686, %mul3A_684 : vector<16xf32>
        %mul3A_688 = arith.mulf %mul3A_679, %sub3A_687 : vector<16xf32>
        %mul3A_689 = arith.mulf %mul3A_688, %select_n3A_652 : vector<16xf32>
        %slice3A_690 = vector.extract_strided_slice %get3A_51 {offsets = [0], sizes = [1], strides = [1]} : vector<16xf32> to vector<1xf32>
        %squeeze3A_691 = vector.extract %slice3A_690[0] : f32 from vector<1xf32>
        %broadcast_in_dim3A_692 = vector.broadcast %squeeze3A_691 : f32 to vector<16xf32>
        %slice3A_693 = vector.extract_strided_slice %mul3A_689 {offsets = [0], sizes = [1], strides = [1]} : vector<16xf32> to vector<1xf32>
        %squeeze3A_694 = vector.extract %slice3A_693[0] : f32 from vector<1xf32>
        %broadcast_in_dim3A_695 = vector.broadcast %squeeze3A_694 : f32 to vector<16xf32>
        %slice3A_696 = vector.extract_strided_slice %mul3A_156 {offsets = [0], sizes = [1], strides = [1]} : vector<16xi32> to vector<1xi32>
        %squeeze3A_697 = vector.extract %slice3A_696[0] : i32 from vector<1xi32>
        %slice3A_698 = vector.extract_strided_slice %add3A_159 {offsets = [0], sizes = [1], strides = [1]} : vector<16xi32> to vector<1xi32>
        %squeeze3A_699 = vector.extract %slice3A_698[0] : i32 from vector<1xi32>
        %slice3A_700 = vector.extract_strided_slice %mul3A_162 {offsets = [0], sizes = [1], strides = [1]} : vector<16xi32> to vector<1xi32>
        %squeeze3A_701 = vector.extract %slice3A_700[0] : i32 from vector<1xi32>
        %mul3A_702 = arith.constant 16 : i32
        %mul3A_703 = arith.muli %scan3A_46, %mul3A_702 : i32
        %add3A_704 = arith.constant 0 : i32
        %add3A_705 = arith.addi %mul3A_703, %add3A_704 : i32
        %mul3A_706 = arith.constant 64 : i32
        %mul3A_707 = arith.muli %add3A_705, %mul3A_706 : i32
        %add3A_708 = arith.constant 0 : i32
        %add3A_709 = arith.addi %squeeze3A_701, %add3A_708 : i32
        %get3A_710 = arith.index_cast %add3A_709 : i32 to index
        %get3A_711 = tpu.vector_load %arg10[%get3A_710] {strides = array<i32>} : memref<39936xf32, #tpu.memory_space<vmem>>, vector<16xf32>,
        %get3A_712 = vector.shape_cast %get3A_711 : vector<16xf32> to vector<16xf32>
        %add3A_713 = arith.constant 0 : i32
        %add3A_714 = arith.addi %squeeze3A_697, %add3A_713 : i32
        %get3A_715 = arith.index_cast %add3A_714 : i32 to index
        %get3A_716 = tpu.vector_load %arg11[%get3A_715] {strides = array<i32>} : memref<2176xf32, #tpu.memory_space<vmem>>, vector<16xf32>,
        %get3A_717 = vector.shape_cast %get3A_716 : vector<16xf32> to vector<16xf32>
        %add3A_718 = arith.constant 0 : i32
        %add3A_719 = arith.addi %squeeze3A_699, %add3A_718 : i32
        %get3A_720 = arith.index_cast %add3A_719 : i32 to index
        %get3A_721 = tpu.vector_load %arg11[%get3A_720] {strides = array<i32>} : memref<2176xf32, #tpu.memory_space<vmem>>, vector<16xf32>,
        %get3A_722 = vector.shape_cast %get3A_721 : vector<16xf32> to vector<16xf32>
        %mul3A_723 = arith.mulf %get3A_717, %broadcast_in_dim3A_692 : vector<16xf32>
        %add3A_724 = arith.addf %get3A_712, %mul3A_723 : vector<16xf32>
        %add3A_725 = arith.addf %add3A_724, %get3A_722 : vector<16xf32>
        %mul3A_726 = arith.mulf %broadcast_in_dim3A_695, %get3A_5 : vector<16xf32>
        %mul3A_727 = arith.mulf %add3A_725, %mul3A_726 : vector<16xf32>
        %add3A_728 = arith.addf %mul3A_727, %get3A_17 : vector<16xf32>
        %add3A_729 = arith.constant 0 : i32
        %add3A_730 = arith.addi %mul3A_707, %add3A_729 : i32
        %swap3A = arith.index_cast %add3A_730 : i32 to index
        %swap3A_731 = tpu.vector_load %arg17[%swap3A] {strides = array<i32>} : memref<16384xf32, #tpu.memory_space<vmem>>, vector<16xf32>,
        %swap3A_732 = vector.shape_cast %swap3A_731 : vector<16xf32> to vector<16xf32>
        %swap3A_733 = vector.shape_cast %add3A_728 : vector<16xf32> to vector<16xf32>
        tpu.vector_store %arg17[%swap3A], %swap3A_733 {strides = array<i32>} : memref<16384xf32, #tpu.memory_space<vmem>>, vector<16xf32>,
        %add3A_734 = arith.constant 16 : i32
        %add3A_735 = arith.addi %squeeze3A_701, %add3A_734 : i32
        %get3A_736 = arith.index_cast %add3A_735 : i32 to index
        %get3A_737 = tpu.vector_load %arg10[%get3A_736] {strides = array<i32>} : memref<39936xf32, #tpu.memory_space<vmem>>, vector<16xf32>,
        %get3A_738 = vector.shape_cast %get3A_737 : vector<16xf32> to vector<16xf32>
        %add3A_739 = arith.constant 16 : i32
        %add3A_740 = arith.addi %squeeze3A_697, %add3A_739 : i32
        %get3A_741 = arith.index_cast %add3A_740 : i32 to index
        %get3A_742 = tpu.vector_load %arg11[%get3A_741] {strides = array<i32>} : memref<2176xf32, #tpu.memory_space<vmem>>, vector<16xf32>,
        %get3A_743 = vector.shape_cast %get3A_742 : vector<16xf32> to vector<16xf32>
        %add3A_744 = arith.constant 16 : i32
        %add3A_745 = arith.addi %squeeze3A_699, %add3A_744 : i32
        %get3A_746 = arith.index_cast %add3A_745 : i32 to index
        %get3A_747 = tpu.vector_load %arg11[%get3A_746] {strides = array<i32>} : memref<2176xf32, #tpu.memory_space<vmem>>, vector<16xf32>,
        %get3A_748 = vector.shape_cast %get3A_747 : vector<16xf32> to vector<16xf32>
        %mul3A_749 = arith.mulf %get3A_743, %broadcast_in_dim3A_692 : vector<16xf32>
        %add3A_750 = arith.addf %get3A_738, %mul3A_749 : vector<16xf32>
        %add3A_751 = arith.addf %add3A_750, %get3A_748 : vector<16xf32>
        %mul3A_752 = arith.mulf %broadcast_in_dim3A_695, %get3A_8 : vector<16xf32>
        %mul3A_753 = arith.mulf %add3A_751, %mul3A_752 : vector<16xf32>
        %add3A_754 = arith.addf %mul3A_753, %get3A_20 : vector<16xf32>
        %add3A_755 = arith.constant 16 : i32
        %add3A_756 = arith.addi %mul3A_707, %add3A_755 : i32
        %swap3A_757 = arith.index_cast %add3A_756 : i32 to index
        %swap3A_758 = tpu.vector_load %arg17[%swap3A_757] {strides = array<i32>} : memref<16384xf32, #tpu.memory_space<vmem>>, vector<16xf32>,
        %swap3A_759 = vector.shape_cast %swap3A_758 : vector<16xf32> to vector<16xf32>
        %swap3A_760 = vector.shape_cast %add3A_754 : vector<16xf32> to vector<16xf32>
        tpu.vector_store %arg17[%swap3A_757], %swap3A_760 {strides = array<i32>} : memref<16384xf32, #tpu.memory_space<vmem>>, vector<16xf32>,
        %add3A_761 = arith.constant 32 : i32
        %add3A_762 = arith.addi %squeeze3A_701, %add3A_761 : i32
        %get3A_763 = arith.index_cast %add3A_762 : i32 to index
        %get3A_764 = tpu.vector_load %arg10[%get3A_763] {strides = array<i32>} : memref<39936xf32, #tpu.memory_space<vmem>>, vector<16xf32>,
        %get3A_765 = vector.shape_cast %get3A_764 : vector<16xf32> to vector<16xf32>
        %add3A_766 = arith.constant 32 : i32
        %add3A_767 = arith.addi %squeeze3A_697, %add3A_766 : i32
        %get3A_768 = arith.index_cast %add3A_767 : i32 to index
        %get3A_769 = tpu.vector_load %arg11[%get3A_768] {strides = array<i32>} : memref<2176xf32, #tpu.memory_space<vmem>>, vector<16xf32>,
        %get3A_770 = vector.shape_cast %get3A_769 : vector<16xf32> to vector<16xf32>
        %add3A_771 = arith.constant 32 : i32
        %add3A_772 = arith.addi %squeeze3A_699, %add3A_771 : i32
        %get3A_773 = arith.index_cast %add3A_772 : i32 to index
        %get3A_774 = tpu.vector_load %arg11[%get3A_773] {strides = array<i32>} : memref<2176xf32, #tpu.memory_space<vmem>>, vector<16xf32>,
        %get3A_775 = vector.shape_cast %get3A_774 : vector<16xf32> to vector<16xf32>
        %mul3A_776 = arith.mulf %get3A_770, %broadcast_in_dim3A_692 : vector<16xf32>
        %add3A_777 = arith.addf %get3A_765, %mul3A_776 : vector<16xf32>
        %add3A_778 = arith.addf %add3A_777, %get3A_775 : vector<16xf32>
        %mul3A_779 = arith.mulf %broadcast_in_dim3A_695, %get3A_11 : vector<16xf32>
        %mul3A_780 = arith.mulf %add3A_778, %mul3A_779 : vector<16xf32>
        %add3A_781 = arith.addf %mul3A_780, %get3A_23 : vector<16xf32>
        %add3A_782 = arith.constant 32 : i32
        %add3A_783 = arith.addi %mul3A_707, %add3A_782 : i32
        %swap3A_784 = arith.index_cast %add3A_783 : i32 to index
        %swap3A_785 = tpu.vector_load %arg17[%swap3A_784] {strides = array<i32>} : memref<16384xf32, #tpu.memory_space<vmem>>, vector<16xf32>,
        %swap3A_786 = vector.shape_cast %swap3A_785 : vector<16xf32> to vector<16xf32>
        %swap3A_787 = vector.shape_cast %add3A_781 : vector<16xf32> to vector<16xf32>
        tpu.vector_store %arg17[%swap3A_784], %swap3A_787 {strides = array<i32>} : memref<16384xf32, #tpu.memory_space<vmem>>, vector<16xf32>,
        %add3A_788 = arith.constant 48 : i32
        %add3A_789 = arith.addi %squeeze3A_701, %add3A_788 : i32
        %get3A_790 = arith.index_cast %add3A_789 : i32 to index
        %get3A_791 = tpu.vector_load %arg10[%get3A_790] {strides = array<i32>} : memref<39936xf32, #tpu.memory_space<vmem>>, vector<16xf32>,
        %get3A_792 = vector.shape_cast %get3A_791 : vector<16xf32> to vector<16xf32>
        %add3A_793 = arith.constant 48 : i32
        %add3A_794 = arith.addi %squeeze3A_697, %add3A_793 : i32
        %get3A_795 = arith.index_cast %add3A_794 : i32 to index
        %get3A_796 = tpu.vector_load %arg11[%get3A_795] {strides = array<i32>} : memref<2176xf32, #tpu.memory_space<vmem>>, vector<16xf32>,
        %get3A_797 = vector.shape_cast %get3A_796 : vector<16xf32> to vector<16xf32>
        %add3A_798 = arith.constant 48 : i32
        %add3A_799 = arith.addi %squeeze3A_699, %add3A_798 : i32
        %get3A_800 = arith.index_cast %add3A_799 : i32 to index
        %get3A_801 = tpu.vector_load %arg11[%get3A_800] {strides = array<i32>} : memref<2176xf32, #tpu.memory_space<vmem>>, vector<16xf32>,
        %get3A_802 = vector.shape_cast %get3A_801 : vector<16xf32> to vector<16xf32>
        %mul3A_803 = arith.mulf %get3A_797, %broadcast_in_dim3A_692 : vector<16xf32>
        %add3A_804 = arith.addf %get3A_792, %mul3A_803 : vector<16xf32>
        %add3A_805 = arith.addf %add3A_804, %get3A_802 : vector<16xf32>
        %mul3A_806 = arith.mulf %broadcast_in_dim3A_695, %get3A_14 : vector<16xf32>
        %mul3A_807 = arith.mulf %add3A_805, %mul3A_806 : vector<16xf32>
        %add3A_808 = arith.addf %mul3A_807, %get3A_26 : vector<16xf32>
        %add3A_809 = arith.constant 48 : i32
        %add3A_810 = arith.addi %mul3A_707, %add3A_809 : i32
        %swap3A_811 = arith.index_cast %add3A_810 : i32 to index
        %swap3A_812 = tpu.vector_load %arg17[%swap3A_811] {strides = array<i32>} : memref<16384xf32, #tpu.memory_space<vmem>>, vector<16xf32>,
        %swap3A_813 = vector.shape_cast %swap3A_812 : vector<16xf32> to vector<16xf32>
        %swap3A_814 = vector.shape_cast %add3A_808 : vector<16xf32> to vector<16xf32>
        tpu.vector_store %arg17[%swap3A_811], %swap3A_814 {strides = array<i32>} : memref<16384xf32, #tpu.memory_space<vmem>>, vector<16xf32>,
        %slice3A_815 = vector.extract_strided_slice %get3A_51 {offsets = [1], sizes = [1], strides = [1]} : vector<16xf32> to vector<1xf32>
        %squeeze3A_816 = vector.extract %slice3A_815[0] : f32 from vector<1xf32>
        %broadcast_in_dim3A_817 = vector.broadcast %squeeze3A_816 : f32 to vector<16xf32>
        %slice3A_818 = vector.extract_strided_slice %mul3A_689 {offsets = [1], sizes = [1], strides = [1]} : vector<16xf32> to vector<1xf32>
        %squeeze3A_819 = vector.extract %slice3A_818[0] : f32 from vector<1xf32>
        %broadcast_in_dim3A_820 = vector.broadcast %squeeze3A_819 : f32 to vector<16xf32>
        %slice3A_821 = vector.extract_strided_slice %mul3A_156 {offsets = [1], sizes = [1], strides = [1]} : vector<16xi32> to vector<1xi32>
        %squeeze3A_822 = vector.extract %slice3A_821[0] : i32 from vector<1xi32>
        %slice3A_823 = vector.extract_strided_slice %add3A_159 {offsets = [1], sizes = [1], strides = [1]} : vector<16xi32> to vector<1xi32>
        %squeeze3A_824 = vector.extract %slice3A_823[0] : i32 from vector<1xi32>
        %slice3A_825 = vector.extract_strided_slice %mul3A_162 {offsets = [1], sizes = [1], strides = [1]} : vector<16xi32> to vector<1xi32>
        %squeeze3A_826 = vector.extract %slice3A_825[0] : i32 from vector<1xi32>
        %mul3A_827 = arith.constant 16 : i32
        %mul3A_828 = arith.muli %scan3A_46, %mul3A_827 : i32
        %add3A_829 = arith.constant 1 : i32
        %add3A_830 = arith.addi %mul3A_828, %add3A_829 : i32
        %mul3A_831 = arith.constant 64 : i32
        %mul3A_832 = arith.muli %add3A_830, %mul3A_831 : i32
        %add3A_833 = arith.constant 0 : i32
        %add3A_834 = arith.addi %squeeze3A_826, %add3A_833 : i32
        %get3A_835 = arith.index_cast %add3A_834 : i32 to index
        %get3A_836 = tpu.vector_load %arg10[%get3A_835] {strides = array<i32>} : memref<39936xf32, #tpu.memory_space<vmem>>, vector<16xf32>,
        %get3A_837 = vector.shape_cast %get3A_836 : vector<16xf32> to vector<16xf32>
        %add3A_838 = arith.constant 0 : i32
        %add3A_839 = arith.addi %squeeze3A_822, %add3A_838 : i32
        %get3A_840 = arith.index_cast %add3A_839 : i32 to index
        %get3A_841 = tpu.vector_load %arg11[%get3A_840] {strides = array<i32>} : memref<2176xf32, #tpu.memory_space<vmem>>, vector<16xf32>,
        %get3A_842 = vector.shape_cast %get3A_841 : vector<16xf32> to vector<16xf32>
        %add3A_843 = arith.constant 0 : i32
        %add3A_844 = arith.addi %squeeze3A_824, %add3A_843 : i32
        %get3A_845 = arith.index_cast %add3A_844 : i32 to index
        %get3A_846 = tpu.vector_load %arg11[%get3A_845] {strides = array<i32>} : memref<2176xf32, #tpu.memory_space<vmem>>, vector<16xf32>,
        %get3A_847 = vector.shape_cast %get3A_846 : vector<16xf32> to vector<16xf32>
        %mul3A_848 = arith.mulf %get3A_842, %broadcast_in_dim3A_817 : vector<16xf32>
        %add3A_849 = arith.addf %get3A_837, %mul3A_848 : vector<16xf32>
        %add3A_850 = arith.addf %add3A_849, %get3A_847 : vector<16xf32>
        %mul3A_851 = arith.mulf %broadcast_in_dim3A_820, %get3A_5 : vector<16xf32>
        %mul3A_852 = arith.mulf %add3A_850, %mul3A_851 : vector<16xf32>
        %add3A_853 = arith.addf %mul3A_852, %get3A_17 : vector<16xf32>
        %add3A_854 = arith.constant 0 : i32
        %add3A_855 = arith.addi %mul3A_832, %add3A_854 : i32
        %swap3A_856 = arith.index_cast %add3A_855 : i32 to index
        %swap3A_857 = tpu.vector_load %arg17[%swap3A_856] {strides = array<i32>} : memref<16384xf32, #tpu.memory_space<vmem>>, vector<16xf32>,
        %swap3A_858 = vector.shape_cast %swap3A_857 : vector<16xf32> to vector<16xf32>
        %swap3A_859 = vector.shape_cast %add3A_853 : vector<16xf32> to vector<16xf32>
        tpu.vector_store %arg17[%swap3A_856], %swap3A_859 {strides = array<i32>} : memref<16384xf32, #tpu.memory_space<vmem>>, vector<16xf32>,
        %add3A_860 = arith.constant 16 : i32
        %add3A_861 = arith.addi %squeeze3A_826, %add3A_860 : i32
        %get3A_862 = arith.index_cast %add3A_861 : i32 to index
        %get3A_863 = tpu.vector_load %arg10[%get3A_862] {strides = array<i32>} : memref<39936xf32, #tpu.memory_space<vmem>>, vector<16xf32>,
        %get3A_864 = vector.shape_cast %get3A_863 : vector<16xf32> to vector<16xf32>
        %add3A_865 = arith.constant 16 : i32
        %add3A_866 = arith.addi %squeeze3A_822, %add3A_865 : i32
        %get3A_867 = arith.index_cast %add3A_866 : i32 to index
        %get3A_868 = tpu.vector_load %arg11[%get3A_867] {strides = array<i32>} : memref<2176xf32, #tpu.memory_space<vmem>>, vector<16xf32>,
        %get3A_869 = vector.shape_cast %get3A_868 : vector<16xf32> to vector<16xf32>
        %add3A_870 = arith.constant 16 : i32
        %add3A_871 = arith.addi %squeeze3A_824, %add3A_870 : i32
        %get3A_872 = arith.index_cast %add3A_871 : i32 to index
        %get3A_873 = tpu.vector_load %arg11[%get3A_872] {strides = array<i32>} : memref<2176xf32, #tpu.memory_space<vmem>>, vector<16xf32>,
        %get3A_874 = vector.shape_cast %get3A_873 : vector<16xf32> to vector<16xf32>
        %mul3A_875 = arith.mulf %get3A_869, %broadcast_in_dim3A_817 : vector<16xf32>
        %add3A_876 = arith.addf %get3A_864, %mul3A_875 : vector<16xf32>
        %add3A_877 = arith.addf %add3A_876, %get3A_874 : vector<16xf32>
        %mul3A_878 = arith.mulf %broadcast_in_dim3A_820, %get3A_8 : vector<16xf32>
        %mul3A_879 = arith.mulf %add3A_877, %mul3A_878 : vector<16xf32>
        %add3A_880 = arith.addf %mul3A_879, %get3A_20 : vector<16xf32>
        %add3A_881 = arith.constant 16 : i32
        %add3A_882 = arith.addi %mul3A_832, %add3A_881 : i32
        %swap3A_883 = arith.index_cast %add3A_882 : i32 to index
        %swap3A_884 = tpu.vector_load %arg17[%swap3A_883] {strides = array<i32>} : memref<16384xf32, #tpu.memory_space<vmem>>, vector<16xf32>,
        %swap3A_885 = vector.shape_cast %swap3A_884 : vector<16xf32> to vector<16xf32>
        %swap3A_886 = vector.shape_cast %add3A_880 : vector<16xf32> to vector<16xf32>
        tpu.vector_store %arg17[%swap3A_883], %swap3A_886 {strides = array<i32>} : memref<16384xf32, #tpu.memory_space<vmem>>, vector<16xf32>,
        %add3A_887 = arith.constant 32 : i32
        %add3A_888 = arith.addi %squeeze3A_826, %add3A_887 : i32
        %get3A_889 = arith.index_cast %add3A_888 : i32 to index
        %get3A_890 = tpu.vector_load %arg10[%get3A_889] {strides = array<i32>} : memref<39936xf32, #tpu.memory_space<vmem>>, vector<16xf32>,
        %get3A_891 = vector.shape_cast %get3A_890 : vector<16xf32> to vector<16xf32>
        %add3A_892 = arith.constant 32 : i32
        %add3A_893 = arith.addi %squeeze3A_822, %add3A_892 : i32
        %get3A_894 = arith.index_cast %add3A_893 : i32 to index
        %get3A_895 = tpu.vector_load %arg11[%get3A_894] {strides = array<i32>} : memref<2176xf32, #tpu.memory_space<vmem>>, vector<16xf32>,
        %get3A_896 = vector.shape_cast %get3A_895 : vector<16xf32> to vector<16xf32>
        %add3A_897 = arith.constant 32 : i32
        %add3A_898 = arith.addi %squeeze3A_824, %add3A_897 : i32
        %get3A_899 = arith.index_cast %add3A_898 : i32 to index
        %get3A_900 = tpu.vector_load %arg11[%get3A_899] {strides = array<i32>} : memref<2176xf32, #tpu.memory_space<vmem>>, vector<16xf32>,
        %get3A_901 = vector.shape_cast %get3A_900 : vector<16xf32> to vector<16xf32>
        %mul3A_902 = arith.mulf %get3A_896, %broadcast_in_dim3A_817 : vector<16xf32>
        %add3A_903 = arith.addf %get3A_891, %mul3A_902 : vector<16xf32>
        %add3A_904 = arith.addf %add3A_903, %get3A_901 : vector<16xf32>
        %mul3A_905 = arith.mulf %broadcast_in_dim3A_820, %get3A_11 : vector<16xf32>
        %mul3A_906 = arith.mulf %add3A_904, %mul3A_905 : vector<16xf32>
        %add3A_907 = arith.addf %mul3A_906, %get3A_23 : vector<16xf32>
        %add3A_908 = arith.constant 32 : i32
        %add3A_909 = arith.addi %mul3A_832, %add3A_908 : i32
        %swap3A_910 = arith.index_cast %add3A_909 : i32 to index
        %swap3A_911 = tpu.vector_load %arg17[%swap3A_910] {strides = array<i32>} : memref<16384xf32, #tpu.memory_space<vmem>>, vector<16xf32>,
        %swap3A_912 = vector.shape_cast %swap3A_911 : vector<16xf32> to vector<16xf32>
        %swap3A_913 = vector.shape_cast %add3A_907 : vector<16xf32> to vector<16xf32>
        tpu.vector_store %arg17[%swap3A_910], %swap3A_913 {strides = array<i32>} : memref<16384xf32, #tpu.memory_space<vmem>>, vector<16xf32>,
        %add3A_914 = arith.constant 48 : i32
        %add3A_915 = arith.addi %squeeze3A_826, %add3A_914 : i32
        %get3A_916 = arith.index_cast %add3A_915 : i32 to index
        %get3A_917 = tpu.vector_load %arg10[%get3A_916] {strides = array<i32>} : memref<39936xf32, #tpu.memory_space<vmem>>, vector<16xf32>,
        %get3A_918 = vector.shape_cast %get3A_917 : vector<16xf32> to vector<16xf32>
        %add3A_919 = arith.constant 48 : i32
        %add3A_920 = arith.addi %squeeze3A_822, %add3A_919 : i32
        %get3A_921 = arith.index_cast %add3A_920 : i32 to index
        %get3A_922 = tpu.vector_load %arg11[%get3A_921] {strides = array<i32>} : memref<2176xf32, #tpu.memory_space<vmem>>, vector<16xf32>,
        %get3A_923 = vector.shape_cast %get3A_922 : vector<16xf32> to vector<16xf32>
        %add3A_924 = arith.constant 48 : i32
        %add3A_925 = arith.addi %squeeze3A_824, %add3A_924 : i32
        %get3A_926 = arith.index_cast %add3A_925 : i32 to index
        %get3A_927 = tpu.vector_load %arg11[%get3A_926] {strides = array<i32>} : memref<2176xf32, #tpu.memory_space<vmem>>, vector<16xf32>,
        %get3A_928 = vector.shape_cast %get3A_927 : vector<16xf32> to vector<16xf32>
        %mul3A_929 = arith.mulf %get3A_923, %broadcast_in_dim3A_817 : vector<16xf32>
        %add3A_930 = arith.addf %get3A_918, %mul3A_929 : vector<16xf32>
        %add3A_931 = arith.addf %add3A_930, %get3A_928 : vector<16xf32>
        %mul3A_932 = arith.mulf %broadcast_in_dim3A_820, %get3A_14 : vector<16xf32>
        %mul3A_933 = arith.mulf %add3A_931, %mul3A_932 : vector<16xf32>
        %add3A_934 = arith.addf %mul3A_933, %get3A_26 : vector<16xf32>
        %add3A_935 = arith.constant 48 : i32
        %add3A_936 = arith.addi %mul3A_832, %add3A_935 : i32
        %swap3A_937 = arith.index_cast %add3A_936 : i32 to index
        %swap3A_938 = tpu.vector_load %arg17[%swap3A_937] {strides = array<i32>} : memref<16384xf32, #tpu.memory_space<vmem>>, vector<16xf32>,
        %swap3A_939 = vector.shape_cast %swap3A_938 : vector<16xf32> to vector<16xf32>
        %swap3A_940 = vector.shape_cast %add3A_934 : vector<16xf32> to vector<16xf32>
        tpu.vector_store %arg17[%swap3A_937], %swap3A_940 {strides = array<i32>} : memref<16384xf32, #tpu.memory_space<vmem>>, vector<16xf32>,
        %slice3A_941 = vector.extract_strided_slice %get3A_51 {offsets = [2], sizes = [1], strides = [1]} : vector<16xf32> to vector<1xf32>
        %squeeze3A_942 = vector.extract %slice3A_941[0] : f32 from vector<1xf32>
        %broadcast_in_dim3A_943 = vector.broadcast %squeeze3A_942 : f32 to vector<16xf32>
        %slice3A_944 = vector.extract_strided_slice %mul3A_689 {offsets = [2], sizes = [1], strides = [1]} : vector<16xf32> to vector<1xf32>
        %squeeze3A_945 = vector.extract %slice3A_944[0] : f32 from vector<1xf32>
        %broadcast_in_dim3A_946 = vector.broadcast %squeeze3A_945 : f32 to vector<16xf32>
        %slice3A_947 = vector.extract_strided_slice %mul3A_156 {offsets = [2], sizes = [1], strides = [1]} : vector<16xi32> to vector<1xi32>
        %squeeze3A_948 = vector.extract %slice3A_947[0] : i32 from vector<1xi32>
        %slice3A_949 = vector.extract_strided_slice %add3A_159 {offsets = [2], sizes = [1], strides = [1]} : vector<16xi32> to vector<1xi32>
        %squeeze3A_950 = vector.extract %slice3A_949[0] : i32 from vector<1xi32>
        %slice3A_951 = vector.extract_strided_slice %mul3A_162 {offsets = [2], sizes = [1], strides = [1]} : vector<16xi32> to vector<1xi32>
        %squeeze3A_952 = vector.extract %slice3A_951[0] : i32 from vector<1xi32>
        %mul3A_953 = arith.constant 16 : i32
        %mul3A_954 = arith.muli %scan3A_46, %mul3A_953 : i32
        %add3A_955 = arith.constant 2 : i32
        %add3A_956 = arith.addi %mul3A_954, %add3A_955 : i32
        %mul3A_957 = arith.constant 64 : i32
        %mul3A_958 = arith.muli %add3A_956, %mul3A_957 : i32
        %add3A_959 = arith.constant 0 : i32
        %add3A_960 = arith.addi %squeeze3A_952, %add3A_959 : i32
        %get3A_961 = arith.index_cast %add3A_960 : i32 to index
        %get3A_962 = tpu.vector_load %arg10[%get3A_961] {strides = array<i32>} : memref<39936xf32, #tpu.memory_space<vmem>>, vector<16xf32>,
        %get3A_963 = vector.shape_cast %get3A_962 : vector<16xf32> to vector<16xf32>
        %add3A_964 = arith.constant 0 : i32
        %add3A_965 = arith.addi %squeeze3A_948, %add3A_964 : i32
        %get3A_966 = arith.index_cast %add3A_965 : i32 to index
        %get3A_967 = tpu.vector_load %arg11[%get3A_966] {strides = array<i32>} : memref<2176xf32, #tpu.memory_space<vmem>>, vector<16xf32>,
        %get3A_968 = vector.shape_cast %get3A_967 : vector<16xf32> to vector<16xf32>
        %add3A_969 = arith.constant 0 : i32
        %add3A_970 = arith.addi %squeeze3A_950, %add3A_969 : i32
        %get3A_971 = arith.index_cast %add3A_970 : i32 to index
        %get3A_972 = tpu.vector_load %arg11[%get3A_971] {strides = array<i32>} : memref<2176xf32, #tpu.memory_space<vmem>>, vector<16xf32>,
        %get3A_973 = vector.shape_cast %get3A_972 : vector<16xf32> to vector<16xf32>
        %mul3A_974 = arith.mulf %get3A_968, %broadcast_in_dim3A_943 : vector<16xf32>
        %add3A_975 = arith.addf %get3A_963, %mul3A_974 : vector<16xf32>
        %add3A_976 = arith.addf %add3A_975, %get3A_973 : vector<16xf32>
        %mul3A_977 = arith.mulf %broadcast_in_dim3A_946, %get3A_5 : vector<16xf32>
        %mul3A_978 = arith.mulf %add3A_976, %mul3A_977 : vector<16xf32>
        %add3A_979 = arith.addf %mul3A_978, %get3A_17 : vector<16xf32>
        %add3A_980 = arith.constant 0 : i32
        %add3A_981 = arith.addi %mul3A_958, %add3A_980 : i32
        %swap3A_982 = arith.index_cast %add3A_981 : i32 to index
        %swap3A_983 = tpu.vector_load %arg17[%swap3A_982] {strides = array<i32>} : memref<16384xf32, #tpu.memory_space<vmem>>, vector<16xf32>,
        %swap3A_984 = vector.shape_cast %swap3A_983 : vector<16xf32> to vector<16xf32>
        %swap3A_985 = vector.shape_cast %add3A_979 : vector<16xf32> to vector<16xf32>
        tpu.vector_store %arg17[%swap3A_982], %swap3A_985 {strides = array<i32>} : memref<16384xf32, #tpu.memory_space<vmem>>, vector<16xf32>,
        %add3A_986 = arith.constant 16 : i32
        %add3A_987 = arith.addi %squeeze3A_952, %add3A_986 : i32
        %get3A_988 = arith.index_cast %add3A_987 : i32 to index
        %get3A_989 = tpu.vector_load %arg10[%get3A_988] {strides = array<i32>} : memref<39936xf32, #tpu.memory_space<vmem>>, vector<16xf32>,
        %get3A_990 = vector.shape_cast %get3A_989 : vector<16xf32> to vector<16xf32>
        %add3A_991 = arith.constant 16 : i32
        %add3A_992 = arith.addi %squeeze3A_948, %add3A_991 : i32
        %get3A_993 = arith.index_cast %add3A_992 : i32 to index
        %get3A_994 = tpu.vector_load %arg11[%get3A_993] {strides = array<i32>} : memref<2176xf32, #tpu.memory_space<vmem>>, vector<16xf32>,
        %get3A_995 = vector.shape_cast %get3A_994 : vector<16xf32> to vector<16xf32>
        %add3A_996 = arith.constant 16 : i32
        %add3A_997 = arith.addi %squeeze3A_950, %add3A_996 : i32
        %get3A_998 = arith.index_cast %add3A_997 : i32 to index
        %get3A_999 = tpu.vector_load %arg11[%get3A_998] {strides = array<i32>} : memref<2176xf32, #tpu.memory_space<vmem>>, vector<16xf32>,
        %get3A_1000 = vector.shape_cast %get3A_999 : vector<16xf32> to vector<16xf32>
        %mul3A_1001 = arith.mulf %get3A_995, %broadcast_in_dim3A_943 : vector<16xf32>
        %add3A_1002 = arith.addf %get3A_990, %mul3A_1001 : vector<16xf32>
        %add3A_1003 = arith.addf %add3A_1002, %get3A_1000 : vector<16xf32>
        %mul3A_1004 = arith.mulf %broadcast_in_dim3A_946, %get3A_8 : vector<16xf32>
        %mul3A_1005 = arith.mulf %add3A_1003, %mul3A_1004 : vector<16xf32>
        %add3A_1006 = arith.addf %mul3A_1005, %get3A_20 : vector<16xf32>
        %add3A_1007 = arith.constant 16 : i32
        %add3A_1008 = arith.addi %mul3A_958, %add3A_1007 : i32
        %swap3A_1009 = arith.index_cast %add3A_1008 : i32 to index
        %swap3A_1010 = tpu.vector_load %arg17[%swap3A_1009] {strides = array<i32>} : memref<16384xf32, #tpu.memory_space<vmem>>, vector<16xf32>,
        %swap3A_1011 = vector.shape_cast %swap3A_1010 : vector<16xf32> to vector<16xf32>
        %swap3A_1012 = vector.shape_cast %add3A_1006 : vector<16xf32> to vector<16xf32>
        tpu.vector_store %arg17[%swap3A_1009], %swap3A_1012 {strides = array<i32>} : memref<16384xf32, #tpu.memory_space<vmem>>, vector<16xf32>,
        %add3A_1013 = arith.constant 32 : i32
        %add3A_1014 = arith.addi %squeeze3A_952, %add3A_1013 : i32
        %get3A_1015 = arith.index_cast %add3A_1014 : i32 to index
        %get3A_1016 = tpu.vector_load %arg10[%get3A_1015] {strides = array<i32>} : memref<39936xf32, #tpu.memory_space<vmem>>, vector<16xf32>,
        %get3A_1017 = vector.shape_cast %get3A_1016 : vector<16xf32> to vector<16xf32>
        %add3A_1018 = arith.constant 32 : i32
        %add3A_1019 = arith.addi %squeeze3A_948, %add3A_1018 : i32
        %get3A_1020 = arith.index_cast %add3A_1019 : i32 to index
        %get3A_1021 = tpu.vector_load %arg11[%get3A_1020] {strides = array<i32>} : memref<2176xf32, #tpu.memory_space<vmem>>, vector<16xf32>,
        %get3A_1022 = vector.shape_cast %get3A_1021 : vector<16xf32> to vector<16xf32>
        %add3A_1023 = arith.constant 32 : i32
        %add3A_1024 = arith.addi %squeeze3A_950, %add3A_1023 : i32
        %get3A_1025 = arith.index_cast %add3A_1024 : i32 to index
        %get3A_1026 = tpu.vector_load %arg11[%get3A_1025] {strides = array<i32>} : memref<2176xf32, #tpu.memory_space<vmem>>, vector<16xf32>,
        %get3A_1027 = vector.shape_cast %get3A_1026 : vector<16xf32> to vector<16xf32>
        %mul3A_1028 = arith.mulf %get3A_1022, %broadcast_in_dim3A_943 : vector<16xf32>
        %add3A_1029 = arith.addf %get3A_1017, %mul3A_1028 : vector<16xf32>
        %add3A_1030 = arith.addf %add3A_1029, %get3A_1027 : vector<16xf32>
        %mul3A_1031 = arith.mulf %broadcast_in_dim3A_946, %get3A_11 : vector<16xf32>
        %mul3A_1032 = arith.mulf %add3A_1030, %mul3A_1031 : vector<16xf32>
        %add3A_1033 = arith.addf %mul3A_1032, %get3A_23 : vector<16xf32>
        %add3A_1034 = arith.constant 32 : i32
        %add3A_1035 = arith.addi %mul3A_958, %add3A_1034 : i32
        %swap3A_1036 = arith.index_cast %add3A_1035 : i32 to index
        %swap3A_1037 = tpu.vector_load %arg17[%swap3A_1036] {strides = array<i32>} : memref<16384xf32, #tpu.memory_space<vmem>>, vector<16xf32>,
        %swap3A_1038 = vector.shape_cast %swap3A_1037 : vector<16xf32> to vector<16xf32>
        %swap3A_1039 = vector.shape_cast %add3A_1033 : vector<16xf32> to vector<16xf32>
        tpu.vector_store %arg17[%swap3A_1036], %swap3A_1039 {strides = array<i32>} : memref<16384xf32, #tpu.memory_space<vmem>>, vector<16xf32>,
        %add3A_1040 = arith.constant 48 : i32
        %add3A_1041 = arith.addi %squeeze3A_952, %add3A_1040 : i32
        %get3A_1042 = arith.index_cast %add3A_1041 : i32 to index
        %get3A_1043 = tpu.vector_load %arg10[%get3A_1042] {strides = array<i32>} : memref<39936xf32, #tpu.memory_space<vmem>>, vector<16xf32>,
        %get3A_1044 = vector.shape_cast %get3A_1043 : vector<16xf32> to vector<16xf32>
        %add3A_1045 = arith.constant 48 : i32
        %add3A_1046 = arith.addi %squeeze3A_948, %add3A_1045 : i32
        %get3A_1047 = arith.index_cast %add3A_1046 : i32 to index
        %get3A_1048 = tpu.vector_load %arg11[%get3A_1047] {strides = array<i32>} : memref<2176xf32, #tpu.memory_space<vmem>>, vector<16xf32>,
        %get3A_1049 = vector.shape_cast %get3A_1048 : vector<16xf32> to vector<16xf32>
        %add3A_1050 = arith.constant 48 : i32
        %add3A_1051 = arith.addi %squeeze3A_950, %add3A_1050 : i32
        %get3A_1052 = arith.index_cast %add3A_1051 : i32 to index
        %get3A_1053 = tpu.vector_load %arg11[%get3A_1052] {strides = array<i32>} : memref<2176xf32, #tpu.memory_space<vmem>>, vector<16xf32>,
        %get3A_1054 = vector.shape_cast %get3A_1053 : vector<16xf32> to vector<16xf32>
        %mul3A_1055 = arith.mulf %get3A_1049, %broadcast_in_dim3A_943 : vector<16xf32>
        %add3A_1056 = arith.addf %get3A_1044, %mul3A_1055 : vector<16xf32>
        %add3A_1057 = arith.addf %add3A_1056, %get3A_1054 : vector<16xf32>
        %mul3A_1058 = arith.mulf %broadcast_in_dim3A_946, %get3A_14 : vector<16xf32>
        %mul3A_1059 = arith.mulf %add3A_1057, %mul3A_1058 : vector<16xf32>
        %add3A_1060 = arith.addf %mul3A_1059, %get3A_26 : vector<16xf32>
        %add3A_1061 = arith.constant 48 : i32
        %add3A_1062 = arith.addi %mul3A_958, %add3A_1061 : i32
        %swap3A_1063 = arith.index_cast %add3A_1062 : i32 to index
        %swap3A_1064 = tpu.vector_load %arg17[%swap3A_1063] {strides = array<i32>} : memref<16384xf32, #tpu.memory_space<vmem>>, vector<16xf32>,
        %swap3A_1065 = vector.shape_cast %swap3A_1064 : vector<16xf32> to vector<16xf32>
        %swap3A_1066 = vector.shape_cast %add3A_1060 : vector<16xf32> to vector<16xf32>
        tpu.vector_store %arg17[%swap3A_1063], %swap3A_1066 {strides = array<i32>} : memref<16384xf32, #tpu.memory_space<vmem>>, vector<16xf32>,
        %slice3A_1067 = vector.extract_strided_slice %get3A_51 {offsets = [3], sizes = [1], strides = [1]} : vector<16xf32> to vector<1xf32>
        %squeeze3A_1068 = vector.extract %slice3A_1067[0] : f32 from vector<1xf32>
        %broadcast_in_dim3A_1069 = vector.broadcast %squeeze3A_1068 : f32 to vector<16xf32>
        %slice3A_1070 = vector.extract_strided_slice %mul3A_689 {offsets = [3], sizes = [1], strides = [1]} : vector<16xf32> to vector<1xf32>
        %squeeze3A_1071 = vector.extract %slice3A_1070[0] : f32 from vector<1xf32>
        %broadcast_in_dim3A_1072 = vector.broadcast %squeeze3A_1071 : f32 to vector<16xf32>
        %slice3A_1073 = vector.extract_strided_slice %mul3A_156 {offsets = [3], sizes = [1], strides = [1]} : vector<16xi32> to vector<1xi32>
        %squeeze3A_1074 = vector.extract %slice3A_1073[0] : i32 from vector<1xi32>
        %slice3A_1075 = vector.extract_strided_slice %add3A_159 {offsets = [3], sizes = [1], strides = [1]} : vector<16xi32> to vector<1xi32>
        %squeeze3A_1076 = vector.extract %slice3A_1075[0] : i32 from vector<1xi32>
        %slice3A_1077 = vector.extract_strided_slice %mul3A_162 {offsets = [3], sizes = [1], strides = [1]} : vector<16xi32> to vector<1xi32>
        %squeeze3A_1078 = vector.extract %slice3A_1077[0] : i32 from vector<1xi32>
        %mul3A_1079 = arith.constant 16 : i32
        %mul3A_1080 = arith.muli %scan3A_46, %mul3A_1079 : i32
        %add3A_1081 = arith.constant 3 : i32
        %add3A_1082 = arith.addi %mul3A_1080, %add3A_1081 : i32
        %mul3A_1083 = arith.constant 64 : i32
        %mul3A_1084 = arith.muli %add3A_1082, %mul3A_1083 : i32
        %add3A_1085 = arith.constant 0 : i32
        %add3A_1086 = arith.addi %squeeze3A_1078, %add3A_1085 : i32
        %get3A_1087 = arith.index_cast %add3A_1086 : i32 to index
        %get3A_1088 = tpu.vector_load %arg10[%get3A_1087] {strides = array<i32>} : memref<39936xf32, #tpu.memory_space<vmem>>, vector<16xf32>,
        %get3A_1089 = vector.shape_cast %get3A_1088 : vector<16xf32> to vector<16xf32>
        %add3A_1090 = arith.constant 0 : i32
        %add3A_1091 = arith.addi %squeeze3A_1074, %add3A_1090 : i32
        %get3A_1092 = arith.index_cast %add3A_1091 : i32 to index
        %get3A_1093 = tpu.vector_load %arg11[%get3A_1092] {strides = array<i32>} : memref<2176xf32, #tpu.memory_space<vmem>>, vector<16xf32>,
        %get3A_1094 = vector.shape_cast %get3A_1093 : vector<16xf32> to vector<16xf32>
        %add3A_1095 = arith.constant 0 : i32
        %add3A_1096 = arith.addi %squeeze3A_1076, %add3A_1095 : i32
        %get3A_1097 = arith.index_cast %add3A_1096 : i32 to index
        %get3A_1098 = tpu.vector_load %arg11[%get3A_1097] {strides = array<i32>} : memref<2176xf32, #tpu.memory_space<vmem>>, vector<16xf32>,
        %get3A_1099 = vector.shape_cast %get3A_1098 : vector<16xf32> to vector<16xf32>
        %mul3A_1100 = arith.mulf %get3A_1094, %broadcast_in_dim3A_1069 : vector<16xf32>
        %add3A_1101 = arith.addf %get3A_1089, %mul3A_1100 : vector<16xf32>
        %add3A_1102 = arith.addf %add3A_1101, %get3A_1099 : vector<16xf32>
        %mul3A_1103 = arith.mulf %broadcast_in_dim3A_1072, %get3A_5 : vector<16xf32>
        %mul3A_1104 = arith.mulf %add3A_1102, %mul3A_1103 : vector<16xf32>
        %add3A_1105 = arith.addf %mul3A_1104, %get3A_17 : vector<16xf32>
        %add3A_1106 = arith.constant 0 : i32
        %add3A_1107 = arith.addi %mul3A_1084, %add3A_1106 : i32
        %swap3A_1108 = arith.index_cast %add3A_1107 : i32 to index
        %swap3A_1109 = tpu.vector_load %arg17[%swap3A_1108] {strides = array<i32>} : memref<16384xf32, #tpu.memory_space<vmem>>, vector<16xf32>,
        %swap3A_1110 = vector.shape_cast %swap3A_1109 : vector<16xf32> to vector<16xf32>
        %swap3A_1111 = vector.shape_cast %add3A_1105 : vector<16xf32> to vector<16xf32>
        tpu.vector_store %arg17[%swap3A_1108], %swap3A_1111 {strides = array<i32>} : memref<16384xf32, #tpu.memory_space<vmem>>, vector<16xf32>,
        %add3A_1112 = arith.constant 16 : i32
        %add3A_1113 = arith.addi %squeeze3A_1078, %add3A_1112 : i32
        %get3A_1114 = arith.index_cast %add3A_1113 : i32 to index
        %get3A_1115 = tpu.vector_load %arg10[%get3A_1114] {strides = array<i32>} : memref<39936xf32, #tpu.memory_space<vmem>>, vector<16xf32>,
        %get3A_1116 = vector.shape_cast %get3A_1115 : vector<16xf32> to vector<16xf32>
        %add3A_1117 = arith.constant 16 : i32
        %add3A_1118 = arith.addi %squeeze3A_1074, %add3A_1117 : i32
        %get3A_1119 = arith.index_cast %add3A_1118 : i32 to index
        %get3A_1120 = tpu.vector_load %arg11[%get3A_1119] {strides = array<i32>} : memref<2176xf32, #tpu.memory_space<vmem>>, vector<16xf32>,
        %get3A_1121 = vector.shape_cast %get3A_1120 : vector<16xf32> to vector<16xf32>
        %add3A_1122 = arith.constant 16 : i32
        %add3A_1123 = arith.addi %squeeze3A_1076, %add3A_1122 : i32
        %get3A_1124 = arith.index_cast %add3A_1123 : i32 to index
        %get3A_1125 = tpu.vector_load %arg11[%get3A_1124] {strides = array<i32>} : memref<2176xf32, #tpu.memory_space<vmem>>, vector<16xf32>,
        %get3A_1126 = vector.shape_cast %get3A_1125 : vector<16xf32> to vector<16xf32>
        %mul3A_1127 = arith.mulf %get3A_1121, %broadcast_in_dim3A_1069 : vector<16xf32>
        %add3A_1128 = arith.addf %get3A_1116, %mul3A_1127 : vector<16xf32>
        %add3A_1129 = arith.addf %add3A_1128, %get3A_1126 : vector<16xf32>
        %mul3A_1130 = arith.mulf %broadcast_in_dim3A_1072, %get3A_8 : vector<16xf32>
        %mul3A_1131 = arith.mulf %add3A_1129, %mul3A_1130 : vector<16xf32>
        %add3A_1132 = arith.addf %mul3A_1131, %get3A_20 : vector<16xf32>
        %add3A_1133 = arith.constant 16 : i32
        %add3A_1134 = arith.addi %mul3A_1084, %add3A_1133 : i32
        %swap3A_1135 = arith.index_cast %add3A_1134 : i32 to index
        %swap3A_1136 = tpu.vector_load %arg17[%swap3A_1135] {strides = array<i32>} : memref<16384xf32, #tpu.memory_space<vmem>>, vector<16xf32>,
        %swap3A_1137 = vector.shape_cast %swap3A_1136 : vector<16xf32> to vector<16xf32>
        %swap3A_1138 = vector.shape_cast %add3A_1132 : vector<16xf32> to vector<16xf32>
        tpu.vector_store %arg17[%swap3A_1135], %swap3A_1138 {strides = array<i32>} : memref<16384xf32, #tpu.memory_space<vmem>>, vector<16xf32>,
        %add3A_1139 = arith.constant 32 : i32
        %add3A_1140 = arith.addi %squeeze3A_1078, %add3A_1139 : i32
        %get3A_1141 = arith.index_cast %add3A_1140 : i32 to index
        %get3A_1142 = tpu.vector_load %arg10[%get3A_1141] {strides = array<i32>} : memref<39936xf32, #tpu.memory_space<vmem>>, vector<16xf32>,
        %get3A_1143 = vector.shape_cast %get3A_1142 : vector<16xf32> to vector<16xf32>
        %add3A_1144 = arith.constant 32 : i32
        %add3A_1145 = arith.addi %squeeze3A_1074, %add3A_1144 : i32
        %get3A_1146 = arith.index_cast %add3A_1145 : i32 to index
        %get3A_1147 = tpu.vector_load %arg11[%get3A_1146] {strides = array<i32>} : memref<2176xf32, #tpu.memory_space<vmem>>, vector<16xf32>,
        %get3A_1148 = vector.shape_cast %get3A_1147 : vector<16xf32> to vector<16xf32>
        %add3A_1149 = arith.constant 32 : i32
        %add3A_1150 = arith.addi %squeeze3A_1076, %add3A_1149 : i32
        %get3A_1151 = arith.index_cast %add3A_1150 : i32 to index
        %get3A_1152 = tpu.vector_load %arg11[%get3A_1151] {strides = array<i32>} : memref<2176xf32, #tpu.memory_space<vmem>>, vector<16xf32>,
        %get3A_1153 = vector.shape_cast %get3A_1152 : vector<16xf32> to vector<16xf32>
        %mul3A_1154 = arith.mulf %get3A_1148, %broadcast_in_dim3A_1069 : vector<16xf32>
        %add3A_1155 = arith.addf %get3A_1143, %mul3A_1154 : vector<16xf32>
        %add3A_1156 = arith.addf %add3A_1155, %get3A_1153 : vector<16xf32>
        %mul3A_1157 = arith.mulf %broadcast_in_dim3A_1072, %get3A_11 : vector<16xf32>
        %mul3A_1158 = arith.mulf %add3A_1156, %mul3A_1157 : vector<16xf32>
        %add3A_1159 = arith.addf %mul3A_1158, %get3A_23 : vector<16xf32>
        %add3A_1160 = arith.constant 32 : i32
        %add3A_1161 = arith.addi %mul3A_1084, %add3A_1160 : i32
        %swap3A_1162 = arith.index_cast %add3A_1161 : i32 to index
        %swap3A_1163 = tpu.vector_load %arg17[%swap3A_1162] {strides = array<i32>} : memref<16384xf32, #tpu.memory_space<vmem>>, vector<16xf32>,
        %swap3A_1164 = vector.shape_cast %swap3A_1163 : vector<16xf32> to vector<16xf32>
        %swap3A_1165 = vector.shape_cast %add3A_1159 : vector<16xf32> to vector<16xf32>
        tpu.vector_store %arg17[%swap3A_1162], %swap3A_1165 {strides = array<i32>} : memref<16384xf32, #tpu.memory_space<vmem>>, vector<16xf32>,
        %add3A_1166 = arith.constant 48 : i32
        %add3A_1167 = arith.addi %squeeze3A_1078, %add3A_1166 : i32
        %get3A_1168 = arith.index_cast %add3A_1167 : i32 to index
        %get3A_1169 = tpu.vector_load %arg10[%get3A_1168] {strides = array<i32>} : memref<39936xf32, #tpu.memory_space<vmem>>, vector<16xf32>,
        %get3A_1170 = vector.shape_cast %get3A_1169 : vector<16xf32> to vector<16xf32>
        %add3A_1171 = arith.constant 48 : i32
        %add3A_1172 = arith.addi %squeeze3A_1074, %add3A_1171 : i32
        %get3A_1173 = arith.index_cast %add3A_1172 : i32 to index
        %get3A_1174 = tpu.vector_load %arg11[%get3A_1173] {strides = array<i32>} : memref<2176xf32, #tpu.memory_space<vmem>>, vector<16xf32>,
        %get3A_1175 = vector.shape_cast %get3A_1174 : vector<16xf32> to vector<16xf32>
        %add3A_1176 = arith.constant 48 : i32
        %add3A_1177 = arith.addi %squeeze3A_1076, %add3A_1176 : i32
        %get3A_1178 = arith.index_cast %add3A_1177 : i32 to index
        %get3A_1179 = tpu.vector_load %arg11[%get3A_1178] {strides = array<i32>} : memref<2176xf32, #tpu.memory_space<vmem>>, vector<16xf32>,
        %get3A_1180 = vector.shape_cast %get3A_1179 : vector<16xf32> to vector<16xf32>
        %mul3A_1181 = arith.mulf %get3A_1175, %broadcast_in_dim3A_1069 : vector<16xf32>
        %add3A_1182 = arith.addf %get3A_1170, %mul3A_1181 : vector<16xf32>
        %add3A_1183 = arith.addf %add3A_1182, %get3A_1180 : vector<16xf32>
        %mul3A_1184 = arith.mulf %broadcast_in_dim3A_1072, %get3A_14 : vector<16xf32>
        %mul3A_1185 = arith.mulf %add3A_1183, %mul3A_1184 : vector<16xf32>
        %add3A_1186 = arith.addf %mul3A_1185, %get3A_26 : vector<16xf32>
        %add3A_1187 = arith.constant 48 : i32
        %add3A_1188 = arith.addi %mul3A_1084, %add3A_1187 : i32
        %swap3A_1189 = arith.index_cast %add3A_1188 : i32 to index
        %swap3A_1190 = tpu.vector_load %arg17[%swap3A_1189] {strides = array<i32>} : memref<16384xf32, #tpu.memory_space<vmem>>, vector<16xf32>,
        %swap3A_1191 = vector.shape_cast %swap3A_1190 : vector<16xf32> to vector<16xf32>
        %swap3A_1192 = vector.shape_cast %add3A_1186 : vector<16xf32> to vector<16xf32>
        tpu.vector_store %arg17[%swap3A_1189], %swap3A_1192 {strides = array<i32>} : memref<16384xf32, #tpu.memory_space<vmem>>, vector<16xf32>,
        %slice3A_1193 = vector.extract_strided_slice %get3A_51 {offsets = [4], sizes = [1], strides = [1]} : vector<16xf32> to vector<1xf32>
        %squeeze3A_1194 = vector.extract %slice3A_1193[0] : f32 from vector<1xf32>
        %broadcast_in_dim3A_1195 = vector.broadcast %squeeze3A_1194 : f32 to vector<16xf32>
        %slice3A_1196 = vector.extract_strided_slice %mul3A_689 {offsets = [4], sizes = [1], strides = [1]} : vector<16xf32> to vector<1xf32>
        %squeeze3A_1197 = vector.extract %slice3A_1196[0] : f32 from vector<1xf32>
        %broadcast_in_dim3A_1198 = vector.broadcast %squeeze3A_1197 : f32 to vector<16xf32>
        %slice3A_1199 = vector.extract_strided_slice %mul3A_156 {offsets = [4], sizes = [1], strides = [1]} : vector<16xi32> to vector<1xi32>
        %squeeze3A_1200 = vector.extract %slice3A_1199[0] : i32 from vector<1xi32>
        %slice3A_1201 = vector.extract_strided_slice %add3A_159 {offsets = [4], sizes = [1], strides = [1]} : vector<16xi32> to vector<1xi32>
        %squeeze3A_1202 = vector.extract %slice3A_1201[0] : i32 from vector<1xi32>
        %slice3A_1203 = vector.extract_strided_slice %mul3A_162 {offsets = [4], sizes = [1], strides = [1]} : vector<16xi32> to vector<1xi32>
        %squeeze3A_1204 = vector.extract %slice3A_1203[0] : i32 from vector<1xi32>
        %mul3A_1205 = arith.constant 16 : i32
        %mul3A_1206 = arith.muli %scan3A_46, %mul3A_1205 : i32
        %add3A_1207 = arith.constant 4 : i32
        %add3A_1208 = arith.addi %mul3A_1206, %add3A_1207 : i32
        %mul3A_1209 = arith.constant 64 : i32
        %mul3A_1210 = arith.muli %add3A_1208, %mul3A_1209 : i32
        %add3A_1211 = arith.constant 0 : i32
        %add3A_1212 = arith.addi %squeeze3A_1204, %add3A_1211 : i32
        %get3A_1213 = arith.index_cast %add3A_1212 : i32 to index
        %get3A_1214 = tpu.vector_load %arg10[%get3A_1213] {strides = array<i32>} : memref<39936xf32, #tpu.memory_space<vmem>>, vector<16xf32>,
        %get3A_1215 = vector.shape_cast %get3A_1214 : vector<16xf32> to vector<16xf32>
        %add3A_1216 = arith.constant 0 : i32
        %add3A_1217 = arith.addi %squeeze3A_1200, %add3A_1216 : i32
        %get3A_1218 = arith.index_cast %add3A_1217 : i32 to index
        %get3A_1219 = tpu.vector_load %arg11[%get3A_1218] {strides = array<i32>} : memref<2176xf32, #tpu.memory_space<vmem>>, vector<16xf32>,
        %get3A_1220 = vector.shape_cast %get3A_1219 : vector<16xf32> to vector<16xf32>
        %add3A_1221 = arith.constant 0 : i32
        %add3A_1222 = arith.addi %squeeze3A_1202, %add3A_1221 : i32
        %get3A_1223 = arith.index_cast %add3A_1222 : i32 to index
        %get3A_1224 = tpu.vector_load %arg11[%get3A_1223] {strides = array<i32>} : memref<2176xf32, #tpu.memory_space<vmem>>, vector<16xf32>,
        %get3A_1225 = vector.shape_cast %get3A_1224 : vector<16xf32> to vector<16xf32>
        %mul3A_1226 = arith.mulf %get3A_1220, %broadcast_in_dim3A_1195 : vector<16xf32>
        %add3A_1227 = arith.addf %get3A_1215, %mul3A_1226 : vector<16xf32>
        %add3A_1228 = arith.addf %add3A_1227, %get3A_1225 : vector<16xf32>
        %mul3A_1229 = arith.mulf %broadcast_in_dim3A_1198, %get3A_5 : vector<16xf32>
        %mul3A_1230 = arith.mulf %add3A_1228, %mul3A_1229 : vector<16xf32>
        %add3A_1231 = arith.addf %mul3A_1230, %get3A_17 : vector<16xf32>
        %add3A_1232 = arith.constant 0 : i32
        %add3A_1233 = arith.addi %mul3A_1210, %add3A_1232 : i32
        %swap3A_1234 = arith.index_cast %add3A_1233 : i32 to index
        %swap3A_1235 = tpu.vector_load %arg17[%swap3A_1234] {strides = array<i32>} : memref<16384xf32, #tpu.memory_space<vmem>>, vector<16xf32>,
        %swap3A_1236 = vector.shape_cast %swap3A_1235 : vector<16xf32> to vector<16xf32>
        %swap3A_1237 = vector.shape_cast %add3A_1231 : vector<16xf32> to vector<16xf32>
        tpu.vector_store %arg17[%swap3A_1234], %swap3A_1237 {strides = array<i32>} : memref<16384xf32, #tpu.memory_space<vmem>>, vector<16xf32>,
        %add3A_1238 = arith.constant 16 : i32
        %add3A_1239 = arith.addi %squeeze3A_1204, %add3A_1238 : i32
        %get3A_1240 = arith.index_cast %add3A_1239 : i32 to index
        %get3A_1241 = tpu.vector_load %arg10[%get3A_1240] {strides = array<i32>} : memref<39936xf32, #tpu.memory_space<vmem>>, vector<16xf32>,
        %get3A_1242 = vector.shape_cast %get3A_1241 : vector<16xf32> to vector<16xf32>
        %add3A_1243 = arith.constant 16 : i32
        %add3A_1244 = arith.addi %squeeze3A_1200, %add3A_1243 : i32
        %get3A_1245 = arith.index_cast %add3A_1244 : i32 to index
        %get3A_1246 = tpu.vector_load %arg11[%get3A_1245] {strides = array<i32>} : memref<2176xf32, #tpu.memory_space<vmem>>, vector<16xf32>,
        %get3A_1247 = vector.shape_cast %get3A_1246 : vector<16xf32> to vector<16xf32>
        %add3A_1248 = arith.constant 16 : i32
        %add3A_1249 = arith.addi %squeeze3A_1202, %add3A_1248 : i32
        %get3A_1250 = arith.index_cast %add3A_1249 : i32 to index
        %get3A_1251 = tpu.vector_load %arg11[%get3A_1250] {strides = array<i32>} : memref<2176xf32, #tpu.memory_space<vmem>>, vector<16xf32>,
        %get3A_1252 = vector.shape_cast %get3A_1251 : vector<16xf32> to vector<16xf32>
        %mul3A_1253 = arith.mulf %get3A_1247, %broadcast_in_dim3A_1195 : vector<16xf32>
        %add3A_1254 = arith.addf %get3A_1242, %mul3A_1253 : vector<16xf32>
        %add3A_1255 = arith.addf %add3A_1254, %get3A_1252 : vector<16xf32>
        %mul3A_1256 = arith.mulf %broadcast_in_dim3A_1198, %get3A_8 : vector<16xf32>
        %mul3A_1257 = arith.mulf %add3A_1255, %mul3A_1256 : vector<16xf32>
        %add3A_1258 = arith.addf %mul3A_1257, %get3A_20 : vector<16xf32>
        %add3A_1259 = arith.constant 16 : i32
        %add3A_1260 = arith.addi %mul3A_1210, %add3A_1259 : i32
        %swap3A_1261 = arith.index_cast %add3A_1260 : i32 to index
        %swap3A_1262 = tpu.vector_load %arg17[%swap3A_1261] {strides = array<i32>} : memref<16384xf32, #tpu.memory_space<vmem>>, vector<16xf32>,
        %swap3A_1263 = vector.shape_cast %swap3A_1262 : vector<16xf32> to vector<16xf32>
        %swap3A_1264 = vector.shape_cast %add3A_1258 : vector<16xf32> to vector<16xf32>
        tpu.vector_store %arg17[%swap3A_1261], %swap3A_1264 {strides = array<i32>} : memref<16384xf32, #tpu.memory_space<vmem>>, vector<16xf32>,
        %add3A_1265 = arith.constant 32 : i32
        %add3A_1266 = arith.addi %squeeze3A_1204, %add3A_1265 : i32
        %get3A_1267 = arith.index_cast %add3A_1266 : i32 to index
        %get3A_1268 = tpu.vector_load %arg10[%get3A_1267] {strides = array<i32>} : memref<39936xf32, #tpu.memory_space<vmem>>, vector<16xf32>,
        %get3A_1269 = vector.shape_cast %get3A_1268 : vector<16xf32> to vector<16xf32>
        %add3A_1270 = arith.constant 32 : i32
        %add3A_1271 = arith.addi %squeeze3A_1200, %add3A_1270 : i32
        %get3A_1272 = arith.index_cast %add3A_1271 : i32 to index
        %get3A_1273 = tpu.vector_load %arg11[%get3A_1272] {strides = array<i32>} : memref<2176xf32, #tpu.memory_space<vmem>>, vector<16xf32>,
        %get3A_1274 = vector.shape_cast %get3A_1273 : vector<16xf32> to vector<16xf32>
        %add3A_1275 = arith.constant 32 : i32
        %add3A_1276 = arith.addi %squeeze3A_1202, %add3A_1275 : i32
        %get3A_1277 = arith.index_cast %add3A_1276 : i32 to index
        %get3A_1278 = tpu.vector_load %arg11[%get3A_1277] {strides = array<i32>} : memref<2176xf32, #tpu.memory_space<vmem>>, vector<16xf32>,
        %get3A_1279 = vector.shape_cast %get3A_1278 : vector<16xf32> to vector<16xf32>
        %mul3A_1280 = arith.mulf %get3A_1274, %broadcast_in_dim3A_1195 : vector<16xf32>
        %add3A_1281 = arith.addf %get3A_1269, %mul3A_1280 : vector<16xf32>
        %add3A_1282 = arith.addf %add3A_1281, %get3A_1279 : vector<16xf32>
        %mul3A_1283 = arith.mulf %broadcast_in_dim3A_1198, %get3A_11 : vector<16xf32>
        %mul3A_1284 = arith.mulf %add3A_1282, %mul3A_1283 : vector<16xf32>
        %add3A_1285 = arith.addf %mul3A_1284, %get3A_23 : vector<16xf32>
        %add3A_1286 = arith.constant 32 : i32
        %add3A_1287 = arith.addi %mul3A_1210, %add3A_1286 : i32
        %swap3A_1288 = arith.index_cast %add3A_1287 : i32 to index
        %swap3A_1289 = tpu.vector_load %arg17[%swap3A_1288] {strides = array<i32>} : memref<16384xf32, #tpu.memory_space<vmem>>, vector<16xf32>,
        %swap3A_1290 = vector.shape_cast %swap3A_1289 : vector<16xf32> to vector<16xf32>
        %swap3A_1291 = vector.shape_cast %add3A_1285 : vector<16xf32> to vector<16xf32>
        tpu.vector_store %arg17[%swap3A_1288], %swap3A_1291 {strides = array<i32>} : memref<16384xf32, #tpu.memory_space<vmem>>, vector<16xf32>,
        %add3A_1292 = arith.constant 48 : i32
        %add3A_1293 = arith.addi %squeeze3A_1204, %add3A_1292 : i32
        %get3A_1294 = arith.index_cast %add3A_1293 : i32 to index
        %get3A_1295 = tpu.vector_load %arg10[%get3A_1294] {strides = array<i32>} : memref<39936xf32, #tpu.memory_space<vmem>>, vector<16xf32>,
        %get3A_1296 = vector.shape_cast %get3A_1295 : vector<16xf32> to vector<16xf32>
        %add3A_1297 = arith.constant 48 : i32
        %add3A_1298 = arith.addi %squeeze3A_1200, %add3A_1297 : i32
        %get3A_1299 = arith.index_cast %add3A_1298 : i32 to index
        %get3A_1300 = tpu.vector_load %arg11[%get3A_1299] {strides = array<i32>} : memref<2176xf32, #tpu.memory_space<vmem>>, vector<16xf32>,
        %get3A_1301 = vector.shape_cast %get3A_1300 : vector<16xf32> to vector<16xf32>
        %add3A_1302 = arith.constant 48 : i32
        %add3A_1303 = arith.addi %squeeze3A_1202, %add3A_1302 : i32
        %get3A_1304 = arith.index_cast %add3A_1303 : i32 to index
        %get3A_1305 = tpu.vector_load %arg11[%get3A_1304] {strides = array<i32>} : memref<2176xf32, #tpu.memory_space<vmem>>, vector<16xf32>,
        %get3A_1306 = vector.shape_cast %get3A_1305 : vector<16xf32> to vector<16xf32>
        %mul3A_1307 = arith.mulf %get3A_1301, %broadcast_in_dim3A_1195 : vector<16xf32>
        %add3A_1308 = arith.addf %get3A_1296, %mul3A_1307 : vector<16xf32>
        %add3A_1309 = arith.addf %add3A_1308, %get3A_1306 : vector<16xf32>
        %mul3A_1310 = arith.mulf %broadcast_in_dim3A_1198, %get3A_14 : vector<16xf32>
        %mul3A_1311 = arith.mulf %add3A_1309, %mul3A_1310 : vector<16xf32>
        %add3A_1312 = arith.addf %mul3A_1311, %get3A_26 : vector<16xf32>
        %add3A_1313 = arith.constant 48 : i32
        %add3A_1314 = arith.addi %mul3A_1210, %add3A_1313 : i32
        %swap3A_1315 = arith.index_cast %add3A_1314 : i32 to index
        %swap3A_1316 = tpu.vector_load %arg17[%swap3A_1315] {strides = array<i32>} : memref<16384xf32, #tpu.memory_space<vmem>>, vector<16xf32>,
        %swap3A_1317 = vector.shape_cast %swap3A_1316 : vector<16xf32> to vector<16xf32>
        %swap3A_1318 = vector.shape_cast %add3A_1312 : vector<16xf32> to vector<16xf32>
        tpu.vector_store %arg17[%swap3A_1315], %swap3A_1318 {strides = array<i32>} : memref<16384xf32, #tpu.memory_space<vmem>>, vector<16xf32>,
        %slice3A_1319 = vector.extract_strided_slice %get3A_51 {offsets = [5], sizes = [1], strides = [1]} : vector<16xf32> to vector<1xf32>
        %squeeze3A_1320 = vector.extract %slice3A_1319[0] : f32 from vector<1xf32>
        %broadcast_in_dim3A_1321 = vector.broadcast %squeeze3A_1320 : f32 to vector<16xf32>
        %slice3A_1322 = vector.extract_strided_slice %mul3A_689 {offsets = [5], sizes = [1], strides = [1]} : vector<16xf32> to vector<1xf32>
        %squeeze3A_1323 = vector.extract %slice3A_1322[0] : f32 from vector<1xf32>
        %broadcast_in_dim3A_1324 = vector.broadcast %squeeze3A_1323 : f32 to vector<16xf32>
        %slice3A_1325 = vector.extract_strided_slice %mul3A_156 {offsets = [5], sizes = [1], strides = [1]} : vector<16xi32> to vector<1xi32>
        %squeeze3A_1326 = vector.extract %slice3A_1325[0] : i32 from vector<1xi32>
        %slice3A_1327 = vector.extract_strided_slice %add3A_159 {offsets = [5], sizes = [1], strides = [1]} : vector<16xi32> to vector<1xi32>
        %squeeze3A_1328 = vector.extract %slice3A_1327[0] : i32 from vector<1xi32>
        %slice3A_1329 = vector.extract_strided_slice %mul3A_162 {offsets = [5], sizes = [1], strides = [1]} : vector<16xi32> to vector<1xi32>
        %squeeze3A_1330 = vector.extract %slice3A_1329[0] : i32 from vector<1xi32>
        %mul3A_1331 = arith.constant 16 : i32
        %mul3A_1332 = arith.muli %scan3A_46, %mul3A_1331 : i32
        %add3A_1333 = arith.constant 5 : i32
        %add3A_1334 = arith.addi %mul3A_1332, %add3A_1333 : i32
        %mul3A_1335 = arith.constant 64 : i32
        %mul3A_1336 = arith.muli %add3A_1334, %mul3A_1335 : i32
        %add3A_1337 = arith.constant 0 : i32
        %add3A_1338 = arith.addi %squeeze3A_1330, %add3A_1337 : i32
        %get3A_1339 = arith.index_cast %add3A_1338 : i32 to index
        %get3A_1340 = tpu.vector_load %arg10[%get3A_1339] {strides = array<i32>} : memref<39936xf32, #tpu.memory_space<vmem>>, vector<16xf32>,
        %get3A_1341 = vector.shape_cast %get3A_1340 : vector<16xf32> to vector<16xf32>
        %add3A_1342 = arith.constant 0 : i32
        %add3A_1343 = arith.addi %squeeze3A_1326, %add3A_1342 : i32
        %get3A_1344 = arith.index_cast %add3A_1343 : i32 to index
        %get3A_1345 = tpu.vector_load %arg11[%get3A_1344] {strides = array<i32>} : memref<2176xf32, #tpu.memory_space<vmem>>, vector<16xf32>,
        %get3A_1346 = vector.shape_cast %get3A_1345 : vector<16xf32> to vector<16xf32>
        %add3A_1347 = arith.constant 0 : i32
        %add3A_1348 = arith.addi %squeeze3A_1328, %add3A_1347 : i32
        %get3A_1349 = arith.index_cast %add3A_1348 : i32 to index
        %get3A_1350 = tpu.vector_load %arg11[%get3A_1349] {strides = array<i32>} : memref<2176xf32, #tpu.memory_space<vmem>>, vector<16xf32>,
        %get3A_1351 = vector.shape_cast %get3A_1350 : vector<16xf32> to vector<16xf32>
        %mul3A_1352 = arith.mulf %get3A_1346, %broadcast_in_dim3A_1321 : vector<16xf32>
        %add3A_1353 = arith.addf %get3A_1341, %mul3A_1352 : vector<16xf32>
        %add3A_1354 = arith.addf %add3A_1353, %get3A_1351 : vector<16xf32>
        %mul3A_1355 = arith.mulf %broadcast_in_dim3A_1324, %get3A_5 : vector<16xf32>
        %mul3A_1356 = arith.mulf %add3A_1354, %mul3A_1355 : vector<16xf32>
        %add3A_1357 = arith.addf %mul3A_1356, %get3A_17 : vector<16xf32>
        %add3A_1358 = arith.constant 0 : i32
        %add3A_1359 = arith.addi %mul3A_1336, %add3A_1358 : i32
        %swap3A_1360 = arith.index_cast %add3A_1359 : i32 to index
        %swap3A_1361 = tpu.vector_load %arg17[%swap3A_1360] {strides = array<i32>} : memref<16384xf32, #tpu.memory_space<vmem>>, vector<16xf32>,
        %swap3A_1362 = vector.shape_cast %swap3A_1361 : vector<16xf32> to vector<16xf32>
        %swap3A_1363 = vector.shape_cast %add3A_1357 : vector<16xf32> to vector<16xf32>
        tpu.vector_store %arg17[%swap3A_1360], %swap3A_1363 {strides = array<i32>} : memref<16384xf32, #tpu.memory_space<vmem>>, vector<16xf32>,
        %add3A_1364 = arith.constant 16 : i32
        %add3A_1365 = arith.addi %squeeze3A_1330, %add3A_1364 : i32
        %get3A_1366 = arith.index_cast %add3A_1365 : i32 to index
        %get3A_1367 = tpu.vector_load %arg10[%get3A_1366] {strides = array<i32>} : memref<39936xf32, #tpu.memory_space<vmem>>, vector<16xf32>,
        %get3A_1368 = vector.shape_cast %get3A_1367 : vector<16xf32> to vector<16xf32>
        %add3A_1369 = arith.constant 16 : i32
        %add3A_1370 = arith.addi %squeeze3A_1326, %add3A_1369 : i32
        %get3A_1371 = arith.index_cast %add3A_1370 : i32 to index
        %get3A_1372 = tpu.vector_load %arg11[%get3A_1371] {strides = array<i32>} : memref<2176xf32, #tpu.memory_space<vmem>>, vector<16xf32>,
        %get3A_1373 = vector.shape_cast %get3A_1372 : vector<16xf32> to vector<16xf32>
        %add3A_1374 = arith.constant 16 : i32
        %add3A_1375 = arith.addi %squeeze3A_1328, %add3A_1374 : i32
        %get3A_1376 = arith.index_cast %add3A_1375 : i32 to index
        %get3A_1377 = tpu.vector_load %arg11[%get3A_1376] {strides = array<i32>} : memref<2176xf32, #tpu.memory_space<vmem>>, vector<16xf32>,
        %get3A_1378 = vector.shape_cast %get3A_1377 : vector<16xf32> to vector<16xf32>
        %mul3A_1379 = arith.mulf %get3A_1373, %broadcast_in_dim3A_1321 : vector<16xf32>
        %add3A_1380 = arith.addf %get3A_1368, %mul3A_1379 : vector<16xf32>
        %add3A_1381 = arith.addf %add3A_1380, %get3A_1378 : vector<16xf32>
        %mul3A_1382 = arith.mulf %broadcast_in_dim3A_1324, %get3A_8 : vector<16xf32>
        %mul3A_1383 = arith.mulf %add3A_1381, %mul3A_1382 : vector<16xf32>
        %add3A_1384 = arith.addf %mul3A_1383, %get3A_20 : vector<16xf32>
        %add3A_1385 = arith.constant 16 : i32
        %add3A_1386 = arith.addi %mul3A_1336, %add3A_1385 : i32
        %swap3A_1387 = arith.index_cast %add3A_1386 : i32 to index
        %swap3A_1388 = tpu.vector_load %arg17[%swap3A_1387] {strides = array<i32>} : memref<16384xf32, #tpu.memory_space<vmem>>, vector<16xf32>,
        %swap3A_1389 = vector.shape_cast %swap3A_1388 : vector<16xf32> to vector<16xf32>
        %swap3A_1390 = vector.shape_cast %add3A_1384 : vector<16xf32> to vector<16xf32>
        tpu.vector_store %arg17[%swap3A_1387], %swap3A_1390 {strides = array<i32>} : memref<16384xf32, #tpu.memory_space<vmem>>, vector<16xf32>,
        %add3A_1391 = arith.constant 32 : i32
        %add3A_1392 = arith.addi %squeeze3A_1330, %add3A_1391 : i32
        %get3A_1393 = arith.index_cast %add3A_1392 : i32 to index
        %get3A_1394 = tpu.vector_load %arg10[%get3A_1393] {strides = array<i32>} : memref<39936xf32, #tpu.memory_space<vmem>>, vector<16xf32>,
        %get3A_1395 = vector.shape_cast %get3A_1394 : vector<16xf32> to vector<16xf32>
        %add3A_1396 = arith.constant 32 : i32
        %add3A_1397 = arith.addi %squeeze3A_1326, %add3A_1396 : i32
        %get3A_1398 = arith.index_cast %add3A_1397 : i32 to index
        %get3A_1399 = tpu.vector_load %arg11[%get3A_1398] {strides = array<i32>} : memref<2176xf32, #tpu.memory_space<vmem>>, vector<16xf32>,
        %get3A_1400 = vector.shape_cast %get3A_1399 : vector<16xf32> to vector<16xf32>
        %add3A_1401 = arith.constant 32 : i32
        %add3A_1402 = arith.addi %squeeze3A_1328, %add3A_1401 : i32
        %get3A_1403 = arith.index_cast %add3A_1402 : i32 to index
        %get3A_1404 = tpu.vector_load %arg11[%get3A_1403] {strides = array<i32>} : memref<2176xf32, #tpu.memory_space<vmem>>, vector<16xf32>,
        %get3A_1405 = vector.shape_cast %get3A_1404 : vector<16xf32> to vector<16xf32>
        %mul3A_1406 = arith.mulf %get3A_1400, %broadcast_in_dim3A_1321 : vector<16xf32>
        %add3A_1407 = arith.addf %get3A_1395, %mul3A_1406 : vector<16xf32>
        %add3A_1408 = arith.addf %add3A_1407, %get3A_1405 : vector<16xf32>
        %mul3A_1409 = arith.mulf %broadcast_in_dim3A_1324, %get3A_11 : vector<16xf32>
        %mul3A_1410 = arith.mulf %add3A_1408, %mul3A_1409 : vector<16xf32>
        %add3A_1411 = arith.addf %mul3A_1410, %get3A_23 : vector<16xf32>
        %add3A_1412 = arith.constant 32 : i32
        %add3A_1413 = arith.addi %mul3A_1336, %add3A_1412 : i32
        %swap3A_1414 = arith.index_cast %add3A_1413 : i32 to index
        %swap3A_1415 = tpu.vector_load %arg17[%swap3A_1414] {strides = array<i32>} : memref<16384xf32, #tpu.memory_space<vmem>>, vector<16xf32>,
        %swap3A_1416 = vector.shape_cast %swap3A_1415 : vector<16xf32> to vector<16xf32>
        %swap3A_1417 = vector.shape_cast %add3A_1411 : vector<16xf32> to vector<16xf32>
        tpu.vector_store %arg17[%swap3A_1414], %swap3A_1417 {strides = array<i32>} : memref<16384xf32, #tpu.memory_space<vmem>>, vector<16xf32>,
        %add3A_1418 = arith.constant 48 : i32
        %add3A_1419 = arith.addi %squeeze3A_1330, %add3A_1418 : i32
        %get3A_1420 = arith.index_cast %add3A_1419 : i32 to index
        %get3A_1421 = tpu.vector_load %arg10[%get3A_1420] {strides = array<i32>} : memref<39936xf32, #tpu.memory_space<vmem>>, vector<16xf32>,
        %get3A_1422 = vector.shape_cast %get3A_1421 : vector<16xf32> to vector<16xf32>
        %add3A_1423 = arith.constant 48 : i32
        %add3A_1424 = arith.addi %squeeze3A_1326, %add3A_1423 : i32
        %get3A_1425 = arith.index_cast %add3A_1424 : i32 to index
        %get3A_1426 = tpu.vector_load %arg11[%get3A_1425] {strides = array<i32>} : memref<2176xf32, #tpu.memory_space<vmem>>, vector<16xf32>,
        %get3A_1427 = vector.shape_cast %get3A_1426 : vector<16xf32> to vector<16xf32>
        %add3A_1428 = arith.constant 48 : i32
        %add3A_1429 = arith.addi %squeeze3A_1328, %add3A_1428 : i32
        %get3A_1430 = arith.index_cast %add3A_1429 : i32 to index
        %get3A_1431 = tpu.vector_load %arg11[%get3A_1430] {strides = array<i32>} : memref<2176xf32, #tpu.memory_space<vmem>>, vector<16xf32>,
        %get3A_1432 = vector.shape_cast %get3A_1431 : vector<16xf32> to vector<16xf32>
        %mul3A_1433 = arith.mulf %get3A_1427, %broadcast_in_dim3A_1321 : vector<16xf32>
        %add3A_1434 = arith.addf %get3A_1422, %mul3A_1433 : vector<16xf32>
        %add3A_1435 = arith.addf %add3A_1434, %get3A_1432 : vector<16xf32>
        %mul3A_1436 = arith.mulf %broadcast_in_dim3A_1324, %get3A_14 : vector<16xf32>
        %mul3A_1437 = arith.mulf %add3A_1435, %mul3A_1436 : vector<16xf32>
        %add3A_1438 = arith.addf %mul3A_1437, %get3A_26 : vector<16xf32>
        %add3A_1439 = arith.constant 48 : i32
        %add3A_1440 = arith.addi %mul3A_1336, %add3A_1439 : i32
        %swap3A_1441 = arith.index_cast %add3A_1440 : i32 to index
        %swap3A_1442 = tpu.vector_load %arg17[%swap3A_1441] {strides = array<i32>} : memref<16384xf32, #tpu.memory_space<vmem>>, vector<16xf32>,
        %swap3A_1443 = vector.shape_cast %swap3A_1442 : vector<16xf32> to vector<16xf32>
        %swap3A_1444 = vector.shape_cast %add3A_1438 : vector<16xf32> to vector<16xf32>
        tpu.vector_store %arg17[%swap3A_1441], %swap3A_1444 {strides = array<i32>} : memref<16384xf32, #tpu.memory_space<vmem>>, vector<16xf32>,
        %slice3A_1445 = vector.extract_strided_slice %get3A_51 {offsets = [6], sizes = [1], strides = [1]} : vector<16xf32> to vector<1xf32>
        %squeeze3A_1446 = vector.extract %slice3A_1445[0] : f32 from vector<1xf32>
        %broadcast_in_dim3A_1447 = vector.broadcast %squeeze3A_1446 : f32 to vector<16xf32>
        %slice3A_1448 = vector.extract_strided_slice %mul3A_689 {offsets = [6], sizes = [1], strides = [1]} : vector<16xf32> to vector<1xf32>
        %squeeze3A_1449 = vector.extract %slice3A_1448[0] : f32 from vector<1xf32>
        %broadcast_in_dim3A_1450 = vector.broadcast %squeeze3A_1449 : f32 to vector<16xf32>
        %slice3A_1451 = vector.extract_strided_slice %mul3A_156 {offsets = [6], sizes = [1], strides = [1]} : vector<16xi32> to vector<1xi32>
        %squeeze3A_1452 = vector.extract %slice3A_1451[0] : i32 from vector<1xi32>
        %slice3A_1453 = vector.extract_strided_slice %add3A_159 {offsets = [6], sizes = [1], strides = [1]} : vector<16xi32> to vector<1xi32>
        %squeeze3A_1454 = vector.extract %slice3A_1453[0] : i32 from vector<1xi32>
        %slice3A_1455 = vector.extract_strided_slice %mul3A_162 {offsets = [6], sizes = [1], strides = [1]} : vector<16xi32> to vector<1xi32>
        %squeeze3A_1456 = vector.extract %slice3A_1455[0] : i32 from vector<1xi32>
        %mul3A_1457 = arith.constant 16 : i32
        %mul3A_1458 = arith.muli %scan3A_46, %mul3A_1457 : i32
        %add3A_1459 = arith.constant 6 : i32
        %add3A_1460 = arith.addi %mul3A_1458, %add3A_1459 : i32
        %mul3A_1461 = arith.constant 64 : i32
        %mul3A_1462 = arith.muli %add3A_1460, %mul3A_1461 : i32
        %add3A_1463 = arith.constant 0 : i32
        %add3A_1464 = arith.addi %squeeze3A_1456, %add3A_1463 : i32
        %get3A_1465 = arith.index_cast %add3A_1464 : i32 to index
        %get3A_1466 = tpu.vector_load %arg10[%get3A_1465] {strides = array<i32>} : memref<39936xf32, #tpu.memory_space<vmem>>, vector<16xf32>,
        %get3A_1467 = vector.shape_cast %get3A_1466 : vector<16xf32> to vector<16xf32>
        %add3A_1468 = arith.constant 0 : i32
        %add3A_1469 = arith.addi %squeeze3A_1452, %add3A_1468 : i32
        %get3A_1470 = arith.index_cast %add3A_1469 : i32 to index
        %get3A_1471 = tpu.vector_load %arg11[%get3A_1470] {strides = array<i32>} : memref<2176xf32, #tpu.memory_space<vmem>>, vector<16xf32>,
        %get3A_1472 = vector.shape_cast %get3A_1471 : vector<16xf32> to vector<16xf32>
        %add3A_1473 = arith.constant 0 : i32
        %add3A_1474 = arith.addi %squeeze3A_1454, %add3A_1473 : i32
        %get3A_1475 = arith.index_cast %add3A_1474 : i32 to index
        %get3A_1476 = tpu.vector_load %arg11[%get3A_1475] {strides = array<i32>} : memref<2176xf32, #tpu.memory_space<vmem>>, vector<16xf32>,
        %get3A_1477 = vector.shape_cast %get3A_1476 : vector<16xf32> to vector<16xf32>
        %mul3A_1478 = arith.mulf %get3A_1472, %broadcast_in_dim3A_1447 : vector<16xf32>
        %add3A_1479 = arith.addf %get3A_1467, %mul3A_1478 : vector<16xf32>
        %add3A_1480 = arith.addf %add3A_1479, %get3A_1477 : vector<16xf32>
        %mul3A_1481 = arith.mulf %broadcast_in_dim3A_1450, %get3A_5 : vector<16xf32>
        %mul3A_1482 = arith.mulf %add3A_1480, %mul3A_1481 : vector<16xf32>
        %add3A_1483 = arith.addf %mul3A_1482, %get3A_17 : vector<16xf32>
        %add3A_1484 = arith.constant 0 : i32
        %add3A_1485 = arith.addi %mul3A_1462, %add3A_1484 : i32
        %swap3A_1486 = arith.index_cast %add3A_1485 : i32 to index
        %swap3A_1487 = tpu.vector_load %arg17[%swap3A_1486] {strides = array<i32>} : memref<16384xf32, #tpu.memory_space<vmem>>, vector<16xf32>,
        %swap3A_1488 = vector.shape_cast %swap3A_1487 : vector<16xf32> to vector<16xf32>
        %swap3A_1489 = vector.shape_cast %add3A_1483 : vector<16xf32> to vector<16xf32>
        tpu.vector_store %arg17[%swap3A_1486], %swap3A_1489 {strides = array<i32>} : memref<16384xf32, #tpu.memory_space<vmem>>, vector<16xf32>,
        %add3A_1490 = arith.constant 16 : i32
        %add3A_1491 = arith.addi %squeeze3A_1456, %add3A_1490 : i32
        %get3A_1492 = arith.index_cast %add3A_1491 : i32 to index
        %get3A_1493 = tpu.vector_load %arg10[%get3A_1492] {strides = array<i32>} : memref<39936xf32, #tpu.memory_space<vmem>>, vector<16xf32>,
        %get3A_1494 = vector.shape_cast %get3A_1493 : vector<16xf32> to vector<16xf32>
        %add3A_1495 = arith.constant 16 : i32
        %add3A_1496 = arith.addi %squeeze3A_1452, %add3A_1495 : i32
        %get3A_1497 = arith.index_cast %add3A_1496 : i32 to index
        %get3A_1498 = tpu.vector_load %arg11[%get3A_1497] {strides = array<i32>} : memref<2176xf32, #tpu.memory_space<vmem>>, vector<16xf32>,
        %get3A_1499 = vector.shape_cast %get3A_1498 : vector<16xf32> to vector<16xf32>
        %add3A_1500 = arith.constant 16 : i32
        %add3A_1501 = arith.addi %squeeze3A_1454, %add3A_1500 : i32
        %get3A_1502 = arith.index_cast %add3A_1501 : i32 to index
        %get3A_1503 = tpu.vector_load %arg11[%get3A_1502] {strides = array<i32>} : memref<2176xf32, #tpu.memory_space<vmem>>, vector<16xf32>,
        %get3A_1504 = vector.shape_cast %get3A_1503 : vector<16xf32> to vector<16xf32>
        %mul3A_1505 = arith.mulf %get3A_1499, %broadcast_in_dim3A_1447 : vector<16xf32>
        %add3A_1506 = arith.addf %get3A_1494, %mul3A_1505 : vector<16xf32>
        %add3A_1507 = arith.addf %add3A_1506, %get3A_1504 : vector<16xf32>
        %mul3A_1508 = arith.mulf %broadcast_in_dim3A_1450, %get3A_8 : vector<16xf32>
        %mul3A_1509 = arith.mulf %add3A_1507, %mul3A_1508 : vector<16xf32>
        %add3A_1510 = arith.addf %mul3A_1509, %get3A_20 : vector<16xf32>
        %add3A_1511 = arith.constant 16 : i32
        %add3A_1512 = arith.addi %mul3A_1462, %add3A_1511 : i32
        %swap3A_1513 = arith.index_cast %add3A_1512 : i32 to index
        %swap3A_1514 = tpu.vector_load %arg17[%swap3A_1513] {strides = array<i32>} : memref<16384xf32, #tpu.memory_space<vmem>>, vector<16xf32>,
        %swap3A_1515 = vector.shape_cast %swap3A_1514 : vector<16xf32> to vector<16xf32>
        %swap3A_1516 = vector.shape_cast %add3A_1510 : vector<16xf32> to vector<16xf32>
        tpu.vector_store %arg17[%swap3A_1513], %swap3A_1516 {strides = array<i32>} : memref<16384xf32, #tpu.memory_space<vmem>>, vector<16xf32>,
        %add3A_1517 = arith.constant 32 : i32
        %add3A_1518 = arith.addi %squeeze3A_1456, %add3A_1517 : i32
        %get3A_1519 = arith.index_cast %add3A_1518 : i32 to index
        %get3A_1520 = tpu.vector_load %arg10[%get3A_1519] {strides = array<i32>} : memref<39936xf32, #tpu.memory_space<vmem>>, vector<16xf32>,
        %get3A_1521 = vector.shape_cast %get3A_1520 : vector<16xf32> to vector<16xf32>
        %add3A_1522 = arith.constant 32 : i32
        %add3A_1523 = arith.addi %squeeze3A_1452, %add3A_1522 : i32
        %get3A_1524 = arith.index_cast %add3A_1523 : i32 to index
        %get3A_1525 = tpu.vector_load %arg11[%get3A_1524] {strides = array<i32>} : memref<2176xf32, #tpu.memory_space<vmem>>, vector<16xf32>,
        %get3A_1526 = vector.shape_cast %get3A_1525 : vector<16xf32> to vector<16xf32>
        %add3A_1527 = arith.constant 32 : i32
        %add3A_1528 = arith.addi %squeeze3A_1454, %add3A_1527 : i32
        %get3A_1529 = arith.index_cast %add3A_1528 : i32 to index
        %get3A_1530 = tpu.vector_load %arg11[%get3A_1529] {strides = array<i32>} : memref<2176xf32, #tpu.memory_space<vmem>>, vector<16xf32>,
        %get3A_1531 = vector.shape_cast %get3A_1530 : vector<16xf32> to vector<16xf32>
        %mul3A_1532 = arith.mulf %get3A_1526, %broadcast_in_dim3A_1447 : vector<16xf32>
        %add3A_1533 = arith.addf %get3A_1521, %mul3A_1532 : vector<16xf32>
        %add3A_1534 = arith.addf %add3A_1533, %get3A_1531 : vector<16xf32>
        %mul3A_1535 = arith.mulf %broadcast_in_dim3A_1450, %get3A_11 : vector<16xf32>
        %mul3A_1536 = arith.mulf %add3A_1534, %mul3A_1535 : vector<16xf32>
        %add3A_1537 = arith.addf %mul3A_1536, %get3A_23 : vector<16xf32>
        %add3A_1538 = arith.constant 32 : i32
        %add3A_1539 = arith.addi %mul3A_1462, %add3A_1538 : i32
        %swap3A_1540 = arith.index_cast %add3A_1539 : i32 to index
        %swap3A_1541 = tpu.vector_load %arg17[%swap3A_1540] {strides = array<i32>} : memref<16384xf32, #tpu.memory_space<vmem>>, vector<16xf32>,
        %swap3A_1542 = vector.shape_cast %swap3A_1541 : vector<16xf32> to vector<16xf32>
        %swap3A_1543 = vector.shape_cast %add3A_1537 : vector<16xf32> to vector<16xf32>
        tpu.vector_store %arg17[%swap3A_1540], %swap3A_1543 {strides = array<i32>} : memref<16384xf32, #tpu.memory_space<vmem>>, vector<16xf32>,
        %add3A_1544 = arith.constant 48 : i32
        %add3A_1545 = arith.addi %squeeze3A_1456, %add3A_1544 : i32
        %get3A_1546 = arith.index_cast %add3A_1545 : i32 to index
        %get3A_1547 = tpu.vector_load %arg10[%get3A_1546] {strides = array<i32>} : memref<39936xf32, #tpu.memory_space<vmem>>, vector<16xf32>,
        %get3A_1548 = vector.shape_cast %get3A_1547 : vector<16xf32> to vector<16xf32>
        %add3A_1549 = arith.constant 48 : i32
        %add3A_1550 = arith.addi %squeeze3A_1452, %add3A_1549 : i32
        %get3A_1551 = arith.index_cast %add3A_1550 : i32 to index
        %get3A_1552 = tpu.vector_load %arg11[%get3A_1551] {strides = array<i32>} : memref<2176xf32, #tpu.memory_space<vmem>>, vector<16xf32>,
        %get3A_1553 = vector.shape_cast %get3A_1552 : vector<16xf32> to vector<16xf32>
        %add3A_1554 = arith.constant 48 : i32
        %add3A_1555 = arith.addi %squeeze3A_1454, %add3A_1554 : i32
        %get3A_1556 = arith.index_cast %add3A_1555 : i32 to index
        %get3A_1557 = tpu.vector_load %arg11[%get3A_1556] {strides = array<i32>} : memref<2176xf32, #tpu.memory_space<vmem>>, vector<16xf32>,
        %get3A_1558 = vector.shape_cast %get3A_1557 : vector<16xf32> to vector<16xf32>
        %mul3A_1559 = arith.mulf %get3A_1553, %broadcast_in_dim3A_1447 : vector<16xf32>
        %add3A_1560 = arith.addf %get3A_1548, %mul3A_1559 : vector<16xf32>
        %add3A_1561 = arith.addf %add3A_1560, %get3A_1558 : vector<16xf32>
        %mul3A_1562 = arith.mulf %broadcast_in_dim3A_1450, %get3A_14 : vector<16xf32>
        %mul3A_1563 = arith.mulf %add3A_1561, %mul3A_1562 : vector<16xf32>
        %add3A_1564 = arith.addf %mul3A_1563, %get3A_26 : vector<16xf32>
        %add3A_1565 = arith.constant 48 : i32
        %add3A_1566 = arith.addi %mul3A_1462, %add3A_1565 : i32
        %swap3A_1567 = arith.index_cast %add3A_1566 : i32 to index
        %swap3A_1568 = tpu.vector_load %arg17[%swap3A_1567] {strides = array<i32>} : memref<16384xf32, #tpu.memory_space<vmem>>, vector<16xf32>,
        %swap3A_1569 = vector.shape_cast %swap3A_1568 : vector<16xf32> to vector<16xf32>
        %swap3A_1570 = vector.shape_cast %add3A_1564 : vector<16xf32> to vector<16xf32>
        tpu.vector_store %arg17[%swap3A_1567], %swap3A_1570 {strides = array<i32>} : memref<16384xf32, #tpu.memory_space<vmem>>, vector<16xf32>,
        %slice3A_1571 = vector.extract_strided_slice %get3A_51 {offsets = [7], sizes = [1], strides = [1]} : vector<16xf32> to vector<1xf32>
        %squeeze3A_1572 = vector.extract %slice3A_1571[0] : f32 from vector<1xf32>
        %broadcast_in_dim3A_1573 = vector.broadcast %squeeze3A_1572 : f32 to vector<16xf32>
        %slice3A_1574 = vector.extract_strided_slice %mul3A_689 {offsets = [7], sizes = [1], strides = [1]} : vector<16xf32> to vector<1xf32>
        %squeeze3A_1575 = vector.extract %slice3A_1574[0] : f32 from vector<1xf32>
        %broadcast_in_dim3A_1576 = vector.broadcast %squeeze3A_1575 : f32 to vector<16xf32>
        %slice3A_1577 = vector.extract_strided_slice %mul3A_156 {offsets = [7], sizes = [1], strides = [1]} : vector<16xi32> to vector<1xi32>
        %squeeze3A_1578 = vector.extract %slice3A_1577[0] : i32 from vector<1xi32>
        %slice3A_1579 = vector.extract_strided_slice %add3A_159 {offsets = [7], sizes = [1], strides = [1]} : vector<16xi32> to vector<1xi32>
        %squeeze3A_1580 = vector.extract %slice3A_1579[0] : i32 from vector<1xi32>
        %slice3A_1581 = vector.extract_strided_slice %mul3A_162 {offsets = [7], sizes = [1], strides = [1]} : vector<16xi32> to vector<1xi32>
        %squeeze3A_1582 = vector.extract %slice3A_1581[0] : i32 from vector<1xi32>
        %mul3A_1583 = arith.constant 16 : i32
        %mul3A_1584 = arith.muli %scan3A_46, %mul3A_1583 : i32
        %add3A_1585 = arith.constant 7 : i32
        %add3A_1586 = arith.addi %mul3A_1584, %add3A_1585 : i32
        %mul3A_1587 = arith.constant 64 : i32
        %mul3A_1588 = arith.muli %add3A_1586, %mul3A_1587 : i32
        %add3A_1589 = arith.constant 0 : i32
        %add3A_1590 = arith.addi %squeeze3A_1582, %add3A_1589 : i32
        %get3A_1591 = arith.index_cast %add3A_1590 : i32 to index
        %get3A_1592 = tpu.vector_load %arg10[%get3A_1591] {strides = array<i32>} : memref<39936xf32, #tpu.memory_space<vmem>>, vector<16xf32>,
        %get3A_1593 = vector.shape_cast %get3A_1592 : vector<16xf32> to vector<16xf32>
        %add3A_1594 = arith.constant 0 : i32
        %add3A_1595 = arith.addi %squeeze3A_1578, %add3A_1594 : i32
        %get3A_1596 = arith.index_cast %add3A_1595 : i32 to index
        %get3A_1597 = tpu.vector_load %arg11[%get3A_1596] {strides = array<i32>} : memref<2176xf32, #tpu.memory_space<vmem>>, vector<16xf32>,
        %get3A_1598 = vector.shape_cast %get3A_1597 : vector<16xf32> to vector<16xf32>
        %add3A_1599 = arith.constant 0 : i32
        %add3A_1600 = arith.addi %squeeze3A_1580, %add3A_1599 : i32
        %get3A_1601 = arith.index_cast %add3A_1600 : i32 to index
        %get3A_1602 = tpu.vector_load %arg11[%get3A_1601] {strides = array<i32>} : memref<2176xf32, #tpu.memory_space<vmem>>, vector<16xf32>,
        %get3A_1603 = vector.shape_cast %get3A_1602 : vector<16xf32> to vector<16xf32>
        %mul3A_1604 = arith.mulf %get3A_1598, %broadcast_in_dim3A_1573 : vector<16xf32>
        %add3A_1605 = arith.addf %get3A_1593, %mul3A_1604 : vector<16xf32>
        %add3A_1606 = arith.addf %add3A_1605, %get3A_1603 : vector<16xf32>
        %mul3A_1607 = arith.mulf %broadcast_in_dim3A_1576, %get3A_5 : vector<16xf32>
        %mul3A_1608 = arith.mulf %add3A_1606, %mul3A_1607 : vector<16xf32>
        %add3A_1609 = arith.addf %mul3A_1608, %get3A_17 : vector<16xf32>
        %add3A_1610 = arith.constant 0 : i32
        %add3A_1611 = arith.addi %mul3A_1588, %add3A_1610 : i32
        %swap3A_1612 = arith.index_cast %add3A_1611 : i32 to index
        %swap3A_1613 = tpu.vector_load %arg17[%swap3A_1612] {strides = array<i32>} : memref<16384xf32, #tpu.memory_space<vmem>>, vector<16xf32>,
        %swap3A_1614 = vector.shape_cast %swap3A_1613 : vector<16xf32> to vector<16xf32>
        %swap3A_1615 = vector.shape_cast %add3A_1609 : vector<16xf32> to vector<16xf32>
        tpu.vector_store %arg17[%swap3A_1612], %swap3A_1615 {strides = array<i32>} : memref<16384xf32, #tpu.memory_space<vmem>>, vector<16xf32>,
        %add3A_1616 = arith.constant 16 : i32
        %add3A_1617 = arith.addi %squeeze3A_1582, %add3A_1616 : i32
        %get3A_1618 = arith.index_cast %add3A_1617 : i32 to index
        %get3A_1619 = tpu.vector_load %arg10[%get3A_1618] {strides = array<i32>} : memref<39936xf32, #tpu.memory_space<vmem>>, vector<16xf32>,
        %get3A_1620 = vector.shape_cast %get3A_1619 : vector<16xf32> to vector<16xf32>
        %add3A_1621 = arith.constant 16 : i32
        %add3A_1622 = arith.addi %squeeze3A_1578, %add3A_1621 : i32
        %get3A_1623 = arith.index_cast %add3A_1622 : i32 to index
        %get3A_1624 = tpu.vector_load %arg11[%get3A_1623] {strides = array<i32>} : memref<2176xf32, #tpu.memory_space<vmem>>, vector<16xf32>,
        %get3A_1625 = vector.shape_cast %get3A_1624 : vector<16xf32> to vector<16xf32>
        %add3A_1626 = arith.constant 16 : i32
        %add3A_1627 = arith.addi %squeeze3A_1580, %add3A_1626 : i32
        %get3A_1628 = arith.index_cast %add3A_1627 : i32 to index
        %get3A_1629 = tpu.vector_load %arg11[%get3A_1628] {strides = array<i32>} : memref<2176xf32, #tpu.memory_space<vmem>>, vector<16xf32>,
        %get3A_1630 = vector.shape_cast %get3A_1629 : vector<16xf32> to vector<16xf32>
        %mul3A_1631 = arith.mulf %get3A_1625, %broadcast_in_dim3A_1573 : vector<16xf32>
        %add3A_1632 = arith.addf %get3A_1620, %mul3A_1631 : vector<16xf32>
        %add3A_1633 = arith.addf %add3A_1632, %get3A_1630 : vector<16xf32>
        %mul3A_1634 = arith.mulf %broadcast_in_dim3A_1576, %get3A_8 : vector<16xf32>
        %mul3A_1635 = arith.mulf %add3A_1633, %mul3A_1634 : vector<16xf32>
        %add3A_1636 = arith.addf %mul3A_1635, %get3A_20 : vector<16xf32>
        %add3A_1637 = arith.constant 16 : i32
        %add3A_1638 = arith.addi %mul3A_1588, %add3A_1637 : i32
        %swap3A_1639 = arith.index_cast %add3A_1638 : i32 to index
        %swap3A_1640 = tpu.vector_load %arg17[%swap3A_1639] {strides = array<i32>} : memref<16384xf32, #tpu.memory_space<vmem>>, vector<16xf32>,
        %swap3A_1641 = vector.shape_cast %swap3A_1640 : vector<16xf32> to vector<16xf32>
        %swap3A_1642 = vector.shape_cast %add3A_1636 : vector<16xf32> to vector<16xf32>
        tpu.vector_store %arg17[%swap3A_1639], %swap3A_1642 {strides = array<i32>} : memref<16384xf32, #tpu.memory_space<vmem>>, vector<16xf32>,
        %add3A_1643 = arith.constant 32 : i32
        %add3A_1644 = arith.addi %squeeze3A_1582, %add3A_1643 : i32
        %get3A_1645 = arith.index_cast %add3A_1644 : i32 to index
        %get3A_1646 = tpu.vector_load %arg10[%get3A_1645] {strides = array<i32>} : memref<39936xf32, #tpu.memory_space<vmem>>, vector<16xf32>,
        %get3A_1647 = vector.shape_cast %get3A_1646 : vector<16xf32> to vector<16xf32>
        %add3A_1648 = arith.constant 32 : i32
        %add3A_1649 = arith.addi %squeeze3A_1578, %add3A_1648 : i32
        %get3A_1650 = arith.index_cast %add3A_1649 : i32 to index
        %get3A_1651 = tpu.vector_load %arg11[%get3A_1650] {strides = array<i32>} : memref<2176xf32, #tpu.memory_space<vmem>>, vector<16xf32>,
        %get3A_1652 = vector.shape_cast %get3A_1651 : vector<16xf32> to vector<16xf32>
        %add3A_1653 = arith.constant 32 : i32
        %add3A_1654 = arith.addi %squeeze3A_1580, %add3A_1653 : i32
        %get3A_1655 = arith.index_cast %add3A_1654 : i32 to index
        %get3A_1656 = tpu.vector_load %arg11[%get3A_1655] {strides = array<i32>} : memref<2176xf32, #tpu.memory_space<vmem>>, vector<16xf32>,
        %get3A_1657 = vector.shape_cast %get3A_1656 : vector<16xf32> to vector<16xf32>
        %mul3A_1658 = arith.mulf %get3A_1652, %broadcast_in_dim3A_1573 : vector<16xf32>
        %add3A_1659 = arith.addf %get3A_1647, %mul3A_1658 : vector<16xf32>
        %add3A_1660 = arith.addf %add3A_1659, %get3A_1657 : vector<16xf32>
        %mul3A_1661 = arith.mulf %broadcast_in_dim3A_1576, %get3A_11 : vector<16xf32>
        %mul3A_1662 = arith.mulf %add3A_1660, %mul3A_1661 : vector<16xf32>
        %add3A_1663 = arith.addf %mul3A_1662, %get3A_23 : vector<16xf32>
        %add3A_1664 = arith.constant 32 : i32
        %add3A_1665 = arith.addi %mul3A_1588, %add3A_1664 : i32
        %swap3A_1666 = arith.index_cast %add3A_1665 : i32 to index
        %swap3A_1667 = tpu.vector_load %arg17[%swap3A_1666] {strides = array<i32>} : memref<16384xf32, #tpu.memory_space<vmem>>, vector<16xf32>,
        %swap3A_1668 = vector.shape_cast %swap3A_1667 : vector<16xf32> to vector<16xf32>
        %swap3A_1669 = vector.shape_cast %add3A_1663 : vector<16xf32> to vector<16xf32>
        tpu.vector_store %arg17[%swap3A_1666], %swap3A_1669 {strides = array<i32>} : memref<16384xf32, #tpu.memory_space<vmem>>, vector<16xf32>,
        %add3A_1670 = arith.constant 48 : i32
        %add3A_1671 = arith.addi %squeeze3A_1582, %add3A_1670 : i32
        %get3A_1672 = arith.index_cast %add3A_1671 : i32 to index
        %get3A_1673 = tpu.vector_load %arg10[%get3A_1672] {strides = array<i32>} : memref<39936xf32, #tpu.memory_space<vmem>>, vector<16xf32>,
        %get3A_1674 = vector.shape_cast %get3A_1673 : vector<16xf32> to vector<16xf32>
        %add3A_1675 = arith.constant 48 : i32
        %add3A_1676 = arith.addi %squeeze3A_1578, %add3A_1675 : i32
        %get3A_1677 = arith.index_cast %add3A_1676 : i32 to index
        %get3A_1678 = tpu.vector_load %arg11[%get3A_1677] {strides = array<i32>} : memref<2176xf32, #tpu.memory_space<vmem>>, vector<16xf32>,
        %get3A_1679 = vector.shape_cast %get3A_1678 : vector<16xf32> to vector<16xf32>
        %add3A_1680 = arith.constant 48 : i32
        %add3A_1681 = arith.addi %squeeze3A_1580, %add3A_1680 : i32
        %get3A_1682 = arith.index_cast %add3A_1681 : i32 to index
        %get3A_1683 = tpu.vector_load %arg11[%get3A_1682] {strides = array<i32>} : memref<2176xf32, #tpu.memory_space<vmem>>, vector<16xf32>,
        %get3A_1684 = vector.shape_cast %get3A_1683 : vector<16xf32> to vector<16xf32>
        %mul3A_1685 = arith.mulf %get3A_1679, %broadcast_in_dim3A_1573 : vector<16xf32>
        %add3A_1686 = arith.addf %get3A_1674, %mul3A_1685 : vector<16xf32>
        %add3A_1687 = arith.addf %add3A_1686, %get3A_1684 : vector<16xf32>
        %mul3A_1688 = arith.mulf %broadcast_in_dim3A_1576, %get3A_14 : vector<16xf32>
        %mul3A_1689 = arith.mulf %add3A_1687, %mul3A_1688 : vector<16xf32>
        %add3A_1690 = arith.addf %mul3A_1689, %get3A_26 : vector<16xf32>
        %add3A_1691 = arith.constant 48 : i32
        %add3A_1692 = arith.addi %mul3A_1588, %add3A_1691 : i32
        %swap3A_1693 = arith.index_cast %add3A_1692 : i32 to index
        %swap3A_1694 = tpu.vector_load %arg17[%swap3A_1693] {strides = array<i32>} : memref<16384xf32, #tpu.memory_space<vmem>>, vector<16xf32>,
        %swap3A_1695 = vector.shape_cast %swap3A_1694 : vector<16xf32> to vector<16xf32>
        %swap3A_1696 = vector.shape_cast %add3A_1690 : vector<16xf32> to vector<16xf32>
        tpu.vector_store %arg17[%swap3A_1693], %swap3A_1696 {strides = array<i32>} : memref<16384xf32, #tpu.memory_space<vmem>>, vector<16xf32>,
        %slice3A_1697 = vector.extract_strided_slice %get3A_51 {offsets = [8], sizes = [1], strides = [1]} : vector<16xf32> to vector<1xf32>
        %squeeze3A_1698 = vector.extract %slice3A_1697[0] : f32 from vector<1xf32>
        %broadcast_in_dim3A_1699 = vector.broadcast %squeeze3A_1698 : f32 to vector<16xf32>
        %slice3A_1700 = vector.extract_strided_slice %mul3A_689 {offsets = [8], sizes = [1], strides = [1]} : vector<16xf32> to vector<1xf32>
        %squeeze3A_1701 = vector.extract %slice3A_1700[0] : f32 from vector<1xf32>
        %broadcast_in_dim3A_1702 = vector.broadcast %squeeze3A_1701 : f32 to vector<16xf32>
        %slice3A_1703 = vector.extract_strided_slice %mul3A_156 {offsets = [8], sizes = [1], strides = [1]} : vector<16xi32> to vector<1xi32>
        %squeeze3A_1704 = vector.extract %slice3A_1703[0] : i32 from vector<1xi32>
        %slice3A_1705 = vector.extract_strided_slice %add3A_159 {offsets = [8], sizes = [1], strides = [1]} : vector<16xi32> to vector<1xi32>
        %squeeze3A_1706 = vector.extract %slice3A_1705[0] : i32 from vector<1xi32>
        %slice3A_1707 = vector.extract_strided_slice %mul3A_162 {offsets = [8], sizes = [1], strides = [1]} : vector<16xi32> to vector<1xi32>
        %squeeze3A_1708 = vector.extract %slice3A_1707[0] : i32 from vector<1xi32>
        %mul3A_1709 = arith.constant 16 : i32
        %mul3A_1710 = arith.muli %scan3A_46, %mul3A_1709 : i32
        %add3A_1711 = arith.constant 8 : i32
        %add3A_1712 = arith.addi %mul3A_1710, %add3A_1711 : i32
        %mul3A_1713 = arith.constant 64 : i32
        %mul3A_1714 = arith.muli %add3A_1712, %mul3A_1713 : i32
        %add3A_1715 = arith.constant 0 : i32
        %add3A_1716 = arith.addi %squeeze3A_1708, %add3A_1715 : i32
        %get3A_1717 = arith.index_cast %add3A_1716 : i32 to index
        %get3A_1718 = tpu.vector_load %arg10[%get3A_1717] {strides = array<i32>} : memref<39936xf32, #tpu.memory_space<vmem>>, vector<16xf32>,
        %get3A_1719 = vector.shape_cast %get3A_1718 : vector<16xf32> to vector<16xf32>
        %add3A_1720 = arith.constant 0 : i32
        %add3A_1721 = arith.addi %squeeze3A_1704, %add3A_1720 : i32
        %get3A_1722 = arith.index_cast %add3A_1721 : i32 to index
        %get3A_1723 = tpu.vector_load %arg11[%get3A_1722] {strides = array<i32>} : memref<2176xf32, #tpu.memory_space<vmem>>, vector<16xf32>,
        %get3A_1724 = vector.shape_cast %get3A_1723 : vector<16xf32> to vector<16xf32>
        %add3A_1725 = arith.constant 0 : i32
        %add3A_1726 = arith.addi %squeeze3A_1706, %add3A_1725 : i32
        %get3A_1727 = arith.index_cast %add3A_1726 : i32 to index
        %get3A_1728 = tpu.vector_load %arg11[%get3A_1727] {strides = array<i32>} : memref<2176xf32, #tpu.memory_space<vmem>>, vector<16xf32>,
        %get3A_1729 = vector.shape_cast %get3A_1728 : vector<16xf32> to vector<16xf32>
        %mul3A_1730 = arith.mulf %get3A_1724, %broadcast_in_dim3A_1699 : vector<16xf32>
        %add3A_1731 = arith.addf %get3A_1719, %mul3A_1730 : vector<16xf32>
        %add3A_1732 = arith.addf %add3A_1731, %get3A_1729 : vector<16xf32>
        %mul3A_1733 = arith.mulf %broadcast_in_dim3A_1702, %get3A_5 : vector<16xf32>
        %mul3A_1734 = arith.mulf %add3A_1732, %mul3A_1733 : vector<16xf32>
        %add3A_1735 = arith.addf %mul3A_1734, %get3A_17 : vector<16xf32>
        %add3A_1736 = arith.constant 0 : i32
        %add3A_1737 = arith.addi %mul3A_1714, %add3A_1736 : i32
        %swap3A_1738 = arith.index_cast %add3A_1737 : i32 to index
        %swap3A_1739 = tpu.vector_load %arg17[%swap3A_1738] {strides = array<i32>} : memref<16384xf32, #tpu.memory_space<vmem>>, vector<16xf32>,
        %swap3A_1740 = vector.shape_cast %swap3A_1739 : vector<16xf32> to vector<16xf32>
        %swap3A_1741 = vector.shape_cast %add3A_1735 : vector<16xf32> to vector<16xf32>
        tpu.vector_store %arg17[%swap3A_1738], %swap3A_1741 {strides = array<i32>} : memref<16384xf32, #tpu.memory_space<vmem>>, vector<16xf32>,
        %add3A_1742 = arith.constant 16 : i32
        %add3A_1743 = arith.addi %squeeze3A_1708, %add3A_1742 : i32
        %get3A_1744 = arith.index_cast %add3A_1743 : i32 to index
        %get3A_1745 = tpu.vector_load %arg10[%get3A_1744] {strides = array<i32>} : memref<39936xf32, #tpu.memory_space<vmem>>, vector<16xf32>,
        %get3A_1746 = vector.shape_cast %get3A_1745 : vector<16xf32> to vector<16xf32>
        %add3A_1747 = arith.constant 16 : i32
        %add3A_1748 = arith.addi %squeeze3A_1704, %add3A_1747 : i32
        %get3A_1749 = arith.index_cast %add3A_1748 : i32 to index
        %get3A_1750 = tpu.vector_load %arg11[%get3A_1749] {strides = array<i32>} : memref<2176xf32, #tpu.memory_space<vmem>>, vector<16xf32>,
        %get3A_1751 = vector.shape_cast %get3A_1750 : vector<16xf32> to vector<16xf32>
        %add3A_1752 = arith.constant 16 : i32
        %add3A_1753 = arith.addi %squeeze3A_1706, %add3A_1752 : i32
        %get3A_1754 = arith.index_cast %add3A_1753 : i32 to index
        %get3A_1755 = tpu.vector_load %arg11[%get3A_1754] {strides = array<i32>} : memref<2176xf32, #tpu.memory_space<vmem>>, vector<16xf32>,
        %get3A_1756 = vector.shape_cast %get3A_1755 : vector<16xf32> to vector<16xf32>
        %mul3A_1757 = arith.mulf %get3A_1751, %broadcast_in_dim3A_1699 : vector<16xf32>
        %add3A_1758 = arith.addf %get3A_1746, %mul3A_1757 : vector<16xf32>
        %add3A_1759 = arith.addf %add3A_1758, %get3A_1756 : vector<16xf32>
        %mul3A_1760 = arith.mulf %broadcast_in_dim3A_1702, %get3A_8 : vector<16xf32>
        %mul3A_1761 = arith.mulf %add3A_1759, %mul3A_1760 : vector<16xf32>
        %add3A_1762 = arith.addf %mul3A_1761, %get3A_20 : vector<16xf32>
        %add3A_1763 = arith.constant 16 : i32
        %add3A_1764 = arith.addi %mul3A_1714, %add3A_1763 : i32
        %swap3A_1765 = arith.index_cast %add3A_1764 : i32 to index
        %swap3A_1766 = tpu.vector_load %arg17[%swap3A_1765] {strides = array<i32>} : memref<16384xf32, #tpu.memory_space<vmem>>, vector<16xf32>,
        %swap3A_1767 = vector.shape_cast %swap3A_1766 : vector<16xf32> to vector<16xf32>
        %swap3A_1768 = vector.shape_cast %add3A_1762 : vector<16xf32> to vector<16xf32>
        tpu.vector_store %arg17[%swap3A_1765], %swap3A_1768 {strides = array<i32>} : memref<16384xf32, #tpu.memory_space<vmem>>, vector<16xf32>,
        %add3A_1769 = arith.constant 32 : i32
        %add3A_1770 = arith.addi %squeeze3A_1708, %add3A_1769 : i32
        %get3A_1771 = arith.index_cast %add3A_1770 : i32 to index
        %get3A_1772 = tpu.vector_load %arg10[%get3A_1771] {strides = array<i32>} : memref<39936xf32, #tpu.memory_space<vmem>>, vector<16xf32>,
        %get3A_1773 = vector.shape_cast %get3A_1772 : vector<16xf32> to vector<16xf32>
        %add3A_1774 = arith.constant 32 : i32
        %add3A_1775 = arith.addi %squeeze3A_1704, %add3A_1774 : i32
        %get3A_1776 = arith.index_cast %add3A_1775 : i32 to index
        %get3A_1777 = tpu.vector_load %arg11[%get3A_1776] {strides = array<i32>} : memref<2176xf32, #tpu.memory_space<vmem>>, vector<16xf32>,
        %get3A_1778 = vector.shape_cast %get3A_1777 : vector<16xf32> to vector<16xf32>
        %add3A_1779 = arith.constant 32 : i32
        %add3A_1780 = arith.addi %squeeze3A_1706, %add3A_1779 : i32
        %get3A_1781 = arith.index_cast %add3A_1780 : i32 to index
        %get3A_1782 = tpu.vector_load %arg11[%get3A_1781] {strides = array<i32>} : memref<2176xf32, #tpu.memory_space<vmem>>, vector<16xf32>,
        %get3A_1783 = vector.shape_cast %get3A_1782 : vector<16xf32> to vector<16xf32>
        %mul3A_1784 = arith.mulf %get3A_1778, %broadcast_in_dim3A_1699 : vector<16xf32>
        %add3A_1785 = arith.addf %get3A_1773, %mul3A_1784 : vector<16xf32>
        %add3A_1786 = arith.addf %add3A_1785, %get3A_1783 : vector<16xf32>
        %mul3A_1787 = arith.mulf %broadcast_in_dim3A_1702, %get3A_11 : vector<16xf32>
        %mul3A_1788 = arith.mulf %add3A_1786, %mul3A_1787 : vector<16xf32>
        %add3A_1789 = arith.addf %mul3A_1788, %get3A_23 : vector<16xf32>
        %add3A_1790 = arith.constant 32 : i32
        %add3A_1791 = arith.addi %mul3A_1714, %add3A_1790 : i32
        %swap3A_1792 = arith.index_cast %add3A_1791 : i32 to index
        %swap3A_1793 = tpu.vector_load %arg17[%swap3A_1792] {strides = array<i32>} : memref<16384xf32, #tpu.memory_space<vmem>>, vector<16xf32>,
        %swap3A_1794 = vector.shape_cast %swap3A_1793 : vector<16xf32> to vector<16xf32>
        %swap3A_1795 = vector.shape_cast %add3A_1789 : vector<16xf32> to vector<16xf32>
        tpu.vector_store %arg17[%swap3A_1792], %swap3A_1795 {strides = array<i32>} : memref<16384xf32, #tpu.memory_space<vmem>>, vector<16xf32>,
        %add3A_1796 = arith.constant 48 : i32
        %add3A_1797 = arith.addi %squeeze3A_1708, %add3A_1796 : i32
        %get3A_1798 = arith.index_cast %add3A_1797 : i32 to index
        %get3A_1799 = tpu.vector_load %arg10[%get3A_1798] {strides = array<i32>} : memref<39936xf32, #tpu.memory_space<vmem>>, vector<16xf32>,
        %get3A_1800 = vector.shape_cast %get3A_1799 : vector<16xf32> to vector<16xf32>
        %add3A_1801 = arith.constant 48 : i32
        %add3A_1802 = arith.addi %squeeze3A_1704, %add3A_1801 : i32
        %get3A_1803 = arith.index_cast %add3A_1802 : i32 to index
        %get3A_1804 = tpu.vector_load %arg11[%get3A_1803] {strides = array<i32>} : memref<2176xf32, #tpu.memory_space<vmem>>, vector<16xf32>,
        %get3A_1805 = vector.shape_cast %get3A_1804 : vector<16xf32> to vector<16xf32>
        %add3A_1806 = arith.constant 48 : i32
        %add3A_1807 = arith.addi %squeeze3A_1706, %add3A_1806 : i32
        %get3A_1808 = arith.index_cast %add3A_1807 : i32 to index
        %get3A_1809 = tpu.vector_load %arg11[%get3A_1808] {strides = array<i32>} : memref<2176xf32, #tpu.memory_space<vmem>>, vector<16xf32>,
        %get3A_1810 = vector.shape_cast %get3A_1809 : vector<16xf32> to vector<16xf32>
        %mul3A_1811 = arith.mulf %get3A_1805, %broadcast_in_dim3A_1699 : vector<16xf32>
        %add3A_1812 = arith.addf %get3A_1800, %mul3A_1811 : vector<16xf32>
        %add3A_1813 = arith.addf %add3A_1812, %get3A_1810 : vector<16xf32>
        %mul3A_1814 = arith.mulf %broadcast_in_dim3A_1702, %get3A_14 : vector<16xf32>
        %mul3A_1815 = arith.mulf %add3A_1813, %mul3A_1814 : vector<16xf32>
        %add3A_1816 = arith.addf %mul3A_1815, %get3A_26 : vector<16xf32>
        %add3A_1817 = arith.constant 48 : i32
        %add3A_1818 = arith.addi %mul3A_1714, %add3A_1817 : i32
        %swap3A_1819 = arith.index_cast %add3A_1818 : i32 to index
        %swap3A_1820 = tpu.vector_load %arg17[%swap3A_1819] {strides = array<i32>} : memref<16384xf32, #tpu.memory_space<vmem>>, vector<16xf32>,
        %swap3A_1821 = vector.shape_cast %swap3A_1820 : vector<16xf32> to vector<16xf32>
        %swap3A_1822 = vector.shape_cast %add3A_1816 : vector<16xf32> to vector<16xf32>
        tpu.vector_store %arg17[%swap3A_1819], %swap3A_1822 {strides = array<i32>} : memref<16384xf32, #tpu.memory_space<vmem>>, vector<16xf32>,
        %slice3A_1823 = vector.extract_strided_slice %get3A_51 {offsets = [9], sizes = [1], strides = [1]} : vector<16xf32> to vector<1xf32>
        %squeeze3A_1824 = vector.extract %slice3A_1823[0] : f32 from vector<1xf32>
        %broadcast_in_dim3A_1825 = vector.broadcast %squeeze3A_1824 : f32 to vector<16xf32>
        %slice3A_1826 = vector.extract_strided_slice %mul3A_689 {offsets = [9], sizes = [1], strides = [1]} : vector<16xf32> to vector<1xf32>
        %squeeze3A_1827 = vector.extract %slice3A_1826[0] : f32 from vector<1xf32>
        %broadcast_in_dim3A_1828 = vector.broadcast %squeeze3A_1827 : f32 to vector<16xf32>
        %slice3A_1829 = vector.extract_strided_slice %mul3A_156 {offsets = [9], sizes = [1], strides = [1]} : vector<16xi32> to vector<1xi32>
        %squeeze3A_1830 = vector.extract %slice3A_1829[0] : i32 from vector<1xi32>
        %slice3A_1831 = vector.extract_strided_slice %add3A_159 {offsets = [9], sizes = [1], strides = [1]} : vector<16xi32> to vector<1xi32>
        %squeeze3A_1832 = vector.extract %slice3A_1831[0] : i32 from vector<1xi32>
        %slice3A_1833 = vector.extract_strided_slice %mul3A_162 {offsets = [9], sizes = [1], strides = [1]} : vector<16xi32> to vector<1xi32>
        %squeeze3A_1834 = vector.extract %slice3A_1833[0] : i32 from vector<1xi32>
        %mul3A_1835 = arith.constant 16 : i32
        %mul3A_1836 = arith.muli %scan3A_46, %mul3A_1835 : i32
        %add3A_1837 = arith.constant 9 : i32
        %add3A_1838 = arith.addi %mul3A_1836, %add3A_1837 : i32
        %mul3A_1839 = arith.constant 64 : i32
        %mul3A_1840 = arith.muli %add3A_1838, %mul3A_1839 : i32
        %add3A_1841 = arith.constant 0 : i32
        %add3A_1842 = arith.addi %squeeze3A_1834, %add3A_1841 : i32
        %get3A_1843 = arith.index_cast %add3A_1842 : i32 to index
        %get3A_1844 = tpu.vector_load %arg10[%get3A_1843] {strides = array<i32>} : memref<39936xf32, #tpu.memory_space<vmem>>, vector<16xf32>,
        %get3A_1845 = vector.shape_cast %get3A_1844 : vector<16xf32> to vector<16xf32>
        %add3A_1846 = arith.constant 0 : i32
        %add3A_1847 = arith.addi %squeeze3A_1830, %add3A_1846 : i32
        %get3A_1848 = arith.index_cast %add3A_1847 : i32 to index
        %get3A_1849 = tpu.vector_load %arg11[%get3A_1848] {strides = array<i32>} : memref<2176xf32, #tpu.memory_space<vmem>>, vector<16xf32>,
        %get3A_1850 = vector.shape_cast %get3A_1849 : vector<16xf32> to vector<16xf32>
        %add3A_1851 = arith.constant 0 : i32
        %add3A_1852 = arith.addi %squeeze3A_1832, %add3A_1851 : i32
        %get3A_1853 = arith.index_cast %add3A_1852 : i32 to index
        %get3A_1854 = tpu.vector_load %arg11[%get3A_1853] {strides = array<i32>} : memref<2176xf32, #tpu.memory_space<vmem>>, vector<16xf32>,
        %get3A_1855 = vector.shape_cast %get3A_1854 : vector<16xf32> to vector<16xf32>
        %mul3A_1856 = arith.mulf %get3A_1850, %broadcast_in_dim3A_1825 : vector<16xf32>
        %add3A_1857 = arith.addf %get3A_1845, %mul3A_1856 : vector<16xf32>
        %add3A_1858 = arith.addf %add3A_1857, %get3A_1855 : vector<16xf32>
        %mul3A_1859 = arith.mulf %broadcast_in_dim3A_1828, %get3A_5 : vector<16xf32>
        %mul3A_1860 = arith.mulf %add3A_1858, %mul3A_1859 : vector<16xf32>
        %add3A_1861 = arith.addf %mul3A_1860, %get3A_17 : vector<16xf32>
        %add3A_1862 = arith.constant 0 : i32
        %add3A_1863 = arith.addi %mul3A_1840, %add3A_1862 : i32
        %swap3A_1864 = arith.index_cast %add3A_1863 : i32 to index
        %swap3A_1865 = tpu.vector_load %arg17[%swap3A_1864] {strides = array<i32>} : memref<16384xf32, #tpu.memory_space<vmem>>, vector<16xf32>,
        %swap3A_1866 = vector.shape_cast %swap3A_1865 : vector<16xf32> to vector<16xf32>
        %swap3A_1867 = vector.shape_cast %add3A_1861 : vector<16xf32> to vector<16xf32>
        tpu.vector_store %arg17[%swap3A_1864], %swap3A_1867 {strides = array<i32>} : memref<16384xf32, #tpu.memory_space<vmem>>, vector<16xf32>,
        %add3A_1868 = arith.constant 16 : i32
        %add3A_1869 = arith.addi %squeeze3A_1834, %add3A_1868 : i32
        %get3A_1870 = arith.index_cast %add3A_1869 : i32 to index
        %get3A_1871 = tpu.vector_load %arg10[%get3A_1870] {strides = array<i32>} : memref<39936xf32, #tpu.memory_space<vmem>>, vector<16xf32>,
        %get3A_1872 = vector.shape_cast %get3A_1871 : vector<16xf32> to vector<16xf32>
        %add3A_1873 = arith.constant 16 : i32
        %add3A_1874 = arith.addi %squeeze3A_1830, %add3A_1873 : i32
        %get3A_1875 = arith.index_cast %add3A_1874 : i32 to index
        %get3A_1876 = tpu.vector_load %arg11[%get3A_1875] {strides = array<i32>} : memref<2176xf32, #tpu.memory_space<vmem>>, vector<16xf32>,
        %get3A_1877 = vector.shape_cast %get3A_1876 : vector<16xf32> to vector<16xf32>
        %add3A_1878 = arith.constant 16 : i32
        %add3A_1879 = arith.addi %squeeze3A_1832, %add3A_1878 : i32
        %get3A_1880 = arith.index_cast %add3A_1879 : i32 to index
        %get3A_1881 = tpu.vector_load %arg11[%get3A_1880] {strides = array<i32>} : memref<2176xf32, #tpu.memory_space<vmem>>, vector<16xf32>,
        %get3A_1882 = vector.shape_cast %get3A_1881 : vector<16xf32> to vector<16xf32>
        %mul3A_1883 = arith.mulf %get3A_1877, %broadcast_in_dim3A_1825 : vector<16xf32>
        %add3A_1884 = arith.addf %get3A_1872, %mul3A_1883 : vector<16xf32>
        %add3A_1885 = arith.addf %add3A_1884, %get3A_1882 : vector<16xf32>
        %mul3A_1886 = arith.mulf %broadcast_in_dim3A_1828, %get3A_8 : vector<16xf32>
        %mul3A_1887 = arith.mulf %add3A_1885, %mul3A_1886 : vector<16xf32>
        %add3A_1888 = arith.addf %mul3A_1887, %get3A_20 : vector<16xf32>
        %add3A_1889 = arith.constant 16 : i32
        %add3A_1890 = arith.addi %mul3A_1840, %add3A_1889 : i32
        %swap3A_1891 = arith.index_cast %add3A_1890 : i32 to index
        %swap3A_1892 = tpu.vector_load %arg17[%swap3A_1891] {strides = array<i32>} : memref<16384xf32, #tpu.memory_space<vmem>>, vector<16xf32>,
        %swap3A_1893 = vector.shape_cast %swap3A_1892 : vector<16xf32> to vector<16xf32>
        %swap3A_1894 = vector.shape_cast %add3A_1888 : vector<16xf32> to vector<16xf32>
        tpu.vector_store %arg17[%swap3A_1891], %swap3A_1894 {strides = array<i32>} : memref<16384xf32, #tpu.memory_space<vmem>>, vector<16xf32>,
        %add3A_1895 = arith.constant 32 : i32
        %add3A_1896 = arith.addi %squeeze3A_1834, %add3A_1895 : i32
        %get3A_1897 = arith.index_cast %add3A_1896 : i32 to index
        %get3A_1898 = tpu.vector_load %arg10[%get3A_1897] {strides = array<i32>} : memref<39936xf32, #tpu.memory_space<vmem>>, vector<16xf32>,
        %get3A_1899 = vector.shape_cast %get3A_1898 : vector<16xf32> to vector<16xf32>
        %add3A_1900 = arith.constant 32 : i32
        %add3A_1901 = arith.addi %squeeze3A_1830, %add3A_1900 : i32
        %get3A_1902 = arith.index_cast %add3A_1901 : i32 to index
        %get3A_1903 = tpu.vector_load %arg11[%get3A_1902] {strides = array<i32>} : memref<2176xf32, #tpu.memory_space<vmem>>, vector<16xf32>,
        %get3A_1904 = vector.shape_cast %get3A_1903 : vector<16xf32> to vector<16xf32>
        %add3A_1905 = arith.constant 32 : i32
        %add3A_1906 = arith.addi %squeeze3A_1832, %add3A_1905 : i32
        %get3A_1907 = arith.index_cast %add3A_1906 : i32 to index
        %get3A_1908 = tpu.vector_load %arg11[%get3A_1907] {strides = array<i32>} : memref<2176xf32, #tpu.memory_space<vmem>>, vector<16xf32>,
        %get3A_1909 = vector.shape_cast %get3A_1908 : vector<16xf32> to vector<16xf32>
        %mul3A_1910 = arith.mulf %get3A_1904, %broadcast_in_dim3A_1825 : vector<16xf32>
        %add3A_1911 = arith.addf %get3A_1899, %mul3A_1910 : vector<16xf32>
        %add3A_1912 = arith.addf %add3A_1911, %get3A_1909 : vector<16xf32>
        %mul3A_1913 = arith.mulf %broadcast_in_dim3A_1828, %get3A_11 : vector<16xf32>
        %mul3A_1914 = arith.mulf %add3A_1912, %mul3A_1913 : vector<16xf32>
        %add3A_1915 = arith.addf %mul3A_1914, %get3A_23 : vector<16xf32>
        %add3A_1916 = arith.constant 32 : i32
        %add3A_1917 = arith.addi %mul3A_1840, %add3A_1916 : i32
        %swap3A_1918 = arith.index_cast %add3A_1917 : i32 to index
        %swap3A_1919 = tpu.vector_load %arg17[%swap3A_1918] {strides = array<i32>} : memref<16384xf32, #tpu.memory_space<vmem>>, vector<16xf32>,
        %swap3A_1920 = vector.shape_cast %swap3A_1919 : vector<16xf32> to vector<16xf32>
        %swap3A_1921 = vector.shape_cast %add3A_1915 : vector<16xf32> to vector<16xf32>
        tpu.vector_store %arg17[%swap3A_1918], %swap3A_1921 {strides = array<i32>} : memref<16384xf32, #tpu.memory_space<vmem>>, vector<16xf32>,
        %add3A_1922 = arith.constant 48 : i32
        %add3A_1923 = arith.addi %squeeze3A_1834, %add3A_1922 : i32
        %get3A_1924 = arith.index_cast %add3A_1923 : i32 to index
        %get3A_1925 = tpu.vector_load %arg10[%get3A_1924] {strides = array<i32>} : memref<39936xf32, #tpu.memory_space<vmem>>, vector<16xf32>,
        %get3A_1926 = vector.shape_cast %get3A_1925 : vector<16xf32> to vector<16xf32>
        %add3A_1927 = arith.constant 48 : i32
        %add3A_1928 = arith.addi %squeeze3A_1830, %add3A_1927 : i32
        %get3A_1929 = arith.index_cast %add3A_1928 : i32 to index
        %get3A_1930 = tpu.vector_load %arg11[%get3A_1929] {strides = array<i32>} : memref<2176xf32, #tpu.memory_space<vmem>>, vector<16xf32>,
        %get3A_1931 = vector.shape_cast %get3A_1930 : vector<16xf32> to vector<16xf32>
        %add3A_1932 = arith.constant 48 : i32
        %add3A_1933 = arith.addi %squeeze3A_1832, %add3A_1932 : i32
        %get3A_1934 = arith.index_cast %add3A_1933 : i32 to index
        %get3A_1935 = tpu.vector_load %arg11[%get3A_1934] {strides = array<i32>} : memref<2176xf32, #tpu.memory_space<vmem>>, vector<16xf32>,
        %get3A_1936 = vector.shape_cast %get3A_1935 : vector<16xf32> to vector<16xf32>
        %mul3A_1937 = arith.mulf %get3A_1931, %broadcast_in_dim3A_1825 : vector<16xf32>
        %add3A_1938 = arith.addf %get3A_1926, %mul3A_1937 : vector<16xf32>
        %add3A_1939 = arith.addf %add3A_1938, %get3A_1936 : vector<16xf32>
        %mul3A_1940 = arith.mulf %broadcast_in_dim3A_1828, %get3A_14 : vector<16xf32>
        %mul3A_1941 = arith.mulf %add3A_1939, %mul3A_1940 : vector<16xf32>
        %add3A_1942 = arith.addf %mul3A_1941, %get3A_26 : vector<16xf32>
        %add3A_1943 = arith.constant 48 : i32
        %add3A_1944 = arith.addi %mul3A_1840, %add3A_1943 : i32
        %swap3A_1945 = arith.index_cast %add3A_1944 : i32 to index
        %swap3A_1946 = tpu.vector_load %arg17[%swap3A_1945] {strides = array<i32>} : memref<16384xf32, #tpu.memory_space<vmem>>, vector<16xf32>,
        %swap3A_1947 = vector.shape_cast %swap3A_1946 : vector<16xf32> to vector<16xf32>
        %swap3A_1948 = vector.shape_cast %add3A_1942 : vector<16xf32> to vector<16xf32>
        tpu.vector_store %arg17[%swap3A_1945], %swap3A_1948 {strides = array<i32>} : memref<16384xf32, #tpu.memory_space<vmem>>, vector<16xf32>,
        %slice3A_1949 = vector.extract_strided_slice %get3A_51 {offsets = [10], sizes = [1], strides = [1]} : vector<16xf32> to vector<1xf32>
        %squeeze3A_1950 = vector.extract %slice3A_1949[0] : f32 from vector<1xf32>
        %broadcast_in_dim3A_1951 = vector.broadcast %squeeze3A_1950 : f32 to vector<16xf32>
        %slice3A_1952 = vector.extract_strided_slice %mul3A_689 {offsets = [10], sizes = [1], strides = [1]} : vector<16xf32> to vector<1xf32>
        %squeeze3A_1953 = vector.extract %slice3A_1952[0] : f32 from vector<1xf32>
        %broadcast_in_dim3A_1954 = vector.broadcast %squeeze3A_1953 : f32 to vector<16xf32>
        %slice3A_1955 = vector.extract_strided_slice %mul3A_156 {offsets = [10], sizes = [1], strides = [1]} : vector<16xi32> to vector<1xi32>
        %squeeze3A_1956 = vector.extract %slice3A_1955[0] : i32 from vector<1xi32>
        %slice3A_1957 = vector.extract_strided_slice %add3A_159 {offsets = [10], sizes = [1], strides = [1]} : vector<16xi32> to vector<1xi32>
        %squeeze3A_1958 = vector.extract %slice3A_1957[0] : i32 from vector<1xi32>
        %slice3A_1959 = vector.extract_strided_slice %mul3A_162 {offsets = [10], sizes = [1], strides = [1]} : vector<16xi32> to vector<1xi32>
        %squeeze3A_1960 = vector.extract %slice3A_1959[0] : i32 from vector<1xi32>
        %mul3A_1961 = arith.constant 16 : i32
        %mul3A_1962 = arith.muli %scan3A_46, %mul3A_1961 : i32
        %add3A_1963 = arith.constant 10 : i32
        %add3A_1964 = arith.addi %mul3A_1962, %add3A_1963 : i32
        %mul3A_1965 = arith.constant 64 : i32
        %mul3A_1966 = arith.muli %add3A_1964, %mul3A_1965 : i32
        %add3A_1967 = arith.constant 0 : i32
        %add3A_1968 = arith.addi %squeeze3A_1960, %add3A_1967 : i32
        %get3A_1969 = arith.index_cast %add3A_1968 : i32 to index
        %get3A_1970 = tpu.vector_load %arg10[%get3A_1969] {strides = array<i32>} : memref<39936xf32, #tpu.memory_space<vmem>>, vector<16xf32>,
        %get3A_1971 = vector.shape_cast %get3A_1970 : vector<16xf32> to vector<16xf32>
        %add3A_1972 = arith.constant 0 : i32
        %add3A_1973 = arith.addi %squeeze3A_1956, %add3A_1972 : i32
        %get3A_1974 = arith.index_cast %add3A_1973 : i32 to index
        %get3A_1975 = tpu.vector_load %arg11[%get3A_1974] {strides = array<i32>} : memref<2176xf32, #tpu.memory_space<vmem>>, vector<16xf32>,
        %get3A_1976 = vector.shape_cast %get3A_1975 : vector<16xf32> to vector<16xf32>
        %add3A_1977 = arith.constant 0 : i32
        %add3A_1978 = arith.addi %squeeze3A_1958, %add3A_1977 : i32
        %get3A_1979 = arith.index_cast %add3A_1978 : i32 to index
        %get3A_1980 = tpu.vector_load %arg11[%get3A_1979] {strides = array<i32>} : memref<2176xf32, #tpu.memory_space<vmem>>, vector<16xf32>,
        %get3A_1981 = vector.shape_cast %get3A_1980 : vector<16xf32> to vector<16xf32>
        %mul3A_1982 = arith.mulf %get3A_1976, %broadcast_in_dim3A_1951 : vector<16xf32>
        %add3A_1983 = arith.addf %get3A_1971, %mul3A_1982 : vector<16xf32>
        %add3A_1984 = arith.addf %add3A_1983, %get3A_1981 : vector<16xf32>
        %mul3A_1985 = arith.mulf %broadcast_in_dim3A_1954, %get3A_5 : vector<16xf32>
        %mul3A_1986 = arith.mulf %add3A_1984, %mul3A_1985 : vector<16xf32>
        %add3A_1987 = arith.addf %mul3A_1986, %get3A_17 : vector<16xf32>
        %add3A_1988 = arith.constant 0 : i32
        %add3A_1989 = arith.addi %mul3A_1966, %add3A_1988 : i32
        %swap3A_1990 = arith.index_cast %add3A_1989 : i32 to index
        %swap3A_1991 = tpu.vector_load %arg17[%swap3A_1990] {strides = array<i32>} : memref<16384xf32, #tpu.memory_space<vmem>>, vector<16xf32>,
        %swap3A_1992 = vector.shape_cast %swap3A_1991 : vector<16xf32> to vector<16xf32>
        %swap3A_1993 = vector.shape_cast %add3A_1987 : vector<16xf32> to vector<16xf32>
        tpu.vector_store %arg17[%swap3A_1990], %swap3A_1993 {strides = array<i32>} : memref<16384xf32, #tpu.memory_space<vmem>>, vector<16xf32>,
        %add3A_1994 = arith.constant 16 : i32
        %add3A_1995 = arith.addi %squeeze3A_1960, %add3A_1994 : i32
        %get3A_1996 = arith.index_cast %add3A_1995 : i32 to index
        %get3A_1997 = tpu.vector_load %arg10[%get3A_1996] {strides = array<i32>} : memref<39936xf32, #tpu.memory_space<vmem>>, vector<16xf32>,
        %get3A_1998 = vector.shape_cast %get3A_1997 : vector<16xf32> to vector<16xf32>
        %add3A_1999 = arith.constant 16 : i32
        %add3A_2000 = arith.addi %squeeze3A_1956, %add3A_1999 : i32
        %get3A_2001 = arith.index_cast %add3A_2000 : i32 to index
        %get3A_2002 = tpu.vector_load %arg11[%get3A_2001] {strides = array<i32>} : memref<2176xf32, #tpu.memory_space<vmem>>, vector<16xf32>,
        %get3A_2003 = vector.shape_cast %get3A_2002 : vector<16xf32> to vector<16xf32>
        %add3A_2004 = arith.constant 16 : i32
        %add3A_2005 = arith.addi %squeeze3A_1958, %add3A_2004 : i32
        %get3A_2006 = arith.index_cast %add3A_2005 : i32 to index
        %get3A_2007 = tpu.vector_load %arg11[%get3A_2006] {strides = array<i32>} : memref<2176xf32, #tpu.memory_space<vmem>>, vector<16xf32>,
        %get3A_2008 = vector.shape_cast %get3A_2007 : vector<16xf32> to vector<16xf32>
        %mul3A_2009 = arith.mulf %get3A_2003, %broadcast_in_dim3A_1951 : vector<16xf32>
        %add3A_2010 = arith.addf %get3A_1998, %mul3A_2009 : vector<16xf32>
        %add3A_2011 = arith.addf %add3A_2010, %get3A_2008 : vector<16xf32>
        %mul3A_2012 = arith.mulf %broadcast_in_dim3A_1954, %get3A_8 : vector<16xf32>
        %mul3A_2013 = arith.mulf %add3A_2011, %mul3A_2012 : vector<16xf32>
        %add3A_2014 = arith.addf %mul3A_2013, %get3A_20 : vector<16xf32>
        %add3A_2015 = arith.constant 16 : i32
        %add3A_2016 = arith.addi %mul3A_1966, %add3A_2015 : i32
        %swap3A_2017 = arith.index_cast %add3A_2016 : i32 to index
        %swap3A_2018 = tpu.vector_load %arg17[%swap3A_2017] {strides = array<i32>} : memref<16384xf32, #tpu.memory_space<vmem>>, vector<16xf32>,
        %swap3A_2019 = vector.shape_cast %swap3A_2018 : vector<16xf32> to vector<16xf32>
        %swap3A_2020 = vector.shape_cast %add3A_2014 : vector<16xf32> to vector<16xf32>
        tpu.vector_store %arg17[%swap3A_2017], %swap3A_2020 {strides = array<i32>} : memref<16384xf32, #tpu.memory_space<vmem>>, vector<16xf32>,
        %add3A_2021 = arith.constant 32 : i32
        %add3A_2022 = arith.addi %squeeze3A_1960, %add3A_2021 : i32
        %get3A_2023 = arith.index_cast %add3A_2022 : i32 to index
        %get3A_2024 = tpu.vector_load %arg10[%get3A_2023] {strides = array<i32>} : memref<39936xf32, #tpu.memory_space<vmem>>, vector<16xf32>,
        %get3A_2025 = vector.shape_cast %get3A_2024 : vector<16xf32> to vector<16xf32>
        %add3A_2026 = arith.constant 32 : i32
        %add3A_2027 = arith.addi %squeeze3A_1956, %add3A_2026 : i32
        %get3A_2028 = arith.index_cast %add3A_2027 : i32 to index
        %get3A_2029 = tpu.vector_load %arg11[%get3A_2028] {strides = array<i32>} : memref<2176xf32, #tpu.memory_space<vmem>>, vector<16xf32>,
        %get3A_2030 = vector.shape_cast %get3A_2029 : vector<16xf32> to vector<16xf32>
        %add3A_2031 = arith.constant 32 : i32
        %add3A_2032 = arith.addi %squeeze3A_1958, %add3A_2031 : i32
        %get3A_2033 = arith.index_cast %add3A_2032 : i32 to index
        %get3A_2034 = tpu.vector_load %arg11[%get3A_2033] {strides = array<i32>} : memref<2176xf32, #tpu.memory_space<vmem>>, vector<16xf32>,
        %get3A_2035 = vector.shape_cast %get3A_2034 : vector<16xf32> to vector<16xf32>
        %mul3A_2036 = arith.mulf %get3A_2030, %broadcast_in_dim3A_1951 : vector<16xf32>
        %add3A_2037 = arith.addf %get3A_2025, %mul3A_2036 : vector<16xf32>
        %add3A_2038 = arith.addf %add3A_2037, %get3A_2035 : vector<16xf32>
        %mul3A_2039 = arith.mulf %broadcast_in_dim3A_1954, %get3A_11 : vector<16xf32>
        %mul3A_2040 = arith.mulf %add3A_2038, %mul3A_2039 : vector<16xf32>
        %add3A_2041 = arith.addf %mul3A_2040, %get3A_23 : vector<16xf32>
        %add3A_2042 = arith.constant 32 : i32
        %add3A_2043 = arith.addi %mul3A_1966, %add3A_2042 : i32
        %swap3A_2044 = arith.index_cast %add3A_2043 : i32 to index
        %swap3A_2045 = tpu.vector_load %arg17[%swap3A_2044] {strides = array<i32>} : memref<16384xf32, #tpu.memory_space<vmem>>, vector<16xf32>,
        %swap3A_2046 = vector.shape_cast %swap3A_2045 : vector<16xf32> to vector<16xf32>
        %swap3A_2047 = vector.shape_cast %add3A_2041 : vector<16xf32> to vector<16xf32>
        tpu.vector_store %arg17[%swap3A_2044], %swap3A_2047 {strides = array<i32>} : memref<16384xf32, #tpu.memory_space<vmem>>, vector<16xf32>,
        %add3A_2048 = arith.constant 48 : i32
        %add3A_2049 = arith.addi %squeeze3A_1960, %add3A_2048 : i32
        %get3A_2050 = arith.index_cast %add3A_2049 : i32 to index
        %get3A_2051 = tpu.vector_load %arg10[%get3A_2050] {strides = array<i32>} : memref<39936xf32, #tpu.memory_space<vmem>>, vector<16xf32>,
        %get3A_2052 = vector.shape_cast %get3A_2051 : vector<16xf32> to vector<16xf32>
        %add3A_2053 = arith.constant 48 : i32
        %add3A_2054 = arith.addi %squeeze3A_1956, %add3A_2053 : i32
        %get3A_2055 = arith.index_cast %add3A_2054 : i32 to index
        %get3A_2056 = tpu.vector_load %arg11[%get3A_2055] {strides = array<i32>} : memref<2176xf32, #tpu.memory_space<vmem>>, vector<16xf32>,
        %get3A_2057 = vector.shape_cast %get3A_2056 : vector<16xf32> to vector<16xf32>
        %add3A_2058 = arith.constant 48 : i32
        %add3A_2059 = arith.addi %squeeze3A_1958, %add3A_2058 : i32
        %get3A_2060 = arith.index_cast %add3A_2059 : i32 to index
        %get3A_2061 = tpu.vector_load %arg11[%get3A_2060] {strides = array<i32>} : memref<2176xf32, #tpu.memory_space<vmem>>, vector<16xf32>,
        %get3A_2062 = vector.shape_cast %get3A_2061 : vector<16xf32> to vector<16xf32>
        %mul3A_2063 = arith.mulf %get3A_2057, %broadcast_in_dim3A_1951 : vector<16xf32>
        %add3A_2064 = arith.addf %get3A_2052, %mul3A_2063 : vector<16xf32>
        %add3A_2065 = arith.addf %add3A_2064, %get3A_2062 : vector<16xf32>
        %mul3A_2066 = arith.mulf %broadcast_in_dim3A_1954, %get3A_14 : vector<16xf32>
        %mul3A_2067 = arith.mulf %add3A_2065, %mul3A_2066 : vector<16xf32>
        %add3A_2068 = arith.addf %mul3A_2067, %get3A_26 : vector<16xf32>
        %add3A_2069 = arith.constant 48 : i32
        %add3A_2070 = arith.addi %mul3A_1966, %add3A_2069 : i32
        %swap3A_2071 = arith.index_cast %add3A_2070 : i32 to index
        %swap3A_2072 = tpu.vector_load %arg17[%swap3A_2071] {strides = array<i32>} : memref<16384xf32, #tpu.memory_space<vmem>>, vector<16xf32>,
        %swap3A_2073 = vector.shape_cast %swap3A_2072 : vector<16xf32> to vector<16xf32>
        %swap3A_2074 = vector.shape_cast %add3A_2068 : vector<16xf32> to vector<16xf32>
        tpu.vector_store %arg17[%swap3A_2071], %swap3A_2074 {strides = array<i32>} : memref<16384xf32, #tpu.memory_space<vmem>>, vector<16xf32>,
        %slice3A_2075 = vector.extract_strided_slice %get3A_51 {offsets = [11], sizes = [1], strides = [1]} : vector<16xf32> to vector<1xf32>
        %squeeze3A_2076 = vector.extract %slice3A_2075[0] : f32 from vector<1xf32>
        %broadcast_in_dim3A_2077 = vector.broadcast %squeeze3A_2076 : f32 to vector<16xf32>
        %slice3A_2078 = vector.extract_strided_slice %mul3A_689 {offsets = [11], sizes = [1], strides = [1]} : vector<16xf32> to vector<1xf32>
        %squeeze3A_2079 = vector.extract %slice3A_2078[0] : f32 from vector<1xf32>
        %broadcast_in_dim3A_2080 = vector.broadcast %squeeze3A_2079 : f32 to vector<16xf32>
        %slice3A_2081 = vector.extract_strided_slice %mul3A_156 {offsets = [11], sizes = [1], strides = [1]} : vector<16xi32> to vector<1xi32>
        %squeeze3A_2082 = vector.extract %slice3A_2081[0] : i32 from vector<1xi32>
        %slice3A_2083 = vector.extract_strided_slice %add3A_159 {offsets = [11], sizes = [1], strides = [1]} : vector<16xi32> to vector<1xi32>
        %squeeze3A_2084 = vector.extract %slice3A_2083[0] : i32 from vector<1xi32>
        %slice3A_2085 = vector.extract_strided_slice %mul3A_162 {offsets = [11], sizes = [1], strides = [1]} : vector<16xi32> to vector<1xi32>
        %squeeze3A_2086 = vector.extract %slice3A_2085[0] : i32 from vector<1xi32>
        %mul3A_2087 = arith.constant 16 : i32
        %mul3A_2088 = arith.muli %scan3A_46, %mul3A_2087 : i32
        %add3A_2089 = arith.constant 11 : i32
        %add3A_2090 = arith.addi %mul3A_2088, %add3A_2089 : i32
        %mul3A_2091 = arith.constant 64 : i32
        %mul3A_2092 = arith.muli %add3A_2090, %mul3A_2091 : i32
        %add3A_2093 = arith.constant 0 : i32
        %add3A_2094 = arith.addi %squeeze3A_2086, %add3A_2093 : i32
        %get3A_2095 = arith.index_cast %add3A_2094 : i32 to index
        %get3A_2096 = tpu.vector_load %arg10[%get3A_2095] {strides = array<i32>} : memref<39936xf32, #tpu.memory_space<vmem>>, vector<16xf32>,
        %get3A_2097 = vector.shape_cast %get3A_2096 : vector<16xf32> to vector<16xf32>
        %add3A_2098 = arith.constant 0 : i32
        %add3A_2099 = arith.addi %squeeze3A_2082, %add3A_2098 : i32
        %get3A_2100 = arith.index_cast %add3A_2099 : i32 to index
        %get3A_2101 = tpu.vector_load %arg11[%get3A_2100] {strides = array<i32>} : memref<2176xf32, #tpu.memory_space<vmem>>, vector<16xf32>,
        %get3A_2102 = vector.shape_cast %get3A_2101 : vector<16xf32> to vector<16xf32>
        %add3A_2103 = arith.constant 0 : i32
        %add3A_2104 = arith.addi %squeeze3A_2084, %add3A_2103 : i32
        %get3A_2105 = arith.index_cast %add3A_2104 : i32 to index
        %get3A_2106 = tpu.vector_load %arg11[%get3A_2105] {strides = array<i32>} : memref<2176xf32, #tpu.memory_space<vmem>>, vector<16xf32>,
        %get3A_2107 = vector.shape_cast %get3A_2106 : vector<16xf32> to vector<16xf32>
        %mul3A_2108 = arith.mulf %get3A_2102, %broadcast_in_dim3A_2077 : vector<16xf32>
        %add3A_2109 = arith.addf %get3A_2097, %mul3A_2108 : vector<16xf32>
        %add3A_2110 = arith.addf %add3A_2109, %get3A_2107 : vector<16xf32>
        %mul3A_2111 = arith.mulf %broadcast_in_dim3A_2080, %get3A_5 : vector<16xf32>
        %mul3A_2112 = arith.mulf %add3A_2110, %mul3A_2111 : vector<16xf32>
        %add3A_2113 = arith.addf %mul3A_2112, %get3A_17 : vector<16xf32>
        %add3A_2114 = arith.constant 0 : i32
        %add3A_2115 = arith.addi %mul3A_2092, %add3A_2114 : i32
        %swap3A_2116 = arith.index_cast %add3A_2115 : i32 to index
        %swap3A_2117 = tpu.vector_load %arg17[%swap3A_2116] {strides = array<i32>} : memref<16384xf32, #tpu.memory_space<vmem>>, vector<16xf32>,
        %swap3A_2118 = vector.shape_cast %swap3A_2117 : vector<16xf32> to vector<16xf32>
        %swap3A_2119 = vector.shape_cast %add3A_2113 : vector<16xf32> to vector<16xf32>
        tpu.vector_store %arg17[%swap3A_2116], %swap3A_2119 {strides = array<i32>} : memref<16384xf32, #tpu.memory_space<vmem>>, vector<16xf32>,
        %add3A_2120 = arith.constant 16 : i32
        %add3A_2121 = arith.addi %squeeze3A_2086, %add3A_2120 : i32
        %get3A_2122 = arith.index_cast %add3A_2121 : i32 to index
        %get3A_2123 = tpu.vector_load %arg10[%get3A_2122] {strides = array<i32>} : memref<39936xf32, #tpu.memory_space<vmem>>, vector<16xf32>,
        %get3A_2124 = vector.shape_cast %get3A_2123 : vector<16xf32> to vector<16xf32>
        %add3A_2125 = arith.constant 16 : i32
        %add3A_2126 = arith.addi %squeeze3A_2082, %add3A_2125 : i32
        %get3A_2127 = arith.index_cast %add3A_2126 : i32 to index
        %get3A_2128 = tpu.vector_load %arg11[%get3A_2127] {strides = array<i32>} : memref<2176xf32, #tpu.memory_space<vmem>>, vector<16xf32>,
        %get3A_2129 = vector.shape_cast %get3A_2128 : vector<16xf32> to vector<16xf32>
        %add3A_2130 = arith.constant 16 : i32
        %add3A_2131 = arith.addi %squeeze3A_2084, %add3A_2130 : i32
        %get3A_2132 = arith.index_cast %add3A_2131 : i32 to index
        %get3A_2133 = tpu.vector_load %arg11[%get3A_2132] {strides = array<i32>} : memref<2176xf32, #tpu.memory_space<vmem>>, vector<16xf32>,
        %get3A_2134 = vector.shape_cast %get3A_2133 : vector<16xf32> to vector<16xf32>
        %mul3A_2135 = arith.mulf %get3A_2129, %broadcast_in_dim3A_2077 : vector<16xf32>
        %add3A_2136 = arith.addf %get3A_2124, %mul3A_2135 : vector<16xf32>
        %add3A_2137 = arith.addf %add3A_2136, %get3A_2134 : vector<16xf32>
        %mul3A_2138 = arith.mulf %broadcast_in_dim3A_2080, %get3A_8 : vector<16xf32>
        %mul3A_2139 = arith.mulf %add3A_2137, %mul3A_2138 : vector<16xf32>
        %add3A_2140 = arith.addf %mul3A_2139, %get3A_20 : vector<16xf32>
        %add3A_2141 = arith.constant 16 : i32
        %add3A_2142 = arith.addi %mul3A_2092, %add3A_2141 : i32
        %swap3A_2143 = arith.index_cast %add3A_2142 : i32 to index
        %swap3A_2144 = tpu.vector_load %arg17[%swap3A_2143] {strides = array<i32>} : memref<16384xf32, #tpu.memory_space<vmem>>, vector<16xf32>,
        %swap3A_2145 = vector.shape_cast %swap3A_2144 : vector<16xf32> to vector<16xf32>
        %swap3A_2146 = vector.shape_cast %add3A_2140 : vector<16xf32> to vector<16xf32>
        tpu.vector_store %arg17[%swap3A_2143], %swap3A_2146 {strides = array<i32>} : memref<16384xf32, #tpu.memory_space<vmem>>, vector<16xf32>,
        %add3A_2147 = arith.constant 32 : i32
        %add3A_2148 = arith.addi %squeeze3A_2086, %add3A_2147 : i32
        %get3A_2149 = arith.index_cast %add3A_2148 : i32 to index
        %get3A_2150 = tpu.vector_load %arg10[%get3A_2149] {strides = array<i32>} : memref<39936xf32, #tpu.memory_space<vmem>>, vector<16xf32>,
        %get3A_2151 = vector.shape_cast %get3A_2150 : vector<16xf32> to vector<16xf32>
        %add3A_2152 = arith.constant 32 : i32
        %add3A_2153 = arith.addi %squeeze3A_2082, %add3A_2152 : i32
        %get3A_2154 = arith.index_cast %add3A_2153 : i32 to index
        %get3A_2155 = tpu.vector_load %arg11[%get3A_2154] {strides = array<i32>} : memref<2176xf32, #tpu.memory_space<vmem>>, vector<16xf32>,
        %get3A_2156 = vector.shape_cast %get3A_2155 : vector<16xf32> to vector<16xf32>
        %add3A_2157 = arith.constant 32 : i32
        %add3A_2158 = arith.addi %squeeze3A_2084, %add3A_2157 : i32
        %get3A_2159 = arith.index_cast %add3A_2158 : i32 to index
        %get3A_2160 = tpu.vector_load %arg11[%get3A_2159] {strides = array<i32>} : memref<2176xf32, #tpu.memory_space<vmem>>, vector<16xf32>,
        %get3A_2161 = vector.shape_cast %get3A_2160 : vector<16xf32> to vector<16xf32>
        %mul3A_2162 = arith.mulf %get3A_2156, %broadcast_in_dim3A_2077 : vector<16xf32>
        %add3A_2163 = arith.addf %get3A_2151, %mul3A_2162 : vector<16xf32>
        %add3A_2164 = arith.addf %add3A_2163, %get3A_2161 : vector<16xf32>
        %mul3A_2165 = arith.mulf %broadcast_in_dim3A_2080, %get3A_11 : vector<16xf32>
        %mul3A_2166 = arith.mulf %add3A_2164, %mul3A_2165 : vector<16xf32>
        %add3A_2167 = arith.addf %mul3A_2166, %get3A_23 : vector<16xf32>
        %add3A_2168 = arith.constant 32 : i32
        %add3A_2169 = arith.addi %mul3A_2092, %add3A_2168 : i32
        %swap3A_2170 = arith.index_cast %add3A_2169 : i32 to index
        %swap3A_2171 = tpu.vector_load %arg17[%swap3A_2170] {strides = array<i32>} : memref<16384xf32, #tpu.memory_space<vmem>>, vector<16xf32>,
        %swap3A_2172 = vector.shape_cast %swap3A_2171 : vector<16xf32> to vector<16xf32>
        %swap3A_2173 = vector.shape_cast %add3A_2167 : vector<16xf32> to vector<16xf32>
        tpu.vector_store %arg17[%swap3A_2170], %swap3A_2173 {strides = array<i32>} : memref<16384xf32, #tpu.memory_space<vmem>>, vector<16xf32>,
        %add3A_2174 = arith.constant 48 : i32
        %add3A_2175 = arith.addi %squeeze3A_2086, %add3A_2174 : i32
        %get3A_2176 = arith.index_cast %add3A_2175 : i32 to index
        %get3A_2177 = tpu.vector_load %arg10[%get3A_2176] {strides = array<i32>} : memref<39936xf32, #tpu.memory_space<vmem>>, vector<16xf32>,
        %get3A_2178 = vector.shape_cast %get3A_2177 : vector<16xf32> to vector<16xf32>
        %add3A_2179 = arith.constant 48 : i32
        %add3A_2180 = arith.addi %squeeze3A_2082, %add3A_2179 : i32
        %get3A_2181 = arith.index_cast %add3A_2180 : i32 to index
        %get3A_2182 = tpu.vector_load %arg11[%get3A_2181] {strides = array<i32>} : memref<2176xf32, #tpu.memory_space<vmem>>, vector<16xf32>,
        %get3A_2183 = vector.shape_cast %get3A_2182 : vector<16xf32> to vector<16xf32>
        %add3A_2184 = arith.constant 48 : i32
        %add3A_2185 = arith.addi %squeeze3A_2084, %add3A_2184 : i32
        %get3A_2186 = arith.index_cast %add3A_2185 : i32 to index
        %get3A_2187 = tpu.vector_load %arg11[%get3A_2186] {strides = array<i32>} : memref<2176xf32, #tpu.memory_space<vmem>>, vector<16xf32>,
        %get3A_2188 = vector.shape_cast %get3A_2187 : vector<16xf32> to vector<16xf32>
        %mul3A_2189 = arith.mulf %get3A_2183, %broadcast_in_dim3A_2077 : vector<16xf32>
        %add3A_2190 = arith.addf %get3A_2178, %mul3A_2189 : vector<16xf32>
        %add3A_2191 = arith.addf %add3A_2190, %get3A_2188 : vector<16xf32>
        %mul3A_2192 = arith.mulf %broadcast_in_dim3A_2080, %get3A_14 : vector<16xf32>
        %mul3A_2193 = arith.mulf %add3A_2191, %mul3A_2192 : vector<16xf32>
        %add3A_2194 = arith.addf %mul3A_2193, %get3A_26 : vector<16xf32>
        %add3A_2195 = arith.constant 48 : i32
        %add3A_2196 = arith.addi %mul3A_2092, %add3A_2195 : i32
        %swap3A_2197 = arith.index_cast %add3A_2196 : i32 to index
        %swap3A_2198 = tpu.vector_load %arg17[%swap3A_2197] {strides = array<i32>} : memref<16384xf32, #tpu.memory_space<vmem>>, vector<16xf32>,
        %swap3A_2199 = vector.shape_cast %swap3A_2198 : vector<16xf32> to vector<16xf32>
        %swap3A_2200 = vector.shape_cast %add3A_2194 : vector<16xf32> to vector<16xf32>
        tpu.vector_store %arg17[%swap3A_2197], %swap3A_2200 {strides = array<i32>} : memref<16384xf32, #tpu.memory_space<vmem>>, vector<16xf32>,
        %slice3A_2201 = vector.extract_strided_slice %get3A_51 {offsets = [12], sizes = [1], strides = [1]} : vector<16xf32> to vector<1xf32>
        %squeeze3A_2202 = vector.extract %slice3A_2201[0] : f32 from vector<1xf32>
        %broadcast_in_dim3A_2203 = vector.broadcast %squeeze3A_2202 : f32 to vector<16xf32>
        %slice3A_2204 = vector.extract_strided_slice %mul3A_689 {offsets = [12], sizes = [1], strides = [1]} : vector<16xf32> to vector<1xf32>
        %squeeze3A_2205 = vector.extract %slice3A_2204[0] : f32 from vector<1xf32>
        %broadcast_in_dim3A_2206 = vector.broadcast %squeeze3A_2205 : f32 to vector<16xf32>
        %slice3A_2207 = vector.extract_strided_slice %mul3A_156 {offsets = [12], sizes = [1], strides = [1]} : vector<16xi32> to vector<1xi32>
        %squeeze3A_2208 = vector.extract %slice3A_2207[0] : i32 from vector<1xi32>
        %slice3A_2209 = vector.extract_strided_slice %add3A_159 {offsets = [12], sizes = [1], strides = [1]} : vector<16xi32> to vector<1xi32>
        %squeeze3A_2210 = vector.extract %slice3A_2209[0] : i32 from vector<1xi32>
        %slice3A_2211 = vector.extract_strided_slice %mul3A_162 {offsets = [12], sizes = [1], strides = [1]} : vector<16xi32> to vector<1xi32>
        %squeeze3A_2212 = vector.extract %slice3A_2211[0] : i32 from vector<1xi32>
        %mul3A_2213 = arith.constant 16 : i32
        %mul3A_2214 = arith.muli %scan3A_46, %mul3A_2213 : i32
        %add3A_2215 = arith.constant 12 : i32
        %add3A_2216 = arith.addi %mul3A_2214, %add3A_2215 : i32
        %mul3A_2217 = arith.constant 64 : i32
        %mul3A_2218 = arith.muli %add3A_2216, %mul3A_2217 : i32
        %add3A_2219 = arith.constant 0 : i32
        %add3A_2220 = arith.addi %squeeze3A_2212, %add3A_2219 : i32
        %get3A_2221 = arith.index_cast %add3A_2220 : i32 to index
        %get3A_2222 = tpu.vector_load %arg10[%get3A_2221] {strides = array<i32>} : memref<39936xf32, #tpu.memory_space<vmem>>, vector<16xf32>,
        %get3A_2223 = vector.shape_cast %get3A_2222 : vector<16xf32> to vector<16xf32>
        %add3A_2224 = arith.constant 0 : i32
        %add3A_2225 = arith.addi %squeeze3A_2208, %add3A_2224 : i32
        %get3A_2226 = arith.index_cast %add3A_2225 : i32 to index
        %get3A_2227 = tpu.vector_load %arg11[%get3A_2226] {strides = array<i32>} : memref<2176xf32, #tpu.memory_space<vmem>>, vector<16xf32>,
        %get3A_2228 = vector.shape_cast %get3A_2227 : vector<16xf32> to vector<16xf32>
        %add3A_2229 = arith.constant 0 : i32
        %add3A_2230 = arith.addi %squeeze3A_2210, %add3A_2229 : i32
        %get3A_2231 = arith.index_cast %add3A_2230 : i32 to index
        %get3A_2232 = tpu.vector_load %arg11[%get3A_2231] {strides = array<i32>} : memref<2176xf32, #tpu.memory_space<vmem>>, vector<16xf32>,
        %get3A_2233 = vector.shape_cast %get3A_2232 : vector<16xf32> to vector<16xf32>
        %mul3A_2234 = arith.mulf %get3A_2228, %broadcast_in_dim3A_2203 : vector<16xf32>
        %add3A_2235 = arith.addf %get3A_2223, %mul3A_2234 : vector<16xf32>
        %add3A_2236 = arith.addf %add3A_2235, %get3A_2233 : vector<16xf32>
        %mul3A_2237 = arith.mulf %broadcast_in_dim3A_2206, %get3A_5 : vector<16xf32>
        %mul3A_2238 = arith.mulf %add3A_2236, %mul3A_2237 : vector<16xf32>
        %add3A_2239 = arith.addf %mul3A_2238, %get3A_17 : vector<16xf32>
        %add3A_2240 = arith.constant 0 : i32
        %add3A_2241 = arith.addi %mul3A_2218, %add3A_2240 : i32
        %swap3A_2242 = arith.index_cast %add3A_2241 : i32 to index
        %swap3A_2243 = tpu.vector_load %arg17[%swap3A_2242] {strides = array<i32>} : memref<16384xf32, #tpu.memory_space<vmem>>, vector<16xf32>,
        %swap3A_2244 = vector.shape_cast %swap3A_2243 : vector<16xf32> to vector<16xf32>
        %swap3A_2245 = vector.shape_cast %add3A_2239 : vector<16xf32> to vector<16xf32>
        tpu.vector_store %arg17[%swap3A_2242], %swap3A_2245 {strides = array<i32>} : memref<16384xf32, #tpu.memory_space<vmem>>, vector<16xf32>,
        %add3A_2246 = arith.constant 16 : i32
        %add3A_2247 = arith.addi %squeeze3A_2212, %add3A_2246 : i32
        %get3A_2248 = arith.index_cast %add3A_2247 : i32 to index
        %get3A_2249 = tpu.vector_load %arg10[%get3A_2248] {strides = array<i32>} : memref<39936xf32, #tpu.memory_space<vmem>>, vector<16xf32>,
        %get3A_2250 = vector.shape_cast %get3A_2249 : vector<16xf32> to vector<16xf32>
        %add3A_2251 = arith.constant 16 : i32
        %add3A_2252 = arith.addi %squeeze3A_2208, %add3A_2251 : i32
        %get3A_2253 = arith.index_cast %add3A_2252 : i32 to index
        %get3A_2254 = tpu.vector_load %arg11[%get3A_2253] {strides = array<i32>} : memref<2176xf32, #tpu.memory_space<vmem>>, vector<16xf32>,
        %get3A_2255 = vector.shape_cast %get3A_2254 : vector<16xf32> to vector<16xf32>
        %add3A_2256 = arith.constant 16 : i32
        %add3A_2257 = arith.addi %squeeze3A_2210, %add3A_2256 : i32
        %get3A_2258 = arith.index_cast %add3A_2257 : i32 to index
        %get3A_2259 = tpu.vector_load %arg11[%get3A_2258] {strides = array<i32>} : memref<2176xf32, #tpu.memory_space<vmem>>, vector<16xf32>,
        %get3A_2260 = vector.shape_cast %get3A_2259 : vector<16xf32> to vector<16xf32>
        %mul3A_2261 = arith.mulf %get3A_2255, %broadcast_in_dim3A_2203 : vector<16xf32>
        %add3A_2262 = arith.addf %get3A_2250, %mul3A_2261 : vector<16xf32>
        %add3A_2263 = arith.addf %add3A_2262, %get3A_2260 : vector<16xf32>
        %mul3A_2264 = arith.mulf %broadcast_in_dim3A_2206, %get3A_8 : vector<16xf32>
        %mul3A_2265 = arith.mulf %add3A_2263, %mul3A_2264 : vector<16xf32>
        %add3A_2266 = arith.addf %mul3A_2265, %get3A_20 : vector<16xf32>
        %add3A_2267 = arith.constant 16 : i32
        %add3A_2268 = arith.addi %mul3A_2218, %add3A_2267 : i32
        %swap3A_2269 = arith.index_cast %add3A_2268 : i32 to index
        %swap3A_2270 = tpu.vector_load %arg17[%swap3A_2269] {strides = array<i32>} : memref<16384xf32, #tpu.memory_space<vmem>>, vector<16xf32>,
        %swap3A_2271 = vector.shape_cast %swap3A_2270 : vector<16xf32> to vector<16xf32>
        %swap3A_2272 = vector.shape_cast %add3A_2266 : vector<16xf32> to vector<16xf32>
        tpu.vector_store %arg17[%swap3A_2269], %swap3A_2272 {strides = array<i32>} : memref<16384xf32, #tpu.memory_space<vmem>>, vector<16xf32>,
        %add3A_2273 = arith.constant 32 : i32
        %add3A_2274 = arith.addi %squeeze3A_2212, %add3A_2273 : i32
        %get3A_2275 = arith.index_cast %add3A_2274 : i32 to index
        %get3A_2276 = tpu.vector_load %arg10[%get3A_2275] {strides = array<i32>} : memref<39936xf32, #tpu.memory_space<vmem>>, vector<16xf32>,
        %get3A_2277 = vector.shape_cast %get3A_2276 : vector<16xf32> to vector<16xf32>
        %add3A_2278 = arith.constant 32 : i32
        %add3A_2279 = arith.addi %squeeze3A_2208, %add3A_2278 : i32
        %get3A_2280 = arith.index_cast %add3A_2279 : i32 to index
        %get3A_2281 = tpu.vector_load %arg11[%get3A_2280] {strides = array<i32>} : memref<2176xf32, #tpu.memory_space<vmem>>, vector<16xf32>,
        %get3A_2282 = vector.shape_cast %get3A_2281 : vector<16xf32> to vector<16xf32>
        %add3A_2283 = arith.constant 32 : i32
        %add3A_2284 = arith.addi %squeeze3A_2210, %add3A_2283 : i32
        %get3A_2285 = arith.index_cast %add3A_2284 : i32 to index
        %get3A_2286 = tpu.vector_load %arg11[%get3A_2285] {strides = array<i32>} : memref<2176xf32, #tpu.memory_space<vmem>>, vector<16xf32>,
        %get3A_2287 = vector.shape_cast %get3A_2286 : vector<16xf32> to vector<16xf32>
        %mul3A_2288 = arith.mulf %get3A_2282, %broadcast_in_dim3A_2203 : vector<16xf32>
        %add3A_2289 = arith.addf %get3A_2277, %mul3A_2288 : vector<16xf32>
        %add3A_2290 = arith.addf %add3A_2289, %get3A_2287 : vector<16xf32>
        %mul3A_2291 = arith.mulf %broadcast_in_dim3A_2206, %get3A_11 : vector<16xf32>
        %mul3A_2292 = arith.mulf %add3A_2290, %mul3A_2291 : vector<16xf32>
        %add3A_2293 = arith.addf %mul3A_2292, %get3A_23 : vector<16xf32>
        %add3A_2294 = arith.constant 32 : i32
        %add3A_2295 = arith.addi %mul3A_2218, %add3A_2294 : i32
        %swap3A_2296 = arith.index_cast %add3A_2295 : i32 to index
        %swap3A_2297 = tpu.vector_load %arg17[%swap3A_2296] {strides = array<i32>} : memref<16384xf32, #tpu.memory_space<vmem>>, vector<16xf32>,
        %swap3A_2298 = vector.shape_cast %swap3A_2297 : vector<16xf32> to vector<16xf32>
        %swap3A_2299 = vector.shape_cast %add3A_2293 : vector<16xf32> to vector<16xf32>
        tpu.vector_store %arg17[%swap3A_2296], %swap3A_2299 {strides = array<i32>} : memref<16384xf32, #tpu.memory_space<vmem>>, vector<16xf32>,
        %add3A_2300 = arith.constant 48 : i32
        %add3A_2301 = arith.addi %squeeze3A_2212, %add3A_2300 : i32
        %get3A_2302 = arith.index_cast %add3A_2301 : i32 to index
        %get3A_2303 = tpu.vector_load %arg10[%get3A_2302] {strides = array<i32>} : memref<39936xf32, #tpu.memory_space<vmem>>, vector<16xf32>,
        %get3A_2304 = vector.shape_cast %get3A_2303 : vector<16xf32> to vector<16xf32>
        %add3A_2305 = arith.constant 48 : i32
        %add3A_2306 = arith.addi %squeeze3A_2208, %add3A_2305 : i32
        %get3A_2307 = arith.index_cast %add3A_2306 : i32 to index
        %get3A_2308 = tpu.vector_load %arg11[%get3A_2307] {strides = array<i32>} : memref<2176xf32, #tpu.memory_space<vmem>>, vector<16xf32>,
        %get3A_2309 = vector.shape_cast %get3A_2308 : vector<16xf32> to vector<16xf32>
        %add3A_2310 = arith.constant 48 : i32
        %add3A_2311 = arith.addi %squeeze3A_2210, %add3A_2310 : i32
        %get3A_2312 = arith.index_cast %add3A_2311 : i32 to index
        %get3A_2313 = tpu.vector_load %arg11[%get3A_2312] {strides = array<i32>} : memref<2176xf32, #tpu.memory_space<vmem>>, vector<16xf32>,
        %get3A_2314 = vector.shape_cast %get3A_2313 : vector<16xf32> to vector<16xf32>
        %mul3A_2315 = arith.mulf %get3A_2309, %broadcast_in_dim3A_2203 : vector<16xf32>
        %add3A_2316 = arith.addf %get3A_2304, %mul3A_2315 : vector<16xf32>
        %add3A_2317 = arith.addf %add3A_2316, %get3A_2314 : vector<16xf32>
        %mul3A_2318 = arith.mulf %broadcast_in_dim3A_2206, %get3A_14 : vector<16xf32>
        %mul3A_2319 = arith.mulf %add3A_2317, %mul3A_2318 : vector<16xf32>
        %add3A_2320 = arith.addf %mul3A_2319, %get3A_26 : vector<16xf32>
        %add3A_2321 = arith.constant 48 : i32
        %add3A_2322 = arith.addi %mul3A_2218, %add3A_2321 : i32
        %swap3A_2323 = arith.index_cast %add3A_2322 : i32 to index
        %swap3A_2324 = tpu.vector_load %arg17[%swap3A_2323] {strides = array<i32>} : memref<16384xf32, #tpu.memory_space<vmem>>, vector<16xf32>,
        %swap3A_2325 = vector.shape_cast %swap3A_2324 : vector<16xf32> to vector<16xf32>
        %swap3A_2326 = vector.shape_cast %add3A_2320 : vector<16xf32> to vector<16xf32>
        tpu.vector_store %arg17[%swap3A_2323], %swap3A_2326 {strides = array<i32>} : memref<16384xf32, #tpu.memory_space<vmem>>, vector<16xf32>,
        %slice3A_2327 = vector.extract_strided_slice %get3A_51 {offsets = [13], sizes = [1], strides = [1]} : vector<16xf32> to vector<1xf32>
        %squeeze3A_2328 = vector.extract %slice3A_2327[0] : f32 from vector<1xf32>
        %broadcast_in_dim3A_2329 = vector.broadcast %squeeze3A_2328 : f32 to vector<16xf32>
        %slice3A_2330 = vector.extract_strided_slice %mul3A_689 {offsets = [13], sizes = [1], strides = [1]} : vector<16xf32> to vector<1xf32>
        %squeeze3A_2331 = vector.extract %slice3A_2330[0] : f32 from vector<1xf32>
        %broadcast_in_dim3A_2332 = vector.broadcast %squeeze3A_2331 : f32 to vector<16xf32>
        %slice3A_2333 = vector.extract_strided_slice %mul3A_156 {offsets = [13], sizes = [1], strides = [1]} : vector<16xi32> to vector<1xi32>
        %squeeze3A_2334 = vector.extract %slice3A_2333[0] : i32 from vector<1xi32>
        %slice3A_2335 = vector.extract_strided_slice %add3A_159 {offsets = [13], sizes = [1], strides = [1]} : vector<16xi32> to vector<1xi32>
        %squeeze3A_2336 = vector.extract %slice3A_2335[0] : i32 from vector<1xi32>
        %slice3A_2337 = vector.extract_strided_slice %mul3A_162 {offsets = [13], sizes = [1], strides = [1]} : vector<16xi32> to vector<1xi32>
        %squeeze3A_2338 = vector.extract %slice3A_2337[0] : i32 from vector<1xi32>
        %mul3A_2339 = arith.constant 16 : i32
        %mul3A_2340 = arith.muli %scan3A_46, %mul3A_2339 : i32
        %add3A_2341 = arith.constant 13 : i32
        %add3A_2342 = arith.addi %mul3A_2340, %add3A_2341 : i32
        %mul3A_2343 = arith.constant 64 : i32
        %mul3A_2344 = arith.muli %add3A_2342, %mul3A_2343 : i32
        %add3A_2345 = arith.constant 0 : i32
        %add3A_2346 = arith.addi %squeeze3A_2338, %add3A_2345 : i32
        %get3A_2347 = arith.index_cast %add3A_2346 : i32 to index
        %get3A_2348 = tpu.vector_load %arg10[%get3A_2347] {strides = array<i32>} : memref<39936xf32, #tpu.memory_space<vmem>>, vector<16xf32>,
        %get3A_2349 = vector.shape_cast %get3A_2348 : vector<16xf32> to vector<16xf32>
        %add3A_2350 = arith.constant 0 : i32
        %add3A_2351 = arith.addi %squeeze3A_2334, %add3A_2350 : i32
        %get3A_2352 = arith.index_cast %add3A_2351 : i32 to index
        %get3A_2353 = tpu.vector_load %arg11[%get3A_2352] {strides = array<i32>} : memref<2176xf32, #tpu.memory_space<vmem>>, vector<16xf32>,
        %get3A_2354 = vector.shape_cast %get3A_2353 : vector<16xf32> to vector<16xf32>
        %add3A_2355 = arith.constant 0 : i32
        %add3A_2356 = arith.addi %squeeze3A_2336, %add3A_2355 : i32
        %get3A_2357 = arith.index_cast %add3A_2356 : i32 to index
        %get3A_2358 = tpu.vector_load %arg11[%get3A_2357] {strides = array<i32>} : memref<2176xf32, #tpu.memory_space<vmem>>, vector<16xf32>,
        %get3A_2359 = vector.shape_cast %get3A_2358 : vector<16xf32> to vector<16xf32>
        %mul3A_2360 = arith.mulf %get3A_2354, %broadcast_in_dim3A_2329 : vector<16xf32>
        %add3A_2361 = arith.addf %get3A_2349, %mul3A_2360 : vector<16xf32>
        %add3A_2362 = arith.addf %add3A_2361, %get3A_2359 : vector<16xf32>
        %mul3A_2363 = arith.mulf %broadcast_in_dim3A_2332, %get3A_5 : vector<16xf32>
        %mul3A_2364 = arith.mulf %add3A_2362, %mul3A_2363 : vector<16xf32>
        %add3A_2365 = arith.addf %mul3A_2364, %get3A_17 : vector<16xf32>
        %add3A_2366 = arith.constant 0 : i32
        %add3A_2367 = arith.addi %mul3A_2344, %add3A_2366 : i32
        %swap3A_2368 = arith.index_cast %add3A_2367 : i32 to index
        %swap3A_2369 = tpu.vector_load %arg17[%swap3A_2368] {strides = array<i32>} : memref<16384xf32, #tpu.memory_space<vmem>>, vector<16xf32>,
        %swap3A_2370 = vector.shape_cast %swap3A_2369 : vector<16xf32> to vector<16xf32>
        %swap3A_2371 = vector.shape_cast %add3A_2365 : vector<16xf32> to vector<16xf32>
        tpu.vector_store %arg17[%swap3A_2368], %swap3A_2371 {strides = array<i32>} : memref<16384xf32, #tpu.memory_space<vmem>>, vector<16xf32>,
        %add3A_2372 = arith.constant 16 : i32
        %add3A_2373 = arith.addi %squeeze3A_2338, %add3A_2372 : i32
        %get3A_2374 = arith.index_cast %add3A_2373 : i32 to index
        %get3A_2375 = tpu.vector_load %arg10[%get3A_2374] {strides = array<i32>} : memref<39936xf32, #tpu.memory_space<vmem>>, vector<16xf32>,
        %get3A_2376 = vector.shape_cast %get3A_2375 : vector<16xf32> to vector<16xf32>
        %add3A_2377 = arith.constant 16 : i32
        %add3A_2378 = arith.addi %squeeze3A_2334, %add3A_2377 : i32
        %get3A_2379 = arith.index_cast %add3A_2378 : i32 to index
        %get3A_2380 = tpu.vector_load %arg11[%get3A_2379] {strides = array<i32>} : memref<2176xf32, #tpu.memory_space<vmem>>, vector<16xf32>,
        %get3A_2381 = vector.shape_cast %get3A_2380 : vector<16xf32> to vector<16xf32>
        %add3A_2382 = arith.constant 16 : i32
        %add3A_2383 = arith.addi %squeeze3A_2336, %add3A_2382 : i32
        %get3A_2384 = arith.index_cast %add3A_2383 : i32 to index
        %get3A_2385 = tpu.vector_load %arg11[%get3A_2384] {strides = array<i32>} : memref<2176xf32, #tpu.memory_space<vmem>>, vector<16xf32>,
        %get3A_2386 = vector.shape_cast %get3A_2385 : vector<16xf32> to vector<16xf32>
        %mul3A_2387 = arith.mulf %get3A_2381, %broadcast_in_dim3A_2329 : vector<16xf32>
        %add3A_2388 = arith.addf %get3A_2376, %mul3A_2387 : vector<16xf32>
        %add3A_2389 = arith.addf %add3A_2388, %get3A_2386 : vector<16xf32>
        %mul3A_2390 = arith.mulf %broadcast_in_dim3A_2332, %get3A_8 : vector<16xf32>
        %mul3A_2391 = arith.mulf %add3A_2389, %mul3A_2390 : vector<16xf32>
        %add3A_2392 = arith.addf %mul3A_2391, %get3A_20 : vector<16xf32>
        %add3A_2393 = arith.constant 16 : i32
        %add3A_2394 = arith.addi %mul3A_2344, %add3A_2393 : i32
        %swap3A_2395 = arith.index_cast %add3A_2394 : i32 to index
        %swap3A_2396 = tpu.vector_load %arg17[%swap3A_2395] {strides = array<i32>} : memref<16384xf32, #tpu.memory_space<vmem>>, vector<16xf32>,
        %swap3A_2397 = vector.shape_cast %swap3A_2396 : vector<16xf32> to vector<16xf32>
        %swap3A_2398 = vector.shape_cast %add3A_2392 : vector<16xf32> to vector<16xf32>
        tpu.vector_store %arg17[%swap3A_2395], %swap3A_2398 {strides = array<i32>} : memref<16384xf32, #tpu.memory_space<vmem>>, vector<16xf32>,
        %add3A_2399 = arith.constant 32 : i32
        %add3A_2400 = arith.addi %squeeze3A_2338, %add3A_2399 : i32
        %get3A_2401 = arith.index_cast %add3A_2400 : i32 to index
        %get3A_2402 = tpu.vector_load %arg10[%get3A_2401] {strides = array<i32>} : memref<39936xf32, #tpu.memory_space<vmem>>, vector<16xf32>,
        %get3A_2403 = vector.shape_cast %get3A_2402 : vector<16xf32> to vector<16xf32>
        %add3A_2404 = arith.constant 32 : i32
        %add3A_2405 = arith.addi %squeeze3A_2334, %add3A_2404 : i32
        %get3A_2406 = arith.index_cast %add3A_2405 : i32 to index
        %get3A_2407 = tpu.vector_load %arg11[%get3A_2406] {strides = array<i32>} : memref<2176xf32, #tpu.memory_space<vmem>>, vector<16xf32>,
        %get3A_2408 = vector.shape_cast %get3A_2407 : vector<16xf32> to vector<16xf32>
        %add3A_2409 = arith.constant 32 : i32
        %add3A_2410 = arith.addi %squeeze3A_2336, %add3A_2409 : i32
        %get3A_2411 = arith.index_cast %add3A_2410 : i32 to index
        %get3A_2412 = tpu.vector_load %arg11[%get3A_2411] {strides = array<i32>} : memref<2176xf32, #tpu.memory_space<vmem>>, vector<16xf32>,
        %get3A_2413 = vector.shape_cast %get3A_2412 : vector<16xf32> to vector<16xf32>
        %mul3A_2414 = arith.mulf %get3A_2408, %broadcast_in_dim3A_2329 : vector<16xf32>
        %add3A_2415 = arith.addf %get3A_2403, %mul3A_2414 : vector<16xf32>
        %add3A_2416 = arith.addf %add3A_2415, %get3A_2413 : vector<16xf32>
        %mul3A_2417 = arith.mulf %broadcast_in_dim3A_2332, %get3A_11 : vector<16xf32>
        %mul3A_2418 = arith.mulf %add3A_2416, %mul3A_2417 : vector<16xf32>
        %add3A_2419 = arith.addf %mul3A_2418, %get3A_23 : vector<16xf32>
        %add3A_2420 = arith.constant 32 : i32
        %add3A_2421 = arith.addi %mul3A_2344, %add3A_2420 : i32
        %swap3A_2422 = arith.index_cast %add3A_2421 : i32 to index
        %swap3A_2423 = tpu.vector_load %arg17[%swap3A_2422] {strides = array<i32>} : memref<16384xf32, #tpu.memory_space<vmem>>, vector<16xf32>,
        %swap3A_2424 = vector.shape_cast %swap3A_2423 : vector<16xf32> to vector<16xf32>
        %swap3A_2425 = vector.shape_cast %add3A_2419 : vector<16xf32> to vector<16xf32>
        tpu.vector_store %arg17[%swap3A_2422], %swap3A_2425 {strides = array<i32>} : memref<16384xf32, #tpu.memory_space<vmem>>, vector<16xf32>,
        %add3A_2426 = arith.constant 48 : i32
        %add3A_2427 = arith.addi %squeeze3A_2338, %add3A_2426 : i32
        %get3A_2428 = arith.index_cast %add3A_2427 : i32 to index
        %get3A_2429 = tpu.vector_load %arg10[%get3A_2428] {strides = array<i32>} : memref<39936xf32, #tpu.memory_space<vmem>>, vector<16xf32>,
        %get3A_2430 = vector.shape_cast %get3A_2429 : vector<16xf32> to vector<16xf32>
        %add3A_2431 = arith.constant 48 : i32
        %add3A_2432 = arith.addi %squeeze3A_2334, %add3A_2431 : i32
        %get3A_2433 = arith.index_cast %add3A_2432 : i32 to index
        %get3A_2434 = tpu.vector_load %arg11[%get3A_2433] {strides = array<i32>} : memref<2176xf32, #tpu.memory_space<vmem>>, vector<16xf32>,
        %get3A_2435 = vector.shape_cast %get3A_2434 : vector<16xf32> to vector<16xf32>
        %add3A_2436 = arith.constant 48 : i32
        %add3A_2437 = arith.addi %squeeze3A_2336, %add3A_2436 : i32
        %get3A_2438 = arith.index_cast %add3A_2437 : i32 to index
        %get3A_2439 = tpu.vector_load %arg11[%get3A_2438] {strides = array<i32>} : memref<2176xf32, #tpu.memory_space<vmem>>, vector<16xf32>,
        %get3A_2440 = vector.shape_cast %get3A_2439 : vector<16xf32> to vector<16xf32>
        %mul3A_2441 = arith.mulf %get3A_2435, %broadcast_in_dim3A_2329 : vector<16xf32>
        %add3A_2442 = arith.addf %get3A_2430, %mul3A_2441 : vector<16xf32>
        %add3A_2443 = arith.addf %add3A_2442, %get3A_2440 : vector<16xf32>
        %mul3A_2444 = arith.mulf %broadcast_in_dim3A_2332, %get3A_14 : vector<16xf32>
        %mul3A_2445 = arith.mulf %add3A_2443, %mul3A_2444 : vector<16xf32>
        %add3A_2446 = arith.addf %mul3A_2445, %get3A_26 : vector<16xf32>
        %add3A_2447 = arith.constant 48 : i32
        %add3A_2448 = arith.addi %mul3A_2344, %add3A_2447 : i32
        %swap3A_2449 = arith.index_cast %add3A_2448 : i32 to index
        %swap3A_2450 = tpu.vector_load %arg17[%swap3A_2449] {strides = array<i32>} : memref<16384xf32, #tpu.memory_space<vmem>>, vector<16xf32>,
        %swap3A_2451 = vector.shape_cast %swap3A_2450 : vector<16xf32> to vector<16xf32>
        %swap3A_2452 = vector.shape_cast %add3A_2446 : vector<16xf32> to vector<16xf32>
        tpu.vector_store %arg17[%swap3A_2449], %swap3A_2452 {strides = array<i32>} : memref<16384xf32, #tpu.memory_space<vmem>>, vector<16xf32>,
        %slice3A_2453 = vector.extract_strided_slice %get3A_51 {offsets = [14], sizes = [1], strides = [1]} : vector<16xf32> to vector<1xf32>
        %squeeze3A_2454 = vector.extract %slice3A_2453[0] : f32 from vector<1xf32>
        %broadcast_in_dim3A_2455 = vector.broadcast %squeeze3A_2454 : f32 to vector<16xf32>
        %slice3A_2456 = vector.extract_strided_slice %mul3A_689 {offsets = [14], sizes = [1], strides = [1]} : vector<16xf32> to vector<1xf32>
        %squeeze3A_2457 = vector.extract %slice3A_2456[0] : f32 from vector<1xf32>
        %broadcast_in_dim3A_2458 = vector.broadcast %squeeze3A_2457 : f32 to vector<16xf32>
        %slice3A_2459 = vector.extract_strided_slice %mul3A_156 {offsets = [14], sizes = [1], strides = [1]} : vector<16xi32> to vector<1xi32>
        %squeeze3A_2460 = vector.extract %slice3A_2459[0] : i32 from vector<1xi32>
        %slice3A_2461 = vector.extract_strided_slice %add3A_159 {offsets = [14], sizes = [1], strides = [1]} : vector<16xi32> to vector<1xi32>
        %squeeze3A_2462 = vector.extract %slice3A_2461[0] : i32 from vector<1xi32>
        %slice3A_2463 = vector.extract_strided_slice %mul3A_162 {offsets = [14], sizes = [1], strides = [1]} : vector<16xi32> to vector<1xi32>
        %squeeze3A_2464 = vector.extract %slice3A_2463[0] : i32 from vector<1xi32>
        %mul3A_2465 = arith.constant 16 : i32
        %mul3A_2466 = arith.muli %scan3A_46, %mul3A_2465 : i32
        %add3A_2467 = arith.constant 14 : i32
        %add3A_2468 = arith.addi %mul3A_2466, %add3A_2467 : i32
        %mul3A_2469 = arith.constant 64 : i32
        %mul3A_2470 = arith.muli %add3A_2468, %mul3A_2469 : i32
        %add3A_2471 = arith.constant 0 : i32
        %add3A_2472 = arith.addi %squeeze3A_2464, %add3A_2471 : i32
        %get3A_2473 = arith.index_cast %add3A_2472 : i32 to index
        %get3A_2474 = tpu.vector_load %arg10[%get3A_2473] {strides = array<i32>} : memref<39936xf32, #tpu.memory_space<vmem>>, vector<16xf32>,
        %get3A_2475 = vector.shape_cast %get3A_2474 : vector<16xf32> to vector<16xf32>
        %add3A_2476 = arith.constant 0 : i32
        %add3A_2477 = arith.addi %squeeze3A_2460, %add3A_2476 : i32
        %get3A_2478 = arith.index_cast %add3A_2477 : i32 to index
        %get3A_2479 = tpu.vector_load %arg11[%get3A_2478] {strides = array<i32>} : memref<2176xf32, #tpu.memory_space<vmem>>, vector<16xf32>,
        %get3A_2480 = vector.shape_cast %get3A_2479 : vector<16xf32> to vector<16xf32>
        %add3A_2481 = arith.constant 0 : i32
        %add3A_2482 = arith.addi %squeeze3A_2462, %add3A_2481 : i32
        %get3A_2483 = arith.index_cast %add3A_2482 : i32 to index
        %get3A_2484 = tpu.vector_load %arg11[%get3A_2483] {strides = array<i32>} : memref<2176xf32, #tpu.memory_space<vmem>>, vector<16xf32>,
        %get3A_2485 = vector.shape_cast %get3A_2484 : vector<16xf32> to vector<16xf32>
        %mul3A_2486 = arith.mulf %get3A_2480, %broadcast_in_dim3A_2455 : vector<16xf32>
        %add3A_2487 = arith.addf %get3A_2475, %mul3A_2486 : vector<16xf32>
        %add3A_2488 = arith.addf %add3A_2487, %get3A_2485 : vector<16xf32>
        %mul3A_2489 = arith.mulf %broadcast_in_dim3A_2458, %get3A_5 : vector<16xf32>
        %mul3A_2490 = arith.mulf %add3A_2488, %mul3A_2489 : vector<16xf32>
        %add3A_2491 = arith.addf %mul3A_2490, %get3A_17 : vector<16xf32>
        %add3A_2492 = arith.constant 0 : i32
        %add3A_2493 = arith.addi %mul3A_2470, %add3A_2492 : i32
        %swap3A_2494 = arith.index_cast %add3A_2493 : i32 to index
        %swap3A_2495 = tpu.vector_load %arg17[%swap3A_2494] {strides = array<i32>} : memref<16384xf32, #tpu.memory_space<vmem>>, vector<16xf32>,
        %swap3A_2496 = vector.shape_cast %swap3A_2495 : vector<16xf32> to vector<16xf32>
        %swap3A_2497 = vector.shape_cast %add3A_2491 : vector<16xf32> to vector<16xf32>
        tpu.vector_store %arg17[%swap3A_2494], %swap3A_2497 {strides = array<i32>} : memref<16384xf32, #tpu.memory_space<vmem>>, vector<16xf32>,
        %add3A_2498 = arith.constant 16 : i32
        %add3A_2499 = arith.addi %squeeze3A_2464, %add3A_2498 : i32
        %get3A_2500 = arith.index_cast %add3A_2499 : i32 to index
        %get3A_2501 = tpu.vector_load %arg10[%get3A_2500] {strides = array<i32>} : memref<39936xf32, #tpu.memory_space<vmem>>, vector<16xf32>,
        %get3A_2502 = vector.shape_cast %get3A_2501 : vector<16xf32> to vector<16xf32>
        %add3A_2503 = arith.constant 16 : i32
        %add3A_2504 = arith.addi %squeeze3A_2460, %add3A_2503 : i32
        %get3A_2505 = arith.index_cast %add3A_2504 : i32 to index
        %get3A_2506 = tpu.vector_load %arg11[%get3A_2505] {strides = array<i32>} : memref<2176xf32, #tpu.memory_space<vmem>>, vector<16xf32>,
        %get3A_2507 = vector.shape_cast %get3A_2506 : vector<16xf32> to vector<16xf32>
        %add3A_2508 = arith.constant 16 : i32
        %add3A_2509 = arith.addi %squeeze3A_2462, %add3A_2508 : i32
        %get3A_2510 = arith.index_cast %add3A_2509 : i32 to index
        %get3A_2511 = tpu.vector_load %arg11[%get3A_2510] {strides = array<i32>} : memref<2176xf32, #tpu.memory_space<vmem>>, vector<16xf32>,
        %get3A_2512 = vector.shape_cast %get3A_2511 : vector<16xf32> to vector<16xf32>
        %mul3A_2513 = arith.mulf %get3A_2507, %broadcast_in_dim3A_2455 : vector<16xf32>
        %add3A_2514 = arith.addf %get3A_2502, %mul3A_2513 : vector<16xf32>
        %add3A_2515 = arith.addf %add3A_2514, %get3A_2512 : vector<16xf32>
        %mul3A_2516 = arith.mulf %broadcast_in_dim3A_2458, %get3A_8 : vector<16xf32>
        %mul3A_2517 = arith.mulf %add3A_2515, %mul3A_2516 : vector<16xf32>
        %add3A_2518 = arith.addf %mul3A_2517, %get3A_20 : vector<16xf32>
        %add3A_2519 = arith.constant 16 : i32
        %add3A_2520 = arith.addi %mul3A_2470, %add3A_2519 : i32
        %swap3A_2521 = arith.index_cast %add3A_2520 : i32 to index
        %swap3A_2522 = tpu.vector_load %arg17[%swap3A_2521] {strides = array<i32>} : memref<16384xf32, #tpu.memory_space<vmem>>, vector<16xf32>,
        %swap3A_2523 = vector.shape_cast %swap3A_2522 : vector<16xf32> to vector<16xf32>
        %swap3A_2524 = vector.shape_cast %add3A_2518 : vector<16xf32> to vector<16xf32>
        tpu.vector_store %arg17[%swap3A_2521], %swap3A_2524 {strides = array<i32>} : memref<16384xf32, #tpu.memory_space<vmem>>, vector<16xf32>,
        %add3A_2525 = arith.constant 32 : i32
        %add3A_2526 = arith.addi %squeeze3A_2464, %add3A_2525 : i32
        %get3A_2527 = arith.index_cast %add3A_2526 : i32 to index
        %get3A_2528 = tpu.vector_load %arg10[%get3A_2527] {strides = array<i32>} : memref<39936xf32, #tpu.memory_space<vmem>>, vector<16xf32>,
        %get3A_2529 = vector.shape_cast %get3A_2528 : vector<16xf32> to vector<16xf32>
        %add3A_2530 = arith.constant 32 : i32
        %add3A_2531 = arith.addi %squeeze3A_2460, %add3A_2530 : i32
        %get3A_2532 = arith.index_cast %add3A_2531 : i32 to index
        %get3A_2533 = tpu.vector_load %arg11[%get3A_2532] {strides = array<i32>} : memref<2176xf32, #tpu.memory_space<vmem>>, vector<16xf32>,
        %get3A_2534 = vector.shape_cast %get3A_2533 : vector<16xf32> to vector<16xf32>
        %add3A_2535 = arith.constant 32 : i32
        %add3A_2536 = arith.addi %squeeze3A_2462, %add3A_2535 : i32
        %get3A_2537 = arith.index_cast %add3A_2536 : i32 to index
        %get3A_2538 = tpu.vector_load %arg11[%get3A_2537] {strides = array<i32>} : memref<2176xf32, #tpu.memory_space<vmem>>, vector<16xf32>,
        %get3A_2539 = vector.shape_cast %get3A_2538 : vector<16xf32> to vector<16xf32>
        %mul3A_2540 = arith.mulf %get3A_2534, %broadcast_in_dim3A_2455 : vector<16xf32>
        %add3A_2541 = arith.addf %get3A_2529, %mul3A_2540 : vector<16xf32>
        %add3A_2542 = arith.addf %add3A_2541, %get3A_2539 : vector<16xf32>
        %mul3A_2543 = arith.mulf %broadcast_in_dim3A_2458, %get3A_11 : vector<16xf32>
        %mul3A_2544 = arith.mulf %add3A_2542, %mul3A_2543 : vector<16xf32>
        %add3A_2545 = arith.addf %mul3A_2544, %get3A_23 : vector<16xf32>
        %add3A_2546 = arith.constant 32 : i32
        %add3A_2547 = arith.addi %mul3A_2470, %add3A_2546 : i32
        %swap3A_2548 = arith.index_cast %add3A_2547 : i32 to index
        %swap3A_2549 = tpu.vector_load %arg17[%swap3A_2548] {strides = array<i32>} : memref<16384xf32, #tpu.memory_space<vmem>>, vector<16xf32>,
        %swap3A_2550 = vector.shape_cast %swap3A_2549 : vector<16xf32> to vector<16xf32>
        %swap3A_2551 = vector.shape_cast %add3A_2545 : vector<16xf32> to vector<16xf32>
        tpu.vector_store %arg17[%swap3A_2548], %swap3A_2551 {strides = array<i32>} : memref<16384xf32, #tpu.memory_space<vmem>>, vector<16xf32>,
        %add3A_2552 = arith.constant 48 : i32
        %add3A_2553 = arith.addi %squeeze3A_2464, %add3A_2552 : i32
        %get3A_2554 = arith.index_cast %add3A_2553 : i32 to index
        %get3A_2555 = tpu.vector_load %arg10[%get3A_2554] {strides = array<i32>} : memref<39936xf32, #tpu.memory_space<vmem>>, vector<16xf32>,
        %get3A_2556 = vector.shape_cast %get3A_2555 : vector<16xf32> to vector<16xf32>
        %add3A_2557 = arith.constant 48 : i32
        %add3A_2558 = arith.addi %squeeze3A_2460, %add3A_2557 : i32
        %get3A_2559 = arith.index_cast %add3A_2558 : i32 to index
        %get3A_2560 = tpu.vector_load %arg11[%get3A_2559] {strides = array<i32>} : memref<2176xf32, #tpu.memory_space<vmem>>, vector<16xf32>,
        %get3A_2561 = vector.shape_cast %get3A_2560 : vector<16xf32> to vector<16xf32>
        %add3A_2562 = arith.constant 48 : i32
        %add3A_2563 = arith.addi %squeeze3A_2462, %add3A_2562 : i32
        %get3A_2564 = arith.index_cast %add3A_2563 : i32 to index
        %get3A_2565 = tpu.vector_load %arg11[%get3A_2564] {strides = array<i32>} : memref<2176xf32, #tpu.memory_space<vmem>>, vector<16xf32>,
        %get3A_2566 = vector.shape_cast %get3A_2565 : vector<16xf32> to vector<16xf32>
        %mul3A_2567 = arith.mulf %get3A_2561, %broadcast_in_dim3A_2455 : vector<16xf32>
        %add3A_2568 = arith.addf %get3A_2556, %mul3A_2567 : vector<16xf32>
        %add3A_2569 = arith.addf %add3A_2568, %get3A_2566 : vector<16xf32>
        %mul3A_2570 = arith.mulf %broadcast_in_dim3A_2458, %get3A_14 : vector<16xf32>
        %mul3A_2571 = arith.mulf %add3A_2569, %mul3A_2570 : vector<16xf32>
        %add3A_2572 = arith.addf %mul3A_2571, %get3A_26 : vector<16xf32>
        %add3A_2573 = arith.constant 48 : i32
        %add3A_2574 = arith.addi %mul3A_2470, %add3A_2573 : i32
        %swap3A_2575 = arith.index_cast %add3A_2574 : i32 to index
        %swap3A_2576 = tpu.vector_load %arg17[%swap3A_2575] {strides = array<i32>} : memref<16384xf32, #tpu.memory_space<vmem>>, vector<16xf32>,
        %swap3A_2577 = vector.shape_cast %swap3A_2576 : vector<16xf32> to vector<16xf32>
        %swap3A_2578 = vector.shape_cast %add3A_2572 : vector<16xf32> to vector<16xf32>
        tpu.vector_store %arg17[%swap3A_2575], %swap3A_2578 {strides = array<i32>} : memref<16384xf32, #tpu.memory_space<vmem>>, vector<16xf32>,
        %slice3A_2579 = vector.extract_strided_slice %get3A_51 {offsets = [15], sizes = [1], strides = [1]} : vector<16xf32> to vector<1xf32>
        %squeeze3A_2580 = vector.extract %slice3A_2579[0] : f32 from vector<1xf32>
        %broadcast_in_dim3A_2581 = vector.broadcast %squeeze3A_2580 : f32 to vector<16xf32>
        %slice3A_2582 = vector.extract_strided_slice %mul3A_689 {offsets = [15], sizes = [1], strides = [1]} : vector<16xf32> to vector<1xf32>
        %squeeze3A_2583 = vector.extract %slice3A_2582[0] : f32 from vector<1xf32>
        %broadcast_in_dim3A_2584 = vector.broadcast %squeeze3A_2583 : f32 to vector<16xf32>
        %slice3A_2585 = vector.extract_strided_slice %mul3A_156 {offsets = [15], sizes = [1], strides = [1]} : vector<16xi32> to vector<1xi32>
        %squeeze3A_2586 = vector.extract %slice3A_2585[0] : i32 from vector<1xi32>
        %slice3A_2587 = vector.extract_strided_slice %add3A_159 {offsets = [15], sizes = [1], strides = [1]} : vector<16xi32> to vector<1xi32>
        %squeeze3A_2588 = vector.extract %slice3A_2587[0] : i32 from vector<1xi32>
        %slice3A_2589 = vector.extract_strided_slice %mul3A_162 {offsets = [15], sizes = [1], strides = [1]} : vector<16xi32> to vector<1xi32>
        %squeeze3A_2590 = vector.extract %slice3A_2589[0] : i32 from vector<1xi32>
        %mul3A_2591 = arith.constant 16 : i32
        %mul3A_2592 = arith.muli %scan3A_46, %mul3A_2591 : i32
        %add3A_2593 = arith.constant 15 : i32
        %add3A_2594 = arith.addi %mul3A_2592, %add3A_2593 : i32
        %mul3A_2595 = arith.constant 64 : i32
        %mul3A_2596 = arith.muli %add3A_2594, %mul3A_2595 : i32
        %add3A_2597 = arith.constant 0 : i32
        %add3A_2598 = arith.addi %squeeze3A_2590, %add3A_2597 : i32
        %get3A_2599 = arith.index_cast %add3A_2598 : i32 to index
        %get3A_2600 = tpu.vector_load %arg10[%get3A_2599] {strides = array<i32>} : memref<39936xf32, #tpu.memory_space<vmem>>, vector<16xf32>,
        %get3A_2601 = vector.shape_cast %get3A_2600 : vector<16xf32> to vector<16xf32>
        %add3A_2602 = arith.constant 0 : i32
        %add3A_2603 = arith.addi %squeeze3A_2586, %add3A_2602 : i32
        %get3A_2604 = arith.index_cast %add3A_2603 : i32 to index
        %get3A_2605 = tpu.vector_load %arg11[%get3A_2604] {strides = array<i32>} : memref<2176xf32, #tpu.memory_space<vmem>>, vector<16xf32>,
        %get3A_2606 = vector.shape_cast %get3A_2605 : vector<16xf32> to vector<16xf32>
        %add3A_2607 = arith.constant 0 : i32
        %add3A_2608 = arith.addi %squeeze3A_2588, %add3A_2607 : i32
        %get3A_2609 = arith.index_cast %add3A_2608 : i32 to index
        %get3A_2610 = tpu.vector_load %arg11[%get3A_2609] {strides = array<i32>} : memref<2176xf32, #tpu.memory_space<vmem>>, vector<16xf32>,
        %get3A_2611 = vector.shape_cast %get3A_2610 : vector<16xf32> to vector<16xf32>
        %mul3A_2612 = arith.mulf %get3A_2606, %broadcast_in_dim3A_2581 : vector<16xf32>
        %add3A_2613 = arith.addf %get3A_2601, %mul3A_2612 : vector<16xf32>
        %add3A_2614 = arith.addf %add3A_2613, %get3A_2611 : vector<16xf32>
        %mul3A_2615 = arith.mulf %broadcast_in_dim3A_2584, %get3A_5 : vector<16xf32>
        %mul3A_2616 = arith.mulf %add3A_2614, %mul3A_2615 : vector<16xf32>
        %add3A_2617 = arith.addf %mul3A_2616, %get3A_17 : vector<16xf32>
        %add3A_2618 = arith.constant 0 : i32
        %add3A_2619 = arith.addi %mul3A_2596, %add3A_2618 : i32
        %swap3A_2620 = arith.index_cast %add3A_2619 : i32 to index
        %swap3A_2621 = tpu.vector_load %arg17[%swap3A_2620] {strides = array<i32>} : memref<16384xf32, #tpu.memory_space<vmem>>, vector<16xf32>,
        %swap3A_2622 = vector.shape_cast %swap3A_2621 : vector<16xf32> to vector<16xf32>
        %swap3A_2623 = vector.shape_cast %add3A_2617 : vector<16xf32> to vector<16xf32>
        tpu.vector_store %arg17[%swap3A_2620], %swap3A_2623 {strides = array<i32>} : memref<16384xf32, #tpu.memory_space<vmem>>, vector<16xf32>,
        %add3A_2624 = arith.constant 16 : i32
        %add3A_2625 = arith.addi %squeeze3A_2590, %add3A_2624 : i32
        %get3A_2626 = arith.index_cast %add3A_2625 : i32 to index
        %get3A_2627 = tpu.vector_load %arg10[%get3A_2626] {strides = array<i32>} : memref<39936xf32, #tpu.memory_space<vmem>>, vector<16xf32>,
        %get3A_2628 = vector.shape_cast %get3A_2627 : vector<16xf32> to vector<16xf32>
        %add3A_2629 = arith.constant 16 : i32
        %add3A_2630 = arith.addi %squeeze3A_2586, %add3A_2629 : i32
        %get3A_2631 = arith.index_cast %add3A_2630 : i32 to index
        %get3A_2632 = tpu.vector_load %arg11[%get3A_2631] {strides = array<i32>} : memref<2176xf32, #tpu.memory_space<vmem>>, vector<16xf32>,
        %get3A_2633 = vector.shape_cast %get3A_2632 : vector<16xf32> to vector<16xf32>
        %add3A_2634 = arith.constant 16 : i32
        %add3A_2635 = arith.addi %squeeze3A_2588, %add3A_2634 : i32
        %get3A_2636 = arith.index_cast %add3A_2635 : i32 to index
        %get3A_2637 = tpu.vector_load %arg11[%get3A_2636] {strides = array<i32>} : memref<2176xf32, #tpu.memory_space<vmem>>, vector<16xf32>,
        %get3A_2638 = vector.shape_cast %get3A_2637 : vector<16xf32> to vector<16xf32>
        %mul3A_2639 = arith.mulf %get3A_2633, %broadcast_in_dim3A_2581 : vector<16xf32>
        %add3A_2640 = arith.addf %get3A_2628, %mul3A_2639 : vector<16xf32>
        %add3A_2641 = arith.addf %add3A_2640, %get3A_2638 : vector<16xf32>
        %mul3A_2642 = arith.mulf %broadcast_in_dim3A_2584, %get3A_8 : vector<16xf32>
        %mul3A_2643 = arith.mulf %add3A_2641, %mul3A_2642 : vector<16xf32>
        %add3A_2644 = arith.addf %mul3A_2643, %get3A_20 : vector<16xf32>
        %add3A_2645 = arith.constant 16 : i32
        %add3A_2646 = arith.addi %mul3A_2596, %add3A_2645 : i32
        %swap3A_2647 = arith.index_cast %add3A_2646 : i32 to index
        %swap3A_2648 = tpu.vector_load %arg17[%swap3A_2647] {strides = array<i32>} : memref<16384xf32, #tpu.memory_space<vmem>>, vector<16xf32>,
        %swap3A_2649 = vector.shape_cast %swap3A_2648 : vector<16xf32> to vector<16xf32>
        %swap3A_2650 = vector.shape_cast %add3A_2644 : vector<16xf32> to vector<16xf32>
        tpu.vector_store %arg17[%swap3A_2647], %swap3A_2650 {strides = array<i32>} : memref<16384xf32, #tpu.memory_space<vmem>>, vector<16xf32>,
        %add3A_2651 = arith.constant 32 : i32
        %add3A_2652 = arith.addi %squeeze3A_2590, %add3A_2651 : i32
        %get3A_2653 = arith.index_cast %add3A_2652 : i32 to index
        %get3A_2654 = tpu.vector_load %arg10[%get3A_2653] {strides = array<i32>} : memref<39936xf32, #tpu.memory_space<vmem>>, vector<16xf32>,
        %get3A_2655 = vector.shape_cast %get3A_2654 : vector<16xf32> to vector<16xf32>
        %add3A_2656 = arith.constant 32 : i32
        %add3A_2657 = arith.addi %squeeze3A_2586, %add3A_2656 : i32
        %get3A_2658 = arith.index_cast %add3A_2657 : i32 to index
        %get3A_2659 = tpu.vector_load %arg11[%get3A_2658] {strides = array<i32>} : memref<2176xf32, #tpu.memory_space<vmem>>, vector<16xf32>,
        %get3A_2660 = vector.shape_cast %get3A_2659 : vector<16xf32> to vector<16xf32>
        %add3A_2661 = arith.constant 32 : i32
        %add3A_2662 = arith.addi %squeeze3A_2588, %add3A_2661 : i32
        %get3A_2663 = arith.index_cast %add3A_2662 : i32 to index
        %get3A_2664 = tpu.vector_load %arg11[%get3A_2663] {strides = array<i32>} : memref<2176xf32, #tpu.memory_space<vmem>>, vector<16xf32>,
        %get3A_2665 = vector.shape_cast %get3A_2664 : vector<16xf32> to vector<16xf32>
        %mul3A_2666 = arith.mulf %get3A_2660, %broadcast_in_dim3A_2581 : vector<16xf32>
        %add3A_2667 = arith.addf %get3A_2655, %mul3A_2666 : vector<16xf32>
        %add3A_2668 = arith.addf %add3A_2667, %get3A_2665 : vector<16xf32>
        %mul3A_2669 = arith.mulf %broadcast_in_dim3A_2584, %get3A_11 : vector<16xf32>
        %mul3A_2670 = arith.mulf %add3A_2668, %mul3A_2669 : vector<16xf32>
        %add3A_2671 = arith.addf %mul3A_2670, %get3A_23 : vector<16xf32>
        %add3A_2672 = arith.constant 32 : i32
        %add3A_2673 = arith.addi %mul3A_2596, %add3A_2672 : i32
        %swap3A_2674 = arith.index_cast %add3A_2673 : i32 to index
        %swap3A_2675 = tpu.vector_load %arg17[%swap3A_2674] {strides = array<i32>} : memref<16384xf32, #tpu.memory_space<vmem>>, vector<16xf32>,
        %swap3A_2676 = vector.shape_cast %swap3A_2675 : vector<16xf32> to vector<16xf32>
        %swap3A_2677 = vector.shape_cast %add3A_2671 : vector<16xf32> to vector<16xf32>
        tpu.vector_store %arg17[%swap3A_2674], %swap3A_2677 {strides = array<i32>} : memref<16384xf32, #tpu.memory_space<vmem>>, vector<16xf32>,
        %add3A_2678 = arith.constant 48 : i32
        %add3A_2679 = arith.addi %squeeze3A_2590, %add3A_2678 : i32
        %get3A_2680 = arith.index_cast %add3A_2679 : i32 to index
        %get3A_2681 = tpu.vector_load %arg10[%get3A_2680] {strides = array<i32>} : memref<39936xf32, #tpu.memory_space<vmem>>, vector<16xf32>,
        %get3A_2682 = vector.shape_cast %get3A_2681 : vector<16xf32> to vector<16xf32>
        %add3A_2683 = arith.constant 48 : i32
        %add3A_2684 = arith.addi %squeeze3A_2586, %add3A_2683 : i32
        %get3A_2685 = arith.index_cast %add3A_2684 : i32 to index
        %get3A_2686 = tpu.vector_load %arg11[%get3A_2685] {strides = array<i32>} : memref<2176xf32, #tpu.memory_space<vmem>>, vector<16xf32>,
        %get3A_2687 = vector.shape_cast %get3A_2686 : vector<16xf32> to vector<16xf32>
        %add3A_2688 = arith.constant 48 : i32
        %add3A_2689 = arith.addi %squeeze3A_2588, %add3A_2688 : i32
        %get3A_2690 = arith.index_cast %add3A_2689 : i32 to index
        %get3A_2691 = tpu.vector_load %arg11[%get3A_2690] {strides = array<i32>} : memref<2176xf32, #tpu.memory_space<vmem>>, vector<16xf32>,
        %get3A_2692 = vector.shape_cast %get3A_2691 : vector<16xf32> to vector<16xf32>
        %mul3A_2693 = arith.mulf %get3A_2687, %broadcast_in_dim3A_2581 : vector<16xf32>
        %add3A_2694 = arith.addf %get3A_2682, %mul3A_2693 : vector<16xf32>
        %add3A_2695 = arith.addf %add3A_2694, %get3A_2692 : vector<16xf32>
        %mul3A_2696 = arith.mulf %broadcast_in_dim3A_2584, %get3A_14 : vector<16xf32>
        %mul3A_2697 = arith.mulf %add3A_2695, %mul3A_2696 : vector<16xf32>
        %add3A_2698 = arith.addf %mul3A_2697, %get3A_26 : vector<16xf32>
        %add3A_2699 = arith.constant 48 : i32
        %add3A_2700 = arith.addi %mul3A_2596, %add3A_2699 : i32
        %swap3A_2701 = arith.index_cast %add3A_2700 : i32 to index
        %swap3A_2702 = tpu.vector_load %arg17[%swap3A_2701] {strides = array<i32>} : memref<16384xf32, #tpu.memory_space<vmem>>, vector<16xf32>,
        %swap3A_2703 = vector.shape_cast %swap3A_2702 : vector<16xf32> to vector<16xf32>
        %swap3A_2704 = vector.shape_cast %add3A_2698 : vector<16xf32> to vector<16xf32>
        tpu.vector_store %arg17[%swap3A_2701], %swap3A_2704 {strides = array<i32>} : memref<16384xf32, #tpu.memory_space<vmem>>, vector<16xf32>,
      }
      %scan3A_43 = arith.constant 16 : i32
      %mul3A_44 = arith.constant 64 : i32
      %mul3A_45 = arith.muli %add3A_37, %mul3A_44 : i32
      "tpu.region"() ({
        %run_scoped3A = tpu.sem_alloc : memref<!tpu.dma_semaphore, #tpu.memory_space<semaphore_mem>>
        %dma_start3A = tpu.memref_slice %arg9[%mul3A_45] : memref<52428800xf32, #tpu.memory_space<hbm>> -> memref<16384xf32, #tpu.memory_space<hbm>>
        %dma_start3A_46 = tpu.memref_slice %arg9[%mul3A_45] : memref<52428800xf32, #tpu.memory_space<hbm>> -> memref<16384xf32, #tpu.memory_space<hbm>>
        tpu.enqueue_dma source(%arg17 : memref<16384xf32, #tpu.memory_space<vmem>>) target(%dma_start3A_46 : memref<16384xf32, #tpu.memory_space<hbm>>) target_semaphore(%run_scoped3A : memref<!tpu.dma_semaphore, #tpu.memory_space<semaphore_mem>>)
        %dma_wait3A = tpu.memref_slice %arg9[%mul3A_45] : memref<52428800xf32, #tpu.memory_space<hbm>> -> memref<16384xf32, #tpu.memory_space<hbm>>
        %dma_wait3A_47 = tpu.memref_slice %arg9[%mul3A_45] : memref<52428800xf32, #tpu.memory_space<hbm>> -> memref<16384xf32, #tpu.memory_space<hbm>>
        tpu.wait_dma2 semaphore(%run_scoped3A : memref<!tpu.dma_semaphore, #tpu.memory_space<semaphore_mem>>) src(%arg17 : memref<16384xf32, #tpu.memory_space<vmem>>) dst(%dma_wait3A_47 : memref<16384xf32, #tpu.memory_space<hbm>>)
        tpu.yield
      }) : () -> ()
    }
    %scan3A_33 = arith.constant 100 : i32
    return
  }
}

</mosaic_0001>

<sc_bundles>
// kernel: kernel.3.cloned.1.call-start
scs
__scs_entry_jumppad:
0x0: {  	(pc) =	sbr.rel $0x88, $3  }
0x1: {  	(tag) =	ssettag $0x0;
	lr =	simm.s32 $0x1  }
0x2: {  	[smem:$0x3F94] =	sst lr;
	_ =	strace $0xD0000000  }
0x3: {  	_ = 	snop  }
0x4: {  	_ = 	snop  }
0x5: {  	_ = 	snop  }
0x6: {  	_ = 	snop  }
0x7: {  	_ = 	snop  }
__scs_overlays_trampoline_lowered:
0x8: {  	[smem:$0x3FA3] =	sst s0  }
0x9: {  	[smem:$0x3FA4] =	sst s1  }
0xa: {  	[smem:$0x3FA5] =	sst s2  }
0xb: {  	[smem:$0x3FA6] =	sst s3  }
0xc: {  	[smem:$0x3FA7] =	sst s4  }
0xd: {  	[smem:$0x3FA8] =	sst s5  }
0xe: {  	[smem:$0x3FA9] =	sst s6  }
0xf: {  	[smem:$0x3FAA] =	sst s7  }
0x10: {  	[smem:$0x3FAB] =	sst s8  }
0x11: {  	[smem:$0x3FAC] =	sst s9;
	s0 =	simm.s32 @!p0 $0x0  }
0x12: {  	s1 =	sld [smem:$0x3F92];
	s0 =	simm.s32 @p0 $0x1  }
0x13: {  	[smem:$0x3FAD] =	sst s0;
	s0 =	simm.s32 @!p1 $0x0  }
0x14: {  	s2 =	sld [smem:$0x3F91];
	s0 =	simm.s32 @p1 $0x1  }
0x15: {  	[smem:$0x3FAE] =	sst s0;
	s0 =	simm.s32 @!p2 $0x0  }
0x16: {  	s3 =	sld [smem:$0x3FDB];
	s0 =	simm.s32 @p2 $0x1  }
0x17: {  	s4 =	simm.s32 $0x1BF5;
	[smem:$0x3FB0] =	sst s0  }
0x18: {  	s0 =	sld [smem:$0x3F93];
	_ =	swait.ge [sflag:s4], $0x0  }
0x19: {  	s7 =	sld [smem:$0x3F94]  }
0x1a: {  	s8 =	sadd.s32 $0xFFFFE003, lr  }
0x1b: {  	s9 =	sadd.s32 $0xFFFFFEF7, lr;
	s5 =	simm.s32 $0xFFFFFFFF;
	p2 =	slt.u32 s8, $0xFFFFF086  }
0x1c: {  	p1 =	slt.u32 s9, $0xF7A;
	s5 =	simm.s32 @!p2 $0x0  }
0x1d: {  	s5 =	simm.s32 @p1 $0x1;
	p0 =	seq.s32 s7, s2  }
0x1e: {  	s7 =	smul.u32 @!p0 $0xF7A, s2;
	p2 =	seq.s32 @!p0 s5, $0x0  }
0x1f: {  	s9 =	smul.u32 $0xF7A, s1;
	s8 =	simm.s32 @!p0 $0x1BF5;
	p2 =	por !p2, p0  }
0x20: {  	[sflag:s8] =	ssyncset.s32 @!p0 $0xFFFFF086;
	s6 =	sadd.s32 @!p0 s3, s7;
	s7 =	simm.s32 @!p0 $0x108  }
0x21: {  	s3 =	sadd.s32 s3, s9;
	s6 =	sadd.s32 @!p0 $0x88, s6;
	s7 =	simm.s32 @p2 $0x1082  }
0x22: {  	[simem:s7], [sflag:s8] =	dma.local @!p0 [hbm:s6], $0xF7A  }
0x23: {  	s9 =	sor.u32 $0xD0000000, s2;
	s6 =	simm.s32 $0x108;
	_ =	swait.ge @!p0 [sflag:s8], $0x0  }
0x24: {  	s3 =	sadd.s32 $0x88, s3;
	s6 =	simm.s32 @!p1 $0x1082;
	[sflag:s4] =	ssyncset.s32 $0xFFFFF086  }
0x25: {  	[simem:s6], [sflag:s4] =	dma.local [hbm:s3], $0xF7A  }
0x26: {  	[smem:$0x3F94] =	sst s1;
	(tag) =	ssettag s2;
	_ =	strace s9  }
0x27: {  	s1 =	sld [smem:$0x3FA4]  }
0x28: {  	s2 =	sld [smem:$0x3FA5]  }
0x29: {  	s4 =	sld [smem:$0x3FA7]  }
0x2a: {  	p0 =	seq.s32 s5, $0x0;
	s5 =	sld [smem:$0x3FA8]  }
0x2b: {  	s6 =	sld [smem:$0x3FA9]  }
0x2c: {  	s7 =	sld [smem:$0x3FAA]  }
0x2d: {  	s3 =	simm.s32 $0x108;
	s8 =	sld [smem:$0x3FAB]  }
0x2e: {  	s3 =	simm.s32 @!p0 $0x1082;
	s9 =	sld [smem:$0x3FAC]  }
0x2f: {  	lr =	sadd.s32 s0, s3;
	s0 =	sld [smem:$0x3FA3]  }
0x30: {  	s3 =	sld [smem:$0x3FA6]  }
0x31: {  	[smem:$0x3FAF] =	sst s10  }
0x32: {  	s10 =	sld [smem:$0x3FAD];
	_ =	sdelay $0x3  }
0x33: {  	p0 =	seq.s32 s10, $0x1;
	s10 =	sld [smem:$0x3FAF];
	_ =	sdelay $0x3  }
0x34: {  	[smem:$0x3FAF] =	sst s10  }
0x35: {  	s10 =	sld [smem:$0x3FAE];
	_ =	sdelay $0x3  }
0x36: {  	p1 =	seq.s32 s10, $0x1;
	s10 =	sld [smem:$0x3FAF];
	_ =	sdelay $0x3  }
0x37: {  	[smem:$0x3FAF] =	sst s10  }
0x38: {  	s10 =	sld [smem:$0x3FB0]  }
0x39: {  	_ = 	snop;
	(pc) =	sbr.ind lr, $3  }
0x3a: {  	_ = 	snop  }
0x3b: {  	_ = 	snop  }
0x3c: {  	p2 =	seq.s32 s10, $0x1;
	s10 =	sld [smem:$0x3FAF]  }
0x3d: {  	_ =	shalt  }
0x3e: {  	_ =	shalt  }
0x3f: {  	_ =	shalt  }
0x40: {  	_ =	shalt  }
0x41: {  	_ =	shalt  }
0x42: {  	_ =	shalt  }
0x43: {  	_ =	shalt  }
0x44: {  	_ =	shalt  }
0x45: {  	_ =	shalt  }
0x46: {  	_ =	shalt  }
0x47: {  	_ =	shalt  }
0x48: {  	_ =	shalt  }
0x49: {  	_ =	shalt  }
0x4a: {  	_ =	shalt  }
0x4b: {  	_ =	shalt  }
0x4c: {  	_ =	shalt  }
0x4d: {  	_ =	shalt  }
0x4e: {  	_ =	shalt  }
0x4f: {  	_ =	shalt  }
0x50: {  	_ =	shalt  }
0x51: {  	_ =	shalt  }
0x52: {  	_ =	shalt  }
0x53: {  	_ =	shalt  }
0x54: {  	_ =	shalt  }
0x55: {  	_ =	shalt  }
0x56: {  	_ =	shalt  }
0x57: {  	_ =	shalt  }
0x58: {  	_ =	shalt  }
0x59: {  	_ =	shalt  }
0x5a: {  	_ =	shalt  }
0x5b: {  	_ =	shalt  }
0x5c: {  	_ =	shalt  }
0x5d: {  	_ =	shalt  }
0x5e: {  	_ =	shalt  }
0x5f: {  	_ =	shalt  }
0x60: {  	_ =	shalt  }
0x61: {  	_ =	shalt  }
0x62: {  	_ =	shalt  }
0x63: {  	_ =	shalt  }
0x64: {  	_ =	shalt  }
0x65: {  	_ =	shalt  }
0x66: {  	_ =	shalt  }
0x67: {  	_ =	shalt  }
0x68: {  	_ =	shalt  }
0x69: {  	_ =	shalt  }
0x6a: {  	_ =	shalt  }
0x6b: {  	_ =	shalt  }
0x6c: {  	_ =	shalt  }
0x6d: {  	_ =	shalt  }
0x6e: {  	_ =	shalt  }
0x6f: {  	_ =	shalt  }
0x70: {  	_ =	shalt  }
0x71: {  	_ =	shalt  }
0x72: {  	_ =	shalt  }
0x73: {  	_ =	shalt  }
0x74: {  	_ =	shalt  }
0x75: {  	_ =	shalt  }
0x76: {  	_ =	shalt  }
0x77: {  	_ =	shalt  }
0x78: {  	_ =	shalt  }
0x79: {  	_ =	shalt  }
0x7a: {  	_ =	shalt  }
0x7b: {  	_ =	shalt  }
0x7c: {  	_ =	shalt  }
0x7d: {  	_ =	shalt  }
0x7e: {  	_ =	shalt  }
0x7f: {  	_ =	shalt  }
0x80: {  	_ =	shalt  }
0x81: {  	_ =	shalt  }
0x82: {  	_ =	shalt  }
0x83: {  	_ =	shalt  }
0x84: {  	_ =	shalt  }
0x85: {  	_ =	shalt  }
0x86: {  	_ =	shalt  }
0x87: {  	_ =	shalt  }
.Lfunc_end0:
.L_simem_size_0:
called_computation.1_lowered:
.L_overlay_start_0:
0x88: {  	s2 =	sld [smem:$0x3FD9]  }
0x89: {  	s3 =	sld [smem:$0x3FFE];
	_ =	sdelay $0x1  }
0x8a: {  	s1 =	srdreg.scid  }
0x8b: {  	s0 =	sand.u32 $0x1, s1  }
0x8c: {  	s17 =	sshll.u32 s0, $0xA;
	s2 =	sadd.s32 s3, s2  }
0x8d: {  	s2 =	sadd.s32 s2, s17  }
0x8e: {  	[smem:$0x3FBB] =	sst s2  }
0x8f: {  	_ = 	snop  }
0x90: {  	s2 =	sld [smem:$0x3FD0];
	(tm) =	ssettm $0x1  }
0x91: {  	s18 =	sld [smem:$0x3FFB];
	_ =	sdelay $0x3  }
0x92: {  	_ =	strace s18  }
0x93: {  	s3 =	sld [smem:$0x3FFC];
	_ =	sdelay $0x3  }
0x94: {  	_ =	strace s3  }
0x95: {  	s3 =	sld [smem:$0x3FFD];
	_ =	sdelay $0x3  }
0x96: {  	_ =	strace s3  }
0x97: {  	_ =	strace $0x8FFFFFFF  }
0x98: {  	s19 =	sld [smem:$0x3FDB];
	_ =	sdelay $0x1  }
0x99: {  	s4 =	simm.s32 $_scs_section_size  }
0x9a: {  	s5 =	simm.s32 $_size__tile_overlayer_lowered;
	s6 =	simm.s32 $_tile_overlayer_lowered  }
0x9b: {  	s22 =	simm.s32 $0x1BFF;
	s21 =	sshll.u32 s6, $0x1;
	s3 =	sadd.s32 s4, s19  }
0x9c: {  	s7 =	simm.s32 $0x0;
	s20 =	sshll.u32 s5, $0x1;
	s5 =	sadd.s32 s21, s3  }
0x9d: {  	[timem:s7], [sflag:s22] =	dma.local [hbm:s5], s20  }
0x9e: {  	_ =	swait.ge [sflag:s22], s20  }
0x9f: {  	s4 =	ssub.s32 $0x0, s20;
	[sflag:s22] =	ssyncset.done $0x0  }
0xa0: {  	[sflag:s22] =	ssyncadd.s32 s4;
	_ =	sdelay $0x1  }
0xa1: {  	s23 =	simm.s32 $0x1B8B  }
0xa2: {  	_ =	swait.ge [sflag:s23], $0x1  }
0xa3: {  	[sflag:s23] =	ssyncset.done $0x0  }
0xa4: {  	s25 =	simm.s32 $0x1B8E;
	s24 =	sld [smem:$0x3FFE];
	[sflag:s23] =	ssyncadd.s32 $0xFFFFFFFF  }
0xa5: {  	s26 =	simm.s32 $execute0_lowered;
	[smem:$0x3FD2] =	sst s25  }
0xa6: {  	s5 =	sshll.u32 s26, $0x1;
	_ =	strace $0x80000046;
	[dreg:$0x1] =	wrdreg $0xFFFFFFFF  }
0xa7: {  	s28 =	simm.s32 $_size_execute0_lowered;
	s3 =	sadd.s32 s3, s5;
	[dreg:$0x0] =	wrdreg $0x0  }
0xa8: {  	s5 =	sshll.u32 s28, $0x1;
	[dreg:$0x2] =	wrdreg s3  }
0xa9: {  	[dreg:$0x3] =	wrdreg s5  }
0xaa: {  	[dreg:$0x4] =	wrdreg $0xC0  }
0xab: {  	_ =	task [dreg:s7], $0x5FFFF  }
0xac: {  	[dreg:$0x1] =	wrdreg $0xFFFFFFFF  }
0xad: {  	[dreg:$0x0] =	wrdreg $0x60  }
0xae: {  	[dreg:$0x2] =	wrdreg s24  }
0xaf: {  	[dreg:$0x3] =	wrdreg s2  }
0xb0: {  	[dreg:$0x4] =	wrdreg $0x9  }
0xb1: {  	_ =	task.clear_ibuf [dreg:s7], $0x5FFFF;
	_ =	strace $0x90000046  }
0xb2: {  	s29 =	simm.s32 $0x9;
	_ =	strace $0x80000048  }
0xb3: {  	_ =	swait.ge [sflag:s29], $0x1  }
0xb4: {  	[sflag:s29] =	ssyncadd.s32 $0xFFFFFFFF  }
0xb5: {  	_ =	strace $0x90000048  }
0xb6: {  	_ =	sfence  }
0xb7: {  	s30 =	sld [smem:$0x0];
	_ =	sdelay $0x2  }
0xb8: {  	s31 =	sshll.u32 s1, $0xD;
	s1 =	sshrl.u32 s1, $0x2  }
0xb9: {  	s3 =	sand.u32 $0x4000, s31;
	s1 =	sadd.s32 s1, s30  }
0xba: {  	s0 =	sor.u32 s3, s0;
	s1 =	sshll.u32 s1, $0x11  }
0xbb: {  	s0 =	sor.u32 s1, s0  }
0xbc: {  	s0 =	sadd.s32 $0x8F2B, s0  }
0xbd: {  	[sflag:s0] =	ssyncadd.remote.s32 $0x1  }
0xbe: {  	_ =	sfence.sel $0xFFFF  }
0xbf: {  	[dreg:$0x0] =	wrdreg $0xFFFFFFFF;
	(pc) =	sbr.abs _section_cstart, $3  }
0xc0: {  	[dreg:$0x1] =	wrdreg $0xFFFFFFFF  }
0xc1: {  	_ =	task.clear_ibuf [dreg:s7], $0x2FFFF;
	_ =	strace $0x9FFFFFFF  }
0xc2: {  	(tm) =	ssettm $0x7FFFFFFF  }
0xc3: {  	_ =	shalt  }
tec
execute0_lowered:
.L_overlay_start_1:
0x0: {  	(tag) =	ssettag $0x1  }
0x1: {  	s1 =	rddreg [dreg:$0x0]  }
0x2: {  	s2 =	rddreg [dreg:$0x1];
	s3 =	simm.s32 $0x0;
	vm11 =	vmmov $0x3ff;
	v2 =	vimm.s32 $0x0  }
0x3: {  	[smem:$0x7FF] =	sst s3;
	v2 =	vsel vm11, $0xFFFFFFFF, v2  }
0x4: {  	s0 =	rddreg [dreg:$0x2];
	s4 =	srdreg.scid;
	vm6 =	vmmov $0x1ff;
	_ =	strace $0x80000047;
	[tilespmem:$0x1FFB0] =	vst v2;
	v2 =	vimm.s32 $0x0  }
0x5: {  	v0 =	vimm.s32 $0x0;
	vm10 =	vmmov $0x1;
	s14 =	simm.s32 $0x9C00;
	s15 =	simm.s32 $0xA480;
	s16 =	simm.s32 $0xA500;
	v2 =	vsel vm6, $0xFFFFFFFF, v2  }
0x6: {  	vm3 =	vmmov $0x3;
	vm7 =	vmmov $0x3f;
	s17 =	simm.s32 $0xA580;
	s18 =	simm.s32 $0x14B80;
	s19 =	simm.s32 $0x14C80;
	[tilespmem:$0x1FFC0] =	vst v2;
	v2 =	vimm.s32 $0x0  }
0x7: {  	vm4 =	vmmov $0x7;
	vm5 =	vmmov $0xf;
	s20 =	simm.s32 $0x14D80;
	s21 =	simm.s32 $0x0;
	s5 =	sadd.s32 $0x33C00, s1;
	v2 =	vsel vm7, $0xFFFFFFFF, v2  }
0x8: {  	vm2 =	vmmov $0x1f;
	vm14 =	vmmov $0x1fff;
	s6 =	sadd.s32 $0x200, s1;
	s10 =	sand.u32 $0x1, s4;
	s7 =	sadd.s32 $0x33A00, s1;
	[tilespmem:$0x1FFD0] =	vst v2;
	v2 =	vimm.s32 $0x0  }
0x9: {  	vm0 =	vmmov $0x7fff;
	v1 =	vimm.s32 $0x0;
	s4 =	stileid.u32;
	s8 =	sadd.s32 $0x32400, s1;
	s11 =	ssub.s32 $0x2, s10;
	v2 =	vsel vm14, $0xFFFFFFFF, v2  }
0xa: {  	vm15 =	vmmov $0x3fff;
	s9 =	sadd.s32 $0x400, s1;
	v1 =	vsel vm0, $0xFFFFFFFF, v1;
	s13 =	sshll.u32 s4, $0x1;
	s12 =	sshrl.u32 s11, $0x1;
	[tilespmem:$0x1FFE0] =	vst v2;
	v2 =	vimm.s32 $0x0  }
0xb: {  	vm8 =	vmmov $0x7f;
	vm9 =	vmmov $0xff;
	[tilespmem:$0x1FFA0] =	vst v1;
	s31 =	sor.u32 s10, s13;
	s10 =	sadd.s32 $0x19400, s1;
	s12 =	ssub.s32 s11, s12;
	v2 =	vsel vm15, $0xFFFFFFFF, v2  }
0xc: {  	vm12 =	vmmov $0x7ff;
	vm13 =	vmmov $0xfff;
	v1 =	vimm.f32 $1.000000000e+00;
	s13 =	simm.s32 $0x1;
	s11 =	smul.u32 $0x6400, s31;
	s12 =	smax.u32 s12, $0x1;
	[tilespmem:$0x1FFF0] =	vst v2  }
.LBB2_1:
0xd: {  	[tilespmem:s3], [sflag:$0x1] =	stream.linear.gather [hbm4b:s5+s3], $0x9C00, $0x38;
	[tilespmem:$0x18D80] =	vst v63  }
0xe: {  	_ =	swait.ge [sflag:s13], $0x9C00  }
0xf: {  	[sflag:s13] =	ssyncset.done $0x0  }
0x10: {  	[sflag:s13] =	ssyncadd.s32 $0xFFFF6400  }
0x11: {  	[tilespmem:s14], [sflag:$0x1] =	stream.linear.gather [hbm4b:s6+s3], $0x880, $0x38;
	[tilespmem:$0x18D80] =	vst v63  }
0x12: {  	_ =	swait.ge [sflag:s13], $0x880  }
0x13: {  	[sflag:s13] =	ssyncset.done $0x0  }
0x14: {  	[sflag:s13] =	ssyncadd.s32 $0xFFFFF780  }
0x15: {  	[tilespmem:s15], [sflag:$0x1] =	stream.linear.gather [hbm4b:s1+s3], $0x80, $0x38;
	[tilespmem:$0x18D80] =	vst v63  }
0x16: {  	_ =	swait.ge [sflag:s13], $0x80  }
0x17: {  	[sflag:s13] =	ssyncset.done $0x0  }
0x18: {  	[sflag:s13] =	ssyncadd.s32 $0xFFFFFF80  }
0x19: {  	[tilespmem:s16], [sflag:$0x1] =	stream.linear.gather [hbm4b:s7+s3], $0x80, $0x38;
	[tilespmem:$0x18D80] =	vst v63  }
0x1a: {  	_ =	swait.ge [sflag:s13], $0x80  }
0x1b: {  	[sflag:s13] =	ssyncset.done $0x0  }
0x1c: {  	[sflag:s13] =	ssyncadd.s32 $0xFFFFFF80  }
0x1d: {  	[tilespmem:s17], [sflag:$0x1] =	stream.linear.gather [hbm4b:s8+s3], $0xA600, $0x38;
	[tilespmem:$0x18D80] =	vst v63  }
0x1e: {  	_ =	swait.ge [sflag:s13], $0xA600  }
0x1f: {  	[sflag:s13] =	ssyncset.done $0x0  }
0x20: {  	[sflag:s13] =	ssyncadd.s32 $0xFFFF5A00  }
0x21: {  	v25 =	vld [tilespmem:$0xA480];
	_ =	sdelay $0x4  }
0x22: {  	v2 =	vld [tilespmem:$0xA500];
	v3 =	vbroadcast v25, $0x0;
	v4 =	vbroadcast v25, $0x1  }
0x23: {  	v5 =	vld [tilespmem:$0xA510];
	v6 =	vbroadcast v25, $0x2;
	v7 =	vbroadcast v25, $0x3  }
0x24: {  	v8 =	vld [tilespmem:$0xA520];
	v9 =	vbroadcast v25, $0x4;
	v10 =	vbroadcast v25, $0x5  }
0x25: {  	v11 =	vld [tilespmem:$0xA530];
	v12 =	vbroadcast v25, $0x6;
	v13 =	vbroadcast v25, $0x7  }
0x26: {  	v14 =	vld [tilespmem:$0xA540];
	v15 =	vbroadcast v25, $0x8;
	v16 =	vbroadcast v25, $0x9  }
0x27: {  	v17 =	vld [tilespmem:$0xA550];
	v18 =	vbroadcast v25, $0xA;
	v19 =	vbroadcast v25, $0xB  }
0x28: {  	v20 =	vld [tilespmem:$0xA560];
	v21 =	vbroadcast v25, $0xC;
	v22 =	vbroadcast v25, $0xD  }
0x29: {  	s22 =	simm.s32 $0x0;
	v23 =	vld [tilespmem:$0xA570];
	v24 =	vbroadcast v25, $0xE;
	v25 =	vbroadcast v25, $0xF  }
.LBB2_2:
0x2a: {  	s23 =	sshll.u32 s22, $0x8  }
0x2b: {  	s23 =	sadd.s32 s11, s23  }
0x2c: {  	s25 =	sshrl.u32 s23, $0x3  }
0x2d: {  	s24 =	simm.s32 $0x0;
	s26 =	sadd.s32 s9, s25  }
0x2e: {  	[tilespmem:s18], [sflag:$0x1] =	stream.linear.gather [hbm4b:s26+s24], $0x100, $0x38;
	[tilespmem:$0x18D80] =	vst v63  }
0x2f: {  	_ =	swait.ge [sflag:s13], $0x100  }
0x30: {  	[sflag:s13] =	ssyncset.done $0x0  }
0x31: {  	s25 =	sadd.s32 s10, s25;
	[sflag:s13] =	ssyncadd.s32 $0xFFFFFF00  }
0x32: {  	[tilespmem:s19], [sflag:$0x1] =	stream.linear.gather [hbm4b:s25+s24], $0x100, $0x38;
	[tilespmem:$0x18D80] =	vst v63  }
0x33: {  	_ =	swait.ge [sflag:s13], $0x100  }
0x34: {  	[sflag:s13] =	ssyncset.done $0x0  }
0x35: {  	s25 =	simm.s32 $0x14F80;
	[sflag:s13] =	ssyncadd.s32 $0xFFFFFF00  }
.LBB2_3:
0x36: {  	s26 =	sshra.s32 s24, $0x2  }
0x37: {  	v26 =	vld [tilespmem:s26+$0x14C80];
	_ =	sdelay $0x4  }
0x38: {  	vm0 =	vgt.f32 v26, v3;
	vm1 =	vgt.f32 v26, v4  }
0x39: {  	v27 =	vsel vm0, $0x1, v0;
	v28 =	vsel vm1, $0x1, v0;
	vm0 =	vgt.f32 v26, v6  }
0x3a: {  	v27 =	vadd.s32 v28, v27;
	v44 =	vsel vm0, $0x1, v0;
	vm0 =	vgt.f32 v26, v7  }
0x3b: {  	v27 =	vadd.s32 v44, v27;
	v45 =	vsel vm0, $0x1, v0;
	vm0 =	vgt.f32 v26, v9  }
0x3c: {  	v27 =	vadd.s32 v45, v27;
	v46 =	vsel vm0, $0x1, v0;
	vm0 =	vgt.f32 v26, v10  }
0x3d: {  	v27 =	vadd.s32 v46, v27;
	v47 =	vsel vm0, $0x1, v0;
	vm0 =	vgt.f32 v26, v12  }
0x3e: {  	v27 =	vadd.s32 v47, v27;
	v48 =	vsel vm0, $0x1, v0;
	vm0 =	vgt.f32 v26, v13  }
0x3f: {  	v27 =	vadd.s32 v48, v27;
	v49 =	vsel vm0, $0x1, v0;
	vm0 =	vgt.f32 v26, v15  }
0x40: {  	v27 =	vadd.s32 v49, v27;
	v50 =	vsel vm0, $0x1, v0;
	vm0 =	vgt.f32 v26, v16  }
0x41: {  	v27 =	vadd.s32 v50, v27;
	v51 =	vsel vm0, $0x1, v0;
	vm0 =	vgt.f32 v26, v18  }
0x42: {  	v27 =	vadd.s32 v51, v27;
	v52 =	vsel vm0, $0x1, v0;
	vm0 =	vgt.f32 v26, v19  }
0x43: {  	v29 =	vld [tilespmem:s26+$0x14B80];
	v27 =	vadd.s32 v52, v27;
	v53 =	vsel vm0, $0x1, v0;
	vm0 =	vgt.f32 v26, v21  }
0x44: {  	v27 =	vadd.s32 v53, v27;
	v54 =	vsel vm0, $0x1, v0;
	vm0 =	vgt.f32 v26, v22  }
0x45: {  	v27 =	vadd.s32 v54, v27;
	v55 =	vsel vm0, $0x1, v0;
	vm0 =	vgt.f32 v26, v24  }
0x46: {  	v27 =	vadd.s32 v55, v27;
	v56 =	vsel vm0, $0x1, v0;
	vm0 =	vgt.f32 v26, v25  }
0x47: {  	v27 =	vadd.s32 v56, v27;
	v57 =	vsel vm0, $0x1, v0  }
0x48: {  	v58 =	vmul.u32 $0x44, v29;
	v27 =	vadd.s32 v57, v27  }
0x49: {  	v30 =	vshll.u32 v27, $0x2  }
0x4a: {  	v28 =	vadd.s32 v58, v30  }
0x4b: {  	v28 =	vadd.s32 $0xA580, v28  }
0x4c: {  	(v2sf) =	vpush v28, $0x1  }
0x4d: {  	(v2sf) =	vpush v28, $0x0;
	_ =	sdelay $0x1  }
0x4e: {  	(v2sf) =	vpush v28, $0x3;
	_ =	sdelay $0x1  }
0x4f: {  	(v2sf) =	vpush v28, $0x2;
	_ =	sdelay $0x1  }
0x50: {  	(v2sf) =	vpush v28, $0x5  }
0x51: {  	(v2sf) =	vpush v28, $0x4;
	_ =	sdelay $0x6  }
0x52: {  	s30 =	spop (v2sf)  }
0x53: {  	(v2sf) =	vpush v28, $0x7;
	s28 =	spop (v2sf);
	v31 =	vld [tilespmem:s30+$0x0]  }
0x54: {  	v59 =	vld [tilespmem:s28+$0x0]  }
0x55: {  	(v2sf) =	vpush v28, $0x6;
	s31 =	spop (v2sf)  }
0x56: {  	v36 =	vld [tilespmem:s31+$0x0]  }
0x57: {  	(v2sf) =	vpush v28, $0x9;
	s29 =	spop (v2sf)  }
0x58: {  	v35 =	vld [tilespmem:s29+$0x0];
	v33 =	vbroadcast v31, $0x2  }
0x59: {  	(v2sf) =	vpush v28, $0x8;
	s30 =	spop (v2sf);
	v32 =	vbroadcast v59, $0x2  }
0x5a: {  	s31 =	spop (v2sf);
	v39 =	vld [tilespmem:s30+$0x0];
	v34 =	vbroadcast v59, $0x1;
	v33 =	vmul.f32 v33, v26  }
0x5b: {  	(v2sf) =	vpush v28, $0xB;
	v60 =	vld [tilespmem:s31+$0x0];
	v38 =	vbroadcast v36, $0x2;
	v42 =	vbroadcast v36, $0x1  }
0x5c: {  	v36 =	vbroadcast v36, $0x0;
	v32 =	vmul.f32 v32, v26  }
0x5d: {  	(v2sf) =	vpush v28, $0xA;
	v37 =	vbroadcast v35, $0x1;
	v61 =	vmul.f32 v35, v26  }
0x5e: {  	v62 =	vbroadcast v35, $0x0;
	v33 =	vadd.f32 v33, v31;
	v31 =	vbroadcast v31, $0x0  }
0x5f: {  	v38 =	vmul.f32 v38, v26;
	v46 =	vbroadcast v39, $0x2;
	v32 =	vadd.f32 v32, v34  }
0x60: {  	v40 =	vbroadcast v39, $0x1;
	v63 =	vbroadcast v60, $0x2  }
0x61: {  	v33 =	vmul.f32 v33, v26;
	v32 =	vmul.f32 v32, v26  }
0x62: {  	v56 =	vbroadcast v39, $0x0;
	v43 =	vbroadcast v60, $0x1;
	s29 =	spop (v2sf)  }
0x63: {  	v35 =	vmul.f32 v63, v26;
	v31 =	vadd.f32 v33, v31;
	v30 =	vadd.f32 v32, v59;
	v47 =	vld [tilespmem:s29+$0x0]  }
0x64: {  	v34 =	vbroadcast v60, $0x0;
	v32 =	vadd.f32 v61, v37;
	(v2sf) =	vpush v28, $0xD;
	s30 =	spop (v2sf)  }
0x65: {  	v30 =	vsel vm10, v30, v31;
	v44 =	vld [tilespmem:s30+$0x0];
	v31 =	vadd.f32 v35, v43;
	v35 =	vmul.f32 v46, v26  }
0x66: {  	v37 =	vadd.f32 v38, v42;
	(v2sf) =	vpush v28, $0xC;
	v32 =	vmul.f32 v32, v26;
	s31 =	spop (v2sf)  }
0x67: {  	(v2sf) =	vpush v28, $0xF;
	v57 =	vld [tilespmem:s31+$0x0];
	v31 =	vmul.f32 v31, v26;
	v52 =	vadd.f32 v35, v40  }
0x68: {  	v45 =	vmul.f32 v37, v26;
	s29 =	spop (v2sf);
	(v2sf) =	vpush v28, $0xE;
	v55 =	vbroadcast v47, $0x2  }
0x69: {  	v51 =	vld [tilespmem:s29+$0x0];
	v31 =	vadd.f32 v31, v34;
	v34 =	vmul.f32 v52, v26;
	v58 =	vbroadcast v47, $0x1  }
0x6a: {  	v32 =	vadd.f32 v32, v62;
	s30 =	spop (v2sf);
	v37 =	vbroadcast v47, $0x0;
	v50 =	vbroadcast v44, $0x2  }
0x6b: {  	v49 =	vadd.f32 v45, v36;
	v62 =	vld [tilespmem:s30+$0x0];
	v53 =	vbroadcast v44, $0x1;
	v59 =	vbroadcast v44, $0x0  }
0x6c: {  	s31 =	spop (v2sf);
	v48 =	vsel vm3, v30, v32;
	v32 =	vmul.f32 v55, v26;
	v40 =	vbroadcast v57, $0x2  }
0x6d: {  	v61 =	vld [tilespmem:s31+$0x0];
	v28 =	vsel vm4, v48, v49;
	v41 =	vbroadcast v57, $0x1;
	v36 =	vbroadcast v57, $0x0  }
0x6e: {  	v28 =	vsel vm5, v28, v31;
	v54 =	vmul.f32 v50, v26;
	v60 =	vbroadcast v51, $0x2  }
0x6f: {  	v31 =	vadd.f32 v34, v56;
	v63 =	vbroadcast v51, $0x1;
	v33 =	vbroadcast v51, $0x0  }
0x70: {  	v42 =	vmul.f32 v40, v26;
	v44 =	vbroadcast v62, $0x2;
	v30 =	vadd.f32 v54, v53  }
0x71: {  	v32 =	vadd.f32 v32, v58;
	v47 =	vbroadcast v62, $0x1;
	v38 =	vmul.f32 v60, v26  }
0x72: {  	v43 =	vbroadcast v61, $0x2;
	v30 =	vmul.f32 v30, v26  }
0x73: {  	v28 =	vsel vm2, v28, v31;
	v45 =	vbroadcast v61, $0x1;
	v32 =	vmul.f32 v32, v26  }
0x74: {  	v31 =	vadd.f32 v38, v63;
	v34 =	vmul.f32 v43, v26;
	v30 =	vadd.f32 v30, v59;
	s29 =	spop (v2sf)  }
0x75: {  	v35 =	vbroadcast v62, $0x0;
	v32 =	vadd.f32 v32, v37;
	v37 =	vmul.f32 v44, v26;
	s30 =	spop (v2sf);
	v48 =	vld [tilespmem:s29+$0x0]  }
0x76: {  	v31 =	vmul.f32 v31, v26;
	v34 =	vadd.f32 v34, v45;
	v28 =	vsel vm7, v28, v30;
	v46 =	vld [tilespmem:s30+$0x0];
	s31 =	spop (v2sf)  }
0x77: {  	v30 =	vadd.f32 v42, v41;
	v28 =	vsel vm8, v28, v32;
	s29 =	spop (v2sf);
	v32 =	vadd.f32 v37, v47  }
0x78: {  	v49 =	vbroadcast v61, $0x0;
	v31 =	vadd.f32 v31, v33;
	v34 =	vmul.f32 v34, v26;
	v50 =	vld [tilespmem:s29+$0x0]  }
0x79: {  	v51 =	vld [tilespmem:s31+$0x0];
	v30 =	vmul.f32 v30, v26;
	v52 =	vmul.f32 v32, v26  }
0x7a: {  	v28 =	vsel vm9, v28, v31;
	v56 =	vbroadcast v48, $0x2;
	v57 =	vbroadcast v48, $0x1  }
0x7b: {  	v54 =	vadd.f32 v34, v49;
	v42 =	vbroadcast v48, $0x0;
	v53 =	vbroadcast v46, $0x2  }
0x7c: {  	v30 =	vadd.f32 v30, v36;
	v55 =	vbroadcast v46, $0x1;
	v63 =	vbroadcast v46, $0x0  }
0x7d: {  	v31 =	vadd.f32 v52, v35;
	v32 =	vmul.f32 v53, v26;
	v58 =	vbroadcast v50, $0x2  }
0x7e: {  	v28 =	vsel vm6, v28, v30;
	v59 =	vmul.f32 v56, v26;
	v60 =	vbroadcast v51, $0x2  }
0x7f: {  	v61 =	vbroadcast v50, $0x1;
	v32 =	vadd.f32 v32, v55;
	v35 =	vmul.f32 v58, v26  }
0x80: {  	v62 =	vbroadcast v51, $0x1;
	v30 =	vadd.f32 v59, v57;
	v34 =	vmul.f32 v60, v26  }
0x81: {  	v28 =	vsel vm11, v28, v54;
	v32 =	vmul.f32 v32, v26;
	v33 =	vadd.f32 v35, v61  }
0x82: {  	v47 =	vld [tilespmem:$0x1FFA0];
	v28 =	vsel vm12, v28, v31;
	v30 =	vmul.f32 v30, v26;
	v31 =	vadd.f32 v34, v62  }
0x83: {  	v43 =	vbroadcast v50, $0x0;
	v32 =	vadd.f32 v32, v63;
	v33 =	vmul.f32 v33, v26  }
0x84: {  	v44 =	vbroadcast v51, $0x0;
	v30 =	vadd.f32 v30, v42;
	v31 =	vmul.f32 v31, v26  }
0x85: {  	v28 =	vsel vm13, v28, v32;
	v45 =	vadd.f32 v33, v43  }
0x86: {  	v46 =	vadd.f32 v31, v44;
	v28 =	vsel vm14, v28, v30  }
0x87: {  	vm0 =	vnez.u8 v47;
	v28 =	vsel vm15, v28, v45  }
0x88: {  	v28 =	vsel vm0, v28, v46  }
0x89: {  	v28 =	vmul.f32 $1.562500000e-02, v28;
	_ =	sdelay $0x1  }
0x8a: {  	v28 =	vadd.f32 $9.999999740e-06, v28;
	_ =	sdelay $0x1  }
0x8b: {  	vm6 =	vmmov vm13;
	v48 =	vmul.f32 $4.294967300e+09, v28  }
0x8c: {  	vm13 =	vmmov vm9;
	vm9 =	vmmov vm5;
	vm5 =	vlt.f32 v28, $1.000000000e+00  }
0x8d: {  	v28 =	vsel vm5, v48, v28  }
0x8e: {  	vm7 =	vmmov vm12;
	v30 =	vmul.f32 $5.421010860e-20, v28  }
0x8f: {  	vm12 =	vmmov vm8;
	vm8 =	vmmov vm4;
	vm4 =	vge.f32 v28, $1.844674410e+19  }
0x90: {  	v28 =	vsel vm4, v30, v28  }
0x91: {  	v30 =	vmul.f32 $2.328306440e-10, v28  }
0x92: {  	vm14 =	vmmov vm2;
	vm2 =	vge.f32 v28, $4.294967300e+09  }
0x93: {  	v28 =	vsel vm2, v30, v28  }
0x94: {  	v30 =	vmul.f32 $1.525878910e-05, v28  }
0x95: {  	vm11 =	vmmov vm3;
	vm3 =	vge.f32 v28, $6.553600000e+04  }
0x96: {  	v28 =	vsel vm3, v30, v28  }
0x97: {  	v30 =	vmul.f32 $3.906250000e-03, v28  }
0x98: {  	vm1 =	vge.f32 v28, $2.560000000e+02  }
0x99: {  	v28 =	vsel vm1, v30, v28  }
0x9a: {  	v30 =	vmul.f32 $6.250000000e-02, v28  }
0x9b: {  	vm0 =	vge.f32 v28, $1.600000000e+01  }
0x9c: {  	v28 =	vsel vm0, v30, v28  }
0x9d: {  	v30 =	vmul.f32 $2.500000000e-01, v28  }
0x9e: {  	vm15 =	vge.f32 v28, $4.000000000e+00  }
0x9f: {  	v28 =	vsel vm15, v30, v28  }
0xa0: {  	v30 =	vmul.f32 $4.463240130e-02, v28;
	_ =	sdelay $0x1  }
0xa1: {  	v30 =	vadd.f32 $-3.700168430e-01, v30;
	_ =	sdelay $0x1  }
0xa2: {  	v30 =	vmul.f32 v30, v28;
	_ =	sdelay $0x1  }
0xa3: {  	v49 =	vmul.f32 $5.000000000e-01, v28;
	v30 =	vadd.f32 $1.278893830e+00, v30;
	_ =	sdelay $0x1  }
0xa4: {  	v28 =	vmul.f32 v30, v49;
	_ =	sdelay $0x1  }
0xa5: {  	v27 =	vshll.u32 v27, $0x6;
	v50 =	vmul.f32 v28, v30  }
0xa6: {  	(v2sf) =	vpush v27, $0x0;
	v28 =	vadd.s32 $0x440, v27  }
0xa7: {  	v29 =	vshll.u32 v29, $0x6;
	(v2sf) =	vpush v28, $0x0;
	v32 =	vsub.f32 $1.500000000e+00, v50  }
0xa8: {  	v51 =	vsel vm5, $0x47800000, v1;
	(v2sf) =	vpush v29, $0x0  }
0xa9: {  	v52 =	vmul.f32 $2.328306440e-10, v51;
	v30 =	vmul.f32 v32, v30;
	_ =	sdelay $0x1  }
0xaa: {  	v53 =	vsel vm4, v52, v51;
	v54 =	vmul.f32 v30, v49  }
0xab: {  	v34 =	vmul.f32 $1.525878910e-05, v53  }
0xac: {  	v33 =	vmul.f32 v54, v30  }
0xad: {  	v32 =	vsel vm2, v34, v53  }
0xae: {  	v57 =	vmul.f32 $3.906250000e-03, v32;
	v33 =	vsub.f32 $1.500000000e+00, v33;
	_ =	sdelay $0x1  }
0xaf: {  	v32 =	vsel vm3, v57, v32;
	v30 =	vmul.f32 v33, v30  }
0xb0: {  	v60 =	vmul.f32 $6.250000000e-02, v32  }
0xb1: {  	v31 =	vmul.f32 v30, v49  }
0xb2: {  	v32 =	vsel vm1, v60, v32  }
0xb3: {  	s30 =	spop (v2sf);
	v33 =	vmul.f32 $2.500000000e-01, v32;
	v31 =	vmul.f32 v31, v30  }
0xb4: {  	v61 =	vld [tilespmem:s30+$0x9C00];
	s31 =	spop (v2sf)  }
0xb5: {  	v32 =	vsel vm0, v33, v32;
	s29 =	spop (v2sf);
	v31 =	vsub.f32 $1.500000000e+00, v31  }
0xb6: {  	v33 =	vmul.f32 $5.000000000e-01, v32;
	v62 =	vld [tilespmem:s29+$0x0]  }
0xb7: {  	v63 =	vbroadcast v26, $0x0;
	v30 =	vmul.f32 v31, v30  }
0xb8: {  	v38 =	vsel vm15, v33, v32;
	v40 =	vld [tilespmem:s31+$0x9C00]  }
0xb9: {  	v41 =	vmul.f32 v61, v63;
	v30 =	vmul.f32 v30, v38;
	_ =	sdelay $0x1  }
0xba: {  	v31 =	vadd.f32 v41, v62;
	v42 =	vbroadcast v30, $0x0;
	_ =	sdelay $0x1  }
0xbb: {  	v31 =	vadd.f32 v31, v40;
	v43 =	vmul.f32 v42, v2;
	_ =	sdelay $0x1  }
0xbc: {  	v31 =	vmul.f32 v43, v31;
	_ =	sdelay $0x1  }
0xbd: {  	v31 =	vadd.f32 v31, v14;
	_ =	sdelay $0x1  }
0xbe: {  	[tilespmem:s25+$0xFFFFFE00] =	vst v31  }
0xbf: {  	v31 =	vld [tilespmem:s30+$0x9C10];
	_ =	sdelay $0x1  }
0xc0: {  	v44 =	vld [tilespmem:s29+$0x10];
	_ =	sdelay $0x1  }
0xc1: {  	v45 =	vld [tilespmem:s31+$0x9C10]  }
0xc2: {  	v31 =	vmul.f32 v31, v63;
	_ =	sdelay $0x1  }
0xc3: {  	v31 =	vadd.f32 v31, v44;
	_ =	sdelay $0x1  }
0xc4: {  	v46 =	vmul.f32 v42, v5;
	v31 =	vadd.f32 v31, v45;
	_ =	sdelay $0x1  }
0xc5: {  	v31 =	vmul.f32 v46, v31;
	_ =	sdelay $0x1  }
0xc6: {  	v31 =	vadd.f32 v31, v17;
	_ =	sdelay $0x1  }
0xc7: {  	[tilespmem:s25+$0xFFFFFE10] =	vst v31  }
0xc8: {  	v31 =	vld [tilespmem:s30+$0x9C20];
	_ =	sdelay $0x1  }
0xc9: {  	v47 =	vld [tilespmem:s29+$0x20];
	_ =	sdelay $0x1  }
0xca: {  	v48 =	vld [tilespmem:s31+$0x9C20]  }
0xcb: {  	v31 =	vmul.f32 v31, v63;
	_ =	sdelay $0x1  }
0xcc: {  	v31 =	vadd.f32 v31, v47;
	_ =	sdelay $0x1  }
0xcd: {  	v49 =	vmul.f32 v42, v8;
	v31 =	vadd.f32 v31, v48;
	_ =	sdelay $0x1  }
0xce: {  	v31 =	vmul.f32 v49, v31;
	_ =	sdelay $0x1  }
0xcf: {  	v31 =	vadd.f32 v31, v20;
	_ =	sdelay $0x1  }
0xd0: {  	[tilespmem:s25+$0xFFFFFE20] =	vst v31  }
0xd1: {  	(v2sf) =	vpush v27, $0x1;
	v31 =	vld [tilespmem:s30+$0x9C30]  }
0xd2: {  	(v2sf) =	vpush v28, $0x1  }
0xd3: {  	(v2sf) =	vpush v29, $0x1;
	v50 =	vld [tilespmem:s29+$0x30];
	_ =	sdelay $0x1  }
0xd4: {  	v51 =	vld [tilespmem:s31+$0x9C30]  }
0xd5: {  	v31 =	vmul.f32 v31, v63;
	_ =	sdelay $0x1  }
0xd6: {  	v31 =	vadd.f32 v31, v50;
	_ =	sdelay $0x1  }
0xd7: {  	v52 =	vmul.f32 v42, v11;
	v31 =	vadd.f32 v31, v51;
	_ =	sdelay $0x1  }
0xd8: {  	v31 =	vmul.f32 v52, v31;
	_ =	sdelay $0x1  }
0xd9: {  	v31 =	vadd.f32 v31, v23;
	_ =	sdelay $0x1  }
0xda: {  	v55 =	vld [tilespmem:$0x1FFE0];
	s26 =	spop (v2sf);
	[tilespmem:s25+$0xFFFFFE30] =	vst v31  }
0xdb: {  	s30 =	spop (v2sf);
	v31 =	vld [tilespmem:s26+$0x9C00]  }
0xdc: {  	v56 =	vld [tilespmem:$0x1FFC0];
	s31 =	spop (v2sf)  }
0xdd: {  	v53 =	vld [tilespmem:s31+$0x0]  }
0xde: {  	v54 =	vbroadcast v26, $0x1  }
0xdf: {  	vm2 =	vmmov vm14;
	vm14 =	vnez.u8 v55;
	v55 =	vld [tilespmem:s30+$0x9C00]  }
0xe0: {  	v31 =	vmul.f32 v31, v54  }
0xe1: {  	vm5 =	vmmov vm9;
	vm9 =	vmmov vm13;
	vm13 =	vmmov vm6  }
0xe2: {  	vm6 =	vnez.u8 v56;
	v56 =	vbroadcast v30, $0x1;
	v31 =	vadd.f32 v31, v53;
	_ =	sdelay $0x1  }
0xe3: {  	v57 =	vmul.f32 v56, v2;
	v31 =	vadd.f32 v31, v55;
	_ =	sdelay $0x1  }
0xe4: {  	v31 =	vmul.f32 v57, v31;
	_ =	sdelay $0x1  }
0xe5: {  	v58 =	vld [tilespmem:$0x1FFD0];
	v31 =	vadd.f32 v31, v14;
	_ =	sdelay $0x1  }
0xe6: {  	v59 =	vld [tilespmem:$0x1FFB0];
	[tilespmem:s25+$0xFFFFFE40] =	vst v31  }
0xe7: {  	v31 =	vld [tilespmem:s26+$0x9C10]  }
0xe8: {  	vm4 =	vmmov vm8  }
0xe9: {  	vm8 =	vmmov vm12;
	vm12 =	vmmov vm7;
	vm7 =	vnez.u8 v58;
	v58 =	vld [tilespmem:s31+$0x10];
	_ =	sdelay $0x1  }
0xea: {  	vm3 =	vmmov vm11;
	vm11 =	vnez.u8 v59;
	v59 =	vld [tilespmem:s30+$0x9C10]  }
0xeb: {  	v31 =	vmul.f32 v31, v54;
	_ =	sdelay $0x1  }
0xec: {  	v31 =	vadd.f32 v31, v58;
	_ =	sdelay $0x1  }
0xed: {  	v60 =	vmul.f32 v56, v5;
	v31 =	vadd.f32 v31, v59;
	_ =	sdelay $0x1  }
0xee: {  	v31 =	vmul.f32 v60, v31;
	_ =	sdelay $0x1  }
0xef: {  	v31 =	vadd.f32 v31, v17;
	_ =	sdelay $0x1  }
0xf0: {  	[tilespmem:s25+$0xFFFFFE50] =	vst v31  }
0xf1: {  	v31 =	vld [tilespmem:s26+$0x9C20];
	_ =	sdelay $0x1  }
0xf2: {  	v61 =	vld [tilespmem:s31+$0x20];
	_ =	sdelay $0x1  }
0xf3: {  	v62 =	vld [tilespmem:s30+$0x9C20]  }
0xf4: {  	v31 =	vmul.f32 v31, v54;
	_ =	sdelay $0x1  }
0xf5: {  	v31 =	vadd.f32 v31, v61;
	_ =	sdelay $0x1  }
0xf6: {  	v63 =	vmul.f32 v56, v8;
	v31 =	vadd.f32 v31, v62;
	_ =	sdelay $0x1  }
0xf7: {  	v31 =	vmul.f32 v63, v31;
	_ =	sdelay $0x1  }
0xf8: {  	v31 =	vadd.f32 v31, v20;
	_ =	sdelay $0x1  }
0xf9: {  	[tilespmem:s25+$0xFFFFFE60] =	vst v31  }
0xfa: {  	(v2sf) =	vpush v27, $0x2;
	v31 =	vld [tilespmem:s26+$0x9C30]  }
0xfb: {  	(v2sf) =	vpush v28, $0x2  }
0xfc: {  	(v2sf) =	vpush v29, $0x2;
	v36 =	vld [tilespmem:s31+$0x30];
	_ =	sdelay $0x1  }
0xfd: {  	v37 =	vld [tilespmem:s30+$0x9C30]  }
0xfe: {  	v31 =	vmul.f32 v31, v54;
	_ =	sdelay $0x1  }
0xff: {  	v31 =	vadd.f32 v31, v36;
	_ =	sdelay $0x1  }
0x100: {  	v38 =	vmul.f32 v56, v11;
	v31 =	vadd.f32 v31, v37;
	_ =	sdelay $0x1  }
0x101: {  	v31 =	vmul.f32 v38, v31;
	_ =	sdelay $0x1  }
0x102: {  	v39 =	vld [tilespmem:$0x1FFF0];
	v31 =	vadd.f32 v31, v23;
	_ =	sdelay $0x1  }
0x103: {  	s26 =	spop (v2sf);
	[tilespmem:s25+$0xFFFFFE70] =	vst v31  }
0x104: {  	s30 =	spop (v2sf);
	v31 =	vld [tilespmem:s26+$0x9C00]  }
0x105: {  	s31 =	spop (v2sf)  }
0x106: {  	vm15 =	vnez.u8 v39;
	v39 =	vld [tilespmem:s31+$0x0]  }
0x107: {  	v40 =	vbroadcast v26, $0x2  }
0x108: {  	v41 =	vld [tilespmem:s30+$0x9C00]  }
0x109: {  	v31 =	vmul.f32 v31, v40;
	_ =	sdelay $0x1  }
0x10a: {  	v42 =	vbroadcast v30, $0x2;
	v31 =	vadd.f32 v31, v39;
	_ =	sdelay $0x1  }
0x10b: {  	v43 =	vmul.f32 v42, v2;
	v31 =	vadd.f32 v31, v41;
	_ =	sdelay $0x1  }
0x10c: {  	v31 =	vmul.f32 v43, v31;
	_ =	sdelay $0x1  }
0x10d: {  	v31 =	vadd.f32 v31, v14;
	_ =	sdelay $0x1  }
0x10e: {  	[tilespmem:s25+$0xFFFFFE80] =	vst v31  }
0x10f: {  	v31 =	vld [tilespmem:s26+$0x9C10];
	_ =	sdelay $0x1  }
0x110: {  	v44 =	vld [tilespmem:s31+$0x10];
	_ =	sdelay $0x1  }
0x111: {  	v45 =	vld [tilespmem:s30+$0x9C10]  }
0x112: {  	v31 =	vmul.f32 v31, v40;
	_ =	sdelay $0x1  }
0x113: {  	v31 =	vadd.f32 v31, v44;
	_ =	sdelay $0x1  }
0x114: {  	v46 =	vmul.f32 v42, v5;
	v31 =	vadd.f32 v31, v45;
	_ =	sdelay $0x1  }
0x115: {  	v31 =	vmul.f32 v46, v31;
	_ =	sdelay $0x1  }
0x116: {  	v31 =	vadd.f32 v31, v17;
	_ =	sdelay $0x1  }
0x117: {  	[tilespmem:s25+$0xFFFFFE90] =	vst v31  }
0x118: {  	v31 =	vld [tilespmem:s26+$0x9C20];
	_ =	sdelay $0x1  }
0x119: {  	v47 =	vld [tilespmem:s31+$0x20];
	_ =	sdelay $0x1  }
0x11a: {  	v48 =	vld [tilespmem:s30+$0x9C20]  }
0x11b: {  	v31 =	vmul.f32 v31, v40;
	_ =	sdelay $0x1  }
0x11c: {  	v31 =	vadd.f32 v31, v47;
	_ =	sdelay $0x1  }
0x11d: {  	v49 =	vmul.f32 v42, v8;
	v31 =	vadd.f32 v31, v48;
	_ =	sdelay $0x1  }
0x11e: {  	v31 =	vmul.f32 v31, v49;
	_ =	sdelay $0x1  }
0x11f: {  	v31 =	vadd.f32 v31, v20;
	_ =	sdelay $0x1  }
0x120: {  	[tilespmem:s25+$0xFFFFFEA0] =	vst v31  }
0x121: {  	(v2sf) =	vpush v27, $0x3;
	v31 =	vld [tilespmem:s26+$0x9C30]  }
0x122: {  	(v2sf) =	vpush v28, $0x3  }
0x123: {  	(v2sf) =	vpush v29, $0x3;
	v50 =	vld [tilespmem:s31+$0x30];
	_ =	sdelay $0x1  }
0x124: {  	v51 =	vld [tilespmem:s30+$0x9C30]  }
0x125: {  	v31 =	vmul.f32 v31, v40;
	_ =	sdelay $0x1  }
0x126: {  	v31 =	vadd.f32 v31, v50;
	_ =	sdelay $0x1  }
0x127: {  	v52 =	vmul.f32 v42, v11;
	v31 =	vadd.f32 v31, v51;
	_ =	sdelay $0x1  }
0x128: {  	v31 =	vmul.f32 v31, v52;
	_ =	sdelay $0x1  }
0x129: {  	v31 =	vadd.f32 v31, v23;
	_ =	sdelay $0x1  }
0x12a: {  	s26 =	spop (v2sf);
	[tilespmem:s25+$0xFFFFFEB0] =	vst v31  }
0x12b: {  	s30 =	spop (v2sf);
	v31 =	vld [tilespmem:s26+$0x9C00]  }
0x12c: {  	s31 =	spop (v2sf)  }
0x12d: {  	v53 =	vld [tilespmem:s31+$0x0]  }
0x12e: {  	v54 =	vbroadcast v26, $0x3  }
0x12f: {  	v55 =	vld [tilespmem:s30+$0x9C00]  }
0x130: {  	v31 =	vmul.f32 v31, v54;
	_ =	sdelay $0x1  }
0x131: {  	v56 =	vbroadcast v30, $0x3;
	v31 =	vadd.f32 v31, v53;
	_ =	sdelay $0x1  }
0x132: {  	v57 =	vmul.f32 v56, v2;
	v31 =	vadd.f32 v31, v55;
	_ =	sdelay $0x1  }
0x133: {  	v31 =	vmul.f32 v31, v57;
	_ =	sdelay $0x1  }
0x134: {  	v31 =	vadd.f32 v31, v14;
	_ =	sdelay $0x1  }
0x135: {  	[tilespmem:s25+$0xFFFFFEC0] =	vst v31  }
0x136: {  	v31 =	vld [tilespmem:s26+$0x9C10];
	_ =	sdelay $0x1  }
0x137: {  	v58 =	vld [tilespmem:s31+$0x10];
	_ =	sdelay $0x1  }
0x138: {  	v59 =	vld [tilespmem:s30+$0x9C10]  }
0x139: {  	v31 =	vmul.f32 v31, v54;
	_ =	sdelay $0x1  }
0x13a: {  	v31 =	vadd.f32 v31, v58;
	_ =	sdelay $0x1  }
0x13b: {  	v60 =	vmul.f32 v56, v5;
	v31 =	vadd.f32 v31, v59;
	_ =	sdelay $0x1  }
0x13c: {  	v31 =	vmul.f32 v31, v60;
	_ =	sdelay $0x1  }
0x13d: {  	v31 =	vadd.f32 v31, v17;
	_ =	sdelay $0x1  }
0x13e: {  	[tilespmem:s25+$0xFFFFFED0] =	vst v31  }
0x13f: {  	v31 =	vld [tilespmem:s26+$0x9C20];
	_ =	sdelay $0x1  }
0x140: {  	v61 =	vld [tilespmem:s31+$0x20];
	_ =	sdelay $0x1  }
0x141: {  	v62 =	vld [tilespmem:s30+$0x9C20]  }
0x142: {  	v31 =	vmul.f32 v31, v54;
	_ =	sdelay $0x1  }
0x143: {  	v31 =	vadd.f32 v31, v61;
	_ =	sdelay $0x1  }
0x144: {  	v63 =	vmul.f32 v56, v8;
	v31 =	vadd.f32 v31, v62;
	_ =	sdelay $0x1  }
0x145: {  	v31 =	vmul.f32 v31, v63;
	_ =	sdelay $0x1  }
0x146: {  	v31 =	vadd.f32 v31, v20;
	_ =	sdelay $0x1  }
0x147: {  	[tilespmem:s25+$0xFFFFFEE0] =	vst v31  }
0x148: {  	(v2sf) =	vpush v27, $0x4;
	v31 =	vld [tilespmem:s26+$0x9C30]  }
0x149: {  	(v2sf) =	vpush v28, $0x4  }
0x14a: {  	(v2sf) =	vpush v29, $0x4;
	v36 =	vld [tilespmem:s31+$0x30];
	_ =	sdelay $0x1  }
0x14b: {  	v37 =	vld [tilespmem:s30+$0x9C30]  }
0x14c: {  	v31 =	vmul.f32 v31, v54;
	_ =	sdelay $0x1  }
0x14d: {  	v31 =	vadd.f32 v31, v36;
	_ =	sdelay $0x1  }
0x14e: {  	v38 =	vmul.f32 v56, v11;
	v31 =	vadd.f32 v31, v37;
	_ =	sdelay $0x1  }
0x14f: {  	v31 =	vmul.f32 v31, v38;
	_ =	sdelay $0x1  }
0x150: {  	v31 =	vadd.f32 v31, v23;
	_ =	sdelay $0x1  }
0x151: {  	s26 =	spop (v2sf);
	[tilespmem:s25+$0xFFFFFEF0] =	vst v31  }
0x152: {  	s30 =	spop (v2sf);
	v31 =	vld [tilespmem:s26+$0x9C00]  }
0x153: {  	s31 =	spop (v2sf)  }
0x154: {  	v39 =	vld [tilespmem:s31+$0x0]  }
0x155: {  	v40 =	vbroadcast v26, $0x4  }
0x156: {  	v41 =	vld [tilespmem:s30+$0x9C00]  }
0x157: {  	v31 =	vmul.f32 v31, v40;
	_ =	sdelay $0x1  }
0x158: {  	v42 =	vbroadcast v30, $0x4;
	v31 =	vadd.f32 v31, v39;
	_ =	sdelay $0x1  }
0x159: {  	v43 =	vmul.f32 v42, v2;
	v31 =	vadd.f32 v31, v41;
	_ =	sdelay $0x1  }
0x15a: {  	v31 =	vmul.f32 v31, v43;
	_ =	sdelay $0x1  }
0x15b: {  	v31 =	vadd.f32 v31, v14;
	_ =	sdelay $0x1  }
0x15c: {  	[tilespmem:s25+$0xFFFFFF00] =	vst v31  }
0x15d: {  	v31 =	vld [tilespmem:s26+$0x9C10];
	_ =	sdelay $0x1  }
0x15e: {  	v44 =	vld [tilespmem:s31+$0x10];
	_ =	sdelay $0x1  }
0x15f: {  	v45 =	vld [tilespmem:s30+$0x9C10]  }
0x160: {  	v31 =	vmul.f32 v31, v40;
	_ =	sdelay $0x1  }
0x161: {  	v31 =	vadd.f32 v31, v44;
	_ =	sdelay $0x1  }
0x162: {  	v46 =	vmul.f32 v42, v5;
	v31 =	vadd.f32 v31, v45;
	_ =	sdelay $0x1  }
0x163: {  	v31 =	vmul.f32 v31, v46;
	_ =	sdelay $0x1  }
0x164: {  	v31 =	vadd.f32 v31, v17;
	_ =	sdelay $0x1  }
0x165: {  	[tilespmem:s25+$0xFFFFFF10] =	vst v31  }
0x166: {  	v31 =	vld [tilespmem:s26+$0x9C20];
	_ =	sdelay $0x1  }
0x167: {  	v47 =	vld [tilespmem:s31+$0x20];
	_ =	sdelay $0x1  }
0x168: {  	v48 =	vld [tilespmem:s30+$0x9C20]  }
0x169: {  	v31 =	vmul.f32 v31, v40;
	_ =	sdelay $0x1  }
0x16a: {  	v31 =	vadd.f32 v31, v47;
	_ =	sdelay $0x1  }
0x16b: {  	v49 =	vmul.f32 v42, v8;
	v31 =	vadd.f32 v31, v48;
	_ =	sdelay $0x1  }
0x16c: {  	v31 =	vmul.f32 v31, v49;
	_ =	sdelay $0x1  }
0x16d: {  	v31 =	vadd.f32 v31, v20;
	_ =	sdelay $0x1  }
0x16e: {  	[tilespmem:s25+$0xFFFFFF20] =	vst v31  }
0x16f: {  	(v2sf) =	vpush v27, $0x5;
	v31 =	vld [tilespmem:s26+$0x9C30]  }
0x170: {  	(v2sf) =	vpush v28, $0x5  }
0x171: {  	(v2sf) =	vpush v29, $0x5;
	v50 =	vld [tilespmem:s31+$0x30];
	_ =	sdelay $0x1  }
0x172: {  	v51 =	vld [tilespmem:s30+$0x9C30]  }
0x173: {  	v31 =	vmul.f32 v31, v40;
	_ =	sdelay $0x1  }
0x174: {  	v31 =	vadd.f32 v31, v50;
	_ =	sdelay $0x1  }
0x175: {  	v52 =	vmul.f32 v42, v11;
	v31 =	vadd.f32 v31, v51;
	_ =	sdelay $0x1  }
0x176: {  	v31 =	vmul.f32 v31, v52;
	_ =	sdelay $0x1  }
0x177: {  	v31 =	vadd.f32 v31, v23;
	_ =	sdelay $0x1  }
0x178: {  	s26 =	spop (v2sf);
	[tilespmem:s25+$0xFFFFFF30] =	vst v31  }
0x179: {  	s30 =	spop (v2sf);
	v31 =	vld [tilespmem:s26+$0x9C00]  }
0x17a: {  	s31 =	spop (v2sf)  }
0x17b: {  	v53 =	vld [tilespmem:s31+$0x0]  }
0x17c: {  	v54 =	vbroadcast v26, $0x5  }
0x17d: {  	v55 =	vld [tilespmem:s30+$0x9C00]  }
0x17e: {  	v31 =	vmul.f32 v31, v54;
	_ =	sdelay $0x1  }
0x17f: {  	v56 =	vbroadcast v30, $0x5;
	v31 =	vadd.f32 v31, v53;
	_ =	sdelay $0x1  }
0x180: {  	v57 =	vmul.f32 v56, v2;
	v31 =	vadd.f32 v31, v55;
	_ =	sdelay $0x1  }
0x181: {  	v31 =	vmul.f32 v31, v57;
	_ =	sdelay $0x1  }
0x182: {  	v31 =	vadd.f32 v31, v14;
	_ =	sdelay $0x1  }
0x183: {  	[tilespmem:s25+$0xFFFFFF40] =	vst v31  }
0x184: {  	v31 =	vld [tilespmem:s26+$0x9C10];
	_ =	sdelay $0x1  }
0x185: {  	v58 =	vld [tilespmem:s31+$0x10];
	_ =	sdelay $0x1  }
0x186: {  	v59 =	vld [tilespmem:s30+$0x9C10]  }
0x187: {  	v31 =	vmul.f32 v31, v54;
	_ =	sdelay $0x1  }
0x188: {  	v31 =	vadd.f32 v31, v58;
	_ =	sdelay $0x1  }
0x189: {  	v60 =	vmul.f32 v56, v5;
	v31 =	vadd.f32 v31, v59;
	_ =	sdelay $0x1  }
0x18a: {  	v31 =	vmul.f32 v31, v60;
	_ =	sdelay $0x1  }
0x18b: {  	v31 =	vadd.f32 v31, v17;
	_ =	sdelay $0x1  }
0x18c: {  	[tilespmem:s25+$0xFFFFFF50] =	vst v31  }
0x18d: {  	v31 =	vld [tilespmem:s26+$0x9C20];
	_ =	sdelay $0x1  }
0x18e: {  	v61 =	vld [tilespmem:s31+$0x20];
	_ =	sdelay $0x1  }
0x18f: {  	v62 =	vld [tilespmem:s30+$0x9C20]  }
0x190: {  	v31 =	vmul.f32 v31, v54;
	_ =	sdelay $0x1  }
0x191: {  	v31 =	vadd.f32 v31, v61;
	_ =	sdelay $0x1  }
0x192: {  	v63 =	vmul.f32 v56, v8;
	v31 =	vadd.f32 v31, v62;
	_ =	sdelay $0x1  }
0x193: {  	v31 =	vmul.f32 v31, v63;
	_ =	sdelay $0x1  }
0x194: {  	v31 =	vadd.f32 v31, v20;
	_ =	sdelay $0x1  }
0x195: {  	[tilespmem:s25+$0xFFFFFF60] =	vst v31  }
0x196: {  	(v2sf) =	vpush v27, $0x6;
	v31 =	vld [tilespmem:s26+$0x9C30]  }
0x197: {  	(v2sf) =	vpush v28, $0x6  }
0x198: {  	(v2sf) =	vpush v29, $0x6;
	v36 =	vld [tilespmem:s31+$0x30];
	_ =	sdelay $0x1  }
0x199: {  	v37 =	vld [tilespmem:s30+$0x9C30]  }
0x19a: {  	v31 =	vmul.f32 v31, v54;
	_ =	sdelay $0x1  }
0x19b: {  	v31 =	vadd.f32 v31, v36;
	_ =	sdelay $0x1  }
0x19c: {  	v38 =	vmul.f32 v56, v11;
	v31 =	vadd.f32 v31, v37;
	_ =	sdelay $0x1  }
0x19d: {  	v31 =	vmul.f32 v31, v38;
	_ =	sdelay $0x1  }
0x19e: {  	v31 =	vadd.f32 v31, v23;
	_ =	sdelay $0x1  }
0x19f: {  	s26 =	spop (v2sf);
	[tilespmem:s25+$0xFFFFFF70] =	vst v31  }
0x1a0: {  	s30 =	spop (v2sf);
	v31 =	vld [tilespmem:s26+$0x9C00]  }
0x1a1: {  	s31 =	spop (v2sf)  }
0x1a2: {  	v39 =	vld [tilespmem:s31+$0x0]  }
0x1a3: {  	v40 =	vbroadcast v26, $0x6  }
0x1a4: {  	v41 =	vld [tilespmem:s30+$0x9C00]  }
0x1a5: {  	v31 =	vmul.f32 v31, v40;
	_ =	sdelay $0x1  }
0x1a6: {  	v42 =	vbroadcast v30, $0x6;
	v31 =	vadd.f32 v31, v39;
	_ =	sdelay $0x1  }
0x1a7: {  	v43 =	vmul.f32 v42, v2;
	v31 =	vadd.f32 v31, v41;
	_ =	sdelay $0x1  }
0x1a8: {  	v31 =	vmul.f32 v31, v43;
	_ =	sdelay $0x1  }
0x1a9: {  	v31 =	vadd.f32 v31, v14;
	_ =	sdelay $0x1  }
0x1aa: {  	[tilespmem:s25+$0xFFFFFF80] =	vst v31  }
0x1ab: {  	v31 =	vld [tilespmem:s26+$0x9C10];
	_ =	sdelay $0x1  }
0x1ac: {  	v44 =	vld [tilespmem:s31+$0x10];
	_ =	sdelay $0x1  }
0x1ad: {  	v45 =	vld [tilespmem:s30+$0x9C10]  }
0x1ae: {  	v31 =	vmul.f32 v31, v40;
	_ =	sdelay $0x1  }
0x1af: {  	v31 =	vadd.f32 v31, v44;
	_ =	sdelay $0x1  }
0x1b0: {  	v46 =	vmul.f32 v42, v5;
	v31 =	vadd.f32 v31, v45;
	_ =	sdelay $0x1  }
0x1b1: {  	v31 =	vmul.f32 v31, v46;
	_ =	sdelay $0x1  }
0x1b2: {  	v31 =	vadd.f32 v31, v17;
	_ =	sdelay $0x1  }
0x1b3: {  	[tilespmem:s25+$0xFFFFFF90] =	vst v31  }
0x1b4: {  	v31 =	vld [tilespmem:s26+$0x9C20];
	_ =	sdelay $0x1  }
0x1b5: {  	v47 =	vld [tilespmem:s31+$0x20];
	_ =	sdelay $0x1  }
0x1b6: {  	v48 =	vld [tilespmem:s30+$0x9C20]  }
0x1b7: {  	v31 =	vmul.f32 v31, v40;
	_ =	sdelay $0x1  }
0x1b8: {  	v31 =	vadd.f32 v31, v47;
	_ =	sdelay $0x1  }
0x1b9: {  	v49 =	vmul.f32 v42, v8;
	v31 =	vadd.f32 v31, v48;
	_ =	sdelay $0x1  }
0x1ba: {  	v31 =	vmul.f32 v31, v49;
	_ =	sdelay $0x1  }
0x1bb: {  	v31 =	vadd.f32 v31, v20;
	_ =	sdelay $0x1  }
0x1bc: {  	[tilespmem:s25+$0xFFFFFFA0] =	vst v31  }
0x1bd: {  	(v2sf) =	vpush v27, $0x7;
	v31 =	vld [tilespmem:s26+$0x9C30]  }
0x1be: {  	(v2sf) =	vpush v28, $0x7  }
0x1bf: {  	(v2sf) =	vpush v29, $0x7;
	v50 =	vld [tilespmem:s31+$0x30];
	_ =	sdelay $0x1  }
0x1c0: {  	v51 =	vld [tilespmem:s30+$0x9C30]  }
0x1c1: {  	v31 =	vmul.f32 v31, v40;
	_ =	sdelay $0x1  }
0x1c2: {  	v31 =	vadd.f32 v31, v50;
	_ =	sdelay $0x1  }
0x1c3: {  	v52 =	vmul.f32 v42, v11;
	v31 =	vadd.f32 v31, v51;
	_ =	sdelay $0x1  }
0x1c4: {  	v31 =	vmul.f32 v31, v52;
	_ =	sdelay $0x1  }
0x1c5: {  	v31 =	vadd.f32 v31, v23;
	_ =	sdelay $0x1  }
0x1c6: {  	s26 =	spop (v2sf);
	[tilespmem:s25+$0xFFFFFFB0] =	vst v31  }
0x1c7: {  	s30 =	spop (v2sf);
	v31 =	vld [tilespmem:s26+$0x9C00]  }
0x1c8: {  	s31 =	spop (v2sf)  }
0x1c9: {  	v53 =	vld [tilespmem:s31+$0x0]  }
0x1ca: {  	v54 =	vbroadcast v26, $0x7  }
0x1cb: {  	v55 =	vld [tilespmem:s30+$0x9C00]  }
0x1cc: {  	v31 =	vmul.f32 v31, v54;
	_ =	sdelay $0x1  }
0x1cd: {  	v56 =	vbroadcast v30, $0x7;
	v31 =	vadd.f32 v31, v53;
	_ =	sdelay $0x1  }
0x1ce: {  	v57 =	vmul.f32 v56, v2;
	v31 =	vadd.f32 v31, v55;
	_ =	sdelay $0x1  }
0x1cf: {  	v31 =	vmul.f32 v31, v57;
	_ =	sdelay $0x1  }
0x1d0: {  	v31 =	vadd.f32 v31, v14;
	_ =	sdelay $0x1  }
0x1d1: {  	[tilespmem:s25+$0xFFFFFFC0] =	vst v31  }
0x1d2: {  	v31 =	vld [tilespmem:s26+$0x9C10];
	_ =	sdelay $0x1  }
0x1d3: {  	v58 =	vld [tilespmem:s31+$0x10];
	_ =	sdelay $0x1  }
0x1d4: {  	v59 =	vld [tilespmem:s30+$0x9C10]  }
0x1d5: {  	v31 =	vmul.f32 v31, v54;
	_ =	sdelay $0x1  }
0x1d6: {  	v31 =	vadd.f32 v31, v58;
	_ =	sdelay $0x1  }
0x1d7: {  	v60 =	vmul.f32 v56, v5;
	v31 =	vadd.f32 v31, v59;
	_ =	sdelay $0x1  }
0x1d8: {  	v31 =	vmul.f32 v31, v60;
	_ =	sdelay $0x1  }
0x1d9: {  	v31 =	vadd.f32 v31, v17;
	_ =	sdelay $0x1  }
0x1da: {  	[tilespmem:s25+$0xFFFFFFD0] =	vst v31  }
0x1db: {  	v31 =	vld [tilespmem:s26+$0x9C20];
	_ =	sdelay $0x1  }
0x1dc: {  	v61 =	vld [tilespmem:s31+$0x20];
	_ =	sdelay $0x1  }
0x1dd: {  	v62 =	vld [tilespmem:s30+$0x9C20]  }
0x1de: {  	v31 =	vmul.f32 v31, v54;
	_ =	sdelay $0x1  }
0x1df: {  	v31 =	vadd.f32 v31, v61;
	_ =	sdelay $0x1  }
0x1e0: {  	v63 =	vmul.f32 v56, v8;
	v31 =	vadd.f32 v31, v62;
	_ =	sdelay $0x1  }
0x1e1: {  	v31 =	vmul.f32 v31, v63;
	_ =	sdelay $0x1  }
0x1e2: {  	v31 =	vadd.f32 v31, v20;
	_ =	sdelay $0x1  }
0x1e3: {  	[tilespmem:s25+$0xFFFFFFE0] =	vst v31  }
0x1e4: {  	(v2sf) =	vpush v27, $0x8;
	v31 =	vld [tilespmem:s26+$0x9C30]  }
0x1e5: {  	(v2sf) =	vpush v28, $0x8  }
0x1e6: {  	(v2sf) =	vpush v29, $0x8;
	v36 =	vld [tilespmem:s31+$0x30];
	_ =	sdelay $0x1  }
0x1e7: {  	v37 =	vld [tilespmem:s30+$0x9C30]  }
0x1e8: {  	v31 =	vmul.f32 v31, v54;
	_ =	sdelay $0x1  }
0x1e9: {  	v31 =	vadd.f32 v31, v36;
	_ =	sdelay $0x1  }
0x1ea: {  	v38 =	vmul.f32 v56, v11;
	v31 =	vadd.f32 v31, v37;
	_ =	sdelay $0x1  }
0x1eb: {  	v31 =	vmul.f32 v31, v38;
	_ =	sdelay $0x1  }
0x1ec: {  	v31 =	vadd.f32 v31, v23;
	_ =	sdelay $0x1  }
0x1ed: {  	s26 =	spop (v2sf);
	[tilespmem:s25+$0xFFFFFFF0] =	vst v31  }
0x1ee: {  	s30 =	spop (v2sf);
	v31 =	vld [tilespmem:s26+$0x9C00]  }
0x1ef: {  	s31 =	spop (v2sf)  }
0x1f0: {  	v39 =	vld [tilespmem:s31+$0x0]  }
0x1f1: {  	v40 =	vbroadcast v26, $0x8  }
0x1f2: {  	v41 =	vld [tilespmem:s30+$0x9C00]  }
0x1f3: {  	v31 =	vmul.f32 v31, v40;
	_ =	sdelay $0x1  }
0x1f4: {  	v42 =	vbroadcast v30, $0x8;
	v31 =	vadd.f32 v31, v39;
	_ =	sdelay $0x1  }
0x1f5: {  	v43 =	vmul.f32 v42, v2;
	v31 =	vadd.f32 v31, v41;
	_ =	sdelay $0x1  }
0x1f6: {  	v31 =	vmul.f32 v31, v43;
	_ =	sdelay $0x1  }
0x1f7: {  	v31 =	vadd.f32 v31, v14;
	_ =	sdelay $0x1  }
0x1f8: {  	[tilespmem:s25+$0x0] =	vst v31  }
0x1f9: {  	v31 =	vld [tilespmem:s26+$0x9C10];
	_ =	sdelay $0x1  }
0x1fa: {  	v44 =	vld [tilespmem:s31+$0x10];
	_ =	sdelay $0x1  }
0x1fb: {  	v45 =	vld [tilespmem:s30+$0x9C10]  }
0x1fc: {  	v31 =	vmul.f32 v31, v40;
	_ =	sdelay $0x1  }
0x1fd: {  	v31 =	vadd.f32 v31, v44;
	_ =	sdelay $0x1  }
0x1fe: {  	v46 =	vmul.f32 v42, v5;
	v31 =	vadd.f32 v31, v45;
	_ =	sdelay $0x1  }
0x1ff: {  	v31 =	vmul.f32 v31, v46;
	_ =	sdelay $0x1  }
0x200: {  	v31 =	vadd.f32 v31, v17;
	_ =	sdelay $0x1  }
0x201: {  	[tilespmem:s25+$0x10] =	vst v31  }
0x202: {  	v31 =	vld [tilespmem:s26+$0x9C20];
	_ =	sdelay $0x1  }
0x203: {  	v47 =	vld [tilespmem:s31+$0x20];
	_ =	sdelay $0x1  }
0x204: {  	v48 =	vld [tilespmem:s30+$0x9C20]  }
0x205: {  	v31 =	vmul.f32 v31, v40;
	_ =	sdelay $0x1  }
0x206: {  	v31 =	vadd.f32 v31, v47;
	_ =	sdelay $0x1  }
0x207: {  	v49 =	vmul.f32 v42, v8;
	v31 =	vadd.f32 v31, v48;
	_ =	sdelay $0x1  }
0x208: {  	v31 =	vmul.f32 v31, v49;
	_ =	sdelay $0x1  }
0x209: {  	v31 =	vadd.f32 v31, v20;
	_ =	sdelay $0x1  }
0x20a: {  	[tilespmem:s25+$0x20] =	vst v31  }
0x20b: {  	(v2sf) =	vpush v27, $0x9;
	v31 =	vld [tilespmem:s26+$0x9C30]  }
0x20c: {  	(v2sf) =	vpush v28, $0x9  }
0x20d: {  	(v2sf) =	vpush v29, $0x9;
	v50 =	vld [tilespmem:s31+$0x30];
	_ =	sdelay $0x1  }
0x20e: {  	v51 =	vld [tilespmem:s30+$0x9C30]  }
0x20f: {  	v31 =	vmul.f32 v31, v40;
	_ =	sdelay $0x1  }
0x210: {  	v31 =	vadd.f32 v31, v50;
	_ =	sdelay $0x1  }
0x211: {  	v52 =	vmul.f32 v42, v11;
	v31 =	vadd.f32 v31, v51;
	_ =	sdelay $0x1  }
0x212: {  	v31 =	vmul.f32 v31, v52;
	_ =	sdelay $0x1  }
0x213: {  	v31 =	vadd.f32 v31, v23;
	_ =	sdelay $0x1  }
0x214: {  	s26 =	spop (v2sf);
	[tilespmem:s25+$0x30] =	vst v31  }
0x215: {  	s30 =	spop (v2sf);
	v31 =	vld [tilespmem:s26+$0x9C00]  }
0x216: {  	s31 =	spop (v2sf)  }
0x217: {  	v53 =	vld [tilespmem:s31+$0x0]  }
0x218: {  	v54 =	vbroadcast v26, $0x9  }
0x219: {  	v55 =	vld [tilespmem:s30+$0x9C00]  }
0x21a: {  	v31 =	vmul.f32 v31, v54;
	_ =	sdelay $0x1  }
0x21b: {  	v56 =	vbroadcast v30, $0x9;
	v31 =	vadd.f32 v31, v53;
	_ =	sdelay $0x1  }
0x21c: {  	v57 =	vmul.f32 v56, v2;
	v31 =	vadd.f32 v31, v55;
	_ =	sdelay $0x1  }
0x21d: {  	v31 =	vmul.f32 v31, v57;
	_ =	sdelay $0x1  }
0x21e: {  	v31 =	vadd.f32 v31, v14;
	_ =	sdelay $0x1  }
0x21f: {  	[tilespmem:s25+$0x40] =	vst v31  }
0x220: {  	v31 =	vld [tilespmem:s26+$0x9C10];
	_ =	sdelay $0x1  }
0x221: {  	v58 =	vld [tilespmem:s31+$0x10];
	_ =	sdelay $0x1  }
0x222: {  	v59 =	vld [tilespmem:s30+$0x9C10]  }
0x223: {  	v31 =	vmul.f32 v31, v54;
	_ =	sdelay $0x1  }
0x224: {  	v31 =	vadd.f32 v31, v58;
	_ =	sdelay $0x1  }
0x225: {  	v60 =	vmul.f32 v56, v5;
	v31 =	vadd.f32 v31, v59;
	_ =	sdelay $0x1  }
0x226: {  	v31 =	vmul.f32 v31, v60;
	_ =	sdelay $0x1  }
0x227: {  	v31 =	vadd.f32 v31, v17;
	_ =	sdelay $0x1  }
0x228: {  	[tilespmem:s25+$0x50] =	vst v31  }
0x229: {  	v31 =	vld [tilespmem:s26+$0x9C20];
	_ =	sdelay $0x1  }
0x22a: {  	v61 =	vld [tilespmem:s31+$0x20];
	_ =	sdelay $0x1  }
0x22b: {  	v62 =	vld [tilespmem:s30+$0x9C20]  }
0x22c: {  	v31 =	vmul.f32 v31, v54;
	_ =	sdelay $0x1  }
0x22d: {  	v31 =	vadd.f32 v31, v61;
	_ =	sdelay $0x1  }
0x22e: {  	v63 =	vmul.f32 v56, v8;
	v31 =	vadd.f32 v31, v62;
	_ =	sdelay $0x1  }
0x22f: {  	v31 =	vmul.f32 v31, v63;
	_ =	sdelay $0x1  }
0x230: {  	v31 =	vadd.f32 v31, v20;
	_ =	sdelay $0x1  }
0x231: {  	[tilespmem:s25+$0x60] =	vst v31  }
0x232: {  	(v2sf) =	vpush v27, $0xA;
	v31 =	vld [tilespmem:s26+$0x9C30]  }
0x233: {  	(v2sf) =	vpush v28, $0xA  }
0x234: {  	(v2sf) =	vpush v29, $0xA;
	v36 =	vld [tilespmem:s31+$0x30];
	_ =	sdelay $0x1  }
0x235: {  	v37 =	vld [tilespmem:s30+$0x9C30]  }
0x236: {  	v31 =	vmul.f32 v31, v54;
	_ =	sdelay $0x1  }
0x237: {  	v31 =	vadd.f32 v31, v36;
	_ =	sdelay $0x1  }
0x238: {  	v38 =	vmul.f32 v56, v11;
	v31 =	vadd.f32 v31, v37;
	_ =	sdelay $0x1  }
0x239: {  	v31 =	vmul.f32 v31, v38;
	_ =	sdelay $0x1  }
0x23a: {  	v31 =	vadd.f32 v31, v23;
	_ =	sdelay $0x1  }
0x23b: {  	s26 =	spop (v2sf);
	[tilespmem:s25+$0x70] =	vst v31  }
0x23c: {  	s30 =	spop (v2sf);
	v31 =	vld [tilespmem:s26+$0x9C00]  }
0x23d: {  	s31 =	spop (v2sf)  }
0x23e: {  	v39 =	vld [tilespmem:s31+$0x0]  }
0x23f: {  	v40 =	vbroadcast v26, $0xA  }
0x240: {  	v41 =	vld [tilespmem:s30+$0x9C00]  }
0x241: {  	v31 =	vmul.f32 v31, v40;
	_ =	sdelay $0x1  }
0x242: {  	v42 =	vbroadcast v30, $0xA;
	v31 =	vadd.f32 v31, v39;
	_ =	sdelay $0x1  }
0x243: {  	v43 =	vmul.f32 v42, v2;
	v31 =	vadd.f32 v31, v41;
	_ =	sdelay $0x1  }
0x244: {  	v31 =	vmul.f32 v31, v43;
	_ =	sdelay $0x1  }
0x245: {  	v31 =	vadd.f32 v31, v14;
	_ =	sdelay $0x1  }
0x246: {  	[tilespmem:s25+$0x80] =	vst v31  }
0x247: {  	v31 =	vld [tilespmem:s26+$0x9C10];
	_ =	sdelay $0x1  }
0x248: {  	v44 =	vld [tilespmem:s31+$0x10];
	_ =	sdelay $0x1  }
0x249: {  	v45 =	vld [tilespmem:s30+$0x9C10]  }
0x24a: {  	v31 =	vmul.f32 v31, v40;
	_ =	sdelay $0x1  }
0x24b: {  	v31 =	vadd.f32 v31, v44;
	_ =	sdelay $0x1  }
0x24c: {  	v46 =	vmul.f32 v42, v5;
	v31 =	vadd.f32 v31, v45;
	_ =	sdelay $0x1  }
0x24d: {  	v31 =	vmul.f32 v31, v46;
	_ =	sdelay $0x1  }
0x24e: {  	v31 =	vadd.f32 v31, v17;
	_ =	sdelay $0x1  }
0x24f: {  	[tilespmem:s25+$0x90] =	vst v31  }
0x250: {  	v31 =	vld [tilespmem:s26+$0x9C20];
	_ =	sdelay $0x1  }
0x251: {  	v47 =	vld [tilespmem:s31+$0x20];
	_ =	sdelay $0x1  }
0x252: {  	v48 =	vld [tilespmem:s30+$0x9C20]  }
0x253: {  	v31 =	vmul.f32 v31, v40;
	_ =	sdelay $0x1  }
0x254: {  	v31 =	vadd.f32 v31, v47;
	_ =	sdelay $0x1  }
0x255: {  	v49 =	vmul.f32 v42, v8;
	v31 =	vadd.f32 v31, v48;
	_ =	sdelay $0x1  }
0x256: {  	v31 =	vmul.f32 v31, v49;
	_ =	sdelay $0x1  }
0x257: {  	v31 =	vadd.f32 v31, v20;
	_ =	sdelay $0x1  }
0x258: {  	[tilespmem:s25+$0xA0] =	vst v31  }
0x259: {  	(v2sf) =	vpush v27, $0xB;
	v31 =	vld [tilespmem:s26+$0x9C30]  }
0x25a: {  	(v2sf) =	vpush v28, $0xB  }
0x25b: {  	(v2sf) =	vpush v29, $0xB;
	v50 =	vld [tilespmem:s31+$0x30];
	_ =	sdelay $0x1  }
0x25c: {  	v51 =	vld [tilespmem:s30+$0x9C30]  }
0x25d: {  	v31 =	vmul.f32 v31, v40;
	_ =	sdelay $0x1  }
0x25e: {  	v31 =	vadd.f32 v31, v50;
	_ =	sdelay $0x1  }
0x25f: {  	v52 =	vmul.f32 v42, v11;
	v31 =	vadd.f32 v31, v51;
	_ =	sdelay $0x1  }
0x260: {  	v31 =	vmul.f32 v31, v52;
	_ =	sdelay $0x1  }
0x261: {  	v31 =	vadd.f32 v31, v23;
	_ =	sdelay $0x1  }
0x262: {  	s26 =	spop (v2sf);
	[tilespmem:s25+$0xB0] =	vst v31  }
0x263: {  	s30 =	spop (v2sf);
	v31 =	vld [tilespmem:s26+$0x9C00]  }
0x264: {  	s31 =	spop (v2sf)  }
0x265: {  	v53 =	vld [tilespmem:s31+$0x0]  }
0x266: {  	v54 =	vbroadcast v26, $0xB  }
0x267: {  	v55 =	vld [tilespmem:s30+$0x9C00]  }
0x268: {  	v31 =	vmul.f32 v31, v54;
	_ =	sdelay $0x1  }
0x269: {  	v56 =	vbroadcast v30, $0xB;
	v31 =	vadd.f32 v31, v53;
	_ =	sdelay $0x1  }
0x26a: {  	v57 =	vmul.f32 v56, v2;
	v31 =	vadd.f32 v31, v55;
	_ =	sdelay $0x1  }
0x26b: {  	v31 =	vmul.f32 v31, v57;
	_ =	sdelay $0x1  }
0x26c: {  	v31 =	vadd.f32 v31, v14;
	_ =	sdelay $0x1  }
0x26d: {  	[tilespmem:s25+$0xC0] =	vst v31  }
0x26e: {  	v31 =	vld [tilespmem:s26+$0x9C10];
	_ =	sdelay $0x1  }
0x26f: {  	v58 =	vld [tilespmem:s31+$0x10];
	_ =	sdelay $0x1  }
0x270: {  	v59 =	vld [tilespmem:s30+$0x9C10]  }
0x271: {  	v31 =	vmul.f32 v31, v54;
	_ =	sdelay $0x1  }
0x272: {  	v31 =	vadd.f32 v31, v58;
	_ =	sdelay $0x1  }
0x273: {  	v60 =	vmul.f32 v56, v5;
	v31 =	vadd.f32 v31, v59;
	_ =	sdelay $0x1  }
0x274: {  	v31 =	vmul.f32 v31, v60;
	_ =	sdelay $0x1  }
0x275: {  	v31 =	vadd.f32 v31, v17;
	_ =	sdelay $0x1  }
0x276: {  	[tilespmem:s25+$0xD0] =	vst v31  }
0x277: {  	v31 =	vld [tilespmem:s26+$0x9C20];
	_ =	sdelay $0x1  }
0x278: {  	v61 =	vld [tilespmem:s31+$0x20];
	_ =	sdelay $0x1  }
0x279: {  	v62 =	vld [tilespmem:s30+$0x9C20]  }
0x27a: {  	v31 =	vmul.f32 v31, v54;
	_ =	sdelay $0x1  }
0x27b: {  	v31 =	vadd.f32 v31, v61;
	_ =	sdelay $0x1  }
0x27c: {  	v63 =	vmul.f32 v56, v8;
	v31 =	vadd.f32 v31, v62;
	_ =	sdelay $0x1  }
0x27d: {  	v31 =	vmul.f32 v31, v63;
	_ =	sdelay $0x1  }
0x27e: {  	v31 =	vadd.f32 v31, v20;
	_ =	sdelay $0x1  }
0x27f: {  	[tilespmem:s25+$0xE0] =	vst v31  }
0x280: {  	(v2sf) =	vpush v27, $0xC;
	v31 =	vld [tilespmem:s26+$0x9C30]  }
0x281: {  	(v2sf) =	vpush v28, $0xC  }
0x282: {  	(v2sf) =	vpush v29, $0xC;
	v36 =	vld [tilespmem:s31+$0x30];
	_ =	sdelay $0x1  }
0x283: {  	v37 =	vld [tilespmem:s30+$0x9C30]  }
0x284: {  	v31 =	vmul.f32 v31, v54;
	_ =	sdelay $0x1  }
0x285: {  	v31 =	vadd.f32 v31, v36;
	_ =	sdelay $0x1  }
0x286: {  	v38 =	vmul.f32 v56, v11;
	v31 =	vadd.f32 v31, v37;
	_ =	sdelay $0x1  }
0x287: {  	v31 =	vmul.f32 v31, v38;
	_ =	sdelay $0x1  }
0x288: {  	v31 =	vadd.f32 v31, v23;
	_ =	sdelay $0x1  }
0x289: {  	s26 =	spop (v2sf);
	[tilespmem:s25+$0xF0] =	vst v31  }
0x28a: {  	s30 =	spop (v2sf);
	v31 =	vld [tilespmem:s26+$0x9C00]  }
0x28b: {  	s31 =	spop (v2sf)  }
0x28c: {  	v39 =	vld [tilespmem:s31+$0x0]  }
0x28d: {  	v40 =	vbroadcast v26, $0xC  }
0x28e: {  	v41 =	vld [tilespmem:s30+$0x9C00]  }
0x28f: {  	v31 =	vmul.f32 v31, v40;
	_ =	sdelay $0x1  }
0x290: {  	v42 =	vbroadcast v30, $0xC;
	v31 =	vadd.f32 v31, v39;
	_ =	sdelay $0x1  }
0x291: {  	v43 =	vmul.f32 v42, v2;
	v31 =	vadd.f32 v31, v41;
	_ =	sdelay $0x1  }
0x292: {  	v31 =	vmul.f32 v31, v43;
	_ =	sdelay $0x1  }
0x293: {  	v31 =	vadd.f32 v31, v14;
	_ =	sdelay $0x1  }
0x294: {  	[tilespmem:s25+$0x100] =	vst v31  }
0x295: {  	v31 =	vld [tilespmem:s26+$0x9C10];
	_ =	sdelay $0x1  }
0x296: {  	v44 =	vld [tilespmem:s31+$0x10];
	_ =	sdelay $0x1  }
0x297: {  	v45 =	vld [tilespmem:s30+$0x9C10]  }
0x298: {  	v31 =	vmul.f32 v31, v40;
	_ =	sdelay $0x1  }
0x299: {  	v31 =	vadd.f32 v31, v44;
	_ =	sdelay $0x1  }
0x29a: {  	v46 =	vmul.f32 v42, v5;
	v31 =	vadd.f32 v31, v45;
	_ =	sdelay $0x1  }
0x29b: {  	v31 =	vmul.f32 v31, v46;
	_ =	sdelay $0x1  }
0x29c: {  	v31 =	vadd.f32 v31, v17;
	_ =	sdelay $0x1  }
0x29d: {  	[tilespmem:s25+$0x110] =	vst v31  }
0x29e: {  	v31 =	vld [tilespmem:s26+$0x9C20];
	_ =	sdelay $0x1  }
0x29f: {  	v47 =	vld [tilespmem:s31+$0x20];
	_ =	sdelay $0x1  }
0x2a0: {  	v48 =	vld [tilespmem:s30+$0x9C20]  }
0x2a1: {  	v31 =	vmul.f32 v31, v40;
	_ =	sdelay $0x1  }
0x2a2: {  	v31 =	vadd.f32 v31, v47;
	_ =	sdelay $0x1  }
0x2a3: {  	v49 =	vmul.f32 v42, v8;
	v31 =	vadd.f32 v31, v48;
	_ =	sdelay $0x1  }
0x2a4: {  	v31 =	vmul.f32 v31, v49;
	_ =	sdelay $0x1  }
0x2a5: {  	v31 =	vadd.f32 v31, v20;
	_ =	sdelay $0x1  }
0x2a6: {  	[tilespmem:s25+$0x120] =	vst v31  }
0x2a7: {  	(v2sf) =	vpush v27, $0xD;
	v31 =	vld [tilespmem:s26+$0x9C30]  }
0x2a8: {  	(v2sf) =	vpush v28, $0xD  }
0x2a9: {  	(v2sf) =	vpush v29, $0xD;
	v50 =	vld [tilespmem:s31+$0x30];
	_ =	sdelay $0x1  }
0x2aa: {  	v51 =	vld [tilespmem:s30+$0x9C30]  }
0x2ab: {  	v31 =	vmul.f32 v31, v40;
	_ =	sdelay $0x1  }
0x2ac: {  	v31 =	vadd.f32 v31, v50;
	_ =	sdelay $0x1  }
0x2ad: {  	v52 =	vmul.f32 v42, v11;
	v31 =	vadd.f32 v31, v51;
	_ =	sdelay $0x1  }
0x2ae: {  	v31 =	vmul.f32 v31, v52;
	_ =	sdelay $0x1  }
0x2af: {  	v31 =	vadd.f32 v31, v23;
	_ =	sdelay $0x1  }
0x2b0: {  	s26 =	spop (v2sf);
	[tilespmem:s25+$0x130] =	vst v31  }
0x2b1: {  	s30 =	spop (v2sf);
	v31 =	vld [tilespmem:s26+$0x9C00]  }
0x2b2: {  	s31 =	spop (v2sf)  }
0x2b3: {  	v53 =	vld [tilespmem:s31+$0x0]  }
0x2b4: {  	v54 =	vbroadcast v26, $0xD  }
0x2b5: {  	v55 =	vld [tilespmem:s30+$0x9C00]  }
0x2b6: {  	v31 =	vmul.f32 v31, v54;
	_ =	sdelay $0x1  }
0x2b7: {  	v56 =	vbroadcast v30, $0xD;
	v31 =	vadd.f32 v31, v53;
	_ =	sdelay $0x1  }
0x2b8: {  	v57 =	vmul.f32 v56, v2;
	v31 =	vadd.f32 v31, v55;
	_ =	sdelay $0x1  }
0x2b9: {  	v31 =	vmul.f32 v31, v57;
	_ =	sdelay $0x1  }
0x2ba: {  	v31 =	vadd.f32 v31, v14;
	_ =	sdelay $0x1  }
0x2bb: {  	[tilespmem:s25+$0x140] =	vst v31  }
0x2bc: {  	v31 =	vld [tilespmem:s26+$0x9C10];
	_ =	sdelay $0x1  }
0x2bd: {  	v58 =	vld [tilespmem:s31+$0x10];
	_ =	sdelay $0x1  }
0x2be: {  	v59 =	vld [tilespmem:s30+$0x9C10]  }
0x2bf: {  	v31 =	vmul.f32 v31, v54;
	_ =	sdelay $0x1  }
0x2c0: {  	v31 =	vadd.f32 v31, v58;
	_ =	sdelay $0x1  }
0x2c1: {  	v60 =	vmul.f32 v56, v5;
	v31 =	vadd.f32 v31, v59;
	_ =	sdelay $0x1  }
0x2c2: {  	v31 =	vmul.f32 v31, v60;
	_ =	sdelay $0x1  }
0x2c3: {  	v31 =	vadd.f32 v31, v17;
	_ =	sdelay $0x1  }
0x2c4: {  	[tilespmem:s25+$0x150] =	vst v31  }
0x2c5: {  	v31 =	vld [tilespmem:s26+$0x9C20];
	_ =	sdelay $0x1  }
0x2c6: {  	v61 =	vld [tilespmem:s31+$0x20];
	_ =	sdelay $0x1  }
0x2c7: {  	v62 =	vld [tilespmem:s30+$0x9C20]  }
0x2c8: {  	v31 =	vmul.f32 v31, v54;
	_ =	sdelay $0x1  }
0x2c9: {  	v31 =	vadd.f32 v31, v61;
	_ =	sdelay $0x1  }
0x2ca: {  	v63 =	vmul.f32 v56, v8;
	v31 =	vadd.f32 v31, v62;
	_ =	sdelay $0x1  }
0x2cb: {  	v31 =	vmul.f32 v31, v63;
	_ =	sdelay $0x1  }
0x2cc: {  	v31 =	vadd.f32 v31, v20;
	_ =	sdelay $0x1  }
0x2cd: {  	[tilespmem:s25+$0x160] =	vst v31  }
0x2ce: {  	(v2sf) =	vpush v27, $0xE;
	v31 =	vld [tilespmem:s26+$0x9C30]  }
0x2cf: {  	(v2sf) =	vpush v28, $0xE  }
0x2d0: {  	(v2sf) =	vpush v29, $0xE;
	v36 =	vld [tilespmem:s31+$0x30];
	_ =	sdelay $0x1  }
0x2d1: {  	v37 =	vld [tilespmem:s30+$0x9C30]  }
0x2d2: {  	v31 =	vmul.f32 v31, v54;
	_ =	sdelay $0x1  }
0x2d3: {  	v31 =	vadd.f32 v31, v36;
	_ =	sdelay $0x1  }
0x2d4: {  	v38 =	vmul.f32 v56, v11;
	v31 =	vadd.f32 v31, v37;
	_ =	sdelay $0x1  }
0x2d5: {  	v31 =	vmul.f32 v31, v38;
	_ =	sdelay $0x1  }
0x2d6: {  	v31 =	vadd.f32 v31, v23;
	_ =	sdelay $0x1  }
0x2d7: {  	s26 =	spop (v2sf);
	[tilespmem:s25+$0x170] =	vst v31  }
0x2d8: {  	s30 =	spop (v2sf);
	v31 =	vld [tilespmem:s26+$0x9C00]  }
0x2d9: {  	s31 =	spop (v2sf)  }
0x2da: {  	v39 =	vld [tilespmem:s31+$0x0]  }
0x2db: {  	v40 =	vbroadcast v26, $0xE  }
0x2dc: {  	v41 =	vld [tilespmem:s30+$0x9C00]  }
0x2dd: {  	v31 =	vmul.f32 v31, v40;
	_ =	sdelay $0x1  }
0x2de: {  	v42 =	vbroadcast v30, $0xE;
	v31 =	vadd.f32 v31, v39;
	_ =	sdelay $0x1  }
0x2df: {  	v43 =	vmul.f32 v42, v2;
	v31 =	vadd.f32 v31, v41;
	_ =	sdelay $0x1  }
0x2e0: {  	v31 =	vmul.f32 v31, v43;
	_ =	sdelay $0x1  }
0x2e1: {  	v31 =	vadd.f32 v31, v14;
	_ =	sdelay $0x1  }
0x2e2: {  	[tilespmem:s25+$0x180] =	vst v31  }
0x2e3: {  	v31 =	vld [tilespmem:s26+$0x9C10];
	_ =	sdelay $0x1  }
0x2e4: {  	v44 =	vld [tilespmem:s31+$0x10];
	_ =	sdelay $0x1  }
0x2e5: {  	v45 =	vld [tilespmem:s30+$0x9C10]  }
0x2e6: {  	v31 =	vmul.f32 v31, v40;
	_ =	sdelay $0x1  }
0x2e7: {  	v31 =	vadd.f32 v31, v44;
	_ =	sdelay $0x1  }
0x2e8: {  	v46 =	vmul.f32 v42, v5;
	v31 =	vadd.f32 v31, v45;
	_ =	sdelay $0x1  }
0x2e9: {  	v31 =	vmul.f32 v31, v46;
	_ =	sdelay $0x1  }
0x2ea: {  	v31 =	vadd.f32 v31, v17;
	_ =	sdelay $0x1  }
0x2eb: {  	[tilespmem:s25+$0x190] =	vst v31  }
0x2ec: {  	v31 =	vld [tilespmem:s26+$0x9C20];
	_ =	sdelay $0x1  }
0x2ed: {  	v47 =	vld [tilespmem:s31+$0x20];
	_ =	sdelay $0x1  }
0x2ee: {  	v48 =	vld [tilespmem:s30+$0x9C20]  }
0x2ef: {  	v31 =	vmul.f32 v31, v40;
	_ =	sdelay $0x1  }
0x2f0: {  	v31 =	vadd.f32 v31, v47;
	_ =	sdelay $0x1  }
0x2f1: {  	v49 =	vmul.f32 v42, v8;
	v31 =	vadd.f32 v31, v48;
	_ =	sdelay $0x1  }
0x2f2: {  	v31 =	vmul.f32 v31, v49;
	_ =	sdelay $0x1  }
0x2f3: {  	v31 =	vadd.f32 v31, v20;
	_ =	sdelay $0x1  }
0x2f4: {  	[tilespmem:s25+$0x1A0] =	vst v31  }
0x2f5: {  	(v2sf) =	vpush v27, $0xF;
	v31 =	vld [tilespmem:s26+$0x9C30]  }
0x2f6: {  	(v2sf) =	vpush v28, $0xF  }
0x2f7: {  	(v2sf) =	vpush v29, $0xF;
	v27 =	vld [tilespmem:s31+$0x30];
	_ =	sdelay $0x1  }
0x2f8: {  	v50 =	vld [tilespmem:s30+$0x9C30]  }
0x2f9: {  	v51 =	vmul.f32 v31, v40;
	_ =	sdelay $0x1  }
0x2fa: {  	v27 =	vadd.f32 v51, v27;
	_ =	sdelay $0x1  }
0x2fb: {  	v52 =	vmul.f32 v42, v11;
	v27 =	vadd.f32 v27, v50;
	_ =	sdelay $0x1  }
0x2fc: {  	v27 =	vmul.f32 v27, v52;
	_ =	sdelay $0x1  }
0x2fd: {  	v27 =	vadd.f32 v27, v23;
	_ =	sdelay $0x1  }
0x2fe: {  	s26 =	spop (v2sf);
	[tilespmem:s25+$0x1B0] =	vst v27  }
0x2ff: {  	s30 =	spop (v2sf);
	v27 =	vld [tilespmem:s26+$0x9C00]  }
0x300: {  	s31 =	spop (v2sf)  }
0x301: {  	v53 =	vld [tilespmem:s31+$0x0]  }
0x302: {  	v26 =	vbroadcast v26, $0xF  }
0x303: {  	v54 =	vld [tilespmem:s30+$0x9C00]  }
0x304: {  	v27 =	vmul.f32 v27, v26;
	_ =	sdelay $0x1  }
0x305: {  	v30 =	vbroadcast v30, $0xF;
	v27 =	vadd.f32 v27, v53;
	_ =	sdelay $0x1  }
0x306: {  	v55 =	vmul.f32 v30, v2;
	v27 =	vadd.f32 v27, v54;
	_ =	sdelay $0x1  }
0x307: {  	v27 =	vmul.f32 v27, v55;
	_ =	sdelay $0x1  }
0x308: {  	v27 =	vadd.f32 v27, v14;
	_ =	sdelay $0x1  }
0x309: {  	[tilespmem:s25+$0x1C0] =	vst v27  }
0x30a: {  	v27 =	vld [tilespmem:s26+$0x9C10];
	_ =	sdelay $0x1  }
0x30b: {  	v56 =	vld [tilespmem:s31+$0x10];
	_ =	sdelay $0x1  }
0x30c: {  	v57 =	vld [tilespmem:s30+$0x9C10]  }
0x30d: {  	v27 =	vmul.f32 v27, v26;
	_ =	sdelay $0x1  }
0x30e: {  	v27 =	vadd.f32 v27, v56;
	_ =	sdelay $0x1  }
0x30f: {  	v58 =	vmul.f32 v30, v5;
	v27 =	vadd.f32 v27, v57;
	_ =	sdelay $0x1  }
0x310: {  	v27 =	vmul.f32 v27, v58;
	_ =	sdelay $0x1  }
0x311: {  	v27 =	vadd.f32 v27, v17;
	_ =	sdelay $0x1  }
0x312: {  	[tilespmem:s25+$0x1D0] =	vst v27  }
0x313: {  	v27 =	vld [tilespmem:s26+$0x9C20];
	_ =	sdelay $0x1  }
0x314: {  	v59 =	vld [tilespmem:s31+$0x20];
	_ =	sdelay $0x1  }
0x315: {  	v60 =	vld [tilespmem:s30+$0x9C20]  }
0x316: {  	v27 =	vmul.f32 v27, v26;
	_ =	sdelay $0x1  }
0x317: {  	v27 =	vadd.f32 v27, v59;
	_ =	sdelay $0x1  }
0x318: {  	v61 =	vmul.f32 v30, v8;
	v27 =	vadd.f32 v27, v60;
	_ =	sdelay $0x1  }
0x319: {  	v27 =	vmul.f32 v27, v61;
	_ =	sdelay $0x1  }
0x31a: {  	v27 =	vadd.f32 v27, v20;
	_ =	sdelay $0x1  }
0x31b: {  	[tilespmem:s25+$0x1E0] =	vst v27  }
0x31c: {  	v27 =	vld [tilespmem:s26+$0x9C30];
	_ =	sdelay $0x1  }
0x31d: {  	v62 =	vld [tilespmem:s31+$0x30];
	_ =	sdelay $0x1  }
0x31e: {  	v63 =	vld [tilespmem:s30+$0x9C30]  }
0x31f: {  	v26 =	vmul.f32 v27, v26;
	_ =	sdelay $0x1  }
0x320: {  	v26 =	vadd.f32 v26, v62;
	_ =	sdelay $0x1  }
0x321: {  	v27 =	vmul.f32 v30, v11;
	v26 =	vadd.f32 v26, v63  }
0x322: {  	p0 =	sne.s32 s24, $0x3C0  }
.Ltmp0:
0x323: {  	v26 =	vmul.f32 v26, v27;
	(pc) =	sbr.rel @p0 .LBB2_3-.Ltmp0, $3  }
0x324: {  	_ = 	snop  }
0x325: {  	v26 =	vadd.f32 v26, v23;
	_ =	sdelay $0x1  }
0x326: {  	s24 =	sadd.s32 $0x40, s24;
	[tilespmem:s25+$0x1F0] =	vst v26;
	s25 =	sadd.s32 $0x400, s25  }
0x327: {  	s22 =	sadd.s32 $0x1, s22  }
0x328: {  	s23 =	sshll.u32 s23, $0x3;
	p0 =	sne.s32 s22, $0x64  }
.Ltmp1:
0x329: {  	s23 =	sadd.s32 s2, s23;
	(pc) =	sbr.rel @p0 .LBB2_2-.Ltmp1, $4  }
0x32a: {  	[hbm4b:s23+s3] =	stream.linear.scatter [tilespmem:s20], [sflag:$0x1], $0x4000, $0x38;
	[tilespmem:$0x18D80] =	vst v63  }
0x32b: {  	_ =	swait.ge [sflag:s13], $0x4000  }
0x32c: {  	[sflag:s13] =	ssyncset.done $0x0  }
0x32d: {  	[sflag:s13] =	ssyncadd.s32 $0xFFFFC000  }
0x32e: {  	s21 =	sadd.s32 $0x1, s21  }
0x32f: {  	p0 =	sne.s32 s21, s12  }
.Ltmp2:
0x330: {  	_ = 	snop;
	(pc) =	sbr.rel @p0 .LBB2_1-.Ltmp2, $1  }
0x331: {  	_ =	sdelay $0x3  }
0x332: {  	_ =	sfence.sel $0x180000  }
0x333: {  	[bflag:$0x0] =	sbarrier.arrive $0xFFFF  }
0x334: {  	p0 =	sne.s32 s4, $0x0;
	_ =	strace $0x90000047  }
0x335: {  	s0 =	sadd.s32 @!p0 $0x100000, s0;
	[bflag:$0x2] =	sbarrier.arrive $0xFFFF  }
0x336: {  	[sflag:s0] =	ssyncadd.tile.s32 @!p0 $0x1;
	_ =	shalt  }
.Lfunc_end2:
_tile_overlayer_lowered:
.L_overlay_start_2:
0x337: {  	(tag) =	ssettag $0x2  }
0x338: {  	s0 =	rddreg [dreg:$0x0];
	s2 =	stileid.u32  }
0x339: {  	s1 =	rddreg [dreg:$0x1];
	p0 =	sne.s32 s2, $0x0  }
0x33a: {  	s3 =	rddreg [dreg:$0x2];
	[bflag:$0x3] =	sbarrier.arrive $0xFFFF;
	s2 =	simm.s32 @!p0 $0x1C01  }
0x33b: {  	[timem:s3], [sflag:s2] =	dma.local @!p0 [hbm:s0], s1  }
0x33c: {  	s0 =	simm.s32 @!p0 $0x1  }
0x33d: {  	_ =	swait.ge @!p0 [sflag:s0], s1  }
0x33e: {  	s1 =	ssub.s32 @!p0 $0x0, s1;
	[sflag:s0] =	ssyncset.done @!p0 $0x0  }
0x33f: {  	[sflag:s0] =	ssyncadd.s32 @!p0 s1  }
0x340: {  	[bflag:$0x3] =	sbarrier.arrive $0xFFFF  }
0x341: {  	_ =	shalt  }

// kernel: sparse-core-data-format-call.cloned.1.call-start
scs
called_computation_lowered:
.L_overlay_start_0:
0x0: {  	s2 =	sld [smem:$0x3FD9]  }
0x1: {  	s3 =	sld [smem:$0x3FFE];
	_ =	sdelay $0x1  }
0x2: {  	s1 =	srdreg.scid  }
0x3: {  	s0 =	sand.u32 $0x1, s1  }
0x4: {  	s18 =	sshll.u32 s0, $0xA;
	s2 =	sadd.s32 s3, s2  }
0x5: {  	s2 =	sadd.s32 s2, s18  }
0x6: {  	[smem:$0x3FBB] =	sst s2  }
0x7: {  	_ = 	snop  }
0x8: {  	s2 =	sld [smem:$0x3FD0];
	(tm) =	ssettm $0x1  }
0x9: {  	s19 =	sld [smem:$0x3FFB];
	_ =	sdelay $0x3  }
0xa: {  	_ =	strace s19  }
0xb: {  	s3 =	sld [smem:$0x3FFC];
	_ =	sdelay $0x3  }
0xc: {  	_ =	strace s3  }
0xd: {  	s3 =	sld [smem:$0x3FFD];
	_ =	sdelay $0x3  }
0xe: {  	_ =	strace s3  }
0xf: {  	_ =	strace $0x8FFFFFFF  }
0x10: {  	s20 =	sld [smem:$0x3FDB];
	_ =	sdelay $0x1  }
0x11: {  	s4 =	simm.s32 $_scs_section_size  }
0x12: {  	s5 =	simm.s32 $_size__tile_overlayer_lowered;
	s6 =	simm.s32 $_tile_overlayer_lowered  }
0x13: {  	s23 =	simm.s32 $0x1BFF;
	s22 =	sshll.u32 s6, $0x1;
	s3 =	sadd.s32 s4, s20  }
0x14: {  	s7 =	simm.s32 $0x0;
	s21 =	sshll.u32 s5, $0x1;
	s5 =	sadd.s32 s22, s3  }
0x15: {  	[timem:s7], [sflag:s23] =	dma.local [hbm:s5], s21  }
0x16: {  	_ =	swait.ge [sflag:s23], s21  }
0x17: {  	s4 =	ssub.s32 $0x0, s21;
	[sflag:s23] =	ssyncset.done $0x0  }
0x18: {  	[sflag:s23] =	ssyncadd.s32 s4;
	_ =	sdelay $0x1  }
0x19: {  	s24 =	simm.s32 $0x1B8B  }
0x1a: {  	_ =	swait.ge [sflag:s24], $0x1  }
0x1b: {  	[sflag:s24] =	ssyncset.done $0x0  }
0x1c: {  	s26 =	simm.s32 $0x1B8E;
	s25 =	sld [smem:$0x3FFE];
	[sflag:s24] =	ssyncadd.s32 $0xFFFFFFFF  }
0x1d: {  	s27 =	simm.s32 $execute0_lowered;
	[smem:$0x3FD2] =	sst s26  }
0x1e: {  	s5 =	sshll.u32 s27, $0x1;
	_ =	strace $0x80000049;
	[dreg:$0x1] =	wrdreg $0xFFFFFFFF  }
0x1f: {  	s28 =	simm.s32 $_size_execute0_lowered;
	s3 =	sadd.s32 s3, s5;
	[dreg:$0x0] =	wrdreg $0x0  }
0x20: {  	s5 =	sshll.u32 s28, $0x1;
	[dreg:$0x2] =	wrdreg s3  }
0x21: {  	[dreg:$0x3] =	wrdreg s5  }
0x22: {  	[dreg:$0x4] =	wrdreg $0xC0  }
0x23: {  	_ =	task [dreg:s7], $0x5FFFF  }
0x24: {  	[dreg:$0x1] =	wrdreg $0xFFFFFFFF  }
0x25: {  	[dreg:$0x0] =	wrdreg $0x60  }
0x26: {  	[dreg:$0x2] =	wrdreg s25  }
0x27: {  	[dreg:$0x3] =	wrdreg s2  }
0x28: {  	[dreg:$0x4] =	wrdreg $0x9  }
0x29: {  	_ =	task.clear_ibuf [dreg:s7], $0x5FFFF;
	_ =	strace $0x90000049  }
0x2a: {  	s29 =	simm.s32 $0x9;
	_ =	strace $0x8000004B  }
0x2b: {  	_ =	swait.ge [sflag:s29], $0x1  }
0x2c: {  	[sflag:s29] =	ssyncadd.s32 $0xFFFFFFFF  }
0x2d: {  	_ =	strace $0x9000004B  }
0x2e: {  	_ =	sfence  }
0x2f: {  	s30 =	sld [smem:$0x0];
	_ =	sdelay $0x2  }
0x30: {  	s31 =	sshll.u32 s1, $0xD;
	s1 =	sshrl.u32 s1, $0x2  }
0x31: {  	s3 =	sand.u32 $0x4000, s31;
	s1 =	sadd.s32 s1, s30  }
0x32: {  	s0 =	sor.u32 s3, s0;
	s1 =	sshll.u32 s1, $0x11  }
0x33: {  	s0 =	sor.u32 s1, s0  }
0x34: {  	s0 =	sadd.s32 $0x8F2B, s0  }
0x35: {  	[sflag:s0] =	ssyncadd.remote.s32 $0x1  }
0x36: {  	_ =	sfence.sel $0xFFFF  }
0x37: {  	[dreg:$0x0] =	wrdreg $0xFFFFFFFF;
	(pc) =	sbr.abs _section_cstart, $3  }
0x38: {  	[dreg:$0x1] =	wrdreg $0xFFFFFFFF  }
0x39: {  	_ =	task.clear_ibuf [dreg:s7], $0x2FFFF;
	_ =	strace $0x9FFFFFFF  }
0x3a: {  	(tm) =	ssettm $0x7FFFFFFF  }
0x3b: {  	_ =	shalt  }
tec
execute0_lowered:
.L_overlay_start_1:
0x0: {  	(tag) =	ssettag $0x1  }
0x1: {  	s0 =	srdreg.scid  }
0x2: {  	s1 =	sshll.u32 s0, $0x4  }
0x3: {  	s0 =	stileid.u32;
	s1 =	sand.u32 $0x10, s1  }
0x4: {  	s1 =	sor.u32 s0, s1  }
0x5: {  	s3 =	rddreg [dreg:$0x0];
	s2 =	sshll.u32 s1, $0x7  }
0x6: {  	s5 =	simm.s32 $0x1;
	s7 =	simm.s32 $0x2;
	s1 =	ssub.s32 $0x1000, s2  }
0x7: {  	s12 =	simm.s32 $0x0;
	s8 =	simm.s32 $0x8000;
	s4 =	sand.u32 $0xF80, s1  }
0x8: {  	s13 =	simm.s32 $0x0;
	s6 =	sshrl.u32 s1, $0xC;
	p0 =	sne.s32 s4, $0x0  }
.Ltmp0:
0x9: {  	s1 =	rddreg [dreg:$0x2];
	s5 =	simm.s32 @!p0 $0x0;
	(pc) =	sbr.rel .LBB1_1-.Ltmp0, $4  }
0xa: {  	s9 =	simm.s32 $0x0;
	s4 =	rddreg [dreg:$0x1];
	s6 =	sadd.s32 s5, s6  }
0xb: {  	_ =	strace $0x8000004A;
	s5 =	simm.s32 $0x1;
	s6 =	smul.u32 $0xC8, s6  }
0xc: {  	s11 =	simm.s32 $0x0;
	s10 =	smov.u32 s2;
	[sflag:s5] =	ssyncpa.u1 $0x0  }
0xd: {  	p0 =	por $0x0, $0x0;
	[sflag:s7] =	ssyncpa.u1 $0x0;
	s7 =	sor.u32 $0x1, s6  }
.LBB1_4:
0xe: {  	s16 =	sshll.u32 s13, $0x3;
	s17 =	sand.u32 $0x78, s13  }
0xf: {  	s30 =	sand.u32 $0x7E00, s13;
	s12 =	sshll.u32 s12, $0xF;
	s16 =	sand.u32 $0xC00, s16  }
0x10: {  	[tilespmem:s15+$0x810 ss:$0x81] =	vst.msk $0xffff, v2;
	s31 =	sand.u32 $0x7, s13;
	s16 =	sor.u32 s17, s16;
	s17 =	sadd.s32 s4, s30  }
0x11: {  	[tilespmem:s15+$0x1020 ss:$0x81] =	vst.msk $0xffff, v0;
	s13 =	sshll.u32 s31, $0x12;
	s12 =	sadd.s32 s12, s17;
	s16 =	sshrl.u32 s16, $0x3  }
0x12: {  	[tilespmem:s15+$0x0 ss:$0x81] =	vst.msk $0xffff, v1;
	s13 =	sor.u32 $0x400, s13;
	s12 =	sadd.s32 s16, s12  }
0x13: {  	[hbm4b:s12+s13] =	stream.strided.scatter [tilespmem:s14], [sflag:$0x2], $0x2000, s8, s13, $0x20;
	[tilespmem:$0x8080] =	vst v63  }
.LBB1_5:
0x14: {  	s14 =	sadd.s32 $0x1, s9  }
0x15: {  	s12 =	sadd.s32 $0x1000, s10;
	s16 =	smov.u32 s10;
	p2 =	sgt.s32 s14, $0xC7  }
0x16: {  	s16 =	smov.u32 @p2 s12  }
0x17: {  	s14 =	simm.s32 @p2 $0x0;
	p2 =	sgt.s32 s16, $0xFFF  }
0x18: {  	s16 =	smov.u32 @p2 s2;
	p2 =	sne.s32 s11, s7  }
.Ltmp1:
0x19: {  	p1 =	slt.u32 s11, $0x2;
	(pc) =	sbr.rel @!p2 .LBB1_6-.Ltmp1, $4  }
0x1a: {  	s15 =	simm.s32 @!p1 $0x2  }
0x1b: {  	s13 =	smov.u32 s10;
	p0 =	por !p0, !p0;
	_ =	swait.ge @!p1 [sflag:s15], $0x2000  }
0x1c: {  	s12 =	smov.u32 s9;
	[sflag:s15] =	ssyncset.done @!p1 $0x0;
	s9 =	smov.u32 s14  }
0x1d: {  	s11 =	sadd.s32 $0x1, s11;
	[sflag:s15] =	ssyncadd.s32 @!p1 $0xFFFFE000;
	s10 =	smov.u32 s16  }
.LBB1_1:
0x1e: {  	p1 =	sge.u32 s11, s6  }
0x1f: {  	s14 =	sand.u32 @!p1 $0x1FFFFFF, s9  }
0x20: {  	s15 =	smulhi.u32 @!p1 $0x147AE15, s14;
	_ =	sdelay $0x1  }
0x21: {  	s15 =	smul.u32 @!p1 $0xC8, s15  }
0x22: {  	s16 =	sxor.u32 @!p1 $0xFFFFFFFF, s11;
	s17 =	smul.u32 @!p1 $0xC80, s10  }
0x23: {  	s31 =	sadd.s32 $0xFFFFFFFF, s11;
	s16 =	sshll.u32 @!p1 s16, $0xD;
	s14 =	ssub.s32 @!p1 s14, s15  }
0x24: {  	s15 =	sand.u32 @!p1 $0x2000, s16;
	s16 =	sadd.s32 @!p1 s3, s17;
	s14 =	sshll.u32 @!p1 s14, $0x4  }
0x25: {  	s17 =	simm.s32 @!p1 $0x6400;
	s14 =	sadd.s32 @!p1 s14, s16;
	s16 =	simm.s32 @!p1 $0x40  }
0x26: {  	[tilespmem:s15], [sflag:$0x1] =	stream.strided.gather @!p1 [hbm4b:s14+s16], $0x2000, s17, s16, $0x38;
	[tilespmem:$0x8080] =	vst v63  }
0x27: {  	p1 =	sge.u32 s31, s6  }
.Ltmp2:
0x28: {  	_ = 	snop;
	(pc) =	sbr.rel @p1 .LBB1_5-.Ltmp2, $1  }
0x29: {  	_ =	sdelay $0x3  }
0x2a: {  	s14 =	simm.s32 $0x1  }
0x2b: {  	_ =	swait.ge [sflag:s5], $0x2000;
	s14 =	simm.s32 @!p0 $0x0  }
0x2c: {  	[sflag:s5] =	ssyncset.done $0x0;
	s15 =	sshll.u32 s14, $0xD  }
0x2d: {  	[sflag:s5] =	ssyncadd.s32 $0xFFFFE000;
	s18 =	sor.u32 $0x20, s15  }
0x2e: {  	s14 =	smul.u32 $0x8100, s14;
	v3 =	vld [tilespmem:s18+$0x10]  }
0x2f: {  	s30 =	sand.u32 $0x1, s11;
	v2 =	vld [tilespmem:s18+$0xFFFFFFF0]  }
0x30: {  	s15 =	smul.u32 $0x8100, s30;
	s14 =	sshrl.u32 s14, $0x2;
	v0 =	vld [tilespmem:s18+$0x0]  }
0x31: {  	v1 =	vld [tilespmem:s18+$0xFFFFFFE0];
	s16 =	sor.u32 $0x4000, s14  }
0x32: {  	s31 =	sshrl.u32 s15, $0x2;
	s15 =	sadd.s32 $0x0, s16  }
0x33: {  	s17 =	simm.s32 $0x4;
	s18 =	sadd.s32 $0x40, s18;
	s14 =	sor.u32 $0x4000, s31;
	[tilespmem:s15+$0x1830 ss:$0x81] =	vst.msk $0xffff, v3  }
.LBB1_3:
0x34: {  	v3 =	vld [tilespmem:s18+$0x10];
	p1 =	sne.s32 s17, $0x1FC;
	[tilespmem:s15+$0x810 ss:$0x81] =	vst.msk $0xffff, v2;
	s19 =	smov.u32 s17;
	s17 =	sadd.s32 $0x4, s17  }
.Ltmp3:
0x35: {  	v2 =	vld [tilespmem:s18+$0xFFFFFFF0];
	[tilespmem:s15+$0x1020 ss:$0x81] =	vst.msk $0xffff, v0;
	(pc) =	sbr.rel @p1 .LBB1_3-.Ltmp3, $4  }
0x36: {  	v0 =	vld [tilespmem:s18+$0x0];
	[tilespmem:s15+$0x0 ss:$0x81] =	vst.msk $0xffff, v1  }
0x37: {  	s15 =	sshra.s32 s19, $0x2;
	v1 =	vld [tilespmem:s18+$0xFFFFFFE0]  }
0x38: {  	s15 =	sadd.s32 s15, s16  }
0x39: {  	s18 =	sadd.s32 $0x40, s18;
	[tilespmem:s15+$0x1830 ss:$0x81] =	vst.msk $0xffff, v3  }
.Ltmp4:
0x3a: {  	_ = 	snop;
	(pc) =	sbr.rel .LBB1_4-.Ltmp4, $1  }
0x3b: {  	_ =	sdelay $0x3  }
.LBB1_6:
0x3c: {  	_ =	sfence.sel $0x180000  }
0x3d: {  	s2 =	simm.s32 $0x1;
	[bflag:$0x0] =	sbarrier.arrive $0xFFFF  }
0x3e: {  	s31 =	simm.s32 $0x2;
	[sflag:s2] =	ssyncpa.u1 $0x1  }
0x3f: {  	[sflag:s31] =	ssyncpa.u1 $0x1  }
0x40: {  	p0 =	sne.s32 s0, $0x0;
	_ =	strace $0x9000004A  }
0x41: {  	s0 =	sadd.s32 @!p0 $0x100000, s1;
	[bflag:$0x2] =	sbarrier.arrive $0xFFFF  }
0x42: {  	[sflag:s0] =	ssyncadd.tile.s32 @!p0 $0x1;
	_ =	shalt  }
.Lfunc_end1:
_tile_overlayer_lowered:
.L_overlay_start_2:
0x43: {  	(tag) =	ssettag $0x2  }
0x44: {  	s0 =	rddreg [dreg:$0x0];
	s2 =	stileid.u32  }
0x45: {  	s1 =	rddreg [dreg:$0x1];
	p0 =	sne.s32 s2, $0x0  }
0x46: {  	s3 =	rddreg [dreg:$0x2];
	[bflag:$0x3] =	sbarrier.arrive $0xFFFF;
	s2 =	simm.s32 @!p0 $0x1C01  }
0x47: {  	[timem:s3], [sflag:s2] =	dma.local @!p0 [hbm:s0], s1  }
0x48: {  	s0 =	simm.s32 @!p0 $0x1  }
0x49: {  	_ =	swait.ge @!p0 [sflag:s0], s1  }
0x4a: {  	s1 =	ssub.s32 @!p0 $0x0, s1;
	[sflag:s0] =	ssyncset.done @!p0 $0x0  }
0x4b: {  	[sflag:s0] =	ssyncadd.s32 @!p0 s1  }
0x4c: {  	[bflag:$0x3] =	sbarrier.arrive $0xFFFF  }
0x4d: {  	_ =	shalt  }

</sc_bundles>
